<compile_context>
chip_gen: v7x
topology: tpu7x:2x2x1
jax: 0.10.2.dev20260603
libtpu: 0.0.44.dev20260713+nightly
codegen_flags: <defaults>
</compile_context>

<pallas_src>
import dataclasses
import functools

import jax
import jax.numpy as jnp
from jax import lax
from jax.experimental import pallas as pl
from jax.experimental.pallas import tpu as pltpu
from jax.experimental.pallas import tpu_sc as plsc

NU = 50000
D = 64
EDGES = 800000
BATCH = 16384

H = 32
NSUB = 16
NPAD = 51200
EPAD = 819200
ROWS_PT = NPAD // NSUB
EDG_PT = EPAD // NSUB
GCHUNK = 128
NSTREAM = 8
CBLK = GCHUNK * NSTREAM
N_EBLK = EDG_PT // CBLK
EROWS_PT = EDG_PT // GCHUNK
RBLK = 128
N_RBLK = ROWS_PT // RBLK
NRECROW = NPAD // 128
BPT = BATCH // NSUB

_mesh = plsc.VectorSubcoreMesh(core_axis_name="c", subcore_axis_name="s")

_sc_params = pltpu.CompilerParams(
    needs_layout_passes=False, use_tc_tiling_on_sc=False)

_f32 = jnp.float32
_i32 = jnp.int32


def _degree(deg_rows, deg_vals):

    @functools.partial(
        pl.kernel,
        out_type=jax.ShapeDtypeStruct((2, NRECROW, GCHUNK), _f32),
        mesh=_mesh,
        scratch_types=[
            pltpu.VMEM_SHARED((NPAD, 16), _f32),
            pltpu.VMEM((NSTREAM, GCHUNK), _i32),
            pltpu.VMEM((NSTREAM, GCHUNK), _f32),
            pltpu.VMEM((GCHUNK, 16), _f32),
            pltpu.VMEM((RBLK, 16), _f32),
            pltpu.VMEM((1, GCHUNK), _f32),
            pltpu.VMEM((RBLK, 16), _f32),
            pltpu.SemaphoreType.DMA,
        ],
        compiler_params=_sc_params,
    )
    def deg_kernel(rows_hbm, vals_hbm, recip_hbm,
                   acc, rowv, valv, msgv, degv, recv, zbuf, sem):
        cid = lax.axis_index("c")
        sid = lax.axis_index("s")

        @pl.loop(0, RBLK)
        def _(r):
            zbuf[r, :] = jnp.zeros((16,), _f32)

        @pl.loop(0, N_RBLK)
        def _(i):
            pltpu.sync_copy(zbuf, acc.at[pl.ds(sid * ROWS_PT + i * RBLK, RBLK)])

        plsc.subcore_barrier()

        @pl.loop(0, N_EBLK)
        def _(blk):
            b0 = sid * EROWS_PT + blk * NSTREAM
            pltpu.sync_copy(rows_hbm.at[cid].at[pl.ds(b0, NSTREAM)], rowv)
            pltpu.sync_copy(vals_hbm.at[cid].at[pl.ds(b0, NSTREAM)], valv)

            @pl.loop(0, NSTREAM)
            def _(j):
                @pl.loop(0, GCHUNK // 16)
                def _(g):
                    vvec = valv[j, pl.ds(g * 16, 16)]
                    for i in range(16):
                        msgv[g * 16 + i, :] = jnp.full((16,), vvec[i], _f32)

                pltpu.sync_copy(msgv, acc.at[rowv.at[j]], add=True)

        plsc.subcore_barrier()

        iota = lax.iota(_i32, 16)
        zeros16 = jnp.zeros((16,), _i32)

        @pl.loop(0, N_RBLK)
        def _(i):
            r0 = sid * ROWS_PT + i * RBLK
            pltpu.sync_copy(acc.at[pl.ds(r0, RBLK)], degv)

            @pl.loop(0, RBLK // 16)
            def _(g):
                deg16 = plsc.load_gather(degv, [g * 16 + iota, zeros16])
                recv[0, pl.ds(g * 16, 16)] = 1.0 / (deg16 + 1e-8)

            pltpu.sync_copy(
                recv,
                recip_hbm.at[cid].at[pl.ds(sid * (ROWS_PT // 128) + i, 1)])

    return deg_kernel(deg_rows, deg_vals)


def _main(sr, sc_, sv, ir, ic, iv, ue_stack, ie_stack, uids2d, iids2d, recip):

    out_type = (
        jax.ShapeDtypeStruct((2, NPAD, H), _f32),
        jax.ShapeDtypeStruct((2, NPAD, H), _f32),
        jax.ShapeDtypeStruct((2, NPAD, H), _f32),
        jax.ShapeDtypeStruct((2, BATCH, 16), _f32),
    )

    @functools.partial(
        pl.kernel,
        out_type=out_type,
        mesh=_mesh,
        scratch_types=[
            pltpu.VMEM_SHARED((NPAD, H), _f32),
            pltpu.VMEM((NSTREAM, GCHUNK), _i32),
            pltpu.VMEM((NSTREAM, GCHUNK), _i32),
            pltpu.VMEM((NSTREAM, GCHUNK), _f32),
            pltpu.VMEM((GCHUNK, H), _f32),
            pltpu.VMEM((GCHUNK, 16), _f32),
            pltpu.VMEM((RBLK, H), _f32),
            pltpu.VMEM((RBLK, H), _f32),
            pltpu.VMEM((RBLK, H), _f32),
            pltpu.VMEM((1, GCHUNK), _f32),
            pltpu.VMEM((RBLK, H), _f32),
            pltpu.SemaphoreType.DMA,
        ],
        compiler_params=_sc_params,
    )
    def main_kernel(sr_h, sc_h, sv_h, ir_h, ic_h, iv_h,
                    ue_h, ie_h, uid_h, iid_h, rec_h,
                    u_out, h1_out, f_out, part_out,
                    acc, rowv, colv, valv, gathv, prodv,
                    accv, featv, outv, recv, zbuf, sem):
        iev = accv
        feat2v = gathv
        cid = lax.axis_index("c")
        sid = lax.axis_index("s")

        @pl.loop(0, RBLK)
        def _(r):
            zbuf[r, pl.ds(0, 16)] = jnp.zeros((16,), _f32)
            zbuf[r, pl.ds(16, 16)] = jnp.zeros((16,), _f32)

        def zero_acc():
            @pl.loop(0, N_RBLK)
            def _(i):
                pltpu.sync_copy(
                    zbuf, acc.at[pl.ds(sid * ROWS_PT + i * RBLK, RBLK)])

        def spmm(row2d, col2d, val2d, table):

            @pl.loop(0, N_EBLK)
            def _(blk):
                b0 = sid * EROWS_PT + blk * NSTREAM
                pltpu.sync_copy(row2d.at[pl.ds(b0, NSTREAM)], rowv)
                pltpu.sync_copy(col2d.at[pl.ds(b0, NSTREAM)], colv)
                pltpu.sync_copy(val2d.at[pl.ds(b0, NSTREAM)], valv)

                @pl.loop(0, NSTREAM)
                def _(j):
                    pltpu.async_copy(
                        table.at[cid].at[colv.at[j]], gathv, sem).wait()

                    @pl.loop(0, GCHUNK // 16)
                    def _(g):
                        vvec = valv[j, pl.ds(g * 16, 16)]
                        for i in range(16):
                            k = g * 16 + i
                            v = vvec[i]
                            gathv[k, pl.ds(0, 16)] = gathv[k, pl.ds(0, 16)] * v
                            gathv[k, pl.ds(16, 16)] = gathv[k, pl.ds(16, 16)] * v

                    pltpu.sync_copy(gathv, acc.at[rowv.at[j]], add=True)

        def finalize(rec_plane, out_ref, mode, feat_ref=None, feat2_ref=None):

            @pl.loop(0, N_RBLK)
            def _(i):
                r0 = sid * ROWS_PT + i * RBLK
                pltpu.sync_copy(acc.at[pl.ds(r0, RBLK)], accv)
                pltpu.sync_copy(zbuf, acc.at[pl.ds(r0, RBLK)])
                pltpu.sync_copy(
                    rec_h.at[rec_plane].at[pl.ds(sid * N_RBLK + i, 1)], recv)
                if feat_ref is not None:
                    pltpu.sync_copy(feat_ref.at[cid].at[pl.ds(r0, RBLK)], featv)
                if feat2_ref is not None:
                    pltpu.sync_copy(feat2_ref.at[cid].at[pl.ds(r0, RBLK)], feat2v)

                @pl.loop(0, RBLK // 16)
                def _(g):
                    rvec = recv[0, pl.ds(g * 16, 16)]
                    for i in range(16):
                        r = g * 16 + i
                        s = rvec[i]
                        lo = accv[r, pl.ds(0, 16)] * s
                        hi = accv[r, pl.ds(16, 16)] * s
                        if mode == 1:
                            lo = lo + featv[r, pl.ds(0, 16)]
                            hi = hi + featv[r, pl.ds(16, 16)]
                        elif mode == 2:
                            lo = lo + 2.0 * featv[r, pl.ds(0, 16)] + feat2v[r, pl.ds(0, 16)]
                            hi = hi + 2.0 * featv[r, pl.ds(16, 16)] + feat2v[r, pl.ds(16, 16)]
                        outv[r, pl.ds(0, 16)] = lo
                        outv[r, pl.ds(16, 16)] = hi

                pltpu.sync_copy(outv, out_ref.at[cid].at[pl.ds(r0, RBLK)])

        def predict():
            pltpu.sync_copy(uid_h.at[pl.ds(sid * NSTREAM, NSTREAM)], rowv)
            pltpu.sync_copy(iid_h.at[pl.ds(sid * NSTREAM, NSTREAM)], colv)

            @pl.loop(0, NSTREAM)
            def _(j):
                pltpu.async_copy(f_out.at[cid].at[rowv.at[j]], gathv, sem).wait()
                pltpu.async_copy(ie_h.at[cid].at[colv.at[j]], iev, sem).wait()

                @pl.loop(0, GCHUNK)
                def _(k):
                    prodv[k, :] = (
                        gathv[k, pl.ds(0, 16)] * iev[k, pl.ds(0, 16)]
                        + gathv[k, pl.ds(16, 16)] * iev[k, pl.ds(16, 16)])

                pltpu.sync_copy(
                    prodv,
                    part_out.at[cid].at[pl.ds(sid * BPT + j * GCHUNK, GCHUNK)])

        zero_acc()
        plsc.subcore_barrier()
        spmm(ir_h, ic_h, iv_h, ie_h)
        plsc.subcore_barrier()
        finalize(1, u_out, 0)
        plsc.subcore_barrier()
        spmm(sr_h, sc_h, sv_h, ue_h)
        plsc.subcore_barrier()
        finalize(0, h1_out, 1, feat_ref=ue_h)
        plsc.subcore_barrier()
        spmm(sr_h, sc_h, sv_h, h1_out)
        plsc.subcore_barrier()
        finalize(0, f_out, 2, feat_ref=h1_out, feat2_ref=u_out)
        plsc.subcore_barrier()
        predict()

    return main_kernel(sr, sc_, sv, ir, ic, iv, ue_stack, ie_stack,
                       uids2d, iids2d, recip)


def _finish(part):

    def body(p_ref, o_ref):
        s = jnp.sum(p_ref[...], axis=(0, 2))
        o_ref[...] = jax.nn.sigmoid(2.0 * s)[None, :]

    return pl.pallas_call(
        body,
        out_shape=jax.ShapeDtypeStruct((1, BATCH), _f32),
    )(part)


def kernel(user_ids, item_ids, social_row, social_col, social_val,
           info_row, info_col, info_val, user_emb, item_emb):
    def pad_edges(x):
        pad = jnp.zeros((EPAD - EDGES,), x.dtype)
        return jnp.concatenate([x, pad]).reshape(EPAD // GCHUNK, GCHUNK)

    sr = pad_edges(social_row)
    sc_ = pad_edges(social_col)
    sv = pad_edges(social_val)
    ir = pad_edges(info_row)
    ic = pad_edges(info_col)
    iv = pad_edges(info_val)

    ue = jnp.zeros((NPAD, D), _f32).at[:NU].set(user_emb)
    ie = jnp.zeros((NPAD, D), _f32).at[:NU].set(item_emb)
    ue_stack = jnp.stack([ue[:, :H], ue[:, H:]])
    ie_stack = jnp.stack([ie[:, :H], ie[:, H:]])

    uids2d = user_ids.reshape(BATCH // GCHUNK, GCHUNK)
    iids2d = item_ids.reshape(BATCH // GCHUNK, GCHUNK)

    deg_rows = jnp.stack([sr, ir])
    deg_vals = jnp.stack([sv, iv])

    recip = _degree(deg_rows, deg_vals)
    _, _, _, part = _main(sr, sc_, sv, ir, ic, iv,
                          ue_stack, ie_stack, uids2d, iids2d, recip)
    return _finish(part).reshape(BATCH)

# --- scband reference (transcript-rebuilt; emitter-appended) ---
"""Pipeline reference for scband-diff-net-72945724555837 (READ-ONLY COPY).

The authoritative reference and input builder live on the scoring server;
editing this copy changes nothing except your own understanding.
"""

import jax, jax.numpy as jnp
import numpy as np

N_USER = 50000
N_ITEM = 50000
D = 64
E = 800000
B = 16384


def setup_inputs(seed: int = 0) -> dict:
    key = jax.random.key(seed)
    ks = jax.random.split(key, 10)
    user_ids = jax.random.randint(ks[0], (B,), 0, N_USER, dtype=jnp.int32)
    item_ids = jax.random.randint(ks[1], (B,), 0, N_ITEM, dtype=jnp.int32)
    social_row = jax.random.randint(ks[2], (E,), 0, N_USER, dtype=jnp.int32)
    social_col = jax.random.randint(ks[3], (E,), 0, N_USER, dtype=jnp.int32)
    social_val = jax.random.uniform(ks[4], (E,), dtype=jnp.float32)
    info_row = jax.random.randint(ks[5], (E,), 0, N_USER, dtype=jnp.int32)
    info_col = jax.random.randint(ks[6], (E,), 0, N_ITEM, dtype=jnp.int32)
    info_val = jax.random.uniform(ks[7], (E,), dtype=jnp.float32)
    user_emb = jax.random.normal(ks[8], (N_USER, D), dtype=jnp.float32) * 0.01
    item_emb = jax.random.normal(ks[9], (N_ITEM, D), dtype=jnp.float32) * 0.01
    return {
        "user_ids": user_ids,
        "item_ids": item_ids,
        "social_row": social_row,
        "social_col": social_col,
        "social_val": social_val,
        "info_row": info_row,
        "info_col": info_col,
        "info_val": info_val,
        "user_emb": user_emb,
        "item_emb": item_emb,
    }


def _gcn_layer(row, col, val, features, n_rows):
    # H' = D^{-1} A H + H  (row-normalized sparse matmul with residual)
    degree = jax.ops.segment_sum(val, row, num_segments=n_rows) + 1e-8
    msg = val[:, None] * features[col]
    out = jax.ops.segment_sum(msg, row, num_segments=n_rows)
    out = out / degree[:, None]
    return out + features


def reference(user_ids, item_ids, social_row, social_col, social_val,
              info_row, info_col, info_val, user_emb, item_emb):
    # use_review=False -> init features are the raw embeddings
    init_user_feature = user_emb
    init_item_feature = item_emb

    # info graph: user embedding from items, D^{-1} A_info item_features
    user_degree = jax.ops.segment_sum(info_val, info_row, num_segments=N_USER) + 1e-8
    gathered = info_val[:, None] * init_item_feature[info_col]
    user_embedding_from_items = jax.ops.segment_sum(gathered, info_row, num_segments=N_USER)
    user_embedding_from_items = user_embedding_from_items / user_degree[:, None]

    # two social GCN layers with residuals
    first_gcn = _gcn_layer(social_row, social_col, social_val, init_user_feature, N_USER)
    second_gcn = _gcn_layer(social_row, social_col, social_val, first_gcn, N_USER)
    final_user_embedding = first_gcn + second_gcn + user_embedding_from_items

    final_item_embedding = item_emb + init_item_feature

    ue = final_user_embedding[user_ids]
    ie = final_item_embedding[item_ids]
    pred = jax.nn.sigmoid(jnp.sum(ue * ie, axis=1))
    return pred

if __name__ == "__main__":
    import jax
    _d = setup_inputs()
    print(jax.jit(kernel)(*tuple(_d.values())))

</pallas_src>

<mosaic_0001>
#map = affine_map<(d0, d1) -> (0, 0)>
#map1 = affine_map<(d0, d1) -> (0, 0, 0)>
module attributes {stable_mosaic.version = 14 : i64} {
  func.func @main_kernel(%arg0: i32, %arg1: i32, %arg2: memref<6400x128xi32, #tpu.memory_space<hbm>>, %arg3: memref<6400x128xi32, #tpu.memory_space<hbm>>, %arg4: memref<6400x128xf32, #tpu.memory_space<hbm>>, %arg5: memref<6400x128xi32, #tpu.memory_space<hbm>>, %arg6: memref<6400x128xi32, #tpu.memory_space<hbm>>, %arg7: memref<6400x128xf32, #tpu.memory_space<hbm>>, %arg8: memref<2x51200x32xf32, #tpu.memory_space<hbm>>, %arg9: memref<2x51200x32xf32, #tpu.memory_space<hbm>>, %arg10: memref<128x128xi32, #tpu.memory_space<hbm>>, %arg11: memref<128x128xi32, #tpu.memory_space<hbm>>, %arg12: memref<2x400x128xf32, #tpu.memory_space<hbm>>, %arg13: memref<2x51200x32xf32, #tpu.memory_space<hbm>>, %arg14: memref<2x51200x32xf32, #tpu.memory_space<hbm>>, %arg15: memref<2x51200x32xf32, #tpu.memory_space<hbm>>, %arg16: memref<2x16384x16xf32, #tpu.memory_space<hbm>>, %arg17: memref<51200x32xf32, #tpu.memory_space<vmem_shared>>, %arg18: memref<8x128xi32, #tpu.memory_space<vmem>>, %arg19: memref<8x128xi32, #tpu.memory_space<vmem>>, %arg20: memref<8x128xf32, #tpu.memory_space<vmem>>, %arg21: memref<128x32xf32, #tpu.memory_space<vmem>>, %arg22: memref<128x16xf32, #tpu.memory_space<vmem>>, %arg23: memref<128x32xf32, #tpu.memory_space<vmem>>, %arg24: memref<128x32xf32, #tpu.memory_space<vmem>>, %arg25: memref<128x32xf32, #tpu.memory_space<vmem>>, %arg26: memref<1x128xf32, #tpu.memory_space<vmem>>, %arg27: memref<128x32xf32, #tpu.memory_space<vmem>>, %arg28: memref<!tpu.dma_semaphore, #tpu.memory_space<semaphore_mem>>) attributes {dimension_semantics = [#tpu.dimension_semantics<core_parallel>, #tpu.dimension_semantics<subcore_parallel>], iteration_bounds = array<i64: 2, 16>, scalar_prefetch = 0 : i64, scratch_operands = 12 : i64, tpu.core_type = #tpu.core_type<sc_vector_subcore>, window_params = [{transform_indices = #map}, {transform_indices = #map}, {transform_indices = #map}, {transform_indices = #map}, {transform_indices = #map}, {transform_indices = #map}, {transform_indices = #map1}, {transform_indices = #map1}, {transform_indices = #map}, {transform_indices = #map}, {transform_indices = #map1}, {transform_indices = #map1}, {transform_indices = #map1}, {transform_indices = #map1}, {transform_indices = #map1}]} {
    %scan3A = arith.constant 0 : i32
    %scan3A_0 = arith.constant 128 : i32
    %scan3A_1 = arith.addi %scan3A, %scan3A_0 : i32
    %scan3A_2 = arith.constant 1 : i32
    scf.for %scan3A_53 = %scan3A to %scan3A_1 step %scan3A_2  : i32 {
      %mul3A_54 = arith.constant 1 : i32
      %mul3A_55 = arith.muli %scan3A_53, %mul3A_54 : i32
      %add3A = arith.constant 0 : i32
      %add3A_56 = arith.addi %add3A, %mul3A_55 : i32
      %broadcast_in_dim3A = arith.constant 0.000000e+00 : f32
      %broadcast_in_dim3A_57 = vector.broadcast %broadcast_in_dim3A : f32 to vector<16xf32>
      %swap3A = arith.index_cast %add3A_56 : i32 to index
      %swap3A_58 = arith.constant 0 : index
      %swap3A_59 = tpu.vector_load %arg27[%swap3A, %swap3A_58] {strides = array<i32>} : memref<128x32xf32, #tpu.memory_space<vmem>>, vector<16xf32>,
      tpu.vector_store %arg27[%swap3A, %swap3A_58], %broadcast_in_dim3A_57 {strides = array<i32>} : memref<128x32xf32, #tpu.memory_space<vmem>>, vector<16xf32>,
      %broadcast_in_dim3A_60 = arith.constant 0.000000e+00 : f32
      %broadcast_in_dim3A_61 = vector.broadcast %broadcast_in_dim3A_60 : f32 to vector<16xf32>
      %swap3A_62 = arith.index_cast %add3A_56 : i32 to index
      %swap3A_63 = arith.constant 16 : index
      %swap3A_64 = tpu.vector_load %arg27[%swap3A_62, %swap3A_63] {strides = array<i32>} : memref<128x32xf32, #tpu.memory_space<vmem>>, vector<16xf32>,
      tpu.vector_store %arg27[%swap3A_62, %swap3A_63], %broadcast_in_dim3A_61 {strides = array<i32>} : memref<128x32xf32, #tpu.memory_space<vmem>>, vector<16xf32>,
    }
    %scan3A_3 = arith.constant 128 : i32
    %scan3A_4 = arith.constant 0 : i32
    %scan3A_5 = arith.constant 25 : i32
    %scan3A_6 = arith.addi %scan3A_4, %scan3A_5 : i32
    %scan3A_7 = arith.constant 1 : i32
    scf.for %scan3A_53 = %scan3A_4 to %scan3A_6 step %scan3A_7  : i32 {
      %mul3A_54 = arith.constant 1 : i32
      %mul3A_55 = arith.muli %scan3A_53, %mul3A_54 : i32
      %add3A = arith.constant 0 : i32
      %add3A_56 = arith.addi %add3A, %mul3A_55 : i32
      %mul3A_57 = arith.constant 3200 : i32
      %mul3A_58 = arith.muli %arg1, %mul3A_57 : i32
      %mul3A_59 = arith.constant 128 : i32
      %mul3A_60 = arith.muli %add3A_56, %mul3A_59 : i32
      %add3A_61 = arith.addi %mul3A_58, %mul3A_60 : i32
      "tpu.region"() ({
        %run_scoped3A = tpu.sem_alloc : memref<!tpu.dma_semaphore, #tpu.memory_space<semaphore_mem>>
        %dma_start3A = arith.constant 0 : i32
        %dma_start3A_62 = tpu.memref_slice %arg17[%add3A_61, %dma_start3A] : memref<51200x32xf32, #tpu.memory_space<vmem_shared>> -> memref<128x32xf32, #tpu.memory_space<vmem_shared>>
        %dma_start3A_63 = arith.constant 0 : i32
        %dma_start3A_64 = tpu.memref_slice %arg17[%add3A_61, %dma_start3A_63] : memref<51200x32xf32, #tpu.memory_space<vmem_shared>> -> memref<128x32xf32, #tpu.memory_space<vmem_shared>>
        tpu.enqueue_dma source(%arg27 : memref<128x32xf32, #tpu.memory_space<vmem>>) target(%dma_start3A_64 : memref<128x32xf32, #tpu.memory_space<vmem_shared>>) target_semaphore(%run_scoped3A : memref<!tpu.dma_semaphore, #tpu.memory_space<semaphore_mem>>)
        %dma_wait3A = arith.constant 0 : i32
        %dma_wait3A_65 = tpu.memref_slice %arg17[%add3A_61, %dma_wait3A] : memref<51200x32xf32, #tpu.memory_space<vmem_shared>> -> memref<128x32xf32, #tpu.memory_space<vmem_shared>>
        %dma_wait3A_66 = arith.constant 0 : i32
        %dma_wait3A_67 = tpu.memref_slice %arg17[%add3A_61, %dma_wait3A_66] : memref<51200x32xf32, #tpu.memory_space<vmem_shared>> -> memref<128x32xf32, #tpu.memory_space<vmem_shared>>
        tpu.wait_dma2 semaphore(%run_scoped3A : memref<!tpu.dma_semaphore, #tpu.memory_space<semaphore_mem>>) src(%arg27 : memref<128x32xf32, #tpu.memory_space<vmem>>) dst(%dma_wait3A_67 : memref<128x32xf32, #tpu.memory_space<vmem_shared>>)
        tpu.yield
      }) : () -> ()
    }
    %scan3A_8 = arith.constant 25 : i32
    %barrier3A = arith.constant 0 : index
    tpu.barrier barrier_id(%barrier3A)
    %scan3A_9 = arith.constant 0 : i32
    %scan3A_10 = arith.constant 50 : i32
    %scan3A_11 = arith.addi %scan3A_9, %scan3A_10 : i32
    %scan3A_12 = arith.constant 1 : i32
    scf.for %scan3A_53 = %scan3A_9 to %scan3A_11 step %scan3A_12  : i32 {
      %mul3A_54 = arith.constant 1 : i32
      %mul3A_55 = arith.muli %scan3A_53, %mul3A_54 : i32
      %add3A = arith.constant 0 : i32
      %add3A_56 = arith.addi %add3A, %mul3A_55 : i32
      %mul3A_57 = arith.constant 400 : i32
      %mul3A_58 = arith.muli %arg1, %mul3A_57 : i32
      %mul3A_59 = arith.constant 8 : i32
      %mul3A_60 = arith.muli %add3A_56, %mul3A_59 : i32
      %add3A_61 = arith.addi %mul3A_58, %mul3A_60 : i32
      "tpu.region"() ({
        %run_scoped3A = tpu.sem_alloc : memref<!tpu.dma_semaphore, #tpu.memory_space<semaphore_mem>>
        %dma_start3A = arith.constant 0 : i32
        %dma_start3A_67 = tpu.memref_slice %arg5[%add3A_61, %dma_start3A] : memref<6400x128xi32, #tpu.memory_space<hbm>> -> memref<8x128xi32, #tpu.memory_space<hbm>>
        %dma_start3A_68 = arith.constant 0 : i32
        %dma_start3A_69 = tpu.memref_slice %arg5[%add3A_61, %dma_start3A_68] : memref<6400x128xi32, #tpu.memory_space<hbm>> -> memref<8x128xi32, #tpu.memory_space<hbm>>
        tpu.enqueue_dma source(%dma_start3A_69 : memref<8x128xi32, #tpu.memory_space<hbm>>) target(%arg18 : memref<8x128xi32, #tpu.memory_space<vmem>>) target_semaphore(%run_scoped3A : memref<!tpu.dma_semaphore, #tpu.memory_space<semaphore_mem>>)
        %dma_wait3A = arith.constant 0 : i32
        %dma_wait3A_70 = tpu.memref_slice %arg5[%add3A_61, %dma_wait3A] : memref<6400x128xi32, #tpu.memory_space<hbm>> -> memref<8x128xi32, #tpu.memory_space<hbm>>
        %dma_wait3A_71 = arith.constant 0 : i32
        %dma_wait3A_72 = tpu.memref_slice %arg5[%add3A_61, %dma_wait3A_71] : memref<6400x128xi32, #tpu.memory_space<hbm>> -> memref<8x128xi32, #tpu.memory_space<hbm>>
        tpu.wait_dma2 semaphore(%run_scoped3A : memref<!tpu.dma_semaphore, #tpu.memory_space<semaphore_mem>>) src(%dma_wait3A_72 : memref<8x128xi32, #tpu.memory_space<hbm>>) dst(%arg18 : memref<8x128xi32, #tpu.memory_space<vmem>>)
        tpu.yield
      }) : () -> ()
      "tpu.region"() ({
        %run_scoped3A = tpu.sem_alloc : memref<!tpu.dma_semaphore, #tpu.memory_space<semaphore_mem>>
        %dma_start3A = arith.constant 0 : i32
        %dma_start3A_67 = tpu.memref_slice %arg6[%add3A_61, %dma_start3A] : memref<6400x128xi32, #tpu.memory_space<hbm>> -> memref<8x128xi32, #tpu.memory_space<hbm>>
        %dma_start3A_68 = arith.constant 0 : i32
        %dma_start3A_69 = tpu.memref_slice %arg6[%add3A_61, %dma_start3A_68] : memref<6400x128xi32, #tpu.memory_space<hbm>> -> memref<8x128xi32, #tpu.memory_space<hbm>>
        tpu.enqueue_dma source(%dma_start3A_69 : memref<8x128xi32, #tpu.memory_space<hbm>>) target(%arg19 : memref<8x128xi32, #tpu.memory_space<vmem>>) target_semaphore(%run_scoped3A : memref<!tpu.dma_semaphore, #tpu.memory_space<semaphore_mem>>)
        %dma_wait3A = arith.constant 0 : i32
        %dma_wait3A_70 = tpu.memref_slice %arg6[%add3A_61, %dma_wait3A] : memref<6400x128xi32, #tpu.memory_space<hbm>> -> memref<8x128xi32, #tpu.memory_space<hbm>>
        %dma_wait3A_71 = arith.constant 0 : i32
        %dma_wait3A_72 = tpu.memref_slice %arg6[%add3A_61, %dma_wait3A_71] : memref<6400x128xi32, #tpu.memory_space<hbm>> -> memref<8x128xi32, #tpu.memory_space<hbm>>
        tpu.wait_dma2 semaphore(%run_scoped3A : memref<!tpu.dma_semaphore, #tpu.memory_space<semaphore_mem>>) src(%dma_wait3A_72 : memref<8x128xi32, #tpu.memory_space<hbm>>) dst(%arg19 : memref<8x128xi32, #tpu.memory_space<vmem>>)
        tpu.yield
      }) : () -> ()
      "tpu.region"() ({
        %run_scoped3A = tpu.sem_alloc : memref<!tpu.dma_semaphore, #tpu.memory_space<semaphore_mem>>
        %dma_start3A = arith.constant 0 : i32
        %dma_start3A_67 = tpu.memref_slice %arg7[%add3A_61, %dma_start3A] : memref<6400x128xf32, #tpu.memory_space<hbm>> -> memref<8x128xf32, #tpu.memory_space<hbm>>
        %dma_start3A_68 = arith.constant 0 : i32
        %dma_start3A_69 = tpu.memref_slice %arg7[%add3A_61, %dma_start3A_68] : memref<6400x128xf32, #tpu.memory_space<hbm>> -> memref<8x128xf32, #tpu.memory_space<hbm>>
        tpu.enqueue_dma source(%dma_start3A_69 : memref<8x128xf32, #tpu.memory_space<hbm>>) target(%arg20 : memref<8x128xf32, #tpu.memory_space<vmem>>) target_semaphore(%run_scoped3A : memref<!tpu.dma_semaphore, #tpu.memory_space<semaphore_mem>>)
        %dma_wait3A = arith.constant 0 : i32
        %dma_wait3A_70 = tpu.memref_slice %arg7[%add3A_61, %dma_wait3A] : memref<6400x128xf32, #tpu.memory_space<hbm>> -> memref<8x128xf32, #tpu.memory_space<hbm>>
        %dma_wait3A_71 = arith.constant 0 : i32
        %dma_wait3A_72 = tpu.memref_slice %arg7[%add3A_61, %dma_wait3A_71] : memref<6400x128xf32, #tpu.memory_space<hbm>> -> memref<8x128xf32, #tpu.memory_space<hbm>>
        tpu.wait_dma2 semaphore(%run_scoped3A : memref<!tpu.dma_semaphore, #tpu.memory_space<semaphore_mem>>) src(%dma_wait3A_72 : memref<8x128xf32, #tpu.memory_space<hbm>>) dst(%arg20 : memref<8x128xf32, #tpu.memory_space<vmem>>)
        tpu.yield
      }) : () -> ()
      %scan3A_62 = arith.constant 0 : i32
      %scan3A_63 = arith.constant 8 : i32
      %scan3A_64 = arith.addi %scan3A_62, %scan3A_63 : i32
      %scan3A_65 = arith.constant 1 : i32
      scf.for %scan3A_67 = %scan3A_62 to %scan3A_64 step %scan3A_65  : i32 {
        %mul3A_68 = arith.constant 1 : i32
        %mul3A_69 = arith.muli %scan3A_67, %mul3A_68 : i32
        %add3A_70 = arith.constant 0 : i32
        %add3A_71 = arith.addi %add3A_70, %mul3A_69 : i32
        %dma_start3A = arith.constant 0 : i32
        %dma_start3A_72 = tpu.memref_slice %arg19[%add3A_71, %dma_start3A] : memref<8x128xi32, #tpu.memory_space<vmem>> -> memref<1x128xi32, #tpu.memory_space<vmem>>
        %dma_start3A_73 = tpu.memref_squeeze %dma_start3A_72 : memref<1x128xi32, #tpu.memory_space<vmem>> -> memref<128xi32, #tpu.memory_space<vmem>>
        %dma_start3A_74 = arith.constant 0 : i32
        %dma_start3A_75 = arith.constant 0 : i32
        %dma_start3A_76 = tpu.memref_slice %arg9[%arg0, %dma_start3A_74, %dma_start3A_75] : memref<2x51200x32xf32, #tpu.memory_space<hbm>> -> memref<1x51200x32xf32, #tpu.memory_space<hbm>>
        %dma_start3A_77 = tpu.memref_squeeze %dma_start3A_76 : memref<1x51200x32xf32, #tpu.memory_space<hbm>> -> memref<51200x32xf32, #tpu.memory_space<hbm>>
        %dma_start3A_78 = arith.constant 0 : i32
        %dma_start3A_79 = arith.constant 0 : i32
        %dma_start3A_80 = tpu.memref_slice %dma_start3A_77[%dma_start3A_78, %dma_start3A_79] : memref<51200x32xf32, #tpu.memory_space<hbm>> -> memref<51200x32xf32, #tpu.memory_space<hbm>>
        tpu.enqueue_indirect_dma source(%dma_start3A_80 : memref<51200x32xf32, #tpu.memory_space<hbm>>) target(%arg21 : memref<128x32xf32, #tpu.memory_space<vmem>>) offsets(%dma_start3A_73 : memref<128xi32, #tpu.memory_space<vmem>>) semaphore(%arg28 : memref<!tpu.dma_semaphore, #tpu.memory_space<semaphore_mem>>)
        %dma_wait3A = arith.constant 0 : i32
        %dma_wait3A_81 = tpu.memref_slice %arg19[%add3A_71, %dma_wait3A] : memref<8x128xi32, #tpu.memory_space<vmem>> -> memref<1x128xi32, #tpu.memory_space<vmem>>
        %dma_wait3A_82 = tpu.memref_squeeze %dma_wait3A_81 : memref<1x128xi32, #tpu.memory_space<vmem>> -> memref<128xi32, #tpu.memory_space<vmem>>
        %dma_wait3A_83 = arith.constant 0 : i32
        %dma_wait3A_84 = arith.constant 0 : i32
        %dma_wait3A_85 = tpu.memref_slice %arg9[%arg0, %dma_wait3A_83, %dma_wait3A_84] : memref<2x51200x32xf32, #tpu.memory_space<hbm>> -> memref<1x51200x32xf32, #tpu.memory_space<hbm>>
        %dma_wait3A_86 = tpu.memref_squeeze %dma_wait3A_85 : memref<1x51200x32xf32, #tpu.memory_space<hbm>> -> memref<51200x32xf32, #tpu.memory_space<hbm>>
        %dma_wait3A_87 = arith.constant 0 : i32
        %dma_wait3A_88 = arith.constant 0 : i32
        %dma_wait3A_89 = tpu.memref_slice %dma_wait3A_86[%dma_wait3A_87, %dma_wait3A_88] : memref<51200x32xf32, #tpu.memory_space<hbm>> -> memref<51200x32xf32, #tpu.memory_space<hbm>>
        tpu.wait_indirect_dma semaphore(%arg28 : memref<!tpu.dma_semaphore, #tpu.memory_space<semaphore_mem>>) src(%dma_wait3A_89 : memref<51200x32xf32, #tpu.memory_space<hbm>>) dst(%arg21 : memref<128x32xf32, #tpu.memory_space<vmem>>)
        %scan3A_90 = arith.constant 0 : i32
        %scan3A_91 = arith.constant 8 : i32
        %scan3A_92 = arith.addi %scan3A_90, %scan3A_91 : i32
        %scan3A_93 = arith.constant 1 : i32
        scf.for %scan3A_95 = %scan3A_90 to %scan3A_92 step %scan3A_93  : i32 {
          %mul3A_96 = arith.constant 1 : i32
          %mul3A_97 = arith.muli %scan3A_95, %mul3A_96 : i32
          %add3A_98 = arith.constant 0 : i32
          %add3A_99 = arith.addi %add3A_98, %mul3A_97 : i32
          %mul3A_100 = arith.constant 16 : i32
          %mul3A_101 = arith.muli %add3A_99, %mul3A_100 : i32
          %get3A = arith.index_cast %add3A_71 : i32 to index
          %get3A_102 = arith.index_cast %mul3A_101 : i32 to index
          %get3A_103 = tpu.vector_load %arg20[%get3A, %get3A_102] {strides = array<i32>} : memref<8x128xf32, #tpu.memory_space<vmem>>, vector<16xf32>,
          %mul3A_104 = arith.constant 16 : i32
          %mul3A_105 = arith.muli %add3A_99, %mul3A_104 : i32
          %add3A_106 = arith.constant 0 : i32
          %add3A_107 = arith.addi %mul3A_105, %add3A_106 : i32
          %slice3A = vector.extract_strided_slice %get3A_103 {offsets = [0], sizes = [1], strides = [1]} : vector<16xf32> to vector<1xf32>
          %squeeze3A = vector.extract %slice3A[0] : f32 from vector<1xf32>
          %get3A_108 = arith.index_cast %add3A_107 : i32 to index
          %get3A_109 = arith.constant 0 : index
          %get3A_110 = tpu.vector_load %arg21[%get3A_108, %get3A_109] {strides = array<i32>} : memref<128x32xf32, #tpu.memory_space<vmem>>, vector<16xf32>,
          %mul3A_111 = vector.broadcast %squeeze3A : f32 to vector<16xf32>
          %mul3A_112 = arith.mulf %get3A_110, %mul3A_111 : vector<16xf32>
          %swap3A = arith.index_cast %add3A_107 : i32 to index
          %swap3A_113 = arith.constant 0 : index
          %swap3A_114 = tpu.vector_load %arg21[%swap3A, %swap3A_113] {strides = array<i32>} : memref<128x32xf32, #tpu.memory_space<vmem>>, vector<16xf32>,
          tpu.vector_store %arg21[%swap3A, %swap3A_113], %mul3A_112 {strides = array<i32>} : memref<128x32xf32, #tpu.memory_space<vmem>>, vector<16xf32>,
          %get3A_115 = arith.index_cast %add3A_107 : i32 to index
          %get3A_116 = arith.constant 16 : index
          %get3A_117 = tpu.vector_load %arg21[%get3A_115, %get3A_116] {strides = array<i32>} : memref<128x32xf32, #tpu.memory_space<vmem>>, vector<16xf32>,
          %mul3A_118 = vector.broadcast %squeeze3A : f32 to vector<16xf32>
          %mul3A_119 = arith.mulf %get3A_117, %mul3A_118 : vector<16xf32>
          %swap3A_120 = arith.index_cast %add3A_107 : i32 to index
          %swap3A_121 = arith.constant 16 : index
          %swap3A_122 = tpu.vector_load %arg21[%swap3A_120, %swap3A_121] {strides = array<i32>} : memref<128x32xf32, #tpu.memory_space<vmem>>, vector<16xf32>,
          tpu.vector_store %arg21[%swap3A_120, %swap3A_121], %mul3A_119 {strides = array<i32>} : memref<128x32xf32, #tpu.memory_space<vmem>>, vector<16xf32>,
          %mul3A_123 = arith.constant 16 : i32
          %mul3A_124 = arith.muli %add3A_99, %mul3A_123 : i32
          %add3A_125 = arith.constant 1 : i32
          %add3A_126 = arith.addi %mul3A_124, %add3A_125 : i32
          %slice3A_127 = vector.extract_strided_slice %get3A_103 {offsets = [1], sizes = [1], strides = [1]} : vector<16xf32> to vector<1xf32>
          %squeeze3A_128 = vector.extract %slice3A_127[0] : f32 from vector<1xf32>
          %get3A_129 = arith.index_cast %add3A_126 : i32 to index
          %get3A_130 = arith.constant 0 : index
          %get3A_131 = tpu.vector_load %arg21[%get3A_129, %get3A_130] {strides = array<i32>} : memref<128x32xf32, #tpu.memory_space<vmem>>, vector<16xf32>,
          %mul3A_132 = vector.broadcast %squeeze3A_128 : f32 to vector<16xf32>
          %mul3A_133 = arith.mulf %get3A_131, %mul3A_132 : vector<16xf32>
          %swap3A_134 = arith.index_cast %add3A_126 : i32 to index
          %swap3A_135 = arith.constant 0 : index
          %swap3A_136 = tpu.vector_load %arg21[%swap3A_134, %swap3A_135] {strides = array<i32>} : memref<128x32xf32, #tpu.memory_space<vmem>>, vector<16xf32>,
          tpu.vector_store %arg21[%swap3A_134, %swap3A_135], %mul3A_133 {strides = array<i32>} : memref<128x32xf32, #tpu.memory_space<vmem>>, vector<16xf32>,
          %get3A_137 = arith.index_cast %add3A_126 : i32 to index
          %get3A_138 = arith.constant 16 : index
          %get3A_139 = tpu.vector_load %arg21[%get3A_137, %get3A_138] {strides = array<i32>} : memref<128x32xf32, #tpu.memory_space<vmem>>, vector<16xf32>,
          %mul3A_140 = vector.broadcast %squeeze3A_128 : f32 to vector<16xf32>
          %mul3A_141 = arith.mulf %get3A_139, %mul3A_140 : vector<16xf32>
          %swap3A_142 = arith.index_cast %add3A_126 : i32 to index
          %swap3A_143 = arith.constant 16 : index
          %swap3A_144 = tpu.vector_load %arg21[%swap3A_142, %swap3A_143] {strides = array<i32>} : memref<128x32xf32, #tpu.memory_space<vmem>>, vector<16xf32>,
          tpu.vector_store %arg21[%swap3A_142, %swap3A_143], %mul3A_141 {strides = array<i32>} : memref<128x32xf32, #tpu.memory_space<vmem>>, vector<16xf32>,
          %mul3A_145 = arith.constant 16 : i32
          %mul3A_146 = arith.muli %add3A_99, %mul3A_145 : i32
          %add3A_147 = arith.constant 2 : i32
          %add3A_148 = arith.addi %mul3A_146, %add3A_147 : i32
          %slice3A_149 = vector.extract_strided_slice %get3A_103 {offsets = [2], sizes = [1], strides = [1]} : vector<16xf32> to vector<1xf32>
          %squeeze3A_150 = vector.extract %slice3A_149[0] : f32 from vector<1xf32>
          %get3A_151 = arith.index_cast %add3A_148 : i32 to index
          %get3A_152 = arith.constant 0 : index
          %get3A_153 = tpu.vector_load %arg21[%get3A_151, %get3A_152] {strides = array<i32>} : memref<128x32xf32, #tpu.memory_space<vmem>>, vector<16xf32>,
          %mul3A_154 = vector.broadcast %squeeze3A_150 : f32 to vector<16xf32>
          %mul3A_155 = arith.mulf %get3A_153, %mul3A_154 : vector<16xf32>
          %swap3A_156 = arith.index_cast %add3A_148 : i32 to index
          %swap3A_157 = arith.constant 0 : index
          %swap3A_158 = tpu.vector_load %arg21[%swap3A_156, %swap3A_157] {strides = array<i32>} : memref<128x32xf32, #tpu.memory_space<vmem>>, vector<16xf32>,
          tpu.vector_store %arg21[%swap3A_156, %swap3A_157], %mul3A_155 {strides = array<i32>} : memref<128x32xf32, #tpu.memory_space<vmem>>, vector<16xf32>,
          %get3A_159 = arith.index_cast %add3A_148 : i32 to index
          %get3A_160 = arith.constant 16 : index
          %get3A_161 = tpu.vector_load %arg21[%get3A_159, %get3A_160] {strides = array<i32>} : memref<128x32xf32, #tpu.memory_space<vmem>>, vector<16xf32>,
          %mul3A_162 = vector.broadcast %squeeze3A_150 : f32 to vector<16xf32>
          %mul3A_163 = arith.mulf %get3A_161, %mul3A_162 : vector<16xf32>
          %swap3A_164 = arith.index_cast %add3A_148 : i32 to index
          %swap3A_165 = arith.constant 16 : index
          %swap3A_166 = tpu.vector_load %arg21[%swap3A_164, %swap3A_165] {strides = array<i32>} : memref<128x32xf32, #tpu.memory_space<vmem>>, vector<16xf32>,
          tpu.vector_store %arg21[%swap3A_164, %swap3A_165], %mul3A_163 {strides = array<i32>} : memref<128x32xf32, #tpu.memory_space<vmem>>, vector<16xf32>,
          %mul3A_167 = arith.constant 16 : i32
          %mul3A_168 = arith.muli %add3A_99, %mul3A_167 : i32
          %add3A_169 = arith.constant 3 : i32
          %add3A_170 = arith.addi %mul3A_168, %add3A_169 : i32
          %slice3A_171 = vector.extract_strided_slice %get3A_103 {offsets = [3], sizes = [1], strides = [1]} : vector<16xf32> to vector<1xf32>
          %squeeze3A_172 = vector.extract %slice3A_171[0] : f32 from vector<1xf32>
          %get3A_173 = arith.index_cast %add3A_170 : i32 to index
          %get3A_174 = arith.constant 0 : index
          %get3A_175 = tpu.vector_load %arg21[%get3A_173, %get3A_174] {strides = array<i32>} : memref<128x32xf32, #tpu.memory_space<vmem>>, vector<16xf32>,
          %mul3A_176 = vector.broadcast %squeeze3A_172 : f32 to vector<16xf32>
          %mul3A_177 = arith.mulf %get3A_175, %mul3A_176 : vector<16xf32>
          %swap3A_178 = arith.index_cast %add3A_170 : i32 to index
          %swap3A_179 = arith.constant 0 : index
          %swap3A_180 = tpu.vector_load %arg21[%swap3A_178, %swap3A_179] {strides = array<i32>} : memref<128x32xf32, #tpu.memory_space<vmem>>, vector<16xf32>,
          tpu.vector_store %arg21[%swap3A_178, %swap3A_179], %mul3A_177 {strides = array<i32>} : memref<128x32xf32, #tpu.memory_space<vmem>>, vector<16xf32>,
          %get3A_181 = arith.index_cast %add3A_170 : i32 to index
          %get3A_182 = arith.constant 16 : index
          %get3A_183 = tpu.vector_load %arg21[%get3A_181, %get3A_182] {strides = array<i32>} : memref<128x32xf32, #tpu.memory_space<vmem>>, vector<16xf32>,
          %mul3A_184 = vector.broadcast %squeeze3A_172 : f32 to vector<16xf32>
          %mul3A_185 = arith.mulf %get3A_183, %mul3A_184 : vector<16xf32>
          %swap3A_186 = arith.index_cast %add3A_170 : i32 to index
          %swap3A_187 = arith.constant 16 : index
          %swap3A_188 = tpu.vector_load %arg21[%swap3A_186, %swap3A_187] {strides = array<i32>} : memref<128x32xf32, #tpu.memory_space<vmem>>, vector<16xf32>,
          tpu.vector_store %arg21[%swap3A_186, %swap3A_187], %mul3A_185 {strides = array<i32>} : memref<128x32xf32, #tpu.memory_space<vmem>>, vector<16xf32>,
          %mul3A_189 = arith.constant 16 : i32
          %mul3A_190 = arith.muli %add3A_99, %mul3A_189 : i32
          %add3A_191 = arith.constant 4 : i32
          %add3A_192 = arith.addi %mul3A_190, %add3A_191 : i32
          %slice3A_193 = vector.extract_strided_slice %get3A_103 {offsets = [4], sizes = [1], strides = [1]} : vector<16xf32> to vector<1xf32>
          %squeeze3A_194 = vector.extract %slice3A_193[0] : f32 from vector<1xf32>
          %get3A_195 = arith.index_cast %add3A_192 : i32 to index
          %get3A_196 = arith.constant 0 : index
          %get3A_197 = tpu.vector_load %arg21[%get3A_195, %get3A_196] {strides = array<i32>} : memref<128x32xf32, #tpu.memory_space<vmem>>, vector<16xf32>,
          %mul3A_198 = vector.broadcast %squeeze3A_194 : f32 to vector<16xf32>
          %mul3A_199 = arith.mulf %get3A_197, %mul3A_198 : vector<16xf32>
          %swap3A_200 = arith.index_cast %add3A_192 : i32 to index
          %swap3A_201 = arith.constant 0 : index
          %swap3A_202 = tpu.vector_load %arg21[%swap3A_200, %swap3A_201] {strides = array<i32>} : memref<128x32xf32, #tpu.memory_space<vmem>>, vector<16xf32>,
          tpu.vector_store %arg21[%swap3A_200, %swap3A_201], %mul3A_199 {strides = array<i32>} : memref<128x32xf32, #tpu.memory_space<vmem>>, vector<16xf32>,
          %get3A_203 = arith.index_cast %add3A_192 : i32 to index
          %get3A_204 = arith.constant 16 : index
          %get3A_205 = tpu.vector_load %arg21[%get3A_203, %get3A_204] {strides = array<i32>} : memref<128x32xf32, #tpu.memory_space<vmem>>, vector<16xf32>,
          %mul3A_206 = vector.broadcast %squeeze3A_194 : f32 to vector<16xf32>
          %mul3A_207 = arith.mulf %get3A_205, %mul3A_206 : vector<16xf32>
          %swap3A_208 = arith.index_cast %add3A_192 : i32 to index
          %swap3A_209 = arith.constant 16 : index
          %swap3A_210 = tpu.vector_load %arg21[%swap3A_208, %swap3A_209] {strides = array<i32>} : memref<128x32xf32, #tpu.memory_space<vmem>>, vector<16xf32>,
          tpu.vector_store %arg21[%swap3A_208, %swap3A_209], %mul3A_207 {strides = array<i32>} : memref<128x32xf32, #tpu.memory_space<vmem>>, vector<16xf32>,
          %mul3A_211 = arith.constant 16 : i32
          %mul3A_212 = arith.muli %add3A_99, %mul3A_211 : i32
          %add3A_213 = arith.constant 5 : i32
          %add3A_214 = arith.addi %mul3A_212, %add3A_213 : i32
          %slice3A_215 = vector.extract_strided_slice %get3A_103 {offsets = [5], sizes = [1], strides = [1]} : vector<16xf32> to vector<1xf32>
          %squeeze3A_216 = vector.extract %slice3A_215[0] : f32 from vector<1xf32>
          %get3A_217 = arith.index_cast %add3A_214 : i32 to index
          %get3A_218 = arith.constant 0 : index
          %get3A_219 = tpu.vector_load %arg21[%get3A_217, %get3A_218] {strides = array<i32>} : memref<128x32xf32, #tpu.memory_space<vmem>>, vector<16xf32>,
          %mul3A_220 = vector.broadcast %squeeze3A_216 : f32 to vector<16xf32>
          %mul3A_221 = arith.mulf %get3A_219, %mul3A_220 : vector<16xf32>
          %swap3A_222 = arith.index_cast %add3A_214 : i32 to index
          %swap3A_223 = arith.constant 0 : index
          %swap3A_224 = tpu.vector_load %arg21[%swap3A_222, %swap3A_223] {strides = array<i32>} : memref<128x32xf32, #tpu.memory_space<vmem>>, vector<16xf32>,
          tpu.vector_store %arg21[%swap3A_222, %swap3A_223], %mul3A_221 {strides = array<i32>} : memref<128x32xf32, #tpu.memory_space<vmem>>, vector<16xf32>,
          %get3A_225 = arith.index_cast %add3A_214 : i32 to index
          %get3A_226 = arith.constant 16 : index
          %get3A_227 = tpu.vector_load %arg21[%get3A_225, %get3A_226] {strides = array<i32>} : memref<128x32xf32, #tpu.memory_space<vmem>>, vector<16xf32>,
          %mul3A_228 = vector.broadcast %squeeze3A_216 : f32 to vector<16xf32>
          %mul3A_229 = arith.mulf %get3A_227, %mul3A_228 : vector<16xf32>
          %swap3A_230 = arith.index_cast %add3A_214 : i32 to index
          %swap3A_231 = arith.constant 16 : index
          %swap3A_232 = tpu.vector_load %arg21[%swap3A_230, %swap3A_231] {strides = array<i32>} : memref<128x32xf32, #tpu.memory_space<vmem>>, vector<16xf32>,
          tpu.vector_store %arg21[%swap3A_230, %swap3A_231], %mul3A_229 {strides = array<i32>} : memref<128x32xf32, #tpu.memory_space<vmem>>, vector<16xf32>,
          %mul3A_233 = arith.constant 16 : i32
          %mul3A_234 = arith.muli %add3A_99, %mul3A_233 : i32
          %add3A_235 = arith.constant 6 : i32
          %add3A_236 = arith.addi %mul3A_234, %add3A_235 : i32
          %slice3A_237 = vector.extract_strided_slice %get3A_103 {offsets = [6], sizes = [1], strides = [1]} : vector<16xf32> to vector<1xf32>
          %squeeze3A_238 = vector.extract %slice3A_237[0] : f32 from vector<1xf32>
          %get3A_239 = arith.index_cast %add3A_236 : i32 to index
          %get3A_240 = arith.constant 0 : index
          %get3A_241 = tpu.vector_load %arg21[%get3A_239, %get3A_240] {strides = array<i32>} : memref<128x32xf32, #tpu.memory_space<vmem>>, vector<16xf32>,
          %mul3A_242 = vector.broadcast %squeeze3A_238 : f32 to vector<16xf32>
          %mul3A_243 = arith.mulf %get3A_241, %mul3A_242 : vector<16xf32>
          %swap3A_244 = arith.index_cast %add3A_236 : i32 to index
          %swap3A_245 = arith.constant 0 : index
          %swap3A_246 = tpu.vector_load %arg21[%swap3A_244, %swap3A_245] {strides = array<i32>} : memref<128x32xf32, #tpu.memory_space<vmem>>, vector<16xf32>,
          tpu.vector_store %arg21[%swap3A_244, %swap3A_245], %mul3A_243 {strides = array<i32>} : memref<128x32xf32, #tpu.memory_space<vmem>>, vector<16xf32>,
          %get3A_247 = arith.index_cast %add3A_236 : i32 to index
          %get3A_248 = arith.constant 16 : index
          %get3A_249 = tpu.vector_load %arg21[%get3A_247, %get3A_248] {strides = array<i32>} : memref<128x32xf32, #tpu.memory_space<vmem>>, vector<16xf32>,
          %mul3A_250 = vector.broadcast %squeeze3A_238 : f32 to vector<16xf32>
          %mul3A_251 = arith.mulf %get3A_249, %mul3A_250 : vector<16xf32>
          %swap3A_252 = arith.index_cast %add3A_236 : i32 to index
          %swap3A_253 = arith.constant 16 : index
          %swap3A_254 = tpu.vector_load %arg21[%swap3A_252, %swap3A_253] {strides = array<i32>} : memref<128x32xf32, #tpu.memory_space<vmem>>, vector<16xf32>,
          tpu.vector_store %arg21[%swap3A_252, %swap3A_253], %mul3A_251 {strides = array<i32>} : memref<128x32xf32, #tpu.memory_space<vmem>>, vector<16xf32>,
          %mul3A_255 = arith.constant 16 : i32
          %mul3A_256 = arith.muli %add3A_99, %mul3A_255 : i32
          %add3A_257 = arith.constant 7 : i32
          %add3A_258 = arith.addi %mul3A_256, %add3A_257 : i32
          %slice3A_259 = vector.extract_strided_slice %get3A_103 {offsets = [7], sizes = [1], strides = [1]} : vector<16xf32> to vector<1xf32>
          %squeeze3A_260 = vector.extract %slice3A_259[0] : f32 from vector<1xf32>
          %get3A_261 = arith.index_cast %add3A_258 : i32 to index
          %get3A_262 = arith.constant 0 : index
          %get3A_263 = tpu.vector_load %arg21[%get3A_261, %get3A_262] {strides = array<i32>} : memref<128x32xf32, #tpu.memory_space<vmem>>, vector<16xf32>,
          %mul3A_264 = vector.broadcast %squeeze3A_260 : f32 to vector<16xf32>
          %mul3A_265 = arith.mulf %get3A_263, %mul3A_264 : vector<16xf32>
          %swap3A_266 = arith.index_cast %add3A_258 : i32 to index
          %swap3A_267 = arith.constant 0 : index
          %swap3A_268 = tpu.vector_load %arg21[%swap3A_266, %swap3A_267] {strides = array<i32>} : memref<128x32xf32, #tpu.memory_space<vmem>>, vector<16xf32>,
          tpu.vector_store %arg21[%swap3A_266, %swap3A_267], %mul3A_265 {strides = array<i32>} : memref<128x32xf32, #tpu.memory_space<vmem>>, vector<16xf32>,
          %get3A_269 = arith.index_cast %add3A_258 : i32 to index
          %get3A_270 = arith.constant 16 : index
          %get3A_271 = tpu.vector_load %arg21[%get3A_269, %get3A_270] {strides = array<i32>} : memref<128x32xf32, #tpu.memory_space<vmem>>, vector<16xf32>,
          %mul3A_272 = vector.broadcast %squeeze3A_260 : f32 to vector<16xf32>
          %mul3A_273 = arith.mulf %get3A_271, %mul3A_272 : vector<16xf32>
          %swap3A_274 = arith.index_cast %add3A_258 : i32 to index
          %swap3A_275 = arith.constant 16 : index
          %swap3A_276 = tpu.vector_load %arg21[%swap3A_274, %swap3A_275] {strides = array<i32>} : memref<128x32xf32, #tpu.memory_space<vmem>>, vector<16xf32>,
          tpu.vector_store %arg21[%swap3A_274, %swap3A_275], %mul3A_273 {strides = array<i32>} : memref<128x32xf32, #tpu.memory_space<vmem>>, vector<16xf32>,
          %mul3A_277 = arith.constant 16 : i32
          %mul3A_278 = arith.muli %add3A_99, %mul3A_277 : i32
          %add3A_279 = arith.constant 8 : i32
          %add3A_280 = arith.addi %mul3A_278, %add3A_279 : i32
          %slice3A_281 = vector.extract_strided_slice %get3A_103 {offsets = [8], sizes = [1], strides = [1]} : vector<16xf32> to vector<1xf32>
          %squeeze3A_282 = vector.extract %slice3A_281[0] : f32 from vector<1xf32>
          %get3A_283 = arith.index_cast %add3A_280 : i32 to index
          %get3A_284 = arith.constant 0 : index
          %get3A_285 = tpu.vector_load %arg21[%get3A_283, %get3A_284] {strides = array<i32>} : memref<128x32xf32, #tpu.memory_space<vmem>>, vector<16xf32>,
          %mul3A_286 = vector.broadcast %squeeze3A_282 : f32 to vector<16xf32>
          %mul3A_287 = arith.mulf %get3A_285, %mul3A_286 : vector<16xf32>
          %swap3A_288 = arith.index_cast %add3A_280 : i32 to index
          %swap3A_289 = arith.constant 0 : index
          %swap3A_290 = tpu.vector_load %arg21[%swap3A_288, %swap3A_289] {strides = array<i32>} : memref<128x32xf32, #tpu.memory_space<vmem>>, vector<16xf32>,
          tpu.vector_store %arg21[%swap3A_288, %swap3A_289], %mul3A_287 {strides = array<i32>} : memref<128x32xf32, #tpu.memory_space<vmem>>, vector<16xf32>,
          %get3A_291 = arith.index_cast %add3A_280 : i32 to index
          %get3A_292 = arith.constant 16 : index
          %get3A_293 = tpu.vector_load %arg21[%get3A_291, %get3A_292] {strides = array<i32>} : memref<128x32xf32, #tpu.memory_space<vmem>>, vector<16xf32>,
          %mul3A_294 = vector.broadcast %squeeze3A_282 : f32 to vector<16xf32>
          %mul3A_295 = arith.mulf %get3A_293, %mul3A_294 : vector<16xf32>
          %swap3A_296 = arith.index_cast %add3A_280 : i32 to index
          %swap3A_297 = arith.constant 16 : index
          %swap3A_298 = tpu.vector_load %arg21[%swap3A_296, %swap3A_297] {strides = array<i32>} : memref<128x32xf32, #tpu.memory_space<vmem>>, vector<16xf32>,
          tpu.vector_store %arg21[%swap3A_296, %swap3A_297], %mul3A_295 {strides = array<i32>} : memref<128x32xf32, #tpu.memory_space<vmem>>, vector<16xf32>,
          %mul3A_299 = arith.constant 16 : i32
          %mul3A_300 = arith.muli %add3A_99, %mul3A_299 : i32
          %add3A_301 = arith.constant 9 : i32
          %add3A_302 = arith.addi %mul3A_300, %add3A_301 : i32
          %slice3A_303 = vector.extract_strided_slice %get3A_103 {offsets = [9], sizes = [1], strides = [1]} : vector<16xf32> to vector<1xf32>
          %squeeze3A_304 = vector.extract %slice3A_303[0] : f32 from vector<1xf32>
          %get3A_305 = arith.index_cast %add3A_302 : i32 to index
          %get3A_306 = arith.constant 0 : index
          %get3A_307 = tpu.vector_load %arg21[%get3A_305, %get3A_306] {strides = array<i32>} : memref<128x32xf32, #tpu.memory_space<vmem>>, vector<16xf32>,
          %mul3A_308 = vector.broadcast %squeeze3A_304 : f32 to vector<16xf32>
          %mul3A_309 = arith.mulf %get3A_307, %mul3A_308 : vector<16xf32>
          %swap3A_310 = arith.index_cast %add3A_302 : i32 to index
          %swap3A_311 = arith.constant 0 : index
          %swap3A_312 = tpu.vector_load %arg21[%swap3A_310, %swap3A_311] {strides = array<i32>} : memref<128x32xf32, #tpu.memory_space<vmem>>, vector<16xf32>,
          tpu.vector_store %arg21[%swap3A_310, %swap3A_311], %mul3A_309 {strides = array<i32>} : memref<128x32xf32, #tpu.memory_space<vmem>>, vector<16xf32>,
          %get3A_313 = arith.index_cast %add3A_302 : i32 to index
          %get3A_314 = arith.constant 16 : index
          %get3A_315 = tpu.vector_load %arg21[%get3A_313, %get3A_314] {strides = array<i32>} : memref<128x32xf32, #tpu.memory_space<vmem>>, vector<16xf32>,
          %mul3A_316 = vector.broadcast %squeeze3A_304 : f32 to vector<16xf32>
          %mul3A_317 = arith.mulf %get3A_315, %mul3A_316 : vector<16xf32>
          %swap3A_318 = arith.index_cast %add3A_302 : i32 to index
          %swap3A_319 = arith.constant 16 : index
          %swap3A_320 = tpu.vector_load %arg21[%swap3A_318, %swap3A_319] {strides = array<i32>} : memref<128x32xf32, #tpu.memory_space<vmem>>, vector<16xf32>,
          tpu.vector_store %arg21[%swap3A_318, %swap3A_319], %mul3A_317 {strides = array<i32>} : memref<128x32xf32, #tpu.memory_space<vmem>>, vector<16xf32>,
          %mul3A_321 = arith.constant 16 : i32
          %mul3A_322 = arith.muli %add3A_99, %mul3A_321 : i32
          %add3A_323 = arith.constant 10 : i32
          %add3A_324 = arith.addi %mul3A_322, %add3A_323 : i32
          %slice3A_325 = vector.extract_strided_slice %get3A_103 {offsets = [10], sizes = [1], strides = [1]} : vector<16xf32> to vector<1xf32>
          %squeeze3A_326 = vector.extract %slice3A_325[0] : f32 from vector<1xf32>
          %get3A_327 = arith.index_cast %add3A_324 : i32 to index
          %get3A_328 = arith.constant 0 : index
          %get3A_329 = tpu.vector_load %arg21[%get3A_327, %get3A_328] {strides = array<i32>} : memref<128x32xf32, #tpu.memory_space<vmem>>, vector<16xf32>,
          %mul3A_330 = vector.broadcast %squeeze3A_326 : f32 to vector<16xf32>
          %mul3A_331 = arith.mulf %get3A_329, %mul3A_330 : vector<16xf32>
          %swap3A_332 = arith.index_cast %add3A_324 : i32 to index
          %swap3A_333 = arith.constant 0 : index
          %swap3A_334 = tpu.vector_load %arg21[%swap3A_332, %swap3A_333] {strides = array<i32>} : memref<128x32xf32, #tpu.memory_space<vmem>>, vector<16xf32>,
          tpu.vector_store %arg21[%swap3A_332, %swap3A_333], %mul3A_331 {strides = array<i32>} : memref<128x32xf32, #tpu.memory_space<vmem>>, vector<16xf32>,
          %get3A_335 = arith.index_cast %add3A_324 : i32 to index
          %get3A_336 = arith.constant 16 : index
          %get3A_337 = tpu.vector_load %arg21[%get3A_335, %get3A_336] {strides = array<i32>} : memref<128x32xf32, #tpu.memory_space<vmem>>, vector<16xf32>,
          %mul3A_338 = vector.broadcast %squeeze3A_326 : f32 to vector<16xf32>
          %mul3A_339 = arith.mulf %get3A_337, %mul3A_338 : vector<16xf32>
          %swap3A_340 = arith.index_cast %add3A_324 : i32 to index
          %swap3A_341 = arith.constant 16 : index
          %swap3A_342 = tpu.vector_load %arg21[%swap3A_340, %swap3A_341] {strides = array<i32>} : memref<128x32xf32, #tpu.memory_space<vmem>>, vector<16xf32>,
          tpu.vector_store %arg21[%swap3A_340, %swap3A_341], %mul3A_339 {strides = array<i32>} : memref<128x32xf32, #tpu.memory_space<vmem>>, vector<16xf32>,
          %mul3A_343 = arith.constant 16 : i32
          %mul3A_344 = arith.muli %add3A_99, %mul3A_343 : i32
          %add3A_345 = arith.constant 11 : i32
          %add3A_346 = arith.addi %mul3A_344, %add3A_345 : i32
          %slice3A_347 = vector.extract_strided_slice %get3A_103 {offsets = [11], sizes = [1], strides = [1]} : vector<16xf32> to vector<1xf32>
          %squeeze3A_348 = vector.extract %slice3A_347[0] : f32 from vector<1xf32>
          %get3A_349 = arith.index_cast %add3A_346 : i32 to index
          %get3A_350 = arith.constant 0 : index
          %get3A_351 = tpu.vector_load %arg21[%get3A_349, %get3A_350] {strides = array<i32>} : memref<128x32xf32, #tpu.memory_space<vmem>>, vector<16xf32>,
          %mul3A_352 = vector.broadcast %squeeze3A_348 : f32 to vector<16xf32>
          %mul3A_353 = arith.mulf %get3A_351, %mul3A_352 : vector<16xf32>
          %swap3A_354 = arith.index_cast %add3A_346 : i32 to index
          %swap3A_355 = arith.constant 0 : index
          %swap3A_356 = tpu.vector_load %arg21[%swap3A_354, %swap3A_355] {strides = array<i32>} : memref<128x32xf32, #tpu.memory_space<vmem>>, vector<16xf32>,
          tpu.vector_store %arg21[%swap3A_354, %swap3A_355], %mul3A_353 {strides = array<i32>} : memref<128x32xf32, #tpu.memory_space<vmem>>, vector<16xf32>,
          %get3A_357 = arith.index_cast %add3A_346 : i32 to index
          %get3A_358 = arith.constant 16 : index
          %get3A_359 = tpu.vector_load %arg21[%get3A_357, %get3A_358] {strides = array<i32>} : memref<128x32xf32, #tpu.memory_space<vmem>>, vector<16xf32>,
          %mul3A_360 = vector.broadcast %squeeze3A_348 : f32 to vector<16xf32>
          %mul3A_361 = arith.mulf %get3A_359, %mul3A_360 : vector<16xf32>
          %swap3A_362 = arith.index_cast %add3A_346 : i32 to index
          %swap3A_363 = arith.constant 16 : index
          %swap3A_364 = tpu.vector_load %arg21[%swap3A_362, %swap3A_363] {strides = array<i32>} : memref<128x32xf32, #tpu.memory_space<vmem>>, vector<16xf32>,
          tpu.vector_store %arg21[%swap3A_362, %swap3A_363], %mul3A_361 {strides = array<i32>} : memref<128x32xf32, #tpu.memory_space<vmem>>, vector<16xf32>,
          %mul3A_365 = arith.constant 16 : i32
          %mul3A_366 = arith.muli %add3A_99, %mul3A_365 : i32
          %add3A_367 = arith.constant 12 : i32
          %add3A_368 = arith.addi %mul3A_366, %add3A_367 : i32
          %slice3A_369 = vector.extract_strided_slice %get3A_103 {offsets = [12], sizes = [1], strides = [1]} : vector<16xf32> to vector<1xf32>
          %squeeze3A_370 = vector.extract %slice3A_369[0] : f32 from vector<1xf32>
          %get3A_371 = arith.index_cast %add3A_368 : i32 to index
          %get3A_372 = arith.constant 0 : index
          %get3A_373 = tpu.vector_load %arg21[%get3A_371, %get3A_372] {strides = array<i32>} : memref<128x32xf32, #tpu.memory_space<vmem>>, vector<16xf32>,
          %mul3A_374 = vector.broadcast %squeeze3A_370 : f32 to vector<16xf32>
          %mul3A_375 = arith.mulf %get3A_373, %mul3A_374 : vector<16xf32>
          %swap3A_376 = arith.index_cast %add3A_368 : i32 to index
          %swap3A_377 = arith.constant 0 : index
          %swap3A_378 = tpu.vector_load %arg21[%swap3A_376, %swap3A_377] {strides = array<i32>} : memref<128x32xf32, #tpu.memory_space<vmem>>, vector<16xf32>,
          tpu.vector_store %arg21[%swap3A_376, %swap3A_377], %mul3A_375 {strides = array<i32>} : memref<128x32xf32, #tpu.memory_space<vmem>>, vector<16xf32>,
          %get3A_379 = arith.index_cast %add3A_368 : i32 to index
          %get3A_380 = arith.constant 16 : index
          %get3A_381 = tpu.vector_load %arg21[%get3A_379, %get3A_380] {strides = array<i32>} : memref<128x32xf32, #tpu.memory_space<vmem>>, vector<16xf32>,
          %mul3A_382 = vector.broadcast %squeeze3A_370 : f32 to vector<16xf32>
          %mul3A_383 = arith.mulf %get3A_381, %mul3A_382 : vector<16xf32>
          %swap3A_384 = arith.index_cast %add3A_368 : i32 to index
          %swap3A_385 = arith.constant 16 : index
          %swap3A_386 = tpu.vector_load %arg21[%swap3A_384, %swap3A_385] {strides = array<i32>} : memref<128x32xf32, #tpu.memory_space<vmem>>, vector<16xf32>,
          tpu.vector_store %arg21[%swap3A_384, %swap3A_385], %mul3A_383 {strides = array<i32>} : memref<128x32xf32, #tpu.memory_space<vmem>>, vector<16xf32>,
          %mul3A_387 = arith.constant 16 : i32
          %mul3A_388 = arith.muli %add3A_99, %mul3A_387 : i32
          %add3A_389 = arith.constant 13 : i32
          %add3A_390 = arith.addi %mul3A_388, %add3A_389 : i32
          %slice3A_391 = vector.extract_strided_slice %get3A_103 {offsets = [13], sizes = [1], strides = [1]} : vector<16xf32> to vector<1xf32>
          %squeeze3A_392 = vector.extract %slice3A_391[0] : f32 from vector<1xf32>
          %get3A_393 = arith.index_cast %add3A_390 : i32 to index
          %get3A_394 = arith.constant 0 : index
          %get3A_395 = tpu.vector_load %arg21[%get3A_393, %get3A_394] {strides = array<i32>} : memref<128x32xf32, #tpu.memory_space<vmem>>, vector<16xf32>,
          %mul3A_396 = vector.broadcast %squeeze3A_392 : f32 to vector<16xf32>
          %mul3A_397 = arith.mulf %get3A_395, %mul3A_396 : vector<16xf32>
          %swap3A_398 = arith.index_cast %add3A_390 : i32 to index
          %swap3A_399 = arith.constant 0 : index
          %swap3A_400 = tpu.vector_load %arg21[%swap3A_398, %swap3A_399] {strides = array<i32>} : memref<128x32xf32, #tpu.memory_space<vmem>>, vector<16xf32>,
          tpu.vector_store %arg21[%swap3A_398, %swap3A_399], %mul3A_397 {strides = array<i32>} : memref<128x32xf32, #tpu.memory_space<vmem>>, vector<16xf32>,
          %get3A_401 = arith.index_cast %add3A_390 : i32 to index
          %get3A_402 = arith.constant 16 : index
          %get3A_403 = tpu.vector_load %arg21[%get3A_401, %get3A_402] {strides = array<i32>} : memref<128x32xf32, #tpu.memory_space<vmem>>, vector<16xf32>,
          %mul3A_404 = vector.broadcast %squeeze3A_392 : f32 to vector<16xf32>
          %mul3A_405 = arith.mulf %get3A_403, %mul3A_404 : vector<16xf32>
          %swap3A_406 = arith.index_cast %add3A_390 : i32 to index
          %swap3A_407 = arith.constant 16 : index
          %swap3A_408 = tpu.vector_load %arg21[%swap3A_406, %swap3A_407] {strides = array<i32>} : memref<128x32xf32, #tpu.memory_space<vmem>>, vector<16xf32>,
          tpu.vector_store %arg21[%swap3A_406, %swap3A_407], %mul3A_405 {strides = array<i32>} : memref<128x32xf32, #tpu.memory_space<vmem>>, vector<16xf32>,
          %mul3A_409 = arith.constant 16 : i32
          %mul3A_410 = arith.muli %add3A_99, %mul3A_409 : i32
          %add3A_411 = arith.constant 14 : i32
          %add3A_412 = arith.addi %mul3A_410, %add3A_411 : i32
          %slice3A_413 = vector.extract_strided_slice %get3A_103 {offsets = [14], sizes = [1], strides = [1]} : vector<16xf32> to vector<1xf32>
          %squeeze3A_414 = vector.extract %slice3A_413[0] : f32 from vector<1xf32>
          %get3A_415 = arith.index_cast %add3A_412 : i32 to index
          %get3A_416 = arith.constant 0 : index
          %get3A_417 = tpu.vector_load %arg21[%get3A_415, %get3A_416] {strides = array<i32>} : memref<128x32xf32, #tpu.memory_space<vmem>>, vector<16xf32>,
          %mul3A_418 = vector.broadcast %squeeze3A_414 : f32 to vector<16xf32>
          %mul3A_419 = arith.mulf %get3A_417, %mul3A_418 : vector<16xf32>
          %swap3A_420 = arith.index_cast %add3A_412 : i32 to index
          %swap3A_421 = arith.constant 0 : index
          %swap3A_422 = tpu.vector_load %arg21[%swap3A_420, %swap3A_421] {strides = array<i32>} : memref<128x32xf32, #tpu.memory_space<vmem>>, vector<16xf32>,
          tpu.vector_store %arg21[%swap3A_420, %swap3A_421], %mul3A_419 {strides = array<i32>} : memref<128x32xf32, #tpu.memory_space<vmem>>, vector<16xf32>,
          %get3A_423 = arith.index_cast %add3A_412 : i32 to index
          %get3A_424 = arith.constant 16 : index
          %get3A_425 = tpu.vector_load %arg21[%get3A_423, %get3A_424] {strides = array<i32>} : memref<128x32xf32, #tpu.memory_space<vmem>>, vector<16xf32>,
          %mul3A_426 = vector.broadcast %squeeze3A_414 : f32 to vector<16xf32>
          %mul3A_427 = arith.mulf %get3A_425, %mul3A_426 : vector<16xf32>
          %swap3A_428 = arith.index_cast %add3A_412 : i32 to index
          %swap3A_429 = arith.constant 16 : index
          %swap3A_430 = tpu.vector_load %arg21[%swap3A_428, %swap3A_429] {strides = array<i32>} : memref<128x32xf32, #tpu.memory_space<vmem>>, vector<16xf32>,
          tpu.vector_store %arg21[%swap3A_428, %swap3A_429], %mul3A_427 {strides = array<i32>} : memref<128x32xf32, #tpu.memory_space<vmem>>, vector<16xf32>,
          %mul3A_431 = arith.constant 16 : i32
          %mul3A_432 = arith.muli %add3A_99, %mul3A_431 : i32
          %add3A_433 = arith.constant 15 : i32
          %add3A_434 = arith.addi %mul3A_432, %add3A_433 : i32
          %slice3A_435 = vector.extract_strided_slice %get3A_103 {offsets = [15], sizes = [1], strides = [1]} : vector<16xf32> to vector<1xf32>
          %squeeze3A_436 = vector.extract %slice3A_435[0] : f32 from vector<1xf32>
          %get3A_437 = arith.index_cast %add3A_434 : i32 to index
          %get3A_438 = arith.constant 0 : index
          %get3A_439 = tpu.vector_load %arg21[%get3A_437, %get3A_438] {strides = array<i32>} : memref<128x32xf32, #tpu.memory_space<vmem>>, vector<16xf32>,
          %mul3A_440 = vector.broadcast %squeeze3A_436 : f32 to vector<16xf32>
          %mul3A_441 = arith.mulf %get3A_439, %mul3A_440 : vector<16xf32>
          %swap3A_442 = arith.index_cast %add3A_434 : i32 to index
          %swap3A_443 = arith.constant 0 : index
          %swap3A_444 = tpu.vector_load %arg21[%swap3A_442, %swap3A_443] {strides = array<i32>} : memref<128x32xf32, #tpu.memory_space<vmem>>, vector<16xf32>,
          tpu.vector_store %arg21[%swap3A_442, %swap3A_443], %mul3A_441 {strides = array<i32>} : memref<128x32xf32, #tpu.memory_space<vmem>>, vector<16xf32>,
          %get3A_445 = arith.index_cast %add3A_434 : i32 to index
          %get3A_446 = arith.constant 16 : index
          %get3A_447 = tpu.vector_load %arg21[%get3A_445, %get3A_446] {strides = array<i32>} : memref<128x32xf32, #tpu.memory_space<vmem>>, vector<16xf32>,
          %mul3A_448 = vector.broadcast %squeeze3A_436 : f32 to vector<16xf32>
          %mul3A_449 = arith.mulf %get3A_447, %mul3A_448 : vector<16xf32>
          %swap3A_450 = arith.index_cast %add3A_434 : i32 to index
          %swap3A_451 = arith.constant 16 : index
          %swap3A_452 = tpu.vector_load %arg21[%swap3A_450, %swap3A_451] {strides = array<i32>} : memref<128x32xf32, #tpu.memory_space<vmem>>, vector<16xf32>,
          tpu.vector_store %arg21[%swap3A_450, %swap3A_451], %mul3A_449 {strides = array<i32>} : memref<128x32xf32, #tpu.memory_space<vmem>>, vector<16xf32>,
        }
        %scan3A_94 = arith.constant 8 : i32
        "tpu.region"() ({
          %run_scoped3A = tpu.sem_alloc : memref<!tpu.dma_semaphore, #tpu.memory_space<semaphore_mem>>
          %dma_start3A_95 = arith.constant 0 : i32
          %dma_start3A_96 = tpu.memref_slice %arg18[%add3A_71, %dma_start3A_95] : memref<8x128xi32, #tpu.memory_space<vmem>> -> memref<1x128xi32, #tpu.memory_space<vmem>>
          %dma_start3A_97 = tpu.memref_squeeze %dma_start3A_96 : memref<1x128xi32, #tpu.memory_space<vmem>> -> memref<128xi32, #tpu.memory_space<vmem>>
          %dma_start3A_98 = arith.constant 0 : i32
          %dma_start3A_99 = arith.constant 0 : i32
          %dma_start3A_100 = tpu.memref_slice %arg17[%dma_start3A_98, %dma_start3A_99] : memref<51200x32xf32, #tpu.memory_space<vmem_shared>> -> memref<51200x32xf32, #tpu.memory_space<vmem_shared>>
          tpu.enqueue_indirect_dma source(%arg21 : memref<128x32xf32, #tpu.memory_space<vmem>>) target(%dma_start3A_100 : memref<51200x32xf32, #tpu.memory_space<vmem_shared>>) offsets(%dma_start3A_97 : memref<128xi32, #tpu.memory_space<vmem>>) semaphore(%run_scoped3A : memref<!tpu.dma_semaphore, #tpu.memory_space<semaphore_mem>>) {add = true}
          %dma_wait3A_101 = arith.constant 0 : i32
          %dma_wait3A_102 = tpu.memref_slice %arg18[%add3A_71, %dma_wait3A_101] : memref<8x128xi32, #tpu.memory_space<vmem>> -> memref<1x128xi32, #tpu.memory_space<vmem>>
          %dma_wait3A_103 = tpu.memref_squeeze %dma_wait3A_102 : memref<1x128xi32, #tpu.memory_space<vmem>> -> memref<128xi32, #tpu.memory_space<vmem>>
          %dma_wait3A_104 = arith.constant 0 : i32
          %dma_wait3A_105 = arith.constant 0 : i32
          %dma_wait3A_106 = tpu.memref_slice %arg17[%dma_wait3A_104, %dma_wait3A_105] : memref<51200x32xf32, #tpu.memory_space<vmem_shared>> -> memref<51200x32xf32, #tpu.memory_space<vmem_shared>>
          tpu.wait_indirect_dma semaphore(%run_scoped3A : memref<!tpu.dma_semaphore, #tpu.memory_space<semaphore_mem>>) src(%arg21 : memref<128x32xf32, #tpu.memory_space<vmem>>) dst(%dma_wait3A_106 : memref<51200x32xf32, #tpu.memory_space<vmem_shared>>)
          tpu.yield
        }) : () -> ()
      }
      %scan3A_66 = arith.constant 8 : i32
    }
    %scan3A_13 = arith.constant 50 : i32
    %barrier3A_14 = arith.constant 0 : index
    tpu.barrier barrier_id(%barrier3A_14)
    %scan3A_15 = arith.constant 0 : i32
    %scan3A_16 = arith.constant 25 : i32
    %scan3A_17 = arith.addi %scan3A_15, %scan3A_16 : i32
    %scan3A_18 = arith.constant 1 : i32
    scf.for %scan3A_53 = %scan3A_15 to %scan3A_17 step %scan3A_18  : i32 {
      %mul3A_54 = arith.constant 1 : i32
      %mul3A_55 = arith.muli %scan3A_53, %mul3A_54 : i32
      %add3A = arith.constant 0 : i32
      %add3A_56 = arith.addi %add3A, %mul3A_55 : i32
      %mul3A_57 = arith.constant 3200 : i32
      %mul3A_58 = arith.muli %arg1, %mul3A_57 : i32
      %mul3A_59 = arith.constant 128 : i32
      %mul3A_60 = arith.muli %add3A_56, %mul3A_59 : i32
      %add3A_61 = arith.addi %mul3A_58, %mul3A_60 : i32
      "tpu.region"() ({
        %run_scoped3A_70 = tpu.sem_alloc : memref<!tpu.dma_semaphore, #tpu.memory_space<semaphore_mem>>
        %dma_start3A = arith.constant 0 : i32
        %dma_start3A_71 = tpu.memref_slice %arg17[%add3A_61, %dma_start3A] : memref<51200x32xf32, #tpu.memory_space<vmem_shared>> -> memref<128x32xf32, #tpu.memory_space<vmem_shared>>
        %dma_start3A_72 = arith.constant 0 : i32
        %dma_start3A_73 = tpu.memref_slice %arg17[%add3A_61, %dma_start3A_72] : memref<51200x32xf32, #tpu.memory_space<vmem_shared>> -> memref<128x32xf32, #tpu.memory_space<vmem_shared>>
        tpu.enqueue_dma source(%dma_start3A_73 : memref<128x32xf32, #tpu.memory_space<vmem_shared>>) target(%arg23 : memref<128x32xf32, #tpu.memory_space<vmem>>) target_semaphore(%run_scoped3A_70 : memref<!tpu.dma_semaphore, #tpu.memory_space<semaphore_mem>>)
        %dma_wait3A = arith.constant 0 : i32
        %dma_wait3A_74 = tpu.memref_slice %arg17[%add3A_61, %dma_wait3A] : memref<51200x32xf32, #tpu.memory_space<vmem_shared>> -> memref<128x32xf32, #tpu.memory_space<vmem_shared>>
        %dma_wait3A_75 = arith.constant 0 : i32
        %dma_wait3A_76 = tpu.memref_slice %arg17[%add3A_61, %dma_wait3A_75] : memref<51200x32xf32, #tpu.memory_space<vmem_shared>> -> memref<128x32xf32, #tpu.memory_space<vmem_shared>>
        tpu.wait_dma2 semaphore(%run_scoped3A_70 : memref<!tpu.dma_semaphore, #tpu.memory_space<semaphore_mem>>) src(%dma_wait3A_76 : memref<128x32xf32, #tpu.memory_space<vmem_shared>>) dst(%arg23 : memref<128x32xf32, #tpu.memory_space<vmem>>)
        tpu.yield
      }) : () -> ()
      "tpu.region"() ({
        %run_scoped3A_70 = tpu.sem_alloc : memref<!tpu.dma_semaphore, #tpu.memory_space<semaphore_mem>>
        %dma_start3A = arith.constant 0 : i32
        %dma_start3A_71 = tpu.memref_slice %arg17[%add3A_61, %dma_start3A] : memref<51200x32xf32, #tpu.memory_space<vmem_shared>> -> memref<128x32xf32, #tpu.memory_space<vmem_shared>>
        %dma_start3A_72 = arith.constant 0 : i32
        %dma_start3A_73 = tpu.memref_slice %arg17[%add3A_61, %dma_start3A_72] : memref<51200x32xf32, #tpu.memory_space<vmem_shared>> -> memref<128x32xf32, #tpu.memory_space<vmem_shared>>
        tpu.enqueue_dma source(%arg27 : memref<128x32xf32, #tpu.memory_space<vmem>>) target(%dma_start3A_73 : memref<128x32xf32, #tpu.memory_space<vmem_shared>>) target_semaphore(%run_scoped3A_70 : memref<!tpu.dma_semaphore, #tpu.memory_space<semaphore_mem>>)
        %dma_wait3A = arith.constant 0 : i32
        %dma_wait3A_74 = tpu.memref_slice %arg17[%add3A_61, %dma_wait3A] : memref<51200x32xf32, #tpu.memory_space<vmem_shared>> -> memref<128x32xf32, #tpu.memory_space<vmem_shared>>
        %dma_wait3A_75 = arith.constant 0 : i32
        %dma_wait3A_76 = tpu.memref_slice %arg17[%add3A_61, %dma_wait3A_75] : memref<51200x32xf32, #tpu.memory_space<vmem_shared>> -> memref<128x32xf32, #tpu.memory_space<vmem_shared>>
        tpu.wait_dma2 semaphore(%run_scoped3A_70 : memref<!tpu.dma_semaphore, #tpu.memory_space<semaphore_mem>>) src(%arg27 : memref<128x32xf32, #tpu.memory_space<vmem>>) dst(%dma_wait3A_76 : memref<128x32xf32, #tpu.memory_space<vmem_shared>>)
        tpu.yield
      }) : () -> ()
      %mul3A_62 = arith.constant 25 : i32
      %mul3A_63 = arith.muli %arg1, %mul3A_62 : i32
      %add3A_64 = arith.addi %mul3A_63, %add3A_56 : i32
      %run_scoped3A = arith.constant 1 : i32
      "tpu.region"() ({
        %run_scoped3A_70 = tpu.sem_alloc : memref<!tpu.dma_semaphore, #tpu.memory_space<semaphore_mem>>
        %dma_start3A = arith.constant 0 : i32
        %dma_start3A_71 = arith.constant 0 : i32
        %dma_start3A_72 = tpu.memref_slice %arg12[%run_scoped3A, %dma_start3A, %dma_start3A_71] : memref<2x400x128xf32, #tpu.memory_space<hbm>> -> memref<1x400x128xf32, #tpu.memory_space<hbm>>
        %dma_start3A_73 = tpu.memref_squeeze %dma_start3A_72 : memref<1x400x128xf32, #tpu.memory_space<hbm>> -> memref<400x128xf32, #tpu.memory_space<hbm>>
        %dma_start3A_74 = arith.constant 0 : i32
        %dma_start3A_75 = tpu.memref_slice %dma_start3A_73[%add3A_64, %dma_start3A_74] : memref<400x128xf32, #tpu.memory_space<hbm>> -> memref<1x128xf32, #tpu.memory_space<hbm>>
        %dma_start3A_76 = arith.constant 0 : i32
        %dma_start3A_77 = arith.constant 0 : i32
        %dma_start3A_78 = tpu.memref_slice %arg12[%run_scoped3A, %dma_start3A_76, %dma_start3A_77] : memref<2x400x128xf32, #tpu.memory_space<hbm>> -> memref<1x400x128xf32, #tpu.memory_space<hbm>>
        %dma_start3A_79 = tpu.memref_squeeze %dma_start3A_78 : memref<1x400x128xf32, #tpu.memory_space<hbm>> -> memref<400x128xf32, #tpu.memory_space<hbm>>
        %dma_start3A_80 = arith.constant 0 : i32
        %dma_start3A_81 = tpu.memref_slice %dma_start3A_79[%add3A_64, %dma_start3A_80] : memref<400x128xf32, #tpu.memory_space<hbm>> -> memref<1x128xf32, #tpu.memory_space<hbm>>
        tpu.enqueue_dma source(%dma_start3A_81 : memref<1x128xf32, #tpu.memory_space<hbm>>) target(%arg26 : memref<1x128xf32, #tpu.memory_space<vmem>>) target_semaphore(%run_scoped3A_70 : memref<!tpu.dma_semaphore, #tpu.memory_space<semaphore_mem>>)
        %dma_wait3A = arith.constant 0 : i32
        %dma_wait3A_82 = arith.constant 0 : i32
        %dma_wait3A_83 = tpu.memref_slice %arg12[%run_scoped3A, %dma_wait3A, %dma_wait3A_82] : memref<2x400x128xf32, #tpu.memory_space<hbm>> -> memref<1x400x128xf32, #tpu.memory_space<hbm>>
        %dma_wait3A_84 = tpu.memref_squeeze %dma_wait3A_83 : memref<1x400x128xf32, #tpu.memory_space<hbm>> -> memref<400x128xf32, #tpu.memory_space<hbm>>
        %dma_wait3A_85 = arith.constant 0 : i32
        %dma_wait3A_86 = tpu.memref_slice %dma_wait3A_84[%add3A_64, %dma_wait3A_85] : memref<400x128xf32, #tpu.memory_space<hbm>> -> memref<1x128xf32, #tpu.memory_space<hbm>>
        %dma_wait3A_87 = arith.constant 0 : i32
        %dma_wait3A_88 = arith.constant 0 : i32
        %dma_wait3A_89 = tpu.memref_slice %arg12[%run_scoped3A, %dma_wait3A_87, %dma_wait3A_88] : memref<2x400x128xf32, #tpu.memory_space<hbm>> -> memref<1x400x128xf32, #tpu.memory_space<hbm>>
        %dma_wait3A_90 = tpu.memref_squeeze %dma_wait3A_89 : memref<1x400x128xf32, #tpu.memory_space<hbm>> -> memref<400x128xf32, #tpu.memory_space<hbm>>
        %dma_wait3A_91 = arith.constant 0 : i32
        %dma_wait3A_92 = tpu.memref_slice %dma_wait3A_90[%add3A_64, %dma_wait3A_91] : memref<400x128xf32, #tpu.memory_space<hbm>> -> memref<1x128xf32, #tpu.memory_space<hbm>>
        tpu.wait_dma2 semaphore(%run_scoped3A_70 : memref<!tpu.dma_semaphore, #tpu.memory_space<semaphore_mem>>) src(%dma_wait3A_92 : memref<1x128xf32, #tpu.memory_space<hbm>>) dst(%arg26 : memref<1x128xf32, #tpu.memory_space<vmem>>)
        tpu.yield
      }) : () -> ()
      %scan3A_65 = arith.constant 0 : i32
      %scan3A_66 = arith.constant 8 : i32
      %scan3A_67 = arith.addi %scan3A_65, %scan3A_66 : i32
      %scan3A_68 = arith.constant 1 : i32
      scf.for %scan3A_70 = %scan3A_65 to %scan3A_67 step %scan3A_68  : i32 {
        %mul3A_71 = arith.constant 1 : i32
        %mul3A_72 = arith.muli %scan3A_70, %mul3A_71 : i32
        %add3A_73 = arith.constant 0 : i32
        %add3A_74 = arith.addi %add3A_73, %mul3A_72 : i32
        %mul3A_75 = arith.constant 16 : i32
        %mul3A_76 = arith.muli %add3A_74, %mul3A_75 : i32
        %get3A = arith.constant 0 : i32
        %get3A_77 = arith.index_cast %get3A : i32 to index
        %get3A_78 = arith.index_cast %mul3A_76 : i32 to index
        %get3A_79 = tpu.vector_load %arg26[%get3A_77, %get3A_78] {strides = array<i32>} : memref<1x128xf32, #tpu.memory_space<vmem>>, vector<16xf32>,
        %mul3A_80 = arith.constant 16 : i32
        %mul3A_81 = arith.muli %add3A_74, %mul3A_80 : i32
        %add3A_82 = arith.constant 0 : i32
        %add3A_83 = arith.addi %mul3A_81, %add3A_82 : i32
        %slice3A = vector.extract_strided_slice %get3A_79 {offsets = [0], sizes = [1], strides = [1]} : vector<16xf32> to vector<1xf32>
        %squeeze3A = vector.extract %slice3A[0] : f32 from vector<1xf32>
        %get3A_84 = arith.index_cast %add3A_83 : i32 to index
        %get3A_85 = arith.constant 0 : index
        %get3A_86 = tpu.vector_load %arg23[%get3A_84, %get3A_85] {strides = array<i32>} : memref<128x32xf32, #tpu.memory_space<vmem>>, vector<16xf32>,
        %mul3A_87 = vector.broadcast %squeeze3A : f32 to vector<16xf32>
        %mul3A_88 = arith.mulf %get3A_86, %mul3A_87 : vector<16xf32>
        %get3A_89 = arith.index_cast %add3A_83 : i32 to index
        %get3A_90 = arith.constant 16 : index
        %get3A_91 = tpu.vector_load %arg23[%get3A_89, %get3A_90] {strides = array<i32>} : memref<128x32xf32, #tpu.memory_space<vmem>>, vector<16xf32>,
        %mul3A_92 = vector.broadcast %squeeze3A : f32 to vector<16xf32>
        %mul3A_93 = arith.mulf %get3A_91, %mul3A_92 : vector<16xf32>
        %swap3A = arith.index_cast %add3A_83 : i32 to index
        %swap3A_94 = arith.constant 0 : index
        %swap3A_95 = tpu.vector_load %arg25[%swap3A, %swap3A_94] {strides = array<i32>} : memref<128x32xf32, #tpu.memory_space<vmem>>, vector<16xf32>,
        tpu.vector_store %arg25[%swap3A, %swap3A_94], %mul3A_88 {strides = array<i32>} : memref<128x32xf32, #tpu.memory_space<vmem>>, vector<16xf32>,
        %swap3A_96 = arith.index_cast %add3A_83 : i32 to index
        %swap3A_97 = arith.constant 16 : index
        %swap3A_98 = tpu.vector_load %arg25[%swap3A_96, %swap3A_97] {strides = array<i32>} : memref<128x32xf32, #tpu.memory_space<vmem>>, vector<16xf32>,
        tpu.vector_store %arg25[%swap3A_96, %swap3A_97], %mul3A_93 {strides = array<i32>} : memref<128x32xf32, #tpu.memory_space<vmem>>, vector<16xf32>,
        %mul3A_99 = arith.constant 16 : i32
        %mul3A_100 = arith.muli %add3A_74, %mul3A_99 : i32
        %add3A_101 = arith.constant 1 : i32
        %add3A_102 = arith.addi %mul3A_100, %add3A_101 : i32
        %slice3A_103 = vector.extract_strided_slice %get3A_79 {offsets = [1], sizes = [1], strides = [1]} : vector<16xf32> to vector<1xf32>
        %squeeze3A_104 = vector.extract %slice3A_103[0] : f32 from vector<1xf32>
        %get3A_105 = arith.index_cast %add3A_102 : i32 to index
        %get3A_106 = arith.constant 0 : index
        %get3A_107 = tpu.vector_load %arg23[%get3A_105, %get3A_106] {strides = array<i32>} : memref<128x32xf32, #tpu.memory_space<vmem>>, vector<16xf32>,
        %mul3A_108 = vector.broadcast %squeeze3A_104 : f32 to vector<16xf32>
        %mul3A_109 = arith.mulf %get3A_107, %mul3A_108 : vector<16xf32>
        %get3A_110 = arith.index_cast %add3A_102 : i32 to index
        %get3A_111 = arith.constant 16 : index
        %get3A_112 = tpu.vector_load %arg23[%get3A_110, %get3A_111] {strides = array<i32>} : memref<128x32xf32, #tpu.memory_space<vmem>>, vector<16xf32>,
        %mul3A_113 = vector.broadcast %squeeze3A_104 : f32 to vector<16xf32>
        %mul3A_114 = arith.mulf %get3A_112, %mul3A_113 : vector<16xf32>
        %swap3A_115 = arith.index_cast %add3A_102 : i32 to index
        %swap3A_116 = arith.constant 0 : index
        %swap3A_117 = tpu.vector_load %arg25[%swap3A_115, %swap3A_116] {strides = array<i32>} : memref<128x32xf32, #tpu.memory_space<vmem>>, vector<16xf32>,
        tpu.vector_store %arg25[%swap3A_115, %swap3A_116], %mul3A_109 {strides = array<i32>} : memref<128x32xf32, #tpu.memory_space<vmem>>, vector<16xf32>,
        %swap3A_118 = arith.index_cast %add3A_102 : i32 to index
        %swap3A_119 = arith.constant 16 : index
        %swap3A_120 = tpu.vector_load %arg25[%swap3A_118, %swap3A_119] {strides = array<i32>} : memref<128x32xf32, #tpu.memory_space<vmem>>, vector<16xf32>,
        tpu.vector_store %arg25[%swap3A_118, %swap3A_119], %mul3A_114 {strides = array<i32>} : memref<128x32xf32, #tpu.memory_space<vmem>>, vector<16xf32>,
        %mul3A_121 = arith.constant 16 : i32
        %mul3A_122 = arith.muli %add3A_74, %mul3A_121 : i32
        %add3A_123 = arith.constant 2 : i32
        %add3A_124 = arith.addi %mul3A_122, %add3A_123 : i32
        %slice3A_125 = vector.extract_strided_slice %get3A_79 {offsets = [2], sizes = [1], strides = [1]} : vector<16xf32> to vector<1xf32>
        %squeeze3A_126 = vector.extract %slice3A_125[0] : f32 from vector<1xf32>
        %get3A_127 = arith.index_cast %add3A_124 : i32 to index
        %get3A_128 = arith.constant 0 : index
        %get3A_129 = tpu.vector_load %arg23[%get3A_127, %get3A_128] {strides = array<i32>} : memref<128x32xf32, #tpu.memory_space<vmem>>, vector<16xf32>,
        %mul3A_130 = vector.broadcast %squeeze3A_126 : f32 to vector<16xf32>
        %mul3A_131 = arith.mulf %get3A_129, %mul3A_130 : vector<16xf32>
        %get3A_132 = arith.index_cast %add3A_124 : i32 to index
        %get3A_133 = arith.constant 16 : index
        %get3A_134 = tpu.vector_load %arg23[%get3A_132, %get3A_133] {strides = array<i32>} : memref<128x32xf32, #tpu.memory_space<vmem>>, vector<16xf32>,
        %mul3A_135 = vector.broadcast %squeeze3A_126 : f32 to vector<16xf32>
        %mul3A_136 = arith.mulf %get3A_134, %mul3A_135 : vector<16xf32>
        %swap3A_137 = arith.index_cast %add3A_124 : i32 to index
        %swap3A_138 = arith.constant 0 : index
        %swap3A_139 = tpu.vector_load %arg25[%swap3A_137, %swap3A_138] {strides = array<i32>} : memref<128x32xf32, #tpu.memory_space<vmem>>, vector<16xf32>,
        tpu.vector_store %arg25[%swap3A_137, %swap3A_138], %mul3A_131 {strides = array<i32>} : memref<128x32xf32, #tpu.memory_space<vmem>>, vector<16xf32>,
        %swap3A_140 = arith.index_cast %add3A_124 : i32 to index
        %swap3A_141 = arith.constant 16 : index
        %swap3A_142 = tpu.vector_load %arg25[%swap3A_140, %swap3A_141] {strides = array<i32>} : memref<128x32xf32, #tpu.memory_space<vmem>>, vector<16xf32>,
        tpu.vector_store %arg25[%swap3A_140, %swap3A_141], %mul3A_136 {strides = array<i32>} : memref<128x32xf32, #tpu.memory_space<vmem>>, vector<16xf32>,
        %mul3A_143 = arith.constant 16 : i32
        %mul3A_144 = arith.muli %add3A_74, %mul3A_143 : i32
        %add3A_145 = arith.constant 3 : i32
        %add3A_146 = arith.addi %mul3A_144, %add3A_145 : i32
        %slice3A_147 = vector.extract_strided_slice %get3A_79 {offsets = [3], sizes = [1], strides = [1]} : vector<16xf32> to vector<1xf32>
        %squeeze3A_148 = vector.extract %slice3A_147[0] : f32 from vector<1xf32>
        %get3A_149 = arith.index_cast %add3A_146 : i32 to index
        %get3A_150 = arith.constant 0 : index
        %get3A_151 = tpu.vector_load %arg23[%get3A_149, %get3A_150] {strides = array<i32>} : memref<128x32xf32, #tpu.memory_space<vmem>>, vector<16xf32>,
        %mul3A_152 = vector.broadcast %squeeze3A_148 : f32 to vector<16xf32>
        %mul3A_153 = arith.mulf %get3A_151, %mul3A_152 : vector<16xf32>
        %get3A_154 = arith.index_cast %add3A_146 : i32 to index
        %get3A_155 = arith.constant 16 : index
        %get3A_156 = tpu.vector_load %arg23[%get3A_154, %get3A_155] {strides = array<i32>} : memref<128x32xf32, #tpu.memory_space<vmem>>, vector<16xf32>,
        %mul3A_157 = vector.broadcast %squeeze3A_148 : f32 to vector<16xf32>
        %mul3A_158 = arith.mulf %get3A_156, %mul3A_157 : vector<16xf32>
        %swap3A_159 = arith.index_cast %add3A_146 : i32 to index
        %swap3A_160 = arith.constant 0 : index
        %swap3A_161 = tpu.vector_load %arg25[%swap3A_159, %swap3A_160] {strides = array<i32>} : memref<128x32xf32, #tpu.memory_space<vmem>>, vector<16xf32>,
        tpu.vector_store %arg25[%swap3A_159, %swap3A_160], %mul3A_153 {strides = array<i32>} : memref<128x32xf32, #tpu.memory_space<vmem>>, vector<16xf32>,
        %swap3A_162 = arith.index_cast %add3A_146 : i32 to index
        %swap3A_163 = arith.constant 16 : index
        %swap3A_164 = tpu.vector_load %arg25[%swap3A_162, %swap3A_163] {strides = array<i32>} : memref<128x32xf32, #tpu.memory_space<vmem>>, vector<16xf32>,
        tpu.vector_store %arg25[%swap3A_162, %swap3A_163], %mul3A_158 {strides = array<i32>} : memref<128x32xf32, #tpu.memory_space<vmem>>, vector<16xf32>,
        %mul3A_165 = arith.constant 16 : i32
        %mul3A_166 = arith.muli %add3A_74, %mul3A_165 : i32
        %add3A_167 = arith.constant 4 : i32
        %add3A_168 = arith.addi %mul3A_166, %add3A_167 : i32
        %slice3A_169 = vector.extract_strided_slice %get3A_79 {offsets = [4], sizes = [1], strides = [1]} : vector<16xf32> to vector<1xf32>
        %squeeze3A_170 = vector.extract %slice3A_169[0] : f32 from vector<1xf32>
        %get3A_171 = arith.index_cast %add3A_168 : i32 to index
        %get3A_172 = arith.constant 0 : index
        %get3A_173 = tpu.vector_load %arg23[%get3A_171, %get3A_172] {strides = array<i32>} : memref<128x32xf32, #tpu.memory_space<vmem>>, vector<16xf32>,
        %mul3A_174 = vector.broadcast %squeeze3A_170 : f32 to vector<16xf32>
        %mul3A_175 = arith.mulf %get3A_173, %mul3A_174 : vector<16xf32>
        %get3A_176 = arith.index_cast %add3A_168 : i32 to index
        %get3A_177 = arith.constant 16 : index
        %get3A_178 = tpu.vector_load %arg23[%get3A_176, %get3A_177] {strides = array<i32>} : memref<128x32xf32, #tpu.memory_space<vmem>>, vector<16xf32>,
        %mul3A_179 = vector.broadcast %squeeze3A_170 : f32 to vector<16xf32>
        %mul3A_180 = arith.mulf %get3A_178, %mul3A_179 : vector<16xf32>
        %swap3A_181 = arith.index_cast %add3A_168 : i32 to index
        %swap3A_182 = arith.constant 0 : index
        %swap3A_183 = tpu.vector_load %arg25[%swap3A_181, %swap3A_182] {strides = array<i32>} : memref<128x32xf32, #tpu.memory_space<vmem>>, vector<16xf32>,
        tpu.vector_store %arg25[%swap3A_181, %swap3A_182], %mul3A_175 {strides = array<i32>} : memref<128x32xf32, #tpu.memory_space<vmem>>, vector<16xf32>,
        %swap3A_184 = arith.index_cast %add3A_168 : i32 to index
        %swap3A_185 = arith.constant 16 : index
        %swap3A_186 = tpu.vector_load %arg25[%swap3A_184, %swap3A_185] {strides = array<i32>} : memref<128x32xf32, #tpu.memory_space<vmem>>, vector<16xf32>,
        tpu.vector_store %arg25[%swap3A_184, %swap3A_185], %mul3A_180 {strides = array<i32>} : memref<128x32xf32, #tpu.memory_space<vmem>>, vector<16xf32>,
        %mul3A_187 = arith.constant 16 : i32
        %mul3A_188 = arith.muli %add3A_74, %mul3A_187 : i32
        %add3A_189 = arith.constant 5 : i32
        %add3A_190 = arith.addi %mul3A_188, %add3A_189 : i32
        %slice3A_191 = vector.extract_strided_slice %get3A_79 {offsets = [5], sizes = [1], strides = [1]} : vector<16xf32> to vector<1xf32>
        %squeeze3A_192 = vector.extract %slice3A_191[0] : f32 from vector<1xf32>
        %get3A_193 = arith.index_cast %add3A_190 : i32 to index
        %get3A_194 = arith.constant 0 : index
        %get3A_195 = tpu.vector_load %arg23[%get3A_193, %get3A_194] {strides = array<i32>} : memref<128x32xf32, #tpu.memory_space<vmem>>, vector<16xf32>,
        %mul3A_196 = vector.broadcast %squeeze3A_192 : f32 to vector<16xf32>
        %mul3A_197 = arith.mulf %get3A_195, %mul3A_196 : vector<16xf32>
        %get3A_198 = arith.index_cast %add3A_190 : i32 to index
        %get3A_199 = arith.constant 16 : index
        %get3A_200 = tpu.vector_load %arg23[%get3A_198, %get3A_199] {strides = array<i32>} : memref<128x32xf32, #tpu.memory_space<vmem>>, vector<16xf32>,
        %mul3A_201 = vector.broadcast %squeeze3A_192 : f32 to vector<16xf32>
        %mul3A_202 = arith.mulf %get3A_200, %mul3A_201 : vector<16xf32>
        %swap3A_203 = arith.index_cast %add3A_190 : i32 to index
        %swap3A_204 = arith.constant 0 : index
        %swap3A_205 = tpu.vector_load %arg25[%swap3A_203, %swap3A_204] {strides = array<i32>} : memref<128x32xf32, #tpu.memory_space<vmem>>, vector<16xf32>,
        tpu.vector_store %arg25[%swap3A_203, %swap3A_204], %mul3A_197 {strides = array<i32>} : memref<128x32xf32, #tpu.memory_space<vmem>>, vector<16xf32>,
        %swap3A_206 = arith.index_cast %add3A_190 : i32 to index
        %swap3A_207 = arith.constant 16 : index
        %swap3A_208 = tpu.vector_load %arg25[%swap3A_206, %swap3A_207] {strides = array<i32>} : memref<128x32xf32, #tpu.memory_space<vmem>>, vector<16xf32>,
        tpu.vector_store %arg25[%swap3A_206, %swap3A_207], %mul3A_202 {strides = array<i32>} : memref<128x32xf32, #tpu.memory_space<vmem>>, vector<16xf32>,
        %mul3A_209 = arith.constant 16 : i32
        %mul3A_210 = arith.muli %add3A_74, %mul3A_209 : i32
        %add3A_211 = arith.constant 6 : i32
        %add3A_212 = arith.addi %mul3A_210, %add3A_211 : i32
        %slice3A_213 = vector.extract_strided_slice %get3A_79 {offsets = [6], sizes = [1], strides = [1]} : vector<16xf32> to vector<1xf32>
        %squeeze3A_214 = vector.extract %slice3A_213[0] : f32 from vector<1xf32>
        %get3A_215 = arith.index_cast %add3A_212 : i32 to index
        %get3A_216 = arith.constant 0 : index
        %get3A_217 = tpu.vector_load %arg23[%get3A_215, %get3A_216] {strides = array<i32>} : memref<128x32xf32, #tpu.memory_space<vmem>>, vector<16xf32>,
        %mul3A_218 = vector.broadcast %squeeze3A_214 : f32 to vector<16xf32>
        %mul3A_219 = arith.mulf %get3A_217, %mul3A_218 : vector<16xf32>
        %get3A_220 = arith.index_cast %add3A_212 : i32 to index
        %get3A_221 = arith.constant 16 : index
        %get3A_222 = tpu.vector_load %arg23[%get3A_220, %get3A_221] {strides = array<i32>} : memref<128x32xf32, #tpu.memory_space<vmem>>, vector<16xf32>,
        %mul3A_223 = vector.broadcast %squeeze3A_214 : f32 to vector<16xf32>
        %mul3A_224 = arith.mulf %get3A_222, %mul3A_223 : vector<16xf32>
        %swap3A_225 = arith.index_cast %add3A_212 : i32 to index
        %swap3A_226 = arith.constant 0 : index
        %swap3A_227 = tpu.vector_load %arg25[%swap3A_225, %swap3A_226] {strides = array<i32>} : memref<128x32xf32, #tpu.memory_space<vmem>>, vector<16xf32>,
        tpu.vector_store %arg25[%swap3A_225, %swap3A_226], %mul3A_219 {strides = array<i32>} : memref<128x32xf32, #tpu.memory_space<vmem>>, vector<16xf32>,
        %swap3A_228 = arith.index_cast %add3A_212 : i32 to index
        %swap3A_229 = arith.constant 16 : index
        %swap3A_230 = tpu.vector_load %arg25[%swap3A_228, %swap3A_229] {strides = array<i32>} : memref<128x32xf32, #tpu.memory_space<vmem>>, vector<16xf32>,
        tpu.vector_store %arg25[%swap3A_228, %swap3A_229], %mul3A_224 {strides = array<i32>} : memref<128x32xf32, #tpu.memory_space<vmem>>, vector<16xf32>,
        %mul3A_231 = arith.constant 16 : i32
        %mul3A_232 = arith.muli %add3A_74, %mul3A_231 : i32
        %add3A_233 = arith.constant 7 : i32
        %add3A_234 = arith.addi %mul3A_232, %add3A_233 : i32
        %slice3A_235 = vector.extract_strided_slice %get3A_79 {offsets = [7], sizes = [1], strides = [1]} : vector<16xf32> to vector<1xf32>
        %squeeze3A_236 = vector.extract %slice3A_235[0] : f32 from vector<1xf32>
        %get3A_237 = arith.index_cast %add3A_234 : i32 to index
        %get3A_238 = arith.constant 0 : index
        %get3A_239 = tpu.vector_load %arg23[%get3A_237, %get3A_238] {strides = array<i32>} : memref<128x32xf32, #tpu.memory_space<vmem>>, vector<16xf32>,
        %mul3A_240 = vector.broadcast %squeeze3A_236 : f32 to vector<16xf32>
        %mul3A_241 = arith.mulf %get3A_239, %mul3A_240 : vector<16xf32>
        %get3A_242 = arith.index_cast %add3A_234 : i32 to index
        %get3A_243 = arith.constant 16 : index
        %get3A_244 = tpu.vector_load %arg23[%get3A_242, %get3A_243] {strides = array<i32>} : memref<128x32xf32, #tpu.memory_space<vmem>>, vector<16xf32>,
        %mul3A_245 = vector.broadcast %squeeze3A_236 : f32 to vector<16xf32>
        %mul3A_246 = arith.mulf %get3A_244, %mul3A_245 : vector<16xf32>
        %swap3A_247 = arith.index_cast %add3A_234 : i32 to index
        %swap3A_248 = arith.constant 0 : index
        %swap3A_249 = tpu.vector_load %arg25[%swap3A_247, %swap3A_248] {strides = array<i32>} : memref<128x32xf32, #tpu.memory_space<vmem>>, vector<16xf32>,
        tpu.vector_store %arg25[%swap3A_247, %swap3A_248], %mul3A_241 {strides = array<i32>} : memref<128x32xf32, #tpu.memory_space<vmem>>, vector<16xf32>,
        %swap3A_250 = arith.index_cast %add3A_234 : i32 to index
        %swap3A_251 = arith.constant 16 : index
        %swap3A_252 = tpu.vector_load %arg25[%swap3A_250, %swap3A_251] {strides = array<i32>} : memref<128x32xf32, #tpu.memory_space<vmem>>, vector<16xf32>,
        tpu.vector_store %arg25[%swap3A_250, %swap3A_251], %mul3A_246 {strides = array<i32>} : memref<128x32xf32, #tpu.memory_space<vmem>>, vector<16xf32>,
        %mul3A_253 = arith.constant 16 : i32
        %mul3A_254 = arith.muli %add3A_74, %mul3A_253 : i32
        %add3A_255 = arith.constant 8 : i32
        %add3A_256 = arith.addi %mul3A_254, %add3A_255 : i32
        %slice3A_257 = vector.extract_strided_slice %get3A_79 {offsets = [8], sizes = [1], strides = [1]} : vector<16xf32> to vector<1xf32>
        %squeeze3A_258 = vector.extract %slice3A_257[0] : f32 from vector<1xf32>
        %get3A_259 = arith.index_cast %add3A_256 : i32 to index
        %get3A_260 = arith.constant 0 : index
        %get3A_261 = tpu.vector_load %arg23[%get3A_259, %get3A_260] {strides = array<i32>} : memref<128x32xf32, #tpu.memory_space<vmem>>, vector<16xf32>,
        %mul3A_262 = vector.broadcast %squeeze3A_258 : f32 to vector<16xf32>
        %mul3A_263 = arith.mulf %get3A_261, %mul3A_262 : vector<16xf32>
        %get3A_264 = arith.index_cast %add3A_256 : i32 to index
        %get3A_265 = arith.constant 16 : index
        %get3A_266 = tpu.vector_load %arg23[%get3A_264, %get3A_265] {strides = array<i32>} : memref<128x32xf32, #tpu.memory_space<vmem>>, vector<16xf32>,
        %mul3A_267 = vector.broadcast %squeeze3A_258 : f32 to vector<16xf32>
        %mul3A_268 = arith.mulf %get3A_266, %mul3A_267 : vector<16xf32>
        %swap3A_269 = arith.index_cast %add3A_256 : i32 to index
        %swap3A_270 = arith.constant 0 : index
        %swap3A_271 = tpu.vector_load %arg25[%swap3A_269, %swap3A_270] {strides = array<i32>} : memref<128x32xf32, #tpu.memory_space<vmem>>, vector<16xf32>,
        tpu.vector_store %arg25[%swap3A_269, %swap3A_270], %mul3A_263 {strides = array<i32>} : memref<128x32xf32, #tpu.memory_space<vmem>>, vector<16xf32>,
        %swap3A_272 = arith.index_cast %add3A_256 : i32 to index
        %swap3A_273 = arith.constant 16 : index
        %swap3A_274 = tpu.vector_load %arg25[%swap3A_272, %swap3A_273] {strides = array<i32>} : memref<128x32xf32, #tpu.memory_space<vmem>>, vector<16xf32>,
        tpu.vector_store %arg25[%swap3A_272, %swap3A_273], %mul3A_268 {strides = array<i32>} : memref<128x32xf32, #tpu.memory_space<vmem>>, vector<16xf32>,
        %mul3A_275 = arith.constant 16 : i32
        %mul3A_276 = arith.muli %add3A_74, %mul3A_275 : i32
        %add3A_277 = arith.constant 9 : i32
        %add3A_278 = arith.addi %mul3A_276, %add3A_277 : i32
        %slice3A_279 = vector.extract_strided_slice %get3A_79 {offsets = [9], sizes = [1], strides = [1]} : vector<16xf32> to vector<1xf32>
        %squeeze3A_280 = vector.extract %slice3A_279[0] : f32 from vector<1xf32>
        %get3A_281 = arith.index_cast %add3A_278 : i32 to index
        %get3A_282 = arith.constant 0 : index
        %get3A_283 = tpu.vector_load %arg23[%get3A_281, %get3A_282] {strides = array<i32>} : memref<128x32xf32, #tpu.memory_space<vmem>>, vector<16xf32>,
        %mul3A_284 = vector.broadcast %squeeze3A_280 : f32 to vector<16xf32>
        %mul3A_285 = arith.mulf %get3A_283, %mul3A_284 : vector<16xf32>
        %get3A_286 = arith.index_cast %add3A_278 : i32 to index
        %get3A_287 = arith.constant 16 : index
        %get3A_288 = tpu.vector_load %arg23[%get3A_286, %get3A_287] {strides = array<i32>} : memref<128x32xf32, #tpu.memory_space<vmem>>, vector<16xf32>,
        %mul3A_289 = vector.broadcast %squeeze3A_280 : f32 to vector<16xf32>
        %mul3A_290 = arith.mulf %get3A_288, %mul3A_289 : vector<16xf32>
        %swap3A_291 = arith.index_cast %add3A_278 : i32 to index
        %swap3A_292 = arith.constant 0 : index
        %swap3A_293 = tpu.vector_load %arg25[%swap3A_291, %swap3A_292] {strides = array<i32>} : memref<128x32xf32, #tpu.memory_space<vmem>>, vector<16xf32>,
        tpu.vector_store %arg25[%swap3A_291, %swap3A_292], %mul3A_285 {strides = array<i32>} : memref<128x32xf32, #tpu.memory_space<vmem>>, vector<16xf32>,
        %swap3A_294 = arith.index_cast %add3A_278 : i32 to index
        %swap3A_295 = arith.constant 16 : index
        %swap3A_296 = tpu.vector_load %arg25[%swap3A_294, %swap3A_295] {strides = array<i32>} : memref<128x32xf32, #tpu.memory_space<vmem>>, vector<16xf32>,
        tpu.vector_store %arg25[%swap3A_294, %swap3A_295], %mul3A_290 {strides = array<i32>} : memref<128x32xf32, #tpu.memory_space<vmem>>, vector<16xf32>,
        %mul3A_297 = arith.constant 16 : i32
        %mul3A_298 = arith.muli %add3A_74, %mul3A_297 : i32
        %add3A_299 = arith.constant 10 : i32
        %add3A_300 = arith.addi %mul3A_298, %add3A_299 : i32
        %slice3A_301 = vector.extract_strided_slice %get3A_79 {offsets = [10], sizes = [1], strides = [1]} : vector<16xf32> to vector<1xf32>
        %squeeze3A_302 = vector.extract %slice3A_301[0] : f32 from vector<1xf32>
        %get3A_303 = arith.index_cast %add3A_300 : i32 to index
        %get3A_304 = arith.constant 0 : index
        %get3A_305 = tpu.vector_load %arg23[%get3A_303, %get3A_304] {strides = array<i32>} : memref<128x32xf32, #tpu.memory_space<vmem>>, vector<16xf32>,
        %mul3A_306 = vector.broadcast %squeeze3A_302 : f32 to vector<16xf32>
        %mul3A_307 = arith.mulf %get3A_305, %mul3A_306 : vector<16xf32>
        %get3A_308 = arith.index_cast %add3A_300 : i32 to index
        %get3A_309 = arith.constant 16 : index
        %get3A_310 = tpu.vector_load %arg23[%get3A_308, %get3A_309] {strides = array<i32>} : memref<128x32xf32, #tpu.memory_space<vmem>>, vector<16xf32>,
        %mul3A_311 = vector.broadcast %squeeze3A_302 : f32 to vector<16xf32>
        %mul3A_312 = arith.mulf %get3A_310, %mul3A_311 : vector<16xf32>
        %swap3A_313 = arith.index_cast %add3A_300 : i32 to index
        %swap3A_314 = arith.constant 0 : index
        %swap3A_315 = tpu.vector_load %arg25[%swap3A_313, %swap3A_314] {strides = array<i32>} : memref<128x32xf32, #tpu.memory_space<vmem>>, vector<16xf32>,
        tpu.vector_store %arg25[%swap3A_313, %swap3A_314], %mul3A_307 {strides = array<i32>} : memref<128x32xf32, #tpu.memory_space<vmem>>, vector<16xf32>,
        %swap3A_316 = arith.index_cast %add3A_300 : i32 to index
        %swap3A_317 = arith.constant 16 : index
        %swap3A_318 = tpu.vector_load %arg25[%swap3A_316, %swap3A_317] {strides = array<i32>} : memref<128x32xf32, #tpu.memory_space<vmem>>, vector<16xf32>,
        tpu.vector_store %arg25[%swap3A_316, %swap3A_317], %mul3A_312 {strides = array<i32>} : memref<128x32xf32, #tpu.memory_space<vmem>>, vector<16xf32>,
        %mul3A_319 = arith.constant 16 : i32
        %mul3A_320 = arith.muli %add3A_74, %mul3A_319 : i32
        %add3A_321 = arith.constant 11 : i32
        %add3A_322 = arith.addi %mul3A_320, %add3A_321 : i32
        %slice3A_323 = vector.extract_strided_slice %get3A_79 {offsets = [11], sizes = [1], strides = [1]} : vector<16xf32> to vector<1xf32>
        %squeeze3A_324 = vector.extract %slice3A_323[0] : f32 from vector<1xf32>
        %get3A_325 = arith.index_cast %add3A_322 : i32 to index
        %get3A_326 = arith.constant 0 : index
        %get3A_327 = tpu.vector_load %arg23[%get3A_325, %get3A_326] {strides = array<i32>} : memref<128x32xf32, #tpu.memory_space<vmem>>, vector<16xf32>,
        %mul3A_328 = vector.broadcast %squeeze3A_324 : f32 to vector<16xf32>
        %mul3A_329 = arith.mulf %get3A_327, %mul3A_328 : vector<16xf32>
        %get3A_330 = arith.index_cast %add3A_322 : i32 to index
        %get3A_331 = arith.constant 16 : index
        %get3A_332 = tpu.vector_load %arg23[%get3A_330, %get3A_331] {strides = array<i32>} : memref<128x32xf32, #tpu.memory_space<vmem>>, vector<16xf32>,
        %mul3A_333 = vector.broadcast %squeeze3A_324 : f32 to vector<16xf32>
        %mul3A_334 = arith.mulf %get3A_332, %mul3A_333 : vector<16xf32>
        %swap3A_335 = arith.index_cast %add3A_322 : i32 to index
        %swap3A_336 = arith.constant 0 : index
        %swap3A_337 = tpu.vector_load %arg25[%swap3A_335, %swap3A_336] {strides = array<i32>} : memref<128x32xf32, #tpu.memory_space<vmem>>, vector<16xf32>,
        tpu.vector_store %arg25[%swap3A_335, %swap3A_336], %mul3A_329 {strides = array<i32>} : memref<128x32xf32, #tpu.memory_space<vmem>>, vector<16xf32>,
        %swap3A_338 = arith.index_cast %add3A_322 : i32 to index
        %swap3A_339 = arith.constant 16 : index
        %swap3A_340 = tpu.vector_load %arg25[%swap3A_338, %swap3A_339] {strides = array<i32>} : memref<128x32xf32, #tpu.memory_space<vmem>>, vector<16xf32>,
        tpu.vector_store %arg25[%swap3A_338, %swap3A_339], %mul3A_334 {strides = array<i32>} : memref<128x32xf32, #tpu.memory_space<vmem>>, vector<16xf32>,
        %mul3A_341 = arith.constant 16 : i32
        %mul3A_342 = arith.muli %add3A_74, %mul3A_341 : i32
        %add3A_343 = arith.constant 12 : i32
        %add3A_344 = arith.addi %mul3A_342, %add3A_343 : i32
        %slice3A_345 = vector.extract_strided_slice %get3A_79 {offsets = [12], sizes = [1], strides = [1]} : vector<16xf32> to vector<1xf32>
        %squeeze3A_346 = vector.extract %slice3A_345[0] : f32 from vector<1xf32>
        %get3A_347 = arith.index_cast %add3A_344 : i32 to index
        %get3A_348 = arith.constant 0 : index
        %get3A_349 = tpu.vector_load %arg23[%get3A_347, %get3A_348] {strides = array<i32>} : memref<128x32xf32, #tpu.memory_space<vmem>>, vector<16xf32>,
        %mul3A_350 = vector.broadcast %squeeze3A_346 : f32 to vector<16xf32>
        %mul3A_351 = arith.mulf %get3A_349, %mul3A_350 : vector<16xf32>
        %get3A_352 = arith.index_cast %add3A_344 : i32 to index
        %get3A_353 = arith.constant 16 : index
        %get3A_354 = tpu.vector_load %arg23[%get3A_352, %get3A_353] {strides = array<i32>} : memref<128x32xf32, #tpu.memory_space<vmem>>, vector<16xf32>,
        %mul3A_355 = vector.broadcast %squeeze3A_346 : f32 to vector<16xf32>
        %mul3A_356 = arith.mulf %get3A_354, %mul3A_355 : vector<16xf32>
        %swap3A_357 = arith.index_cast %add3A_344 : i32 to index
        %swap3A_358 = arith.constant 0 : index
        %swap3A_359 = tpu.vector_load %arg25[%swap3A_357, %swap3A_358] {strides = array<i32>} : memref<128x32xf32, #tpu.memory_space<vmem>>, vector<16xf32>,
        tpu.vector_store %arg25[%swap3A_357, %swap3A_358], %mul3A_351 {strides = array<i32>} : memref<128x32xf32, #tpu.memory_space<vmem>>, vector<16xf32>,
        %swap3A_360 = arith.index_cast %add3A_344 : i32 to index
        %swap3A_361 = arith.constant 16 : index
        %swap3A_362 = tpu.vector_load %arg25[%swap3A_360, %swap3A_361] {strides = array<i32>} : memref<128x32xf32, #tpu.memory_space<vmem>>, vector<16xf32>,
        tpu.vector_store %arg25[%swap3A_360, %swap3A_361], %mul3A_356 {strides = array<i32>} : memref<128x32xf32, #tpu.memory_space<vmem>>, vector<16xf32>,
        %mul3A_363 = arith.constant 16 : i32
        %mul3A_364 = arith.muli %add3A_74, %mul3A_363 : i32
        %add3A_365 = arith.constant 13 : i32
        %add3A_366 = arith.addi %mul3A_364, %add3A_365 : i32
        %slice3A_367 = vector.extract_strided_slice %get3A_79 {offsets = [13], sizes = [1], strides = [1]} : vector<16xf32> to vector<1xf32>
        %squeeze3A_368 = vector.extract %slice3A_367[0] : f32 from vector<1xf32>
        %get3A_369 = arith.index_cast %add3A_366 : i32 to index
        %get3A_370 = arith.constant 0 : index
        %get3A_371 = tpu.vector_load %arg23[%get3A_369, %get3A_370] {strides = array<i32>} : memref<128x32xf32, #tpu.memory_space<vmem>>, vector<16xf32>,
        %mul3A_372 = vector.broadcast %squeeze3A_368 : f32 to vector<16xf32>
        %mul3A_373 = arith.mulf %get3A_371, %mul3A_372 : vector<16xf32>
        %get3A_374 = arith.index_cast %add3A_366 : i32 to index
        %get3A_375 = arith.constant 16 : index
        %get3A_376 = tpu.vector_load %arg23[%get3A_374, %get3A_375] {strides = array<i32>} : memref<128x32xf32, #tpu.memory_space<vmem>>, vector<16xf32>,
        %mul3A_377 = vector.broadcast %squeeze3A_368 : f32 to vector<16xf32>
        %mul3A_378 = arith.mulf %get3A_376, %mul3A_377 : vector<16xf32>
        %swap3A_379 = arith.index_cast %add3A_366 : i32 to index
        %swap3A_380 = arith.constant 0 : index
        %swap3A_381 = tpu.vector_load %arg25[%swap3A_379, %swap3A_380] {strides = array<i32>} : memref<128x32xf32, #tpu.memory_space<vmem>>, vector<16xf32>,
        tpu.vector_store %arg25[%swap3A_379, %swap3A_380], %mul3A_373 {strides = array<i32>} : memref<128x32xf32, #tpu.memory_space<vmem>>, vector<16xf32>,
        %swap3A_382 = arith.index_cast %add3A_366 : i32 to index
        %swap3A_383 = arith.constant 16 : index
        %swap3A_384 = tpu.vector_load %arg25[%swap3A_382, %swap3A_383] {strides = array<i32>} : memref<128x32xf32, #tpu.memory_space<vmem>>, vector<16xf32>,
        tpu.vector_store %arg25[%swap3A_382, %swap3A_383], %mul3A_378 {strides = array<i32>} : memref<128x32xf32, #tpu.memory_space<vmem>>, vector<16xf32>,
        %mul3A_385 = arith.constant 16 : i32
        %mul3A_386 = arith.muli %add3A_74, %mul3A_385 : i32
        %add3A_387 = arith.constant 14 : i32
        %add3A_388 = arith.addi %mul3A_386, %add3A_387 : i32
        %slice3A_389 = vector.extract_strided_slice %get3A_79 {offsets = [14], sizes = [1], strides = [1]} : vector<16xf32> to vector<1xf32>
        %squeeze3A_390 = vector.extract %slice3A_389[0] : f32 from vector<1xf32>
        %get3A_391 = arith.index_cast %add3A_388 : i32 to index
        %get3A_392 = arith.constant 0 : index
        %get3A_393 = tpu.vector_load %arg23[%get3A_391, %get3A_392] {strides = array<i32>} : memref<128x32xf32, #tpu.memory_space<vmem>>, vector<16xf32>,
        %mul3A_394 = vector.broadcast %squeeze3A_390 : f32 to vector<16xf32>
        %mul3A_395 = arith.mulf %get3A_393, %mul3A_394 : vector<16xf32>
        %get3A_396 = arith.index_cast %add3A_388 : i32 to index
        %get3A_397 = arith.constant 16 : index
        %get3A_398 = tpu.vector_load %arg23[%get3A_396, %get3A_397] {strides = array<i32>} : memref<128x32xf32, #tpu.memory_space<vmem>>, vector<16xf32>,
        %mul3A_399 = vector.broadcast %squeeze3A_390 : f32 to vector<16xf32>
        %mul3A_400 = arith.mulf %get3A_398, %mul3A_399 : vector<16xf32>
        %swap3A_401 = arith.index_cast %add3A_388 : i32 to index
        %swap3A_402 = arith.constant 0 : index
        %swap3A_403 = tpu.vector_load %arg25[%swap3A_401, %swap3A_402] {strides = array<i32>} : memref<128x32xf32, #tpu.memory_space<vmem>>, vector<16xf32>,
        tpu.vector_store %arg25[%swap3A_401, %swap3A_402], %mul3A_395 {strides = array<i32>} : memref<128x32xf32, #tpu.memory_space<vmem>>, vector<16xf32>,
        %swap3A_404 = arith.index_cast %add3A_388 : i32 to index
        %swap3A_405 = arith.constant 16 : index
        %swap3A_406 = tpu.vector_load %arg25[%swap3A_404, %swap3A_405] {strides = array<i32>} : memref<128x32xf32, #tpu.memory_space<vmem>>, vector<16xf32>,
        tpu.vector_store %arg25[%swap3A_404, %swap3A_405], %mul3A_400 {strides = array<i32>} : memref<128x32xf32, #tpu.memory_space<vmem>>, vector<16xf32>,
        %mul3A_407 = arith.constant 16 : i32
        %mul3A_408 = arith.muli %add3A_74, %mul3A_407 : i32
        %add3A_409 = arith.constant 15 : i32
        %add3A_410 = arith.addi %mul3A_408, %add3A_409 : i32
        %slice3A_411 = vector.extract_strided_slice %get3A_79 {offsets = [15], sizes = [1], strides = [1]} : vector<16xf32> to vector<1xf32>
        %squeeze3A_412 = vector.extract %slice3A_411[0] : f32 from vector<1xf32>
        %get3A_413 = arith.index_cast %add3A_410 : i32 to index
        %get3A_414 = arith.constant 0 : index
        %get3A_415 = tpu.vector_load %arg23[%get3A_413, %get3A_414] {strides = array<i32>} : memref<128x32xf32, #tpu.memory_space<vmem>>, vector<16xf32>,
        %mul3A_416 = vector.broadcast %squeeze3A_412 : f32 to vector<16xf32>
        %mul3A_417 = arith.mulf %get3A_415, %mul3A_416 : vector<16xf32>
        %get3A_418 = arith.index_cast %add3A_410 : i32 to index
        %get3A_419 = arith.constant 16 : index
        %get3A_420 = tpu.vector_load %arg23[%get3A_418, %get3A_419] {strides = array<i32>} : memref<128x32xf32, #tpu.memory_space<vmem>>, vector<16xf32>,
        %mul3A_421 = vector.broadcast %squeeze3A_412 : f32 to vector<16xf32>
        %mul3A_422 = arith.mulf %get3A_420, %mul3A_421 : vector<16xf32>
        %swap3A_423 = arith.index_cast %add3A_410 : i32 to index
        %swap3A_424 = arith.constant 0 : index
        %swap3A_425 = tpu.vector_load %arg25[%swap3A_423, %swap3A_424] {strides = array<i32>} : memref<128x32xf32, #tpu.memory_space<vmem>>, vector<16xf32>,
        tpu.vector_store %arg25[%swap3A_423, %swap3A_424], %mul3A_417 {strides = array<i32>} : memref<128x32xf32, #tpu.memory_space<vmem>>, vector<16xf32>,
        %swap3A_426 = arith.index_cast %add3A_410 : i32 to index
        %swap3A_427 = arith.constant 16 : index
        %swap3A_428 = tpu.vector_load %arg25[%swap3A_426, %swap3A_427] {strides = array<i32>} : memref<128x32xf32, #tpu.memory_space<vmem>>, vector<16xf32>,
        tpu.vector_store %arg25[%swap3A_426, %swap3A_427], %mul3A_422 {strides = array<i32>} : memref<128x32xf32, #tpu.memory_space<vmem>>, vector<16xf32>,
      }
      %scan3A_69 = arith.constant 8 : i32
      "tpu.region"() ({
        %run_scoped3A_70 = tpu.sem_alloc : memref<!tpu.dma_semaphore, #tpu.memory_space<semaphore_mem>>
        %dma_start3A = arith.constant 0 : i32
        %dma_start3A_71 = arith.constant 0 : i32
        %dma_start3A_72 = tpu.memref_slice %arg13[%arg0, %dma_start3A, %dma_start3A_71] : memref<2x51200x32xf32, #tpu.memory_space<hbm>> -> memref<1x51200x32xf32, #tpu.memory_space<hbm>>
        %dma_start3A_73 = tpu.memref_squeeze %dma_start3A_72 : memref<1x51200x32xf32, #tpu.memory_space<hbm>> -> memref<51200x32xf32, #tpu.memory_space<hbm>>
        %dma_start3A_74 = arith.constant 0 : i32
        %dma_start3A_75 = tpu.memref_slice %dma_start3A_73[%add3A_61, %dma_start3A_74] : memref<51200x32xf32, #tpu.memory_space<hbm>> -> memref<128x32xf32, #tpu.memory_space<hbm>>
        %dma_start3A_76 = arith.constant 0 : i32
        %dma_start3A_77 = arith.constant 0 : i32
        %dma_start3A_78 = tpu.memref_slice %arg13[%arg0, %dma_start3A_76, %dma_start3A_77] : memref<2x51200x32xf32, #tpu.memory_space<hbm>> -> memref<1x51200x32xf32, #tpu.memory_space<hbm>>
        %dma_start3A_79 = tpu.memref_squeeze %dma_start3A_78 : memref<1x51200x32xf32, #tpu.memory_space<hbm>> -> memref<51200x32xf32, #tpu.memory_space<hbm>>
        %dma_start3A_80 = arith.constant 0 : i32
        %dma_start3A_81 = tpu.memref_slice %dma_start3A_79[%add3A_61, %dma_start3A_80] : memref<51200x32xf32, #tpu.memory_space<hbm>> -> memref<128x32xf32, #tpu.memory_space<hbm>>
        tpu.enqueue_dma source(%arg25 : memref<128x32xf32, #tpu.memory_space<vmem>>) target(%dma_start3A_81 : memref<128x32xf32, #tpu.memory_space<hbm>>) target_semaphore(%run_scoped3A_70 : memref<!tpu.dma_semaphore, #tpu.memory_space<semaphore_mem>>)
        %dma_wait3A = arith.constant 0 : i32
        %dma_wait3A_82 = arith.constant 0 : i32
        %dma_wait3A_83 = tpu.memref_slice %arg13[%arg0, %dma_wait3A, %dma_wait3A_82] : memref<2x51200x32xf32, #tpu.memory_space<hbm>> -> memref<1x51200x32xf32, #tpu.memory_space<hbm>>
        %dma_wait3A_84 = tpu.memref_squeeze %dma_wait3A_83 : memref<1x51200x32xf32, #tpu.memory_space<hbm>> -> memref<51200x32xf32, #tpu.memory_space<hbm>>
        %dma_wait3A_85 = arith.constant 0 : i32
        %dma_wait3A_86 = tpu.memref_slice %dma_wait3A_84[%add3A_61, %dma_wait3A_85] : memref<51200x32xf32, #tpu.memory_space<hbm>> -> memref<128x32xf32, #tpu.memory_space<hbm>>
        %dma_wait3A_87 = arith.constant 0 : i32
        %dma_wait3A_88 = arith.constant 0 : i32
        %dma_wait3A_89 = tpu.memref_slice %arg13[%arg0, %dma_wait3A_87, %dma_wait3A_88] : memref<2x51200x32xf32, #tpu.memory_space<hbm>> -> memref<1x51200x32xf32, #tpu.memory_space<hbm>>
        %dma_wait3A_90 = tpu.memref_squeeze %dma_wait3A_89 : memref<1x51200x32xf32, #tpu.memory_space<hbm>> -> memref<51200x32xf32, #tpu.memory_space<hbm>>
        %dma_wait3A_91 = arith.constant 0 : i32
        %dma_wait3A_92 = tpu.memref_slice %dma_wait3A_90[%add3A_61, %dma_wait3A_91] : memref<51200x32xf32, #tpu.memory_space<hbm>> -> memref<128x32xf32, #tpu.memory_space<hbm>>
        tpu.wait_dma2 semaphore(%run_scoped3A_70 : memref<!tpu.dma_semaphore, #tpu.memory_space<semaphore_mem>>) src(%arg25 : memref<128x32xf32, #tpu.memory_space<vmem>>) dst(%dma_wait3A_92 : memref<128x32xf32, #tpu.memory_space<hbm>>)
        tpu.yield
      }) : () -> ()
    }
    %scan3A_19 = arith.constant 25 : i32
    %barrier3A_20 = arith.constant 0 : index
    tpu.barrier barrier_id(%barrier3A_20)
    %scan3A_21 = arith.constant 0 : i32
    %scan3A_22 = arith.constant 50 : i32
    %scan3A_23 = arith.addi %scan3A_21, %scan3A_22 : i32
    %scan3A_24 = arith.constant 1 : i32
    scf.for %scan3A_53 = %scan3A_21 to %scan3A_23 step %scan3A_24  : i32 {
      %mul3A_54 = arith.constant 1 : i32
      %mul3A_55 = arith.muli %scan3A_53, %mul3A_54 : i32
      %add3A = arith.constant 0 : i32
      %add3A_56 = arith.addi %add3A, %mul3A_55 : i32
      %mul3A_57 = arith.constant 400 : i32
      %mul3A_58 = arith.muli %arg1, %mul3A_57 : i32
      %mul3A_59 = arith.constant 8 : i32
      %mul3A_60 = arith.muli %add3A_56, %mul3A_59 : i32
      %add3A_61 = arith.addi %mul3A_58, %mul3A_60 : i32
      "tpu.region"() ({
        %run_scoped3A = tpu.sem_alloc : memref<!tpu.dma_semaphore, #tpu.memory_space<semaphore_mem>>
        %dma_start3A = arith.constant 0 : i32
        %dma_start3A_67 = tpu.memref_slice %arg2[%add3A_61, %dma_start3A] : memref<6400x128xi32, #tpu.memory_space<hbm>> -> memref<8x128xi32, #tpu.memory_space<hbm>>
        %dma_start3A_68 = arith.constant 0 : i32
        %dma_start3A_69 = tpu.memref_slice %arg2[%add3A_61, %dma_start3A_68] : memref<6400x128xi32, #tpu.memory_space<hbm>> -> memref<8x128xi32, #tpu.memory_space<hbm>>
        tpu.enqueue_dma source(%dma_start3A_69 : memref<8x128xi32, #tpu.memory_space<hbm>>) target(%arg18 : memref<8x128xi32, #tpu.memory_space<vmem>>) target_semaphore(%run_scoped3A : memref<!tpu.dma_semaphore, #tpu.memory_space<semaphore_mem>>)
        %dma_wait3A = arith.constant 0 : i32
        %dma_wait3A_70 = tpu.memref_slice %arg2[%add3A_61, %dma_wait3A] : memref<6400x128xi32, #tpu.memory_space<hbm>> -> memref<8x128xi32, #tpu.memory_space<hbm>>
        %dma_wait3A_71 = arith.constant 0 : i32
        %dma_wait3A_72 = tpu.memref_slice %arg2[%add3A_61, %dma_wait3A_71] : memref<6400x128xi32, #tpu.memory_space<hbm>> -> memref<8x128xi32, #tpu.memory_space<hbm>>
        tpu.wait_dma2 semaphore(%run_scoped3A : memref<!tpu.dma_semaphore, #tpu.memory_space<semaphore_mem>>) src(%dma_wait3A_72 : memref<8x128xi32, #tpu.memory_space<hbm>>) dst(%arg18 : memref<8x128xi32, #tpu.memory_space<vmem>>)
        tpu.yield
      }) : () -> ()
      "tpu.region"() ({
        %run_scoped3A = tpu.sem_alloc : memref<!tpu.dma_semaphore, #tpu.memory_space<semaphore_mem>>
        %dma_start3A = arith.constant 0 : i32
        %dma_start3A_67 = tpu.memref_slice %arg3[%add3A_61, %dma_start3A] : memref<6400x128xi32, #tpu.memory_space<hbm>> -> memref<8x128xi32, #tpu.memory_space<hbm>>
        %dma_start3A_68 = arith.constant 0 : i32
        %dma_start3A_69 = tpu.memref_slice %arg3[%add3A_61, %dma_start3A_68] : memref<6400x128xi32, #tpu.memory_space<hbm>> -> memref<8x128xi32, #tpu.memory_space<hbm>>
        tpu.enqueue_dma source(%dma_start3A_69 : memref<8x128xi32, #tpu.memory_space<hbm>>) target(%arg19 : memref<8x128xi32, #tpu.memory_space<vmem>>) target_semaphore(%run_scoped3A : memref<!tpu.dma_semaphore, #tpu.memory_space<semaphore_mem>>)
        %dma_wait3A = arith.constant 0 : i32
        %dma_wait3A_70 = tpu.memref_slice %arg3[%add3A_61, %dma_wait3A] : memref<6400x128xi32, #tpu.memory_space<hbm>> -> memref<8x128xi32, #tpu.memory_space<hbm>>
        %dma_wait3A_71 = arith.constant 0 : i32
        %dma_wait3A_72 = tpu.memref_slice %arg3[%add3A_61, %dma_wait3A_71] : memref<6400x128xi32, #tpu.memory_space<hbm>> -> memref<8x128xi32, #tpu.memory_space<hbm>>
        tpu.wait_dma2 semaphore(%run_scoped3A : memref<!tpu.dma_semaphore, #tpu.memory_space<semaphore_mem>>) src(%dma_wait3A_72 : memref<8x128xi32, #tpu.memory_space<hbm>>) dst(%arg19 : memref<8x128xi32, #tpu.memory_space<vmem>>)
        tpu.yield
      }) : () -> ()
      "tpu.region"() ({
        %run_scoped3A = tpu.sem_alloc : memref<!tpu.dma_semaphore, #tpu.memory_space<semaphore_mem>>
        %dma_start3A = arith.constant 0 : i32
        %dma_start3A_67 = tpu.memref_slice %arg4[%add3A_61, %dma_start3A] : memref<6400x128xf32, #tpu.memory_space<hbm>> -> memref<8x128xf32, #tpu.memory_space<hbm>>
        %dma_start3A_68 = arith.constant 0 : i32
        %dma_start3A_69 = tpu.memref_slice %arg4[%add3A_61, %dma_start3A_68] : memref<6400x128xf32, #tpu.memory_space<hbm>> -> memref<8x128xf32, #tpu.memory_space<hbm>>
        tpu.enqueue_dma source(%dma_start3A_69 : memref<8x128xf32, #tpu.memory_space<hbm>>) target(%arg20 : memref<8x128xf32, #tpu.memory_space<vmem>>) target_semaphore(%run_scoped3A : memref<!tpu.dma_semaphore, #tpu.memory_space<semaphore_mem>>)
        %dma_wait3A = arith.constant 0 : i32
        %dma_wait3A_70 = tpu.memref_slice %arg4[%add3A_61, %dma_wait3A] : memref<6400x128xf32, #tpu.memory_space<hbm>> -> memref<8x128xf32, #tpu.memory_space<hbm>>
        %dma_wait3A_71 = arith.constant 0 : i32
        %dma_wait3A_72 = tpu.memref_slice %arg4[%add3A_61, %dma_wait3A_71] : memref<6400x128xf32, #tpu.memory_space<hbm>> -> memref<8x128xf32, #tpu.memory_space<hbm>>
        tpu.wait_dma2 semaphore(%run_scoped3A : memref<!tpu.dma_semaphore, #tpu.memory_space<semaphore_mem>>) src(%dma_wait3A_72 : memref<8x128xf32, #tpu.memory_space<hbm>>) dst(%arg20 : memref<8x128xf32, #tpu.memory_space<vmem>>)
        tpu.yield
      }) : () -> ()
      %scan3A_62 = arith.constant 0 : i32
      %scan3A_63 = arith.constant 8 : i32
      %scan3A_64 = arith.addi %scan3A_62, %scan3A_63 : i32
      %scan3A_65 = arith.constant 1 : i32
      scf.for %scan3A_67 = %scan3A_62 to %scan3A_64 step %scan3A_65  : i32 {
        %mul3A_68 = arith.constant 1 : i32
        %mul3A_69 = arith.muli %scan3A_67, %mul3A_68 : i32
        %add3A_70 = arith.constant 0 : i32
        %add3A_71 = arith.addi %add3A_70, %mul3A_69 : i32
        %dma_start3A = arith.constant 0 : i32
        %dma_start3A_72 = tpu.memref_slice %arg19[%add3A_71, %dma_start3A] : memref<8x128xi32, #tpu.memory_space<vmem>> -> memref<1x128xi32, #tpu.memory_space<vmem>>
        %dma_start3A_73 = tpu.memref_squeeze %dma_start3A_72 : memref<1x128xi32, #tpu.memory_space<vmem>> -> memref<128xi32, #tpu.memory_space<vmem>>
        %dma_start3A_74 = arith.constant 0 : i32
        %dma_start3A_75 = arith.constant 0 : i32
        %dma_start3A_76 = tpu.memref_slice %arg8[%arg0, %dma_start3A_74, %dma_start3A_75] : memref<2x51200x32xf32, #tpu.memory_space<hbm>> -> memref<1x51200x32xf32, #tpu.memory_space<hbm>>
        %dma_start3A_77 = tpu.memref_squeeze %dma_start3A_76 : memref<1x51200x32xf32, #tpu.memory_space<hbm>> -> memref<51200x32xf32, #tpu.memory_space<hbm>>
        %dma_start3A_78 = arith.constant 0 : i32
        %dma_start3A_79 = arith.constant 0 : i32
        %dma_start3A_80 = tpu.memref_slice %dma_start3A_77[%dma_start3A_78, %dma_start3A_79] : memref<51200x32xf32, #tpu.memory_space<hbm>> -> memref<51200x32xf32, #tpu.memory_space<hbm>>
        tpu.enqueue_indirect_dma source(%dma_start3A_80 : memref<51200x32xf32, #tpu.memory_space<hbm>>) target(%arg21 : memref<128x32xf32, #tpu.memory_space<vmem>>) offsets(%dma_start3A_73 : memref<128xi32, #tpu.memory_space<vmem>>) semaphore(%arg28 : memref<!tpu.dma_semaphore, #tpu.memory_space<semaphore_mem>>)
        %dma_wait3A = arith.constant 0 : i32
        %dma_wait3A_81 = tpu.memref_slice %arg19[%add3A_71, %dma_wait3A] : memref<8x128xi32, #tpu.memory_space<vmem>> -> memref<1x128xi32, #tpu.memory_space<vmem>>
        %dma_wait3A_82 = tpu.memref_squeeze %dma_wait3A_81 : memref<1x128xi32, #tpu.memory_space<vmem>> -> memref<128xi32, #tpu.memory_space<vmem>>
        %dma_wait3A_83 = arith.constant 0 : i32
        %dma_wait3A_84 = arith.constant 0 : i32
        %dma_wait3A_85 = tpu.memref_slice %arg8[%arg0, %dma_wait3A_83, %dma_wait3A_84] : memref<2x51200x32xf32, #tpu.memory_space<hbm>> -> memref<1x51200x32xf32, #tpu.memory_space<hbm>>
        %dma_wait3A_86 = tpu.memref_squeeze %dma_wait3A_85 : memref<1x51200x32xf32, #tpu.memory_space<hbm>> -> memref<51200x32xf32, #tpu.memory_space<hbm>>
        %dma_wait3A_87 = arith.constant 0 : i32
        %dma_wait3A_88 = arith.constant 0 : i32
        %dma_wait3A_89 = tpu.memref_slice %dma_wait3A_86[%dma_wait3A_87, %dma_wait3A_88] : memref<51200x32xf32, #tpu.memory_space<hbm>> -> memref<51200x32xf32, #tpu.memory_space<hbm>>
        tpu.wait_indirect_dma semaphore(%arg28 : memref<!tpu.dma_semaphore, #tpu.memory_space<semaphore_mem>>) src(%dma_wait3A_89 : memref<51200x32xf32, #tpu.memory_space<hbm>>) dst(%arg21 : memref<128x32xf32, #tpu.memory_space<vmem>>)
        %scan3A_90 = arith.constant 0 : i32
        %scan3A_91 = arith.constant 8 : i32
        %scan3A_92 = arith.addi %scan3A_90, %scan3A_91 : i32
        %scan3A_93 = arith.constant 1 : i32
        scf.for %scan3A_95 = %scan3A_90 to %scan3A_92 step %scan3A_93  : i32 {
          %mul3A_96 = arith.constant 1 : i32
          %mul3A_97 = arith.muli %scan3A_95, %mul3A_96 : i32
          %add3A_98 = arith.constant 0 : i32
          %add3A_99 = arith.addi %add3A_98, %mul3A_97 : i32
          %mul3A_100 = arith.constant 16 : i32
          %mul3A_101 = arith.muli %add3A_99, %mul3A_100 : i32
          %get3A = arith.index_cast %add3A_71 : i32 to index
          %get3A_102 = arith.index_cast %mul3A_101 : i32 to index
          %get3A_103 = tpu.vector_load %arg20[%get3A, %get3A_102] {strides = array<i32>} : memref<8x128xf32, #tpu.memory_space<vmem>>, vector<16xf32>,
          %mul3A_104 = arith.constant 16 : i32
          %mul3A_105 = arith.muli %add3A_99, %mul3A_104 : i32
          %add3A_106 = arith.constant 0 : i32
          %add3A_107 = arith.addi %mul3A_105, %add3A_106 : i32
          %slice3A = vector.extract_strided_slice %get3A_103 {offsets = [0], sizes = [1], strides = [1]} : vector<16xf32> to vector<1xf32>
          %squeeze3A = vector.extract %slice3A[0] : f32 from vector<1xf32>
          %get3A_108 = arith.index_cast %add3A_107 : i32 to index
          %get3A_109 = arith.constant 0 : index
          %get3A_110 = tpu.vector_load %arg21[%get3A_108, %get3A_109] {strides = array<i32>} : memref<128x32xf32, #tpu.memory_space<vmem>>, vector<16xf32>,
          %mul3A_111 = vector.broadcast %squeeze3A : f32 to vector<16xf32>
          %mul3A_112 = arith.mulf %get3A_110, %mul3A_111 : vector<16xf32>
          %swap3A = arith.index_cast %add3A_107 : i32 to index
          %swap3A_113 = arith.constant 0 : index
          %swap3A_114 = tpu.vector_load %arg21[%swap3A, %swap3A_113] {strides = array<i32>} : memref<128x32xf32, #tpu.memory_space<vmem>>, vector<16xf32>,
          tpu.vector_store %arg21[%swap3A, %swap3A_113], %mul3A_112 {strides = array<i32>} : memref<128x32xf32, #tpu.memory_space<vmem>>, vector<16xf32>,
          %get3A_115 = arith.index_cast %add3A_107 : i32 to index
          %get3A_116 = arith.constant 16 : index
          %get3A_117 = tpu.vector_load %arg21[%get3A_115, %get3A_116] {strides = array<i32>} : memref<128x32xf32, #tpu.memory_space<vmem>>, vector<16xf32>,
          %mul3A_118 = vector.broadcast %squeeze3A : f32 to vector<16xf32>
          %mul3A_119 = arith.mulf %get3A_117, %mul3A_118 : vector<16xf32>
          %swap3A_120 = arith.index_cast %add3A_107 : i32 to index
          %swap3A_121 = arith.constant 16 : index
          %swap3A_122 = tpu.vector_load %arg21[%swap3A_120, %swap3A_121] {strides = array<i32>} : memref<128x32xf32, #tpu.memory_space<vmem>>, vector<16xf32>,
          tpu.vector_store %arg21[%swap3A_120, %swap3A_121], %mul3A_119 {strides = array<i32>} : memref<128x32xf32, #tpu.memory_space<vmem>>, vector<16xf32>,
          %mul3A_123 = arith.constant 16 : i32
          %mul3A_124 = arith.muli %add3A_99, %mul3A_123 : i32
          %add3A_125 = arith.constant 1 : i32
          %add3A_126 = arith.addi %mul3A_124, %add3A_125 : i32
          %slice3A_127 = vector.extract_strided_slice %get3A_103 {offsets = [1], sizes = [1], strides = [1]} : vector<16xf32> to vector<1xf32>
          %squeeze3A_128 = vector.extract %slice3A_127[0] : f32 from vector<1xf32>
          %get3A_129 = arith.index_cast %add3A_126 : i32 to index
          %get3A_130 = arith.constant 0 : index
          %get3A_131 = tpu.vector_load %arg21[%get3A_129, %get3A_130] {strides = array<i32>} : memref<128x32xf32, #tpu.memory_space<vmem>>, vector<16xf32>,
          %mul3A_132 = vector.broadcast %squeeze3A_128 : f32 to vector<16xf32>
          %mul3A_133 = arith.mulf %get3A_131, %mul3A_132 : vector<16xf32>
          %swap3A_134 = arith.index_cast %add3A_126 : i32 to index
          %swap3A_135 = arith.constant 0 : index
          %swap3A_136 = tpu.vector_load %arg21[%swap3A_134, %swap3A_135] {strides = array<i32>} : memref<128x32xf32, #tpu.memory_space<vmem>>, vector<16xf32>,
          tpu.vector_store %arg21[%swap3A_134, %swap3A_135], %mul3A_133 {strides = array<i32>} : memref<128x32xf32, #tpu.memory_space<vmem>>, vector<16xf32>,
          %get3A_137 = arith.index_cast %add3A_126 : i32 to index
          %get3A_138 = arith.constant 16 : index
          %get3A_139 = tpu.vector_load %arg21[%get3A_137, %get3A_138] {strides = array<i32>} : memref<128x32xf32, #tpu.memory_space<vmem>>, vector<16xf32>,
          %mul3A_140 = vector.broadcast %squeeze3A_128 : f32 to vector<16xf32>
          %mul3A_141 = arith.mulf %get3A_139, %mul3A_140 : vector<16xf32>
          %swap3A_142 = arith.index_cast %add3A_126 : i32 to index
          %swap3A_143 = arith.constant 16 : index
          %swap3A_144 = tpu.vector_load %arg21[%swap3A_142, %swap3A_143] {strides = array<i32>} : memref<128x32xf32, #tpu.memory_space<vmem>>, vector<16xf32>,
          tpu.vector_store %arg21[%swap3A_142, %swap3A_143], %mul3A_141 {strides = array<i32>} : memref<128x32xf32, #tpu.memory_space<vmem>>, vector<16xf32>,
          %mul3A_145 = arith.constant 16 : i32
          %mul3A_146 = arith.muli %add3A_99, %mul3A_145 : i32
          %add3A_147 = arith.constant 2 : i32
          %add3A_148 = arith.addi %mul3A_146, %add3A_147 : i32
          %slice3A_149 = vector.extract_strided_slice %get3A_103 {offsets = [2], sizes = [1], strides = [1]} : vector<16xf32> to vector<1xf32>
          %squeeze3A_150 = vector.extract %slice3A_149[0] : f32 from vector<1xf32>
          %get3A_151 = arith.index_cast %add3A_148 : i32 to index
          %get3A_152 = arith.constant 0 : index
          %get3A_153 = tpu.vector_load %arg21[%get3A_151, %get3A_152] {strides = array<i32>} : memref<128x32xf32, #tpu.memory_space<vmem>>, vector<16xf32>,
          %mul3A_154 = vector.broadcast %squeeze3A_150 : f32 to vector<16xf32>
          %mul3A_155 = arith.mulf %get3A_153, %mul3A_154 : vector<16xf32>
          %swap3A_156 = arith.index_cast %add3A_148 : i32 to index
          %swap3A_157 = arith.constant 0 : index
          %swap3A_158 = tpu.vector_load %arg21[%swap3A_156, %swap3A_157] {strides = array<i32>} : memref<128x32xf32, #tpu.memory_space<vmem>>, vector<16xf32>,
          tpu.vector_store %arg21[%swap3A_156, %swap3A_157], %mul3A_155 {strides = array<i32>} : memref<128x32xf32, #tpu.memory_space<vmem>>, vector<16xf32>,
          %get3A_159 = arith.index_cast %add3A_148 : i32 to index
          %get3A_160 = arith.constant 16 : index
          %get3A_161 = tpu.vector_load %arg21[%get3A_159, %get3A_160] {strides = array<i32>} : memref<128x32xf32, #tpu.memory_space<vmem>>, vector<16xf32>,
          %mul3A_162 = vector.broadcast %squeeze3A_150 : f32 to vector<16xf32>
          %mul3A_163 = arith.mulf %get3A_161, %mul3A_162 : vector<16xf32>
          %swap3A_164 = arith.index_cast %add3A_148 : i32 to index
          %swap3A_165 = arith.constant 16 : index
          %swap3A_166 = tpu.vector_load %arg21[%swap3A_164, %swap3A_165] {strides = array<i32>} : memref<128x32xf32, #tpu.memory_space<vmem>>, vector<16xf32>,
          tpu.vector_store %arg21[%swap3A_164, %swap3A_165], %mul3A_163 {strides = array<i32>} : memref<128x32xf32, #tpu.memory_space<vmem>>, vector<16xf32>,
          %mul3A_167 = arith.constant 16 : i32
          %mul3A_168 = arith.muli %add3A_99, %mul3A_167 : i32
          %add3A_169 = arith.constant 3 : i32
          %add3A_170 = arith.addi %mul3A_168, %add3A_169 : i32
          %slice3A_171 = vector.extract_strided_slice %get3A_103 {offsets = [3], sizes = [1], strides = [1]} : vector<16xf32> to vector<1xf32>
          %squeeze3A_172 = vector.extract %slice3A_171[0] : f32 from vector<1xf32>
          %get3A_173 = arith.index_cast %add3A_170 : i32 to index
          %get3A_174 = arith.constant 0 : index
          %get3A_175 = tpu.vector_load %arg21[%get3A_173, %get3A_174] {strides = array<i32>} : memref<128x32xf32, #tpu.memory_space<vmem>>, vector<16xf32>,
          %mul3A_176 = vector.broadcast %squeeze3A_172 : f32 to vector<16xf32>
          %mul3A_177 = arith.mulf %get3A_175, %mul3A_176 : vector<16xf32>
          %swap3A_178 = arith.index_cast %add3A_170 : i32 to index
          %swap3A_179 = arith.constant 0 : index
          %swap3A_180 = tpu.vector_load %arg21[%swap3A_178, %swap3A_179] {strides = array<i32>} : memref<128x32xf32, #tpu.memory_space<vmem>>, vector<16xf32>,
          tpu.vector_store %arg21[%swap3A_178, %swap3A_179], %mul3A_177 {strides = array<i32>} : memref<128x32xf32, #tpu.memory_space<vmem>>, vector<16xf32>,
          %get3A_181 = arith.index_cast %add3A_170 : i32 to index
          %get3A_182 = arith.constant 16 : index
          %get3A_183 = tpu.vector_load %arg21[%get3A_181, %get3A_182] {strides = array<i32>} : memref<128x32xf32, #tpu.memory_space<vmem>>, vector<16xf32>,
          %mul3A_184 = vector.broadcast %squeeze3A_172 : f32 to vector<16xf32>
          %mul3A_185 = arith.mulf %get3A_183, %mul3A_184 : vector<16xf32>
          %swap3A_186 = arith.index_cast %add3A_170 : i32 to index
          %swap3A_187 = arith.constant 16 : index
          %swap3A_188 = tpu.vector_load %arg21[%swap3A_186, %swap3A_187] {strides = array<i32>} : memref<128x32xf32, #tpu.memory_space<vmem>>, vector<16xf32>,
          tpu.vector_store %arg21[%swap3A_186, %swap3A_187], %mul3A_185 {strides = array<i32>} : memref<128x32xf32, #tpu.memory_space<vmem>>, vector<16xf32>,
          %mul3A_189 = arith.constant 16 : i32
          %mul3A_190 = arith.muli %add3A_99, %mul3A_189 : i32
          %add3A_191 = arith.constant 4 : i32
          %add3A_192 = arith.addi %mul3A_190, %add3A_191 : i32
          %slice3A_193 = vector.extract_strided_slice %get3A_103 {offsets = [4], sizes = [1], strides = [1]} : vector<16xf32> to vector<1xf32>
          %squeeze3A_194 = vector.extract %slice3A_193[0] : f32 from vector<1xf32>
          %get3A_195 = arith.index_cast %add3A_192 : i32 to index
          %get3A_196 = arith.constant 0 : index
          %get3A_197 = tpu.vector_load %arg21[%get3A_195, %get3A_196] {strides = array<i32>} : memref<128x32xf32, #tpu.memory_space<vmem>>, vector<16xf32>,
          %mul3A_198 = vector.broadcast %squeeze3A_194 : f32 to vector<16xf32>
          %mul3A_199 = arith.mulf %get3A_197, %mul3A_198 : vector<16xf32>
          %swap3A_200 = arith.index_cast %add3A_192 : i32 to index
          %swap3A_201 = arith.constant 0 : index
          %swap3A_202 = tpu.vector_load %arg21[%swap3A_200, %swap3A_201] {strides = array<i32>} : memref<128x32xf32, #tpu.memory_space<vmem>>, vector<16xf32>,
          tpu.vector_store %arg21[%swap3A_200, %swap3A_201], %mul3A_199 {strides = array<i32>} : memref<128x32xf32, #tpu.memory_space<vmem>>, vector<16xf32>,
          %get3A_203 = arith.index_cast %add3A_192 : i32 to index
          %get3A_204 = arith.constant 16 : index
          %get3A_205 = tpu.vector_load %arg21[%get3A_203, %get3A_204] {strides = array<i32>} : memref<128x32xf32, #tpu.memory_space<vmem>>, vector<16xf32>,
          %mul3A_206 = vector.broadcast %squeeze3A_194 : f32 to vector<16xf32>
          %mul3A_207 = arith.mulf %get3A_205, %mul3A_206 : vector<16xf32>
          %swap3A_208 = arith.index_cast %add3A_192 : i32 to index
          %swap3A_209 = arith.constant 16 : index
          %swap3A_210 = tpu.vector_load %arg21[%swap3A_208, %swap3A_209] {strides = array<i32>} : memref<128x32xf32, #tpu.memory_space<vmem>>, vector<16xf32>,
          tpu.vector_store %arg21[%swap3A_208, %swap3A_209], %mul3A_207 {strides = array<i32>} : memref<128x32xf32, #tpu.memory_space<vmem>>, vector<16xf32>,
          %mul3A_211 = arith.constant 16 : i32
          %mul3A_212 = arith.muli %add3A_99, %mul3A_211 : i32
          %add3A_213 = arith.constant 5 : i32
          %add3A_214 = arith.addi %mul3A_212, %add3A_213 : i32
          %slice3A_215 = vector.extract_strided_slice %get3A_103 {offsets = [5], sizes = [1], strides = [1]} : vector<16xf32> to vector<1xf32>
          %squeeze3A_216 = vector.extract %slice3A_215[0] : f32 from vector<1xf32>
          %get3A_217 = arith.index_cast %add3A_214 : i32 to index
          %get3A_218 = arith.constant 0 : index
          %get3A_219 = tpu.vector_load %arg21[%get3A_217, %get3A_218] {strides = array<i32>} : memref<128x32xf32, #tpu.memory_space<vmem>>, vector<16xf32>,
          %mul3A_220 = vector.broadcast %squeeze3A_216 : f32 to vector<16xf32>
          %mul3A_221 = arith.mulf %get3A_219, %mul3A_220 : vector<16xf32>
          %swap3A_222 = arith.index_cast %add3A_214 : i32 to index
          %swap3A_223 = arith.constant 0 : index
          %swap3A_224 = tpu.vector_load %arg21[%swap3A_222, %swap3A_223] {strides = array<i32>} : memref<128x32xf32, #tpu.memory_space<vmem>>, vector<16xf32>,
          tpu.vector_store %arg21[%swap3A_222, %swap3A_223], %mul3A_221 {strides = array<i32>} : memref<128x32xf32, #tpu.memory_space<vmem>>, vector<16xf32>,
          %get3A_225 = arith.index_cast %add3A_214 : i32 to index
          %get3A_226 = arith.constant 16 : index
          %get3A_227 = tpu.vector_load %arg21[%get3A_225, %get3A_226] {strides = array<i32>} : memref<128x32xf32, #tpu.memory_space<vmem>>, vector<16xf32>,
          %mul3A_228 = vector.broadcast %squeeze3A_216 : f32 to vector<16xf32>
          %mul3A_229 = arith.mulf %get3A_227, %mul3A_228 : vector<16xf32>
          %swap3A_230 = arith.index_cast %add3A_214 : i32 to index
          %swap3A_231 = arith.constant 16 : index
          %swap3A_232 = tpu.vector_load %arg21[%swap3A_230, %swap3A_231] {strides = array<i32>} : memref<128x32xf32, #tpu.memory_space<vmem>>, vector<16xf32>,
          tpu.vector_store %arg21[%swap3A_230, %swap3A_231], %mul3A_229 {strides = array<i32>} : memref<128x32xf32, #tpu.memory_space<vmem>>, vector<16xf32>,
          %mul3A_233 = arith.constant 16 : i32
          %mul3A_234 = arith.muli %add3A_99, %mul3A_233 : i32
          %add3A_235 = arith.constant 6 : i32
          %add3A_236 = arith.addi %mul3A_234, %add3A_235 : i32
          %slice3A_237 = vector.extract_strided_slice %get3A_103 {offsets = [6], sizes = [1], strides = [1]} : vector<16xf32> to vector<1xf32>
          %squeeze3A_238 = vector.extract %slice3A_237[0] : f32 from vector<1xf32>
          %get3A_239 = arith.index_cast %add3A_236 : i32 to index
          %get3A_240 = arith.constant 0 : index
          %get3A_241 = tpu.vector_load %arg21[%get3A_239, %get3A_240] {strides = array<i32>} : memref<128x32xf32, #tpu.memory_space<vmem>>, vector<16xf32>,
          %mul3A_242 = vector.broadcast %squeeze3A_238 : f32 to vector<16xf32>
          %mul3A_243 = arith.mulf %get3A_241, %mul3A_242 : vector<16xf32>
          %swap3A_244 = arith.index_cast %add3A_236 : i32 to index
          %swap3A_245 = arith.constant 0 : index
          %swap3A_246 = tpu.vector_load %arg21[%swap3A_244, %swap3A_245] {strides = array<i32>} : memref<128x32xf32, #tpu.memory_space<vmem>>, vector<16xf32>,
          tpu.vector_store %arg21[%swap3A_244, %swap3A_245], %mul3A_243 {strides = array<i32>} : memref<128x32xf32, #tpu.memory_space<vmem>>, vector<16xf32>,
          %get3A_247 = arith.index_cast %add3A_236 : i32 to index
          %get3A_248 = arith.constant 16 : index
          %get3A_249 = tpu.vector_load %arg21[%get3A_247, %get3A_248] {strides = array<i32>} : memref<128x32xf32, #tpu.memory_space<vmem>>, vector<16xf32>,
          %mul3A_250 = vector.broadcast %squeeze3A_238 : f32 to vector<16xf32>
          %mul3A_251 = arith.mulf %get3A_249, %mul3A_250 : vector<16xf32>
          %swap3A_252 = arith.index_cast %add3A_236 : i32 to index
          %swap3A_253 = arith.constant 16 : index
          %swap3A_254 = tpu.vector_load %arg21[%swap3A_252, %swap3A_253] {strides = array<i32>} : memref<128x32xf32, #tpu.memory_space<vmem>>, vector<16xf32>,
          tpu.vector_store %arg21[%swap3A_252, %swap3A_253], %mul3A_251 {strides = array<i32>} : memref<128x32xf32, #tpu.memory_space<vmem>>, vector<16xf32>,
          %mul3A_255 = arith.constant 16 : i32
          %mul3A_256 = arith.muli %add3A_99, %mul3A_255 : i32
          %add3A_257 = arith.constant 7 : i32
          %add3A_258 = arith.addi %mul3A_256, %add3A_257 : i32
          %slice3A_259 = vector.extract_strided_slice %get3A_103 {offsets = [7], sizes = [1], strides = [1]} : vector<16xf32> to vector<1xf32>
          %squeeze3A_260 = vector.extract %slice3A_259[0] : f32 from vector<1xf32>
          %get3A_261 = arith.index_cast %add3A_258 : i32 to index
          %get3A_262 = arith.constant 0 : index
          %get3A_263 = tpu.vector_load %arg21[%get3A_261, %get3A_262] {strides = array<i32>} : memref<128x32xf32, #tpu.memory_space<vmem>>, vector<16xf32>,
          %mul3A_264 = vector.broadcast %squeeze3A_260 : f32 to vector<16xf32>
          %mul3A_265 = arith.mulf %get3A_263, %mul3A_264 : vector<16xf32>
          %swap3A_266 = arith.index_cast %add3A_258 : i32 to index
          %swap3A_267 = arith.constant 0 : index
          %swap3A_268 = tpu.vector_load %arg21[%swap3A_266, %swap3A_267] {strides = array<i32>} : memref<128x32xf32, #tpu.memory_space<vmem>>, vector<16xf32>,
          tpu.vector_store %arg21[%swap3A_266, %swap3A_267], %mul3A_265 {strides = array<i32>} : memref<128x32xf32, #tpu.memory_space<vmem>>, vector<16xf32>,
          %get3A_269 = arith.index_cast %add3A_258 : i32 to index
          %get3A_270 = arith.constant 16 : index
          %get3A_271 = tpu.vector_load %arg21[%get3A_269, %get3A_270] {strides = array<i32>} : memref<128x32xf32, #tpu.memory_space<vmem>>, vector<16xf32>,
          %mul3A_272 = vector.broadcast %squeeze3A_260 : f32 to vector<16xf32>
          %mul3A_273 = arith.mulf %get3A_271, %mul3A_272 : vector<16xf32>
          %swap3A_274 = arith.index_cast %add3A_258 : i32 to index
          %swap3A_275 = arith.constant 16 : index
          %swap3A_276 = tpu.vector_load %arg21[%swap3A_274, %swap3A_275] {strides = array<i32>} : memref<128x32xf32, #tpu.memory_space<vmem>>, vector<16xf32>,
          tpu.vector_store %arg21[%swap3A_274, %swap3A_275], %mul3A_273 {strides = array<i32>} : memref<128x32xf32, #tpu.memory_space<vmem>>, vector<16xf32>,
          %mul3A_277 = arith.constant 16 : i32
          %mul3A_278 = arith.muli %add3A_99, %mul3A_277 : i32
          %add3A_279 = arith.constant 8 : i32
          %add3A_280 = arith.addi %mul3A_278, %add3A_279 : i32
          %slice3A_281 = vector.extract_strided_slice %get3A_103 {offsets = [8], sizes = [1], strides = [1]} : vector<16xf32> to vector<1xf32>
          %squeeze3A_282 = vector.extract %slice3A_281[0] : f32 from vector<1xf32>
          %get3A_283 = arith.index_cast %add3A_280 : i32 to index
          %get3A_284 = arith.constant 0 : index
          %get3A_285 = tpu.vector_load %arg21[%get3A_283, %get3A_284] {strides = array<i32>} : memref<128x32xf32, #tpu.memory_space<vmem>>, vector<16xf32>,
          %mul3A_286 = vector.broadcast %squeeze3A_282 : f32 to vector<16xf32>
          %mul3A_287 = arith.mulf %get3A_285, %mul3A_286 : vector<16xf32>
          %swap3A_288 = arith.index_cast %add3A_280 : i32 to index
          %swap3A_289 = arith.constant 0 : index
          %swap3A_290 = tpu.vector_load %arg21[%swap3A_288, %swap3A_289] {strides = array<i32>} : memref<128x32xf32, #tpu.memory_space<vmem>>, vector<16xf32>,
          tpu.vector_store %arg21[%swap3A_288, %swap3A_289], %mul3A_287 {strides = array<i32>} : memref<128x32xf32, #tpu.memory_space<vmem>>, vector<16xf32>,
          %get3A_291 = arith.index_cast %add3A_280 : i32 to index
          %get3A_292 = arith.constant 16 : index
          %get3A_293 = tpu.vector_load %arg21[%get3A_291, %get3A_292] {strides = array<i32>} : memref<128x32xf32, #tpu.memory_space<vmem>>, vector<16xf32>,
          %mul3A_294 = vector.broadcast %squeeze3A_282 : f32 to vector<16xf32>
          %mul3A_295 = arith.mulf %get3A_293, %mul3A_294 : vector<16xf32>
          %swap3A_296 = arith.index_cast %add3A_280 : i32 to index
          %swap3A_297 = arith.constant 16 : index
          %swap3A_298 = tpu.vector_load %arg21[%swap3A_296, %swap3A_297] {strides = array<i32>} : memref<128x32xf32, #tpu.memory_space<vmem>>, vector<16xf32>,
          tpu.vector_store %arg21[%swap3A_296, %swap3A_297], %mul3A_295 {strides = array<i32>} : memref<128x32xf32, #tpu.memory_space<vmem>>, vector<16xf32>,
          %mul3A_299 = arith.constant 16 : i32
          %mul3A_300 = arith.muli %add3A_99, %mul3A_299 : i32
          %add3A_301 = arith.constant 9 : i32
          %add3A_302 = arith.addi %mul3A_300, %add3A_301 : i32
          %slice3A_303 = vector.extract_strided_slice %get3A_103 {offsets = [9], sizes = [1], strides = [1]} : vector<16xf32> to vector<1xf32>
          %squeeze3A_304 = vector.extract %slice3A_303[0] : f32 from vector<1xf32>
          %get3A_305 = arith.index_cast %add3A_302 : i32 to index
          %get3A_306 = arith.constant 0 : index
          %get3A_307 = tpu.vector_load %arg21[%get3A_305, %get3A_306] {strides = array<i32>} : memref<128x32xf32, #tpu.memory_space<vmem>>, vector<16xf32>,
          %mul3A_308 = vector.broadcast %squeeze3A_304 : f32 to vector<16xf32>
          %mul3A_309 = arith.mulf %get3A_307, %mul3A_308 : vector<16xf32>
          %swap3A_310 = arith.index_cast %add3A_302 : i32 to index
          %swap3A_311 = arith.constant 0 : index
          %swap3A_312 = tpu.vector_load %arg21[%swap3A_310, %swap3A_311] {strides = array<i32>} : memref<128x32xf32, #tpu.memory_space<vmem>>, vector<16xf32>,
          tpu.vector_store %arg21[%swap3A_310, %swap3A_311], %mul3A_309 {strides = array<i32>} : memref<128x32xf32, #tpu.memory_space<vmem>>, vector<16xf32>,
          %get3A_313 = arith.index_cast %add3A_302 : i32 to index
          %get3A_314 = arith.constant 16 : index
          %get3A_315 = tpu.vector_load %arg21[%get3A_313, %get3A_314] {strides = array<i32>} : memref<128x32xf32, #tpu.memory_space<vmem>>, vector<16xf32>,
          %mul3A_316 = vector.broadcast %squeeze3A_304 : f32 to vector<16xf32>
          %mul3A_317 = arith.mulf %get3A_315, %mul3A_316 : vector<16xf32>
          %swap3A_318 = arith.index_cast %add3A_302 : i32 to index
          %swap3A_319 = arith.constant 16 : index
          %swap3A_320 = tpu.vector_load %arg21[%swap3A_318, %swap3A_319] {strides = array<i32>} : memref<128x32xf32, #tpu.memory_space<vmem>>, vector<16xf32>,
          tpu.vector_store %arg21[%swap3A_318, %swap3A_319], %mul3A_317 {strides = array<i32>} : memref<128x32xf32, #tpu.memory_space<vmem>>, vector<16xf32>,
          %mul3A_321 = arith.constant 16 : i32
          %mul3A_322 = arith.muli %add3A_99, %mul3A_321 : i32
          %add3A_323 = arith.constant 10 : i32
          %add3A_324 = arith.addi %mul3A_322, %add3A_323 : i32
          %slice3A_325 = vector.extract_strided_slice %get3A_103 {offsets = [10], sizes = [1], strides = [1]} : vector<16xf32> to vector<1xf32>
          %squeeze3A_326 = vector.extract %slice3A_325[0] : f32 from vector<1xf32>
          %get3A_327 = arith.index_cast %add3A_324 : i32 to index
          %get3A_328 = arith.constant 0 : index
          %get3A_329 = tpu.vector_load %arg21[%get3A_327, %get3A_328] {strides = array<i32>} : memref<128x32xf32, #tpu.memory_space<vmem>>, vector<16xf32>,
          %mul3A_330 = vector.broadcast %squeeze3A_326 : f32 to vector<16xf32>
          %mul3A_331 = arith.mulf %get3A_329, %mul3A_330 : vector<16xf32>
          %swap3A_332 = arith.index_cast %add3A_324 : i32 to index
          %swap3A_333 = arith.constant 0 : index
          %swap3A_334 = tpu.vector_load %arg21[%swap3A_332, %swap3A_333] {strides = array<i32>} : memref<128x32xf32, #tpu.memory_space<vmem>>, vector<16xf32>,
          tpu.vector_store %arg21[%swap3A_332, %swap3A_333], %mul3A_331 {strides = array<i32>} : memref<128x32xf32, #tpu.memory_space<vmem>>, vector<16xf32>,
          %get3A_335 = arith.index_cast %add3A_324 : i32 to index
          %get3A_336 = arith.constant 16 : index
          %get3A_337 = tpu.vector_load %arg21[%get3A_335, %get3A_336] {strides = array<i32>} : memref<128x32xf32, #tpu.memory_space<vmem>>, vector<16xf32>,
          %mul3A_338 = vector.broadcast %squeeze3A_326 : f32 to vector<16xf32>
          %mul3A_339 = arith.mulf %get3A_337, %mul3A_338 : vector<16xf32>
          %swap3A_340 = arith.index_cast %add3A_324 : i32 to index
          %swap3A_341 = arith.constant 16 : index
          %swap3A_342 = tpu.vector_load %arg21[%swap3A_340, %swap3A_341] {strides = array<i32>} : memref<128x32xf32, #tpu.memory_space<vmem>>, vector<16xf32>,
          tpu.vector_store %arg21[%swap3A_340, %swap3A_341], %mul3A_339 {strides = array<i32>} : memref<128x32xf32, #tpu.memory_space<vmem>>, vector<16xf32>,
          %mul3A_343 = arith.constant 16 : i32
          %mul3A_344 = arith.muli %add3A_99, %mul3A_343 : i32
          %add3A_345 = arith.constant 11 : i32
          %add3A_346 = arith.addi %mul3A_344, %add3A_345 : i32
          %slice3A_347 = vector.extract_strided_slice %get3A_103 {offsets = [11], sizes = [1], strides = [1]} : vector<16xf32> to vector<1xf32>
          %squeeze3A_348 = vector.extract %slice3A_347[0] : f32 from vector<1xf32>
          %get3A_349 = arith.index_cast %add3A_346 : i32 to index
          %get3A_350 = arith.constant 0 : index
          %get3A_351 = tpu.vector_load %arg21[%get3A_349, %get3A_350] {strides = array<i32>} : memref<128x32xf32, #tpu.memory_space<vmem>>, vector<16xf32>,
          %mul3A_352 = vector.broadcast %squeeze3A_348 : f32 to vector<16xf32>
          %mul3A_353 = arith.mulf %get3A_351, %mul3A_352 : vector<16xf32>
          %swap3A_354 = arith.index_cast %add3A_346 : i32 to index
          %swap3A_355 = arith.constant 0 : index
          %swap3A_356 = tpu.vector_load %arg21[%swap3A_354, %swap3A_355] {strides = array<i32>} : memref<128x32xf32, #tpu.memory_space<vmem>>, vector<16xf32>,
          tpu.vector_store %arg21[%swap3A_354, %swap3A_355], %mul3A_353 {strides = array<i32>} : memref<128x32xf32, #tpu.memory_space<vmem>>, vector<16xf32>,
          %get3A_357 = arith.index_cast %add3A_346 : i32 to index
          %get3A_358 = arith.constant 16 : index
          %get3A_359 = tpu.vector_load %arg21[%get3A_357, %get3A_358] {strides = array<i32>} : memref<128x32xf32, #tpu.memory_space<vmem>>, vector<16xf32>,
          %mul3A_360 = vector.broadcast %squeeze3A_348 : f32 to vector<16xf32>
          %mul3A_361 = arith.mulf %get3A_359, %mul3A_360 : vector<16xf32>
          %swap3A_362 = arith.index_cast %add3A_346 : i32 to index
          %swap3A_363 = arith.constant 16 : index
          %swap3A_364 = tpu.vector_load %arg21[%swap3A_362, %swap3A_363] {strides = array<i32>} : memref<128x32xf32, #tpu.memory_space<vmem>>, vector<16xf32>,
          tpu.vector_store %arg21[%swap3A_362, %swap3A_363], %mul3A_361 {strides = array<i32>} : memref<128x32xf32, #tpu.memory_space<vmem>>, vector<16xf32>,
          %mul3A_365 = arith.constant 16 : i32
          %mul3A_366 = arith.muli %add3A_99, %mul3A_365 : i32
          %add3A_367 = arith.constant 12 : i32
          %add3A_368 = arith.addi %mul3A_366, %add3A_367 : i32
          %slice3A_369 = vector.extract_strided_slice %get3A_103 {offsets = [12], sizes = [1], strides = [1]} : vector<16xf32> to vector<1xf32>
          %squeeze3A_370 = vector.extract %slice3A_369[0] : f32 from vector<1xf32>
          %get3A_371 = arith.index_cast %add3A_368 : i32 to index
          %get3A_372 = arith.constant 0 : index
          %get3A_373 = tpu.vector_load %arg21[%get3A_371, %get3A_372] {strides = array<i32>} : memref<128x32xf32, #tpu.memory_space<vmem>>, vector<16xf32>,
          %mul3A_374 = vector.broadcast %squeeze3A_370 : f32 to vector<16xf32>
          %mul3A_375 = arith.mulf %get3A_373, %mul3A_374 : vector<16xf32>
          %swap3A_376 = arith.index_cast %add3A_368 : i32 to index
          %swap3A_377 = arith.constant 0 : index
          %swap3A_378 = tpu.vector_load %arg21[%swap3A_376, %swap3A_377] {strides = array<i32>} : memref<128x32xf32, #tpu.memory_space<vmem>>, vector<16xf32>,
          tpu.vector_store %arg21[%swap3A_376, %swap3A_377], %mul3A_375 {strides = array<i32>} : memref<128x32xf32, #tpu.memory_space<vmem>>, vector<16xf32>,
          %get3A_379 = arith.index_cast %add3A_368 : i32 to index
          %get3A_380 = arith.constant 16 : index
          %get3A_381 = tpu.vector_load %arg21[%get3A_379, %get3A_380] {strides = array<i32>} : memref<128x32xf32, #tpu.memory_space<vmem>>, vector<16xf32>,
          %mul3A_382 = vector.broadcast %squeeze3A_370 : f32 to vector<16xf32>
          %mul3A_383 = arith.mulf %get3A_381, %mul3A_382 : vector<16xf32>
          %swap3A_384 = arith.index_cast %add3A_368 : i32 to index
          %swap3A_385 = arith.constant 16 : index
          %swap3A_386 = tpu.vector_load %arg21[%swap3A_384, %swap3A_385] {strides = array<i32>} : memref<128x32xf32, #tpu.memory_space<vmem>>, vector<16xf32>,
          tpu.vector_store %arg21[%swap3A_384, %swap3A_385], %mul3A_383 {strides = array<i32>} : memref<128x32xf32, #tpu.memory_space<vmem>>, vector<16xf32>,
          %mul3A_387 = arith.constant 16 : i32
          %mul3A_388 = arith.muli %add3A_99, %mul3A_387 : i32
          %add3A_389 = arith.constant 13 : i32
          %add3A_390 = arith.addi %mul3A_388, %add3A_389 : i32
          %slice3A_391 = vector.extract_strided_slice %get3A_103 {offsets = [13], sizes = [1], strides = [1]} : vector<16xf32> to vector<1xf32>
          %squeeze3A_392 = vector.extract %slice3A_391[0] : f32 from vector<1xf32>
          %get3A_393 = arith.index_cast %add3A_390 : i32 to index
          %get3A_394 = arith.constant 0 : index
          %get3A_395 = tpu.vector_load %arg21[%get3A_393, %get3A_394] {strides = array<i32>} : memref<128x32xf32, #tpu.memory_space<vmem>>, vector<16xf32>,
          %mul3A_396 = vector.broadcast %squeeze3A_392 : f32 to vector<16xf32>
          %mul3A_397 = arith.mulf %get3A_395, %mul3A_396 : vector<16xf32>
          %swap3A_398 = arith.index_cast %add3A_390 : i32 to index
          %swap3A_399 = arith.constant 0 : index
          %swap3A_400 = tpu.vector_load %arg21[%swap3A_398, %swap3A_399] {strides = array<i32>} : memref<128x32xf32, #tpu.memory_space<vmem>>, vector<16xf32>,
          tpu.vector_store %arg21[%swap3A_398, %swap3A_399], %mul3A_397 {strides = array<i32>} : memref<128x32xf32, #tpu.memory_space<vmem>>, vector<16xf32>,
          %get3A_401 = arith.index_cast %add3A_390 : i32 to index
          %get3A_402 = arith.constant 16 : index
          %get3A_403 = tpu.vector_load %arg21[%get3A_401, %get3A_402] {strides = array<i32>} : memref<128x32xf32, #tpu.memory_space<vmem>>, vector<16xf32>,
          %mul3A_404 = vector.broadcast %squeeze3A_392 : f32 to vector<16xf32>
          %mul3A_405 = arith.mulf %get3A_403, %mul3A_404 : vector<16xf32>
          %swap3A_406 = arith.index_cast %add3A_390 : i32 to index
          %swap3A_407 = arith.constant 16 : index
          %swap3A_408 = tpu.vector_load %arg21[%swap3A_406, %swap3A_407] {strides = array<i32>} : memref<128x32xf32, #tpu.memory_space<vmem>>, vector<16xf32>,
          tpu.vector_store %arg21[%swap3A_406, %swap3A_407], %mul3A_405 {strides = array<i32>} : memref<128x32xf32, #tpu.memory_space<vmem>>, vector<16xf32>,
          %mul3A_409 = arith.constant 16 : i32
          %mul3A_410 = arith.muli %add3A_99, %mul3A_409 : i32
          %add3A_411 = arith.constant 14 : i32
          %add3A_412 = arith.addi %mul3A_410, %add3A_411 : i32
          %slice3A_413 = vector.extract_strided_slice %get3A_103 {offsets = [14], sizes = [1], strides = [1]} : vector<16xf32> to vector<1xf32>
          %squeeze3A_414 = vector.extract %slice3A_413[0] : f32 from vector<1xf32>
          %get3A_415 = arith.index_cast %add3A_412 : i32 to index
          %get3A_416 = arith.constant 0 : index
          %get3A_417 = tpu.vector_load %arg21[%get3A_415, %get3A_416] {strides = array<i32>} : memref<128x32xf32, #tpu.memory_space<vmem>>, vector<16xf32>,
          %mul3A_418 = vector.broadcast %squeeze3A_414 : f32 to vector<16xf32>
          %mul3A_419 = arith.mulf %get3A_417, %mul3A_418 : vector<16xf32>
          %swap3A_420 = arith.index_cast %add3A_412 : i32 to index
          %swap3A_421 = arith.constant 0 : index
          %swap3A_422 = tpu.vector_load %arg21[%swap3A_420, %swap3A_421] {strides = array<i32>} : memref<128x32xf32, #tpu.memory_space<vmem>>, vector<16xf32>,
          tpu.vector_store %arg21[%swap3A_420, %swap3A_421], %mul3A_419 {strides = array<i32>} : memref<128x32xf32, #tpu.memory_space<vmem>>, vector<16xf32>,
          %get3A_423 = arith.index_cast %add3A_412 : i32 to index
          %get3A_424 = arith.constant 16 : index
          %get3A_425 = tpu.vector_load %arg21[%get3A_423, %get3A_424] {strides = array<i32>} : memref<128x32xf32, #tpu.memory_space<vmem>>, vector<16xf32>,
          %mul3A_426 = vector.broadcast %squeeze3A_414 : f32 to vector<16xf32>
          %mul3A_427 = arith.mulf %get3A_425, %mul3A_426 : vector<16xf32>
          %swap3A_428 = arith.index_cast %add3A_412 : i32 to index
          %swap3A_429 = arith.constant 16 : index
          %swap3A_430 = tpu.vector_load %arg21[%swap3A_428, %swap3A_429] {strides = array<i32>} : memref<128x32xf32, #tpu.memory_space<vmem>>, vector<16xf32>,
          tpu.vector_store %arg21[%swap3A_428, %swap3A_429], %mul3A_427 {strides = array<i32>} : memref<128x32xf32, #tpu.memory_space<vmem>>, vector<16xf32>,
          %mul3A_431 = arith.constant 16 : i32
          %mul3A_432 = arith.muli %add3A_99, %mul3A_431 : i32
          %add3A_433 = arith.constant 15 : i32
          %add3A_434 = arith.addi %mul3A_432, %add3A_433 : i32
          %slice3A_435 = vector.extract_strided_slice %get3A_103 {offsets = [15], sizes = [1], strides = [1]} : vector<16xf32> to vector<1xf32>
          %squeeze3A_436 = vector.extract %slice3A_435[0] : f32 from vector<1xf32>
          %get3A_437 = arith.index_cast %add3A_434 : i32 to index
          %get3A_438 = arith.constant 0 : index
          %get3A_439 = tpu.vector_load %arg21[%get3A_437, %get3A_438] {strides = array<i32>} : memref<128x32xf32, #tpu.memory_space<vmem>>, vector<16xf32>,
          %mul3A_440 = vector.broadcast %squeeze3A_436 : f32 to vector<16xf32>
          %mul3A_441 = arith.mulf %get3A_439, %mul3A_440 : vector<16xf32>
          %swap3A_442 = arith.index_cast %add3A_434 : i32 to index
          %swap3A_443 = arith.constant 0 : index
          %swap3A_444 = tpu.vector_load %arg21[%swap3A_442, %swap3A_443] {strides = array<i32>} : memref<128x32xf32, #tpu.memory_space<vmem>>, vector<16xf32>,
          tpu.vector_store %arg21[%swap3A_442, %swap3A_443], %mul3A_441 {strides = array<i32>} : memref<128x32xf32, #tpu.memory_space<vmem>>, vector<16xf32>,
          %get3A_445 = arith.index_cast %add3A_434 : i32 to index
          %get3A_446 = arith.constant 16 : index
          %get3A_447 = tpu.vector_load %arg21[%get3A_445, %get3A_446] {strides = array<i32>} : memref<128x32xf32, #tpu.memory_space<vmem>>, vector<16xf32>,
          %mul3A_448 = vector.broadcast %squeeze3A_436 : f32 to vector<16xf32>
          %mul3A_449 = arith.mulf %get3A_447, %mul3A_448 : vector<16xf32>
          %swap3A_450 = arith.index_cast %add3A_434 : i32 to index
          %swap3A_451 = arith.constant 16 : index
          %swap3A_452 = tpu.vector_load %arg21[%swap3A_450, %swap3A_451] {strides = array<i32>} : memref<128x32xf32, #tpu.memory_space<vmem>>, vector<16xf32>,
          tpu.vector_store %arg21[%swap3A_450, %swap3A_451], %mul3A_449 {strides = array<i32>} : memref<128x32xf32, #tpu.memory_space<vmem>>, vector<16xf32>,
        }
        %scan3A_94 = arith.constant 8 : i32
        "tpu.region"() ({
          %run_scoped3A = tpu.sem_alloc : memref<!tpu.dma_semaphore, #tpu.memory_space<semaphore_mem>>
          %dma_start3A_95 = arith.constant 0 : i32
          %dma_start3A_96 = tpu.memref_slice %arg18[%add3A_71, %dma_start3A_95] : memref<8x128xi32, #tpu.memory_space<vmem>> -> memref<1x128xi32, #tpu.memory_space<vmem>>
          %dma_start3A_97 = tpu.memref_squeeze %dma_start3A_96 : memref<1x128xi32, #tpu.memory_space<vmem>> -> memref<128xi32, #tpu.memory_space<vmem>>
          %dma_start3A_98 = arith.constant 0 : i32
          %dma_start3A_99 = arith.constant 0 : i32
          %dma_start3A_100 = tpu.memref_slice %arg17[%dma_start3A_98, %dma_start3A_99] : memref<51200x32xf32, #tpu.memory_space<vmem_shared>> -> memref<51200x32xf32, #tpu.memory_space<vmem_shared>>
          tpu.enqueue_indirect_dma source(%arg21 : memref<128x32xf32, #tpu.memory_space<vmem>>) target(%dma_start3A_100 : memref<51200x32xf32, #tpu.memory_space<vmem_shared>>) offsets(%dma_start3A_97 : memref<128xi32, #tpu.memory_space<vmem>>) semaphore(%run_scoped3A : memref<!tpu.dma_semaphore, #tpu.memory_space<semaphore_mem>>) {add = true}
          %dma_wait3A_101 = arith.constant 0 : i32
          %dma_wait3A_102 = tpu.memref_slice %arg18[%add3A_71, %dma_wait3A_101] : memref<8x128xi32, #tpu.memory_space<vmem>> -> memref<1x128xi32, #tpu.memory_space<vmem>>
          %dma_wait3A_103 = tpu.memref_squeeze %dma_wait3A_102 : memref<1x128xi32, #tpu.memory_space<vmem>> -> memref<128xi32, #tpu.memory_space<vmem>>
          %dma_wait3A_104 = arith.constant 0 : i32
          %dma_wait3A_105 = arith.constant 0 : i32
          %dma_wait3A_106 = tpu.memref_slice %arg17[%dma_wait3A_104, %dma_wait3A_105] : memref<51200x32xf32, #tpu.memory_space<vmem_shared>> -> memref<51200x32xf32, #tpu.memory_space<vmem_shared>>
          tpu.wait_indirect_dma semaphore(%run_scoped3A : memref<!tpu.dma_semaphore, #tpu.memory_space<semaphore_mem>>) src(%arg21 : memref<128x32xf32, #tpu.memory_space<vmem>>) dst(%dma_wait3A_106 : memref<51200x32xf32, #tpu.memory_space<vmem_shared>>)
          tpu.yield
        }) : () -> ()
      }
      %scan3A_66 = arith.constant 8 : i32
    }
    %scan3A_25 = arith.constant 50 : i32
    %barrier3A_26 = arith.constant 0 : index
    tpu.barrier barrier_id(%barrier3A_26)
    %scan3A_27 = arith.constant 0 : i32
    %scan3A_28 = arith.constant 25 : i32
    %scan3A_29 = arith.addi %scan3A_27, %scan3A_28 : i32
    %scan3A_30 = arith.constant 1 : i32
    scf.for %scan3A_53 = %scan3A_27 to %scan3A_29 step %scan3A_30  : i32 {
      %mul3A_54 = arith.constant 1 : i32
      %mul3A_55 = arith.muli %scan3A_53, %mul3A_54 : i32
      %add3A = arith.constant 0 : i32
      %add3A_56 = arith.addi %add3A, %mul3A_55 : i32
      %mul3A_57 = arith.constant 3200 : i32
      %mul3A_58 = arith.muli %arg1, %mul3A_57 : i32
      %mul3A_59 = arith.constant 128 : i32
      %mul3A_60 = arith.muli %add3A_56, %mul3A_59 : i32
      %add3A_61 = arith.addi %mul3A_58, %mul3A_60 : i32
      "tpu.region"() ({
        %run_scoped3A_70 = tpu.sem_alloc : memref<!tpu.dma_semaphore, #tpu.memory_space<semaphore_mem>>
        %dma_start3A = arith.constant 0 : i32
        %dma_start3A_71 = tpu.memref_slice %arg17[%add3A_61, %dma_start3A] : memref<51200x32xf32, #tpu.memory_space<vmem_shared>> -> memref<128x32xf32, #tpu.memory_space<vmem_shared>>
        %dma_start3A_72 = arith.constant 0 : i32
        %dma_start3A_73 = tpu.memref_slice %arg17[%add3A_61, %dma_start3A_72] : memref<51200x32xf32, #tpu.memory_space<vmem_shared>> -> memref<128x32xf32, #tpu.memory_space<vmem_shared>>
        tpu.enqueue_dma source(%dma_start3A_73 : memref<128x32xf32, #tpu.memory_space<vmem_shared>>) target(%arg23 : memref<128x32xf32, #tpu.memory_space<vmem>>) target_semaphore(%run_scoped3A_70 : memref<!tpu.dma_semaphore, #tpu.memory_space<semaphore_mem>>)
        %dma_wait3A = arith.constant 0 : i32
        %dma_wait3A_74 = tpu.memref_slice %arg17[%add3A_61, %dma_wait3A] : memref<51200x32xf32, #tpu.memory_space<vmem_shared>> -> memref<128x32xf32, #tpu.memory_space<vmem_shared>>
        %dma_wait3A_75 = arith.constant 0 : i32
        %dma_wait3A_76 = tpu.memref_slice %arg17[%add3A_61, %dma_wait3A_75] : memref<51200x32xf32, #tpu.memory_space<vmem_shared>> -> memref<128x32xf32, #tpu.memory_space<vmem_shared>>
        tpu.wait_dma2 semaphore(%run_scoped3A_70 : memref<!tpu.dma_semaphore, #tpu.memory_space<semaphore_mem>>) src(%dma_wait3A_76 : memref<128x32xf32, #tpu.memory_space<vmem_shared>>) dst(%arg23 : memref<128x32xf32, #tpu.memory_space<vmem>>)
        tpu.yield
      }) : () -> ()
      "tpu.region"() ({
        %run_scoped3A_70 = tpu.sem_alloc : memref<!tpu.dma_semaphore, #tpu.memory_space<semaphore_mem>>
        %dma_start3A = arith.constant 0 : i32
        %dma_start3A_71 = tpu.memref_slice %arg17[%add3A_61, %dma_start3A] : memref<51200x32xf32, #tpu.memory_space<vmem_shared>> -> memref<128x32xf32, #tpu.memory_space<vmem_shared>>
        %dma_start3A_72 = arith.constant 0 : i32
        %dma_start3A_73 = tpu.memref_slice %arg17[%add3A_61, %dma_start3A_72] : memref<51200x32xf32, #tpu.memory_space<vmem_shared>> -> memref<128x32xf32, #tpu.memory_space<vmem_shared>>
        tpu.enqueue_dma source(%arg27 : memref<128x32xf32, #tpu.memory_space<vmem>>) target(%dma_start3A_73 : memref<128x32xf32, #tpu.memory_space<vmem_shared>>) target_semaphore(%run_scoped3A_70 : memref<!tpu.dma_semaphore, #tpu.memory_space<semaphore_mem>>)
        %dma_wait3A = arith.constant 0 : i32
        %dma_wait3A_74 = tpu.memref_slice %arg17[%add3A_61, %dma_wait3A] : memref<51200x32xf32, #tpu.memory_space<vmem_shared>> -> memref<128x32xf32, #tpu.memory_space<vmem_shared>>
        %dma_wait3A_75 = arith.constant 0 : i32
        %dma_wait3A_76 = tpu.memref_slice %arg17[%add3A_61, %dma_wait3A_75] : memref<51200x32xf32, #tpu.memory_space<vmem_shared>> -> memref<128x32xf32, #tpu.memory_space<vmem_shared>>
        tpu.wait_dma2 semaphore(%run_scoped3A_70 : memref<!tpu.dma_semaphore, #tpu.memory_space<semaphore_mem>>) src(%arg27 : memref<128x32xf32, #tpu.memory_space<vmem>>) dst(%dma_wait3A_76 : memref<128x32xf32, #tpu.memory_space<vmem_shared>>)
        tpu.yield
      }) : () -> ()
      %mul3A_62 = arith.constant 25 : i32
      %mul3A_63 = arith.muli %arg1, %mul3A_62 : i32
      %add3A_64 = arith.addi %mul3A_63, %add3A_56 : i32
      %run_scoped3A = arith.constant 0 : i32
      "tpu.region"() ({
        %run_scoped3A_70 = tpu.sem_alloc : memref<!tpu.dma_semaphore, #tpu.memory_space<semaphore_mem>>
        %dma_start3A = arith.constant 0 : i32
        %dma_start3A_71 = arith.constant 0 : i32
        %dma_start3A_72 = tpu.memref_slice %arg12[%run_scoped3A, %dma_start3A, %dma_start3A_71] : memref<2x400x128xf32, #tpu.memory_space<hbm>> -> memref<1x400x128xf32, #tpu.memory_space<hbm>>
        %dma_start3A_73 = tpu.memref_squeeze %dma_start3A_72 : memref<1x400x128xf32, #tpu.memory_space<hbm>> -> memref<400x128xf32, #tpu.memory_space<hbm>>
        %dma_start3A_74 = arith.constant 0 : i32
        %dma_start3A_75 = tpu.memref_slice %dma_start3A_73[%add3A_64, %dma_start3A_74] : memref<400x128xf32, #tpu.memory_space<hbm>> -> memref<1x128xf32, #tpu.memory_space<hbm>>
        %dma_start3A_76 = arith.constant 0 : i32
        %dma_start3A_77 = arith.constant 0 : i32
        %dma_start3A_78 = tpu.memref_slice %arg12[%run_scoped3A, %dma_start3A_76, %dma_start3A_77] : memref<2x400x128xf32, #tpu.memory_space<hbm>> -> memref<1x400x128xf32, #tpu.memory_space<hbm>>
        %dma_start3A_79 = tpu.memref_squeeze %dma_start3A_78 : memref<1x400x128xf32, #tpu.memory_space<hbm>> -> memref<400x128xf32, #tpu.memory_space<hbm>>
        %dma_start3A_80 = arith.constant 0 : i32
        %dma_start3A_81 = tpu.memref_slice %dma_start3A_79[%add3A_64, %dma_start3A_80] : memref<400x128xf32, #tpu.memory_space<hbm>> -> memref<1x128xf32, #tpu.memory_space<hbm>>
        tpu.enqueue_dma source(%dma_start3A_81 : memref<1x128xf32, #tpu.memory_space<hbm>>) target(%arg26 : memref<1x128xf32, #tpu.memory_space<vmem>>) target_semaphore(%run_scoped3A_70 : memref<!tpu.dma_semaphore, #tpu.memory_space<semaphore_mem>>)
        %dma_wait3A = arith.constant 0 : i32
        %dma_wait3A_82 = arith.constant 0 : i32
        %dma_wait3A_83 = tpu.memref_slice %arg12[%run_scoped3A, %dma_wait3A, %dma_wait3A_82] : memref<2x400x128xf32, #tpu.memory_space<hbm>> -> memref<1x400x128xf32, #tpu.memory_space<hbm>>
        %dma_wait3A_84 = tpu.memref_squeeze %dma_wait3A_83 : memref<1x400x128xf32, #tpu.memory_space<hbm>> -> memref<400x128xf32, #tpu.memory_space<hbm>>
        %dma_wait3A_85 = arith.constant 0 : i32
        %dma_wait3A_86 = tpu.memref_slice %dma_wait3A_84[%add3A_64, %dma_wait3A_85] : memref<400x128xf32, #tpu.memory_space<hbm>> -> memref<1x128xf32, #tpu.memory_space<hbm>>
        %dma_wait3A_87 = arith.constant 0 : i32
        %dma_wait3A_88 = arith.constant 0 : i32
        %dma_wait3A_89 = tpu.memref_slice %arg12[%run_scoped3A, %dma_wait3A_87, %dma_wait3A_88] : memref<2x400x128xf32, #tpu.memory_space<hbm>> -> memref<1x400x128xf32, #tpu.memory_space<hbm>>
        %dma_wait3A_90 = tpu.memref_squeeze %dma_wait3A_89 : memref<1x400x128xf32, #tpu.memory_space<hbm>> -> memref<400x128xf32, #tpu.memory_space<hbm>>
        %dma_wait3A_91 = arith.constant 0 : i32
        %dma_wait3A_92 = tpu.memref_slice %dma_wait3A_90[%add3A_64, %dma_wait3A_91] : memref<400x128xf32, #tpu.memory_space<hbm>> -> memref<1x128xf32, #tpu.memory_space<hbm>>
        tpu.wait_dma2 semaphore(%run_scoped3A_70 : memref<!tpu.dma_semaphore, #tpu.memory_space<semaphore_mem>>) src(%dma_wait3A_92 : memref<1x128xf32, #tpu.memory_space<hbm>>) dst(%arg26 : memref<1x128xf32, #tpu.memory_space<vmem>>)
        tpu.yield
      }) : () -> ()
      "tpu.region"() ({
        %run_scoped3A_70 = tpu.sem_alloc : memref<!tpu.dma_semaphore, #tpu.memory_space<semaphore_mem>>
        %dma_start3A = arith.constant 0 : i32
        %dma_start3A_71 = arith.constant 0 : i32
        %dma_start3A_72 = tpu.memref_slice %arg8[%arg0, %dma_start3A, %dma_start3A_71] : memref<2x51200x32xf32, #tpu.memory_space<hbm>> -> memref<1x51200x32xf32, #tpu.memory_space<hbm>>
        %dma_start3A_73 = tpu.memref_squeeze %dma_start3A_72 : memref<1x51200x32xf32, #tpu.memory_space<hbm>> -> memref<51200x32xf32, #tpu.memory_space<hbm>>
        %dma_start3A_74 = arith.constant 0 : i32
        %dma_start3A_75 = tpu.memref_slice %dma_start3A_73[%add3A_61, %dma_start3A_74] : memref<51200x32xf32, #tpu.memory_space<hbm>> -> memref<128x32xf32, #tpu.memory_space<hbm>>
        %dma_start3A_76 = arith.constant 0 : i32
        %dma_start3A_77 = arith.constant 0 : i32
        %dma_start3A_78 = tpu.memref_slice %arg8[%arg0, %dma_start3A_76, %dma_start3A_77] : memref<2x51200x32xf32, #tpu.memory_space<hbm>> -> memref<1x51200x32xf32, #tpu.memory_space<hbm>>
        %dma_start3A_79 = tpu.memref_squeeze %dma_start3A_78 : memref<1x51200x32xf32, #tpu.memory_space<hbm>> -> memref<51200x32xf32, #tpu.memory_space<hbm>>
        %dma_start3A_80 = arith.constant 0 : i32
        %dma_start3A_81 = tpu.memref_slice %dma_start3A_79[%add3A_61, %dma_start3A_80] : memref<51200x32xf32, #tpu.memory_space<hbm>> -> memref<128x32xf32, #tpu.memory_space<hbm>>
        tpu.enqueue_dma source(%dma_start3A_81 : memref<128x32xf32, #tpu.memory_space<hbm>>) target(%arg24 : memref<128x32xf32, #tpu.memory_space<vmem>>) target_semaphore(%run_scoped3A_70 : memref<!tpu.dma_semaphore, #tpu.memory_space<semaphore_mem>>)
        %dma_wait3A = arith.constant 0 : i32
        %dma_wait3A_82 = arith.constant 0 : i32
        %dma_wait3A_83 = tpu.memref_slice %arg8[%arg0, %dma_wait3A, %dma_wait3A_82] : memref<2x51200x32xf32, #tpu.memory_space<hbm>> -> memref<1x51200x32xf32, #tpu.memory_space<hbm>>
        %dma_wait3A_84 = tpu.memref_squeeze %dma_wait3A_83 : memref<1x51200x32xf32, #tpu.memory_space<hbm>> -> memref<51200x32xf32, #tpu.memory_space<hbm>>
        %dma_wait3A_85 = arith.constant 0 : i32
        %dma_wait3A_86 = tpu.memref_slice %dma_wait3A_84[%add3A_61, %dma_wait3A_85] : memref<51200x32xf32, #tpu.memory_space<hbm>> -> memref<128x32xf32, #tpu.memory_space<hbm>>
        %dma_wait3A_87 = arith.constant 0 : i32
        %dma_wait3A_88 = arith.constant 0 : i32
        %dma_wait3A_89 = tpu.memref_slice %arg8[%arg0, %dma_wait3A_87, %dma_wait3A_88] : memref<2x51200x32xf32, #tpu.memory_space<hbm>> -> memref<1x51200x32xf32, #tpu.memory_space<hbm>>
        %dma_wait3A_90 = tpu.memref_squeeze %dma_wait3A_89 : memref<1x51200x32xf32, #tpu.memory_space<hbm>> -> memref<51200x32xf32, #tpu.memory_space<hbm>>
        %dma_wait3A_91 = arith.constant 0 : i32
        %dma_wait3A_92 = tpu.memref_slice %dma_wait3A_90[%add3A_61, %dma_wait3A_91] : memref<51200x32xf32, #tpu.memory_space<hbm>> -> memref<128x32xf32, #tpu.memory_space<hbm>>
        tpu.wait_dma2 semaphore(%run_scoped3A_70 : memref<!tpu.dma_semaphore, #tpu.memory_space<semaphore_mem>>) src(%dma_wait3A_92 : memref<128x32xf32, #tpu.memory_space<hbm>>) dst(%arg24 : memref<128x32xf32, #tpu.memory_space<vmem>>)
        tpu.yield
      }) : () -> ()
      %scan3A_65 = arith.constant 0 : i32
      %scan3A_66 = arith.constant 8 : i32
      %scan3A_67 = arith.addi %scan3A_65, %scan3A_66 : i32
      %scan3A_68 = arith.constant 1 : i32
      scf.for %scan3A_70 = %scan3A_65 to %scan3A_67 step %scan3A_68  : i32 {
        %mul3A_71 = arith.constant 1 : i32
        %mul3A_72 = arith.muli %scan3A_70, %mul3A_71 : i32
        %add3A_73 = arith.constant 0 : i32
        %add3A_74 = arith.addi %add3A_73, %mul3A_72 : i32
        %mul3A_75 = arith.constant 16 : i32
        %mul3A_76 = arith.muli %add3A_74, %mul3A_75 : i32
        %get3A = arith.constant 0 : i32
        %get3A_77 = arith.index_cast %get3A : i32 to index
        %get3A_78 = arith.index_cast %mul3A_76 : i32 to index
        %get3A_79 = tpu.vector_load %arg26[%get3A_77, %get3A_78] {strides = array<i32>} : memref<1x128xf32, #tpu.memory_space<vmem>>, vector<16xf32>,
        %mul3A_80 = arith.constant 16 : i32
        %mul3A_81 = arith.muli %add3A_74, %mul3A_80 : i32
        %add3A_82 = arith.constant 0 : i32
        %add3A_83 = arith.addi %mul3A_81, %add3A_82 : i32
        %slice3A = vector.extract_strided_slice %get3A_79 {offsets = [0], sizes = [1], strides = [1]} : vector<16xf32> to vector<1xf32>
        %squeeze3A = vector.extract %slice3A[0] : f32 from vector<1xf32>
        %get3A_84 = arith.index_cast %add3A_83 : i32 to index
        %get3A_85 = arith.constant 0 : index
        %get3A_86 = tpu.vector_load %arg23[%get3A_84, %get3A_85] {strides = array<i32>} : memref<128x32xf32, #tpu.memory_space<vmem>>, vector<16xf32>,
        %mul3A_87 = vector.broadcast %squeeze3A : f32 to vector<16xf32>
        %mul3A_88 = arith.mulf %get3A_86, %mul3A_87 : vector<16xf32>
        %get3A_89 = arith.index_cast %add3A_83 : i32 to index
        %get3A_90 = arith.constant 16 : index
        %get3A_91 = tpu.vector_load %arg23[%get3A_89, %get3A_90] {strides = array<i32>} : memref<128x32xf32, #tpu.memory_space<vmem>>, vector<16xf32>,
        %mul3A_92 = vector.broadcast %squeeze3A : f32 to vector<16xf32>
        %mul3A_93 = arith.mulf %get3A_91, %mul3A_92 : vector<16xf32>
        %get3A_94 = arith.index_cast %add3A_83 : i32 to index
        %get3A_95 = arith.constant 0 : index
        %get3A_96 = tpu.vector_load %arg24[%get3A_94, %get3A_95] {strides = array<i32>} : memref<128x32xf32, #tpu.memory_space<vmem>>, vector<16xf32>,
        %add3A_97 = arith.addf %mul3A_88, %get3A_96 : vector<16xf32>
        %get3A_98 = arith.index_cast %add3A_83 : i32 to index
        %get3A_99 = arith.constant 16 : index
        %get3A_100 = tpu.vector_load %arg24[%get3A_98, %get3A_99] {strides = array<i32>} : memref<128x32xf32, #tpu.memory_space<vmem>>, vector<16xf32>,
        %add3A_101 = arith.addf %mul3A_93, %get3A_100 : vector<16xf32>
        %swap3A = arith.index_cast %add3A_83 : i32 to index
        %swap3A_102 = arith.constant 0 : index
        %swap3A_103 = tpu.vector_load %arg25[%swap3A, %swap3A_102] {strides = array<i32>} : memref<128x32xf32, #tpu.memory_space<vmem>>, vector<16xf32>,
        tpu.vector_store %arg25[%swap3A, %swap3A_102], %add3A_97 {strides = array<i32>} : memref<128x32xf32, #tpu.memory_space<vmem>>, vector<16xf32>,
        %swap3A_104 = arith.index_cast %add3A_83 : i32 to index
        %swap3A_105 = arith.constant 16 : index
        %swap3A_106 = tpu.vector_load %arg25[%swap3A_104, %swap3A_105] {strides = array<i32>} : memref<128x32xf32, #tpu.memory_space<vmem>>, vector<16xf32>,
        tpu.vector_store %arg25[%swap3A_104, %swap3A_105], %add3A_101 {strides = array<i32>} : memref<128x32xf32, #tpu.memory_space<vmem>>, vector<16xf32>,
        %mul3A_107 = arith.constant 16 : i32
        %mul3A_108 = arith.muli %add3A_74, %mul3A_107 : i32
        %add3A_109 = arith.constant 1 : i32
        %add3A_110 = arith.addi %mul3A_108, %add3A_109 : i32
        %slice3A_111 = vector.extract_strided_slice %get3A_79 {offsets = [1], sizes = [1], strides = [1]} : vector<16xf32> to vector<1xf32>
        %squeeze3A_112 = vector.extract %slice3A_111[0] : f32 from vector<1xf32>
        %get3A_113 = arith.index_cast %add3A_110 : i32 to index
        %get3A_114 = arith.constant 0 : index
        %get3A_115 = tpu.vector_load %arg23[%get3A_113, %get3A_114] {strides = array<i32>} : memref<128x32xf32, #tpu.memory_space<vmem>>, vector<16xf32>,
        %mul3A_116 = vector.broadcast %squeeze3A_112 : f32 to vector<16xf32>
        %mul3A_117 = arith.mulf %get3A_115, %mul3A_116 : vector<16xf32>
        %get3A_118 = arith.index_cast %add3A_110 : i32 to index
        %get3A_119 = arith.constant 16 : index
        %get3A_120 = tpu.vector_load %arg23[%get3A_118, %get3A_119] {strides = array<i32>} : memref<128x32xf32, #tpu.memory_space<vmem>>, vector<16xf32>,
        %mul3A_121 = vector.broadcast %squeeze3A_112 : f32 to vector<16xf32>
        %mul3A_122 = arith.mulf %get3A_120, %mul3A_121 : vector<16xf32>
        %get3A_123 = arith.index_cast %add3A_110 : i32 to index
        %get3A_124 = arith.constant 0 : index
        %get3A_125 = tpu.vector_load %arg24[%get3A_123, %get3A_124] {strides = array<i32>} : memref<128x32xf32, #tpu.memory_space<vmem>>, vector<16xf32>,
        %add3A_126 = arith.addf %mul3A_117, %get3A_125 : vector<16xf32>
        %get3A_127 = arith.index_cast %add3A_110 : i32 to index
        %get3A_128 = arith.constant 16 : index
        %get3A_129 = tpu.vector_load %arg24[%get3A_127, %get3A_128] {strides = array<i32>} : memref<128x32xf32, #tpu.memory_space<vmem>>, vector<16xf32>,
        %add3A_130 = arith.addf %mul3A_122, %get3A_129 : vector<16xf32>
        %swap3A_131 = arith.index_cast %add3A_110 : i32 to index
        %swap3A_132 = arith.constant 0 : index
        %swap3A_133 = tpu.vector_load %arg25[%swap3A_131, %swap3A_132] {strides = array<i32>} : memref<128x32xf32, #tpu.memory_space<vmem>>, vector<16xf32>,
        tpu.vector_store %arg25[%swap3A_131, %swap3A_132], %add3A_126 {strides = array<i32>} : memref<128x32xf32, #tpu.memory_space<vmem>>, vector<16xf32>,
        %swap3A_134 = arith.index_cast %add3A_110 : i32 to index
        %swap3A_135 = arith.constant 16 : index
        %swap3A_136 = tpu.vector_load %arg25[%swap3A_134, %swap3A_135] {strides = array<i32>} : memref<128x32xf32, #tpu.memory_space<vmem>>, vector<16xf32>,
        tpu.vector_store %arg25[%swap3A_134, %swap3A_135], %add3A_130 {strides = array<i32>} : memref<128x32xf32, #tpu.memory_space<vmem>>, vector<16xf32>,
        %mul3A_137 = arith.constant 16 : i32
        %mul3A_138 = arith.muli %add3A_74, %mul3A_137 : i32
        %add3A_139 = arith.constant 2 : i32
        %add3A_140 = arith.addi %mul3A_138, %add3A_139 : i32
        %slice3A_141 = vector.extract_strided_slice %get3A_79 {offsets = [2], sizes = [1], strides = [1]} : vector<16xf32> to vector<1xf32>
        %squeeze3A_142 = vector.extract %slice3A_141[0] : f32 from vector<1xf32>
        %get3A_143 = arith.index_cast %add3A_140 : i32 to index
        %get3A_144 = arith.constant 0 : index
        %get3A_145 = tpu.vector_load %arg23[%get3A_143, %get3A_144] {strides = array<i32>} : memref<128x32xf32, #tpu.memory_space<vmem>>, vector<16xf32>,
        %mul3A_146 = vector.broadcast %squeeze3A_142 : f32 to vector<16xf32>
        %mul3A_147 = arith.mulf %get3A_145, %mul3A_146 : vector<16xf32>
        %get3A_148 = arith.index_cast %add3A_140 : i32 to index
        %get3A_149 = arith.constant 16 : index
        %get3A_150 = tpu.vector_load %arg23[%get3A_148, %get3A_149] {strides = array<i32>} : memref<128x32xf32, #tpu.memory_space<vmem>>, vector<16xf32>,
        %mul3A_151 = vector.broadcast %squeeze3A_142 : f32 to vector<16xf32>
        %mul3A_152 = arith.mulf %get3A_150, %mul3A_151 : vector<16xf32>
        %get3A_153 = arith.index_cast %add3A_140 : i32 to index
        %get3A_154 = arith.constant 0 : index
        %get3A_155 = tpu.vector_load %arg24[%get3A_153, %get3A_154] {strides = array<i32>} : memref<128x32xf32, #tpu.memory_space<vmem>>, vector<16xf32>,
        %add3A_156 = arith.addf %mul3A_147, %get3A_155 : vector<16xf32>
        %get3A_157 = arith.index_cast %add3A_140 : i32 to index
        %get3A_158 = arith.constant 16 : index
        %get3A_159 = tpu.vector_load %arg24[%get3A_157, %get3A_158] {strides = array<i32>} : memref<128x32xf32, #tpu.memory_space<vmem>>, vector<16xf32>,
        %add3A_160 = arith.addf %mul3A_152, %get3A_159 : vector<16xf32>
        %swap3A_161 = arith.index_cast %add3A_140 : i32 to index
        %swap3A_162 = arith.constant 0 : index
        %swap3A_163 = tpu.vector_load %arg25[%swap3A_161, %swap3A_162] {strides = array<i32>} : memref<128x32xf32, #tpu.memory_space<vmem>>, vector<16xf32>,
        tpu.vector_store %arg25[%swap3A_161, %swap3A_162], %add3A_156 {strides = array<i32>} : memref<128x32xf32, #tpu.memory_space<vmem>>, vector<16xf32>,
        %swap3A_164 = arith.index_cast %add3A_140 : i32 to index
        %swap3A_165 = arith.constant 16 : index
        %swap3A_166 = tpu.vector_load %arg25[%swap3A_164, %swap3A_165] {strides = array<i32>} : memref<128x32xf32, #tpu.memory_space<vmem>>, vector<16xf32>,
        tpu.vector_store %arg25[%swap3A_164, %swap3A_165], %add3A_160 {strides = array<i32>} : memref<128x32xf32, #tpu.memory_space<vmem>>, vector<16xf32>,
        %mul3A_167 = arith.constant 16 : i32
        %mul3A_168 = arith.muli %add3A_74, %mul3A_167 : i32
        %add3A_169 = arith.constant 3 : i32
        %add3A_170 = arith.addi %mul3A_168, %add3A_169 : i32
        %slice3A_171 = vector.extract_strided_slice %get3A_79 {offsets = [3], sizes = [1], strides = [1]} : vector<16xf32> to vector<1xf32>
        %squeeze3A_172 = vector.extract %slice3A_171[0] : f32 from vector<1xf32>
        %get3A_173 = arith.index_cast %add3A_170 : i32 to index
        %get3A_174 = arith.constant 0 : index
        %get3A_175 = tpu.vector_load %arg23[%get3A_173, %get3A_174] {strides = array<i32>} : memref<128x32xf32, #tpu.memory_space<vmem>>, vector<16xf32>,
        %mul3A_176 = vector.broadcast %squeeze3A_172 : f32 to vector<16xf32>
        %mul3A_177 = arith.mulf %get3A_175, %mul3A_176 : vector<16xf32>
        %get3A_178 = arith.index_cast %add3A_170 : i32 to index
        %get3A_179 = arith.constant 16 : index
        %get3A_180 = tpu.vector_load %arg23[%get3A_178, %get3A_179] {strides = array<i32>} : memref<128x32xf32, #tpu.memory_space<vmem>>, vector<16xf32>,
        %mul3A_181 = vector.broadcast %squeeze3A_172 : f32 to vector<16xf32>
        %mul3A_182 = arith.mulf %get3A_180, %mul3A_181 : vector<16xf32>
        %get3A_183 = arith.index_cast %add3A_170 : i32 to index
        %get3A_184 = arith.constant 0 : index
        %get3A_185 = tpu.vector_load %arg24[%get3A_183, %get3A_184] {strides = array<i32>} : memref<128x32xf32, #tpu.memory_space<vmem>>, vector<16xf32>,
        %add3A_186 = arith.addf %mul3A_177, %get3A_185 : vector<16xf32>
        %get3A_187 = arith.index_cast %add3A_170 : i32 to index
        %get3A_188 = arith.constant 16 : index
        %get3A_189 = tpu.vector_load %arg24[%get3A_187, %get3A_188] {strides = array<i32>} : memref<128x32xf32, #tpu.memory_space<vmem>>, vector<16xf32>,
        %add3A_190 = arith.addf %mul3A_182, %get3A_189 : vector<16xf32>
        %swap3A_191 = arith.index_cast %add3A_170 : i32 to index
        %swap3A_192 = arith.constant 0 : index
        %swap3A_193 = tpu.vector_load %arg25[%swap3A_191, %swap3A_192] {strides = array<i32>} : memref<128x32xf32, #tpu.memory_space<vmem>>, vector<16xf32>,
        tpu.vector_store %arg25[%swap3A_191, %swap3A_192], %add3A_186 {strides = array<i32>} : memref<128x32xf32, #tpu.memory_space<vmem>>, vector<16xf32>,
        %swap3A_194 = arith.index_cast %add3A_170 : i32 to index
        %swap3A_195 = arith.constant 16 : index
        %swap3A_196 = tpu.vector_load %arg25[%swap3A_194, %swap3A_195] {strides = array<i32>} : memref<128x32xf32, #tpu.memory_space<vmem>>, vector<16xf32>,
        tpu.vector_store %arg25[%swap3A_194, %swap3A_195], %add3A_190 {strides = array<i32>} : memref<128x32xf32, #tpu.memory_space<vmem>>, vector<16xf32>,
        %mul3A_197 = arith.constant 16 : i32
        %mul3A_198 = arith.muli %add3A_74, %mul3A_197 : i32
        %add3A_199 = arith.constant 4 : i32
        %add3A_200 = arith.addi %mul3A_198, %add3A_199 : i32
        %slice3A_201 = vector.extract_strided_slice %get3A_79 {offsets = [4], sizes = [1], strides = [1]} : vector<16xf32> to vector<1xf32>
        %squeeze3A_202 = vector.extract %slice3A_201[0] : f32 from vector<1xf32>
        %get3A_203 = arith.index_cast %add3A_200 : i32 to index
        %get3A_204 = arith.constant 0 : index
        %get3A_205 = tpu.vector_load %arg23[%get3A_203, %get3A_204] {strides = array<i32>} : memref<128x32xf32, #tpu.memory_space<vmem>>, vector<16xf32>,
        %mul3A_206 = vector.broadcast %squeeze3A_202 : f32 to vector<16xf32>
        %mul3A_207 = arith.mulf %get3A_205, %mul3A_206 : vector<16xf32>
        %get3A_208 = arith.index_cast %add3A_200 : i32 to index
        %get3A_209 = arith.constant 16 : index
        %get3A_210 = tpu.vector_load %arg23[%get3A_208, %get3A_209] {strides = array<i32>} : memref<128x32xf32, #tpu.memory_space<vmem>>, vector<16xf32>,
        %mul3A_211 = vector.broadcast %squeeze3A_202 : f32 to vector<16xf32>
        %mul3A_212 = arith.mulf %get3A_210, %mul3A_211 : vector<16xf32>
        %get3A_213 = arith.index_cast %add3A_200 : i32 to index
        %get3A_214 = arith.constant 0 : index
        %get3A_215 = tpu.vector_load %arg24[%get3A_213, %get3A_214] {strides = array<i32>} : memref<128x32xf32, #tpu.memory_space<vmem>>, vector<16xf32>,
        %add3A_216 = arith.addf %mul3A_207, %get3A_215 : vector<16xf32>
        %get3A_217 = arith.index_cast %add3A_200 : i32 to index
        %get3A_218 = arith.constant 16 : index
        %get3A_219 = tpu.vector_load %arg24[%get3A_217, %get3A_218] {strides = array<i32>} : memref<128x32xf32, #tpu.memory_space<vmem>>, vector<16xf32>,
        %add3A_220 = arith.addf %mul3A_212, %get3A_219 : vector<16xf32>
        %swap3A_221 = arith.index_cast %add3A_200 : i32 to index
        %swap3A_222 = arith.constant 0 : index
        %swap3A_223 = tpu.vector_load %arg25[%swap3A_221, %swap3A_222] {strides = array<i32>} : memref<128x32xf32, #tpu.memory_space<vmem>>, vector<16xf32>,
        tpu.vector_store %arg25[%swap3A_221, %swap3A_222], %add3A_216 {strides = array<i32>} : memref<128x32xf32, #tpu.memory_space<vmem>>, vector<16xf32>,
        %swap3A_224 = arith.index_cast %add3A_200 : i32 to index
        %swap3A_225 = arith.constant 16 : index
        %swap3A_226 = tpu.vector_load %arg25[%swap3A_224, %swap3A_225] {strides = array<i32>} : memref<128x32xf32, #tpu.memory_space<vmem>>, vector<16xf32>,
        tpu.vector_store %arg25[%swap3A_224, %swap3A_225], %add3A_220 {strides = array<i32>} : memref<128x32xf32, #tpu.memory_space<vmem>>, vector<16xf32>,
        %mul3A_227 = arith.constant 16 : i32
        %mul3A_228 = arith.muli %add3A_74, %mul3A_227 : i32
        %add3A_229 = arith.constant 5 : i32
        %add3A_230 = arith.addi %mul3A_228, %add3A_229 : i32
        %slice3A_231 = vector.extract_strided_slice %get3A_79 {offsets = [5], sizes = [1], strides = [1]} : vector<16xf32> to vector<1xf32>
        %squeeze3A_232 = vector.extract %slice3A_231[0] : f32 from vector<1xf32>
        %get3A_233 = arith.index_cast %add3A_230 : i32 to index
        %get3A_234 = arith.constant 0 : index
        %get3A_235 = tpu.vector_load %arg23[%get3A_233, %get3A_234] {strides = array<i32>} : memref<128x32xf32, #tpu.memory_space<vmem>>, vector<16xf32>,
        %mul3A_236 = vector.broadcast %squeeze3A_232 : f32 to vector<16xf32>
        %mul3A_237 = arith.mulf %get3A_235, %mul3A_236 : vector<16xf32>
        %get3A_238 = arith.index_cast %add3A_230 : i32 to index
        %get3A_239 = arith.constant 16 : index
        %get3A_240 = tpu.vector_load %arg23[%get3A_238, %get3A_239] {strides = array<i32>} : memref<128x32xf32, #tpu.memory_space<vmem>>, vector<16xf32>,
        %mul3A_241 = vector.broadcast %squeeze3A_232 : f32 to vector<16xf32>
        %mul3A_242 = arith.mulf %get3A_240, %mul3A_241 : vector<16xf32>
        %get3A_243 = arith.index_cast %add3A_230 : i32 to index
        %get3A_244 = arith.constant 0 : index
        %get3A_245 = tpu.vector_load %arg24[%get3A_243, %get3A_244] {strides = array<i32>} : memref<128x32xf32, #tpu.memory_space<vmem>>, vector<16xf32>,
        %add3A_246 = arith.addf %mul3A_237, %get3A_245 : vector<16xf32>
        %get3A_247 = arith.index_cast %add3A_230 : i32 to index
        %get3A_248 = arith.constant 16 : index
        %get3A_249 = tpu.vector_load %arg24[%get3A_247, %get3A_248] {strides = array<i32>} : memref<128x32xf32, #tpu.memory_space<vmem>>, vector<16xf32>,
        %add3A_250 = arith.addf %mul3A_242, %get3A_249 : vector<16xf32>
        %swap3A_251 = arith.index_cast %add3A_230 : i32 to index
        %swap3A_252 = arith.constant 0 : index
        %swap3A_253 = tpu.vector_load %arg25[%swap3A_251, %swap3A_252] {strides = array<i32>} : memref<128x32xf32, #tpu.memory_space<vmem>>, vector<16xf32>,
        tpu.vector_store %arg25[%swap3A_251, %swap3A_252], %add3A_246 {strides = array<i32>} : memref<128x32xf32, #tpu.memory_space<vmem>>, vector<16xf32>,
        %swap3A_254 = arith.index_cast %add3A_230 : i32 to index
        %swap3A_255 = arith.constant 16 : index
        %swap3A_256 = tpu.vector_load %arg25[%swap3A_254, %swap3A_255] {strides = array<i32>} : memref<128x32xf32, #tpu.memory_space<vmem>>, vector<16xf32>,
        tpu.vector_store %arg25[%swap3A_254, %swap3A_255], %add3A_250 {strides = array<i32>} : memref<128x32xf32, #tpu.memory_space<vmem>>, vector<16xf32>,
        %mul3A_257 = arith.constant 16 : i32
        %mul3A_258 = arith.muli %add3A_74, %mul3A_257 : i32
        %add3A_259 = arith.constant 6 : i32
        %add3A_260 = arith.addi %mul3A_258, %add3A_259 : i32
        %slice3A_261 = vector.extract_strided_slice %get3A_79 {offsets = [6], sizes = [1], strides = [1]} : vector<16xf32> to vector<1xf32>
        %squeeze3A_262 = vector.extract %slice3A_261[0] : f32 from vector<1xf32>
        %get3A_263 = arith.index_cast %add3A_260 : i32 to index
        %get3A_264 = arith.constant 0 : index
        %get3A_265 = tpu.vector_load %arg23[%get3A_263, %get3A_264] {strides = array<i32>} : memref<128x32xf32, #tpu.memory_space<vmem>>, vector<16xf32>,
        %mul3A_266 = vector.broadcast %squeeze3A_262 : f32 to vector<16xf32>
        %mul3A_267 = arith.mulf %get3A_265, %mul3A_266 : vector<16xf32>
        %get3A_268 = arith.index_cast %add3A_260 : i32 to index
        %get3A_269 = arith.constant 16 : index
        %get3A_270 = tpu.vector_load %arg23[%get3A_268, %get3A_269] {strides = array<i32>} : memref<128x32xf32, #tpu.memory_space<vmem>>, vector<16xf32>,
        %mul3A_271 = vector.broadcast %squeeze3A_262 : f32 to vector<16xf32>
        %mul3A_272 = arith.mulf %get3A_270, %mul3A_271 : vector<16xf32>
        %get3A_273 = arith.index_cast %add3A_260 : i32 to index
        %get3A_274 = arith.constant 0 : index
        %get3A_275 = tpu.vector_load %arg24[%get3A_273, %get3A_274] {strides = array<i32>} : memref<128x32xf32, #tpu.memory_space<vmem>>, vector<16xf32>,
        %add3A_276 = arith.addf %mul3A_267, %get3A_275 : vector<16xf32>
        %get3A_277 = arith.index_cast %add3A_260 : i32 to index
        %get3A_278 = arith.constant 16 : index
        %get3A_279 = tpu.vector_load %arg24[%get3A_277, %get3A_278] {strides = array<i32>} : memref<128x32xf32, #tpu.memory_space<vmem>>, vector<16xf32>,
        %add3A_280 = arith.addf %mul3A_272, %get3A_279 : vector<16xf32>
        %swap3A_281 = arith.index_cast %add3A_260 : i32 to index
        %swap3A_282 = arith.constant 0 : index
        %swap3A_283 = tpu.vector_load %arg25[%swap3A_281, %swap3A_282] {strides = array<i32>} : memref<128x32xf32, #tpu.memory_space<vmem>>, vector<16xf32>,
        tpu.vector_store %arg25[%swap3A_281, %swap3A_282], %add3A_276 {strides = array<i32>} : memref<128x32xf32, #tpu.memory_space<vmem>>, vector<16xf32>,
        %swap3A_284 = arith.index_cast %add3A_260 : i32 to index
        %swap3A_285 = arith.constant 16 : index
        %swap3A_286 = tpu.vector_load %arg25[%swap3A_284, %swap3A_285] {strides = array<i32>} : memref<128x32xf32, #tpu.memory_space<vmem>>, vector<16xf32>,
        tpu.vector_store %arg25[%swap3A_284, %swap3A_285], %add3A_280 {strides = array<i32>} : memref<128x32xf32, #tpu.memory_space<vmem>>, vector<16xf32>,
        %mul3A_287 = arith.constant 16 : i32
        %mul3A_288 = arith.muli %add3A_74, %mul3A_287 : i32
        %add3A_289 = arith.constant 7 : i32
        %add3A_290 = arith.addi %mul3A_288, %add3A_289 : i32
        %slice3A_291 = vector.extract_strided_slice %get3A_79 {offsets = [7], sizes = [1], strides = [1]} : vector<16xf32> to vector<1xf32>
        %squeeze3A_292 = vector.extract %slice3A_291[0] : f32 from vector<1xf32>
        %get3A_293 = arith.index_cast %add3A_290 : i32 to index
        %get3A_294 = arith.constant 0 : index
        %get3A_295 = tpu.vector_load %arg23[%get3A_293, %get3A_294] {strides = array<i32>} : memref<128x32xf32, #tpu.memory_space<vmem>>, vector<16xf32>,
        %mul3A_296 = vector.broadcast %squeeze3A_292 : f32 to vector<16xf32>
        %mul3A_297 = arith.mulf %get3A_295, %mul3A_296 : vector<16xf32>
        %get3A_298 = arith.index_cast %add3A_290 : i32 to index
        %get3A_299 = arith.constant 16 : index
        %get3A_300 = tpu.vector_load %arg23[%get3A_298, %get3A_299] {strides = array<i32>} : memref<128x32xf32, #tpu.memory_space<vmem>>, vector<16xf32>,
        %mul3A_301 = vector.broadcast %squeeze3A_292 : f32 to vector<16xf32>
        %mul3A_302 = arith.mulf %get3A_300, %mul3A_301 : vector<16xf32>
        %get3A_303 = arith.index_cast %add3A_290 : i32 to index
        %get3A_304 = arith.constant 0 : index
        %get3A_305 = tpu.vector_load %arg24[%get3A_303, %get3A_304] {strides = array<i32>} : memref<128x32xf32, #tpu.memory_space<vmem>>, vector<16xf32>,
        %add3A_306 = arith.addf %mul3A_297, %get3A_305 : vector<16xf32>
        %get3A_307 = arith.index_cast %add3A_290 : i32 to index
        %get3A_308 = arith.constant 16 : index
        %get3A_309 = tpu.vector_load %arg24[%get3A_307, %get3A_308] {strides = array<i32>} : memref<128x32xf32, #tpu.memory_space<vmem>>, vector<16xf32>,
        %add3A_310 = arith.addf %mul3A_302, %get3A_309 : vector<16xf32>
        %swap3A_311 = arith.index_cast %add3A_290 : i32 to index
        %swap3A_312 = arith.constant 0 : index
        %swap3A_313 = tpu.vector_load %arg25[%swap3A_311, %swap3A_312] {strides = array<i32>} : memref<128x32xf32, #tpu.memory_space<vmem>>, vector<16xf32>,
        tpu.vector_store %arg25[%swap3A_311, %swap3A_312], %add3A_306 {strides = array<i32>} : memref<128x32xf32, #tpu.memory_space<vmem>>, vector<16xf32>,
        %swap3A_314 = arith.index_cast %add3A_290 : i32 to index
        %swap3A_315 = arith.constant 16 : index
        %swap3A_316 = tpu.vector_load %arg25[%swap3A_314, %swap3A_315] {strides = array<i32>} : memref<128x32xf32, #tpu.memory_space<vmem>>, vector<16xf32>,
        tpu.vector_store %arg25[%swap3A_314, %swap3A_315], %add3A_310 {strides = array<i32>} : memref<128x32xf32, #tpu.memory_space<vmem>>, vector<16xf32>,
        %mul3A_317 = arith.constant 16 : i32
        %mul3A_318 = arith.muli %add3A_74, %mul3A_317 : i32
        %add3A_319 = arith.constant 8 : i32
        %add3A_320 = arith.addi %mul3A_318, %add3A_319 : i32
        %slice3A_321 = vector.extract_strided_slice %get3A_79 {offsets = [8], sizes = [1], strides = [1]} : vector<16xf32> to vector<1xf32>
        %squeeze3A_322 = vector.extract %slice3A_321[0] : f32 from vector<1xf32>
        %get3A_323 = arith.index_cast %add3A_320 : i32 to index
        %get3A_324 = arith.constant 0 : index
        %get3A_325 = tpu.vector_load %arg23[%get3A_323, %get3A_324] {strides = array<i32>} : memref<128x32xf32, #tpu.memory_space<vmem>>, vector<16xf32>,
        %mul3A_326 = vector.broadcast %squeeze3A_322 : f32 to vector<16xf32>
        %mul3A_327 = arith.mulf %get3A_325, %mul3A_326 : vector<16xf32>
        %get3A_328 = arith.index_cast %add3A_320 : i32 to index
        %get3A_329 = arith.constant 16 : index
        %get3A_330 = tpu.vector_load %arg23[%get3A_328, %get3A_329] {strides = array<i32>} : memref<128x32xf32, #tpu.memory_space<vmem>>, vector<16xf32>,
        %mul3A_331 = vector.broadcast %squeeze3A_322 : f32 to vector<16xf32>
        %mul3A_332 = arith.mulf %get3A_330, %mul3A_331 : vector<16xf32>
        %get3A_333 = arith.index_cast %add3A_320 : i32 to index
        %get3A_334 = arith.constant 0 : index
        %get3A_335 = tpu.vector_load %arg24[%get3A_333, %get3A_334] {strides = array<i32>} : memref<128x32xf32, #tpu.memory_space<vmem>>, vector<16xf32>,
        %add3A_336 = arith.addf %mul3A_327, %get3A_335 : vector<16xf32>
        %get3A_337 = arith.index_cast %add3A_320 : i32 to index
        %get3A_338 = arith.constant 16 : index
        %get3A_339 = tpu.vector_load %arg24[%get3A_337, %get3A_338] {strides = array<i32>} : memref<128x32xf32, #tpu.memory_space<vmem>>, vector<16xf32>,
        %add3A_340 = arith.addf %mul3A_332, %get3A_339 : vector<16xf32>
        %swap3A_341 = arith.index_cast %add3A_320 : i32 to index
        %swap3A_342 = arith.constant 0 : index
        %swap3A_343 = tpu.vector_load %arg25[%swap3A_341, %swap3A_342] {strides = array<i32>} : memref<128x32xf32, #tpu.memory_space<vmem>>, vector<16xf32>,
        tpu.vector_store %arg25[%swap3A_341, %swap3A_342], %add3A_336 {strides = array<i32>} : memref<128x32xf32, #tpu.memory_space<vmem>>, vector<16xf32>,
        %swap3A_344 = arith.index_cast %add3A_320 : i32 to index
        %swap3A_345 = arith.constant 16 : index
        %swap3A_346 = tpu.vector_load %arg25[%swap3A_344, %swap3A_345] {strides = array<i32>} : memref<128x32xf32, #tpu.memory_space<vmem>>, vector<16xf32>,
        tpu.vector_store %arg25[%swap3A_344, %swap3A_345], %add3A_340 {strides = array<i32>} : memref<128x32xf32, #tpu.memory_space<vmem>>, vector<16xf32>,
        %mul3A_347 = arith.constant 16 : i32
        %mul3A_348 = arith.muli %add3A_74, %mul3A_347 : i32
        %add3A_349 = arith.constant 9 : i32
        %add3A_350 = arith.addi %mul3A_348, %add3A_349 : i32
        %slice3A_351 = vector.extract_strided_slice %get3A_79 {offsets = [9], sizes = [1], strides = [1]} : vector<16xf32> to vector<1xf32>
        %squeeze3A_352 = vector.extract %slice3A_351[0] : f32 from vector<1xf32>
        %get3A_353 = arith.index_cast %add3A_350 : i32 to index
        %get3A_354 = arith.constant 0 : index
        %get3A_355 = tpu.vector_load %arg23[%get3A_353, %get3A_354] {strides = array<i32>} : memref<128x32xf32, #tpu.memory_space<vmem>>, vector<16xf32>,
        %mul3A_356 = vector.broadcast %squeeze3A_352 : f32 to vector<16xf32>
        %mul3A_357 = arith.mulf %get3A_355, %mul3A_356 : vector<16xf32>
        %get3A_358 = arith.index_cast %add3A_350 : i32 to index
        %get3A_359 = arith.constant 16 : index
        %get3A_360 = tpu.vector_load %arg23[%get3A_358, %get3A_359] {strides = array<i32>} : memref<128x32xf32, #tpu.memory_space<vmem>>, vector<16xf32>,
        %mul3A_361 = vector.broadcast %squeeze3A_352 : f32 to vector<16xf32>
        %mul3A_362 = arith.mulf %get3A_360, %mul3A_361 : vector<16xf32>
        %get3A_363 = arith.index_cast %add3A_350 : i32 to index
        %get3A_364 = arith.constant 0 : index
        %get3A_365 = tpu.vector_load %arg24[%get3A_363, %get3A_364] {strides = array<i32>} : memref<128x32xf32, #tpu.memory_space<vmem>>, vector<16xf32>,
        %add3A_366 = arith.addf %mul3A_357, %get3A_365 : vector<16xf32>
        %get3A_367 = arith.index_cast %add3A_350 : i32 to index
        %get3A_368 = arith.constant 16 : index
        %get3A_369 = tpu.vector_load %arg24[%get3A_367, %get3A_368] {strides = array<i32>} : memref<128x32xf32, #tpu.memory_space<vmem>>, vector<16xf32>,
        %add3A_370 = arith.addf %mul3A_362, %get3A_369 : vector<16xf32>
        %swap3A_371 = arith.index_cast %add3A_350 : i32 to index
        %swap3A_372 = arith.constant 0 : index
        %swap3A_373 = tpu.vector_load %arg25[%swap3A_371, %swap3A_372] {strides = array<i32>} : memref<128x32xf32, #tpu.memory_space<vmem>>, vector<16xf32>,
        tpu.vector_store %arg25[%swap3A_371, %swap3A_372], %add3A_366 {strides = array<i32>} : memref<128x32xf32, #tpu.memory_space<vmem>>, vector<16xf32>,
        %swap3A_374 = arith.index_cast %add3A_350 : i32 to index
        %swap3A_375 = arith.constant 16 : index
        %swap3A_376 = tpu.vector_load %arg25[%swap3A_374, %swap3A_375] {strides = array<i32>} : memref<128x32xf32, #tpu.memory_space<vmem>>, vector<16xf32>,
        tpu.vector_store %arg25[%swap3A_374, %swap3A_375], %add3A_370 {strides = array<i32>} : memref<128x32xf32, #tpu.memory_space<vmem>>, vector<16xf32>,
        %mul3A_377 = arith.constant 16 : i32
        %mul3A_378 = arith.muli %add3A_74, %mul3A_377 : i32
        %add3A_379 = arith.constant 10 : i32
        %add3A_380 = arith.addi %mul3A_378, %add3A_379 : i32
        %slice3A_381 = vector.extract_strided_slice %get3A_79 {offsets = [10], sizes = [1], strides = [1]} : vector<16xf32> to vector<1xf32>
        %squeeze3A_382 = vector.extract %slice3A_381[0] : f32 from vector<1xf32>
        %get3A_383 = arith.index_cast %add3A_380 : i32 to index
        %get3A_384 = arith.constant 0 : index
        %get3A_385 = tpu.vector_load %arg23[%get3A_383, %get3A_384] {strides = array<i32>} : memref<128x32xf32, #tpu.memory_space<vmem>>, vector<16xf32>,
        %mul3A_386 = vector.broadcast %squeeze3A_382 : f32 to vector<16xf32>
        %mul3A_387 = arith.mulf %get3A_385, %mul3A_386 : vector<16xf32>
        %get3A_388 = arith.index_cast %add3A_380 : i32 to index
        %get3A_389 = arith.constant 16 : index
        %get3A_390 = tpu.vector_load %arg23[%get3A_388, %get3A_389] {strides = array<i32>} : memref<128x32xf32, #tpu.memory_space<vmem>>, vector<16xf32>,
        %mul3A_391 = vector.broadcast %squeeze3A_382 : f32 to vector<16xf32>
        %mul3A_392 = arith.mulf %get3A_390, %mul3A_391 : vector<16xf32>
        %get3A_393 = arith.index_cast %add3A_380 : i32 to index
        %get3A_394 = arith.constant 0 : index
        %get3A_395 = tpu.vector_load %arg24[%get3A_393, %get3A_394] {strides = array<i32>} : memref<128x32xf32, #tpu.memory_space<vmem>>, vector<16xf32>,
        %add3A_396 = arith.addf %mul3A_387, %get3A_395 : vector<16xf32>
        %get3A_397 = arith.index_cast %add3A_380 : i32 to index
        %get3A_398 = arith.constant 16 : index
        %get3A_399 = tpu.vector_load %arg24[%get3A_397, %get3A_398] {strides = array<i32>} : memref<128x32xf32, #tpu.memory_space<vmem>>, vector<16xf32>,
        %add3A_400 = arith.addf %mul3A_392, %get3A_399 : vector<16xf32>
        %swap3A_401 = arith.index_cast %add3A_380 : i32 to index
        %swap3A_402 = arith.constant 0 : index
        %swap3A_403 = tpu.vector_load %arg25[%swap3A_401, %swap3A_402] {strides = array<i32>} : memref<128x32xf32, #tpu.memory_space<vmem>>, vector<16xf32>,
        tpu.vector_store %arg25[%swap3A_401, %swap3A_402], %add3A_396 {strides = array<i32>} : memref<128x32xf32, #tpu.memory_space<vmem>>, vector<16xf32>,
        %swap3A_404 = arith.index_cast %add3A_380 : i32 to index
        %swap3A_405 = arith.constant 16 : index
        %swap3A_406 = tpu.vector_load %arg25[%swap3A_404, %swap3A_405] {strides = array<i32>} : memref<128x32xf32, #tpu.memory_space<vmem>>, vector<16xf32>,
        tpu.vector_store %arg25[%swap3A_404, %swap3A_405], %add3A_400 {strides = array<i32>} : memref<128x32xf32, #tpu.memory_space<vmem>>, vector<16xf32>,
        %mul3A_407 = arith.constant 16 : i32
        %mul3A_408 = arith.muli %add3A_74, %mul3A_407 : i32
        %add3A_409 = arith.constant 11 : i32
        %add3A_410 = arith.addi %mul3A_408, %add3A_409 : i32
        %slice3A_411 = vector.extract_strided_slice %get3A_79 {offsets = [11], sizes = [1], strides = [1]} : vector<16xf32> to vector<1xf32>
        %squeeze3A_412 = vector.extract %slice3A_411[0] : f32 from vector<1xf32>
        %get3A_413 = arith.index_cast %add3A_410 : i32 to index
        %get3A_414 = arith.constant 0 : index
        %get3A_415 = tpu.vector_load %arg23[%get3A_413, %get3A_414] {strides = array<i32>} : memref<128x32xf32, #tpu.memory_space<vmem>>, vector<16xf32>,
        %mul3A_416 = vector.broadcast %squeeze3A_412 : f32 to vector<16xf32>
        %mul3A_417 = arith.mulf %get3A_415, %mul3A_416 : vector<16xf32>
        %get3A_418 = arith.index_cast %add3A_410 : i32 to index
        %get3A_419 = arith.constant 16 : index
        %get3A_420 = tpu.vector_load %arg23[%get3A_418, %get3A_419] {strides = array<i32>} : memref<128x32xf32, #tpu.memory_space<vmem>>, vector<16xf32>,
        %mul3A_421 = vector.broadcast %squeeze3A_412 : f32 to vector<16xf32>
        %mul3A_422 = arith.mulf %get3A_420, %mul3A_421 : vector<16xf32>
        %get3A_423 = arith.index_cast %add3A_410 : i32 to index
        %get3A_424 = arith.constant 0 : index
        %get3A_425 = tpu.vector_load %arg24[%get3A_423, %get3A_424] {strides = array<i32>} : memref<128x32xf32, #tpu.memory_space<vmem>>, vector<16xf32>,
        %add3A_426 = arith.addf %mul3A_417, %get3A_425 : vector<16xf32>
        %get3A_427 = arith.index_cast %add3A_410 : i32 to index
        %get3A_428 = arith.constant 16 : index
        %get3A_429 = tpu.vector_load %arg24[%get3A_427, %get3A_428] {strides = array<i32>} : memref<128x32xf32, #tpu.memory_space<vmem>>, vector<16xf32>,
        %add3A_430 = arith.addf %mul3A_422, %get3A_429 : vector<16xf32>
        %swap3A_431 = arith.index_cast %add3A_410 : i32 to index
        %swap3A_432 = arith.constant 0 : index
        %swap3A_433 = tpu.vector_load %arg25[%swap3A_431, %swap3A_432] {strides = array<i32>} : memref<128x32xf32, #tpu.memory_space<vmem>>, vector<16xf32>,
        tpu.vector_store %arg25[%swap3A_431, %swap3A_432], %add3A_426 {strides = array<i32>} : memref<128x32xf32, #tpu.memory_space<vmem>>, vector<16xf32>,
        %swap3A_434 = arith.index_cast %add3A_410 : i32 to index
        %swap3A_435 = arith.constant 16 : index
        %swap3A_436 = tpu.vector_load %arg25[%swap3A_434, %swap3A_435] {strides = array<i32>} : memref<128x32xf32, #tpu.memory_space<vmem>>, vector<16xf32>,
        tpu.vector_store %arg25[%swap3A_434, %swap3A_435], %add3A_430 {strides = array<i32>} : memref<128x32xf32, #tpu.memory_space<vmem>>, vector<16xf32>,
        %mul3A_437 = arith.constant 16 : i32
        %mul3A_438 = arith.muli %add3A_74, %mul3A_437 : i32
        %add3A_439 = arith.constant 12 : i32
        %add3A_440 = arith.addi %mul3A_438, %add3A_439 : i32
        %slice3A_441 = vector.extract_strided_slice %get3A_79 {offsets = [12], sizes = [1], strides = [1]} : vector<16xf32> to vector<1xf32>
        %squeeze3A_442 = vector.extract %slice3A_441[0] : f32 from vector<1xf32>
        %get3A_443 = arith.index_cast %add3A_440 : i32 to index
        %get3A_444 = arith.constant 0 : index
        %get3A_445 = tpu.vector_load %arg23[%get3A_443, %get3A_444] {strides = array<i32>} : memref<128x32xf32, #tpu.memory_space<vmem>>, vector<16xf32>,
        %mul3A_446 = vector.broadcast %squeeze3A_442 : f32 to vector<16xf32>
        %mul3A_447 = arith.mulf %get3A_445, %mul3A_446 : vector<16xf32>
        %get3A_448 = arith.index_cast %add3A_440 : i32 to index
        %get3A_449 = arith.constant 16 : index
        %get3A_450 = tpu.vector_load %arg23[%get3A_448, %get3A_449] {strides = array<i32>} : memref<128x32xf32, #tpu.memory_space<vmem>>, vector<16xf32>,
        %mul3A_451 = vector.broadcast %squeeze3A_442 : f32 to vector<16xf32>
        %mul3A_452 = arith.mulf %get3A_450, %mul3A_451 : vector<16xf32>
        %get3A_453 = arith.index_cast %add3A_440 : i32 to index
        %get3A_454 = arith.constant 0 : index
        %get3A_455 = tpu.vector_load %arg24[%get3A_453, %get3A_454] {strides = array<i32>} : memref<128x32xf32, #tpu.memory_space<vmem>>, vector<16xf32>,
        %add3A_456 = arith.addf %mul3A_447, %get3A_455 : vector<16xf32>
        %get3A_457 = arith.index_cast %add3A_440 : i32 to index
        %get3A_458 = arith.constant 16 : index
        %get3A_459 = tpu.vector_load %arg24[%get3A_457, %get3A_458] {strides = array<i32>} : memref<128x32xf32, #tpu.memory_space<vmem>>, vector<16xf32>,
        %add3A_460 = arith.addf %mul3A_452, %get3A_459 : vector<16xf32>
        %swap3A_461 = arith.index_cast %add3A_440 : i32 to index
        %swap3A_462 = arith.constant 0 : index
        %swap3A_463 = tpu.vector_load %arg25[%swap3A_461, %swap3A_462] {strides = array<i32>} : memref<128x32xf32, #tpu.memory_space<vmem>>, vector<16xf32>,
        tpu.vector_store %arg25[%swap3A_461, %swap3A_462], %add3A_456 {strides = array<i32>} : memref<128x32xf32, #tpu.memory_space<vmem>>, vector<16xf32>,
        %swap3A_464 = arith.index_cast %add3A_440 : i32 to index
        %swap3A_465 = arith.constant 16 : index
        %swap3A_466 = tpu.vector_load %arg25[%swap3A_464, %swap3A_465] {strides = array<i32>} : memref<128x32xf32, #tpu.memory_space<vmem>>, vector<16xf32>,
        tpu.vector_store %arg25[%swap3A_464, %swap3A_465], %add3A_460 {strides = array<i32>} : memref<128x32xf32, #tpu.memory_space<vmem>>, vector<16xf32>,
        %mul3A_467 = arith.constant 16 : i32
        %mul3A_468 = arith.muli %add3A_74, %mul3A_467 : i32
        %add3A_469 = arith.constant 13 : i32
        %add3A_470 = arith.addi %mul3A_468, %add3A_469 : i32
        %slice3A_471 = vector.extract_strided_slice %get3A_79 {offsets = [13], sizes = [1], strides = [1]} : vector<16xf32> to vector<1xf32>
        %squeeze3A_472 = vector.extract %slice3A_471[0] : f32 from vector<1xf32>
        %get3A_473 = arith.index_cast %add3A_470 : i32 to index
        %get3A_474 = arith.constant 0 : index
        %get3A_475 = tpu.vector_load %arg23[%get3A_473, %get3A_474] {strides = array<i32>} : memref<128x32xf32, #tpu.memory_space<vmem>>, vector<16xf32>,
        %mul3A_476 = vector.broadcast %squeeze3A_472 : f32 to vector<16xf32>
        %mul3A_477 = arith.mulf %get3A_475, %mul3A_476 : vector<16xf32>
        %get3A_478 = arith.index_cast %add3A_470 : i32 to index
        %get3A_479 = arith.constant 16 : index
        %get3A_480 = tpu.vector_load %arg23[%get3A_478, %get3A_479] {strides = array<i32>} : memref<128x32xf32, #tpu.memory_space<vmem>>, vector<16xf32>,
        %mul3A_481 = vector.broadcast %squeeze3A_472 : f32 to vector<16xf32>
        %mul3A_482 = arith.mulf %get3A_480, %mul3A_481 : vector<16xf32>
        %get3A_483 = arith.index_cast %add3A_470 : i32 to index
        %get3A_484 = arith.constant 0 : index
        %get3A_485 = tpu.vector_load %arg24[%get3A_483, %get3A_484] {strides = array<i32>} : memref<128x32xf32, #tpu.memory_space<vmem>>, vector<16xf32>,
        %add3A_486 = arith.addf %mul3A_477, %get3A_485 : vector<16xf32>
        %get3A_487 = arith.index_cast %add3A_470 : i32 to index
        %get3A_488 = arith.constant 16 : index
        %get3A_489 = tpu.vector_load %arg24[%get3A_487, %get3A_488] {strides = array<i32>} : memref<128x32xf32, #tpu.memory_space<vmem>>, vector<16xf32>,
        %add3A_490 = arith.addf %mul3A_482, %get3A_489 : vector<16xf32>
        %swap3A_491 = arith.index_cast %add3A_470 : i32 to index
        %swap3A_492 = arith.constant 0 : index
        %swap3A_493 = tpu.vector_load %arg25[%swap3A_491, %swap3A_492] {strides = array<i32>} : memref<128x32xf32, #tpu.memory_space<vmem>>, vector<16xf32>,
        tpu.vector_store %arg25[%swap3A_491, %swap3A_492], %add3A_486 {strides = array<i32>} : memref<128x32xf32, #tpu.memory_space<vmem>>, vector<16xf32>,
        %swap3A_494 = arith.index_cast %add3A_470 : i32 to index
        %swap3A_495 = arith.constant 16 : index
        %swap3A_496 = tpu.vector_load %arg25[%swap3A_494, %swap3A_495] {strides = array<i32>} : memref<128x32xf32, #tpu.memory_space<vmem>>, vector<16xf32>,
        tpu.vector_store %arg25[%swap3A_494, %swap3A_495], %add3A_490 {strides = array<i32>} : memref<128x32xf32, #tpu.memory_space<vmem>>, vector<16xf32>,
        %mul3A_497 = arith.constant 16 : i32
        %mul3A_498 = arith.muli %add3A_74, %mul3A_497 : i32
        %add3A_499 = arith.constant 14 : i32
        %add3A_500 = arith.addi %mul3A_498, %add3A_499 : i32
        %slice3A_501 = vector.extract_strided_slice %get3A_79 {offsets = [14], sizes = [1], strides = [1]} : vector<16xf32> to vector<1xf32>
        %squeeze3A_502 = vector.extract %slice3A_501[0] : f32 from vector<1xf32>
        %get3A_503 = arith.index_cast %add3A_500 : i32 to index
        %get3A_504 = arith.constant 0 : index
        %get3A_505 = tpu.vector_load %arg23[%get3A_503, %get3A_504] {strides = array<i32>} : memref<128x32xf32, #tpu.memory_space<vmem>>, vector<16xf32>,
        %mul3A_506 = vector.broadcast %squeeze3A_502 : f32 to vector<16xf32>
        %mul3A_507 = arith.mulf %get3A_505, %mul3A_506 : vector<16xf32>
        %get3A_508 = arith.index_cast %add3A_500 : i32 to index
        %get3A_509 = arith.constant 16 : index
        %get3A_510 = tpu.vector_load %arg23[%get3A_508, %get3A_509] {strides = array<i32>} : memref<128x32xf32, #tpu.memory_space<vmem>>, vector<16xf32>,
        %mul3A_511 = vector.broadcast %squeeze3A_502 : f32 to vector<16xf32>
        %mul3A_512 = arith.mulf %get3A_510, %mul3A_511 : vector<16xf32>
        %get3A_513 = arith.index_cast %add3A_500 : i32 to index
        %get3A_514 = arith.constant 0 : index
        %get3A_515 = tpu.vector_load %arg24[%get3A_513, %get3A_514] {strides = array<i32>} : memref<128x32xf32, #tpu.memory_space<vmem>>, vector<16xf32>,
        %add3A_516 = arith.addf %mul3A_507, %get3A_515 : vector<16xf32>
        %get3A_517 = arith.index_cast %add3A_500 : i32 to index
        %get3A_518 = arith.constant 16 : index
        %get3A_519 = tpu.vector_load %arg24[%get3A_517, %get3A_518] {strides = array<i32>} : memref<128x32xf32, #tpu.memory_space<vmem>>, vector<16xf32>,
        %add3A_520 = arith.addf %mul3A_512, %get3A_519 : vector<16xf32>
        %swap3A_521 = arith.index_cast %add3A_500 : i32 to index
        %swap3A_522 = arith.constant 0 : index
        %swap3A_523 = tpu.vector_load %arg25[%swap3A_521, %swap3A_522] {strides = array<i32>} : memref<128x32xf32, #tpu.memory_space<vmem>>, vector<16xf32>,
        tpu.vector_store %arg25[%swap3A_521, %swap3A_522], %add3A_516 {strides = array<i32>} : memref<128x32xf32, #tpu.memory_space<vmem>>, vector<16xf32>,
        %swap3A_524 = arith.index_cast %add3A_500 : i32 to index
        %swap3A_525 = arith.constant 16 : index
        %swap3A_526 = tpu.vector_load %arg25[%swap3A_524, %swap3A_525] {strides = array<i32>} : memref<128x32xf32, #tpu.memory_space<vmem>>, vector<16xf32>,
        tpu.vector_store %arg25[%swap3A_524, %swap3A_525], %add3A_520 {strides = array<i32>} : memref<128x32xf32, #tpu.memory_space<vmem>>, vector<16xf32>,
        %mul3A_527 = arith.constant 16 : i32
        %mul3A_528 = arith.muli %add3A_74, %mul3A_527 : i32
        %add3A_529 = arith.constant 15 : i32
        %add3A_530 = arith.addi %mul3A_528, %add3A_529 : i32
        %slice3A_531 = vector.extract_strided_slice %get3A_79 {offsets = [15], sizes = [1], strides = [1]} : vector<16xf32> to vector<1xf32>
        %squeeze3A_532 = vector.extract %slice3A_531[0] : f32 from vector<1xf32>
        %get3A_533 = arith.index_cast %add3A_530 : i32 to index
        %get3A_534 = arith.constant 0 : index
        %get3A_535 = tpu.vector_load %arg23[%get3A_533, %get3A_534] {strides = array<i32>} : memref<128x32xf32, #tpu.memory_space<vmem>>, vector<16xf32>,
        %mul3A_536 = vector.broadcast %squeeze3A_532 : f32 to vector<16xf32>
        %mul3A_537 = arith.mulf %get3A_535, %mul3A_536 : vector<16xf32>
        %get3A_538 = arith.index_cast %add3A_530 : i32 to index
        %get3A_539 = arith.constant 16 : index
        %get3A_540 = tpu.vector_load %arg23[%get3A_538, %get3A_539] {strides = array<i32>} : memref<128x32xf32, #tpu.memory_space<vmem>>, vector<16xf32>,
        %mul3A_541 = vector.broadcast %squeeze3A_532 : f32 to vector<16xf32>
        %mul3A_542 = arith.mulf %get3A_540, %mul3A_541 : vector<16xf32>
        %get3A_543 = arith.index_cast %add3A_530 : i32 to index
        %get3A_544 = arith.constant 0 : index
        %get3A_545 = tpu.vector_load %arg24[%get3A_543, %get3A_544] {strides = array<i32>} : memref<128x32xf32, #tpu.memory_space<vmem>>, vector<16xf32>,
        %add3A_546 = arith.addf %mul3A_537, %get3A_545 : vector<16xf32>
        %get3A_547 = arith.index_cast %add3A_530 : i32 to index
        %get3A_548 = arith.constant 16 : index
        %get3A_549 = tpu.vector_load %arg24[%get3A_547, %get3A_548] {strides = array<i32>} : memref<128x32xf32, #tpu.memory_space<vmem>>, vector<16xf32>,
        %add3A_550 = arith.addf %mul3A_542, %get3A_549 : vector<16xf32>
        %swap3A_551 = arith.index_cast %add3A_530 : i32 to index
        %swap3A_552 = arith.constant 0 : index
        %swap3A_553 = tpu.vector_load %arg25[%swap3A_551, %swap3A_552] {strides = array<i32>} : memref<128x32xf32, #tpu.memory_space<vmem>>, vector<16xf32>,
        tpu.vector_store %arg25[%swap3A_551, %swap3A_552], %add3A_546 {strides = array<i32>} : memref<128x32xf32, #tpu.memory_space<vmem>>, vector<16xf32>,
        %swap3A_554 = arith.index_cast %add3A_530 : i32 to index
        %swap3A_555 = arith.constant 16 : index
        %swap3A_556 = tpu.vector_load %arg25[%swap3A_554, %swap3A_555] {strides = array<i32>} : memref<128x32xf32, #tpu.memory_space<vmem>>, vector<16xf32>,
        tpu.vector_store %arg25[%swap3A_554, %swap3A_555], %add3A_550 {strides = array<i32>} : memref<128x32xf32, #tpu.memory_space<vmem>>, vector<16xf32>,
      }
      %scan3A_69 = arith.constant 8 : i32
      "tpu.region"() ({
        %run_scoped3A_70 = tpu.sem_alloc : memref<!tpu.dma_semaphore, #tpu.memory_space<semaphore_mem>>
        %dma_start3A = arith.constant 0 : i32
        %dma_start3A_71 = arith.constant 0 : i32
        %dma_start3A_72 = tpu.memref_slice %arg14[%arg0, %dma_start3A, %dma_start3A_71] : memref<2x51200x32xf32, #tpu.memory_space<hbm>> -> memref<1x51200x32xf32, #tpu.memory_space<hbm>>
        %dma_start3A_73 = tpu.memref_squeeze %dma_start3A_72 : memref<1x51200x32xf32, #tpu.memory_space<hbm>> -> memref<51200x32xf32, #tpu.memory_space<hbm>>
        %dma_start3A_74 = arith.constant 0 : i32
        %dma_start3A_75 = tpu.memref_slice %dma_start3A_73[%add3A_61, %dma_start3A_74] : memref<51200x32xf32, #tpu.memory_space<hbm>> -> memref<128x32xf32, #tpu.memory_space<hbm>>
        %dma_start3A_76 = arith.constant 0 : i32
        %dma_start3A_77 = arith.constant 0 : i32
        %dma_start3A_78 = tpu.memref_slice %arg14[%arg0, %dma_start3A_76, %dma_start3A_77] : memref<2x51200x32xf32, #tpu.memory_space<hbm>> -> memref<1x51200x32xf32, #tpu.memory_space<hbm>>
        %dma_start3A_79 = tpu.memref_squeeze %dma_start3A_78 : memref<1x51200x32xf32, #tpu.memory_space<hbm>> -> memref<51200x32xf32, #tpu.memory_space<hbm>>
        %dma_start3A_80 = arith.constant 0 : i32
        %dma_start3A_81 = tpu.memref_slice %dma_start3A_79[%add3A_61, %dma_start3A_80] : memref<51200x32xf32, #tpu.memory_space<hbm>> -> memref<128x32xf32, #tpu.memory_space<hbm>>
        tpu.enqueue_dma source(%arg25 : memref<128x32xf32, #tpu.memory_space<vmem>>) target(%dma_start3A_81 : memref<128x32xf32, #tpu.memory_space<hbm>>) target_semaphore(%run_scoped3A_70 : memref<!tpu.dma_semaphore, #tpu.memory_space<semaphore_mem>>)
        %dma_wait3A = arith.constant 0 : i32
        %dma_wait3A_82 = arith.constant 0 : i32
        %dma_wait3A_83 = tpu.memref_slice %arg14[%arg0, %dma_wait3A, %dma_wait3A_82] : memref<2x51200x32xf32, #tpu.memory_space<hbm>> -> memref<1x51200x32xf32, #tpu.memory_space<hbm>>
        %dma_wait3A_84 = tpu.memref_squeeze %dma_wait3A_83 : memref<1x51200x32xf32, #tpu.memory_space<hbm>> -> memref<51200x32xf32, #tpu.memory_space<hbm>>
        %dma_wait3A_85 = arith.constant 0 : i32
        %dma_wait3A_86 = tpu.memref_slice %dma_wait3A_84[%add3A_61, %dma_wait3A_85] : memref<51200x32xf32, #tpu.memory_space<hbm>> -> memref<128x32xf32, #tpu.memory_space<hbm>>
        %dma_wait3A_87 = arith.constant 0 : i32
        %dma_wait3A_88 = arith.constant 0 : i32
        %dma_wait3A_89 = tpu.memref_slice %arg14[%arg0, %dma_wait3A_87, %dma_wait3A_88] : memref<2x51200x32xf32, #tpu.memory_space<hbm>> -> memref<1x51200x32xf32, #tpu.memory_space<hbm>>
        %dma_wait3A_90 = tpu.memref_squeeze %dma_wait3A_89 : memref<1x51200x32xf32, #tpu.memory_space<hbm>> -> memref<51200x32xf32, #tpu.memory_space<hbm>>
        %dma_wait3A_91 = arith.constant 0 : i32
        %dma_wait3A_92 = tpu.memref_slice %dma_wait3A_90[%add3A_61, %dma_wait3A_91] : memref<51200x32xf32, #tpu.memory_space<hbm>> -> memref<128x32xf32, #tpu.memory_space<hbm>>
        tpu.wait_dma2 semaphore(%run_scoped3A_70 : memref<!tpu.dma_semaphore, #tpu.memory_space<semaphore_mem>>) src(%arg25 : memref<128x32xf32, #tpu.memory_space<vmem>>) dst(%dma_wait3A_92 : memref<128x32xf32, #tpu.memory_space<hbm>>)
        tpu.yield
      }) : () -> ()
    }
    %scan3A_31 = arith.constant 25 : i32
    %barrier3A_32 = arith.constant 0 : index
    tpu.barrier barrier_id(%barrier3A_32)
    %scan3A_33 = arith.constant 0 : i32
    %scan3A_34 = arith.constant 50 : i32
    %scan3A_35 = arith.addi %scan3A_33, %scan3A_34 : i32
    %scan3A_36 = arith.constant 1 : i32
    scf.for %scan3A_53 = %scan3A_33 to %scan3A_35 step %scan3A_36  : i32 {
      %mul3A_54 = arith.constant 1 : i32
      %mul3A_55 = arith.muli %scan3A_53, %mul3A_54 : i32
      %add3A = arith.constant 0 : i32
      %add3A_56 = arith.addi %add3A, %mul3A_55 : i32
      %mul3A_57 = arith.constant 400 : i32
      %mul3A_58 = arith.muli %arg1, %mul3A_57 : i32
      %mul3A_59 = arith.constant 8 : i32
      %mul3A_60 = arith.muli %add3A_56, %mul3A_59 : i32
      %add3A_61 = arith.addi %mul3A_58, %mul3A_60 : i32
      "tpu.region"() ({
        %run_scoped3A = tpu.sem_alloc : memref<!tpu.dma_semaphore, #tpu.memory_space<semaphore_mem>>
        %dma_start3A = arith.constant 0 : i32
        %dma_start3A_67 = tpu.memref_slice %arg2[%add3A_61, %dma_start3A] : memref<6400x128xi32, #tpu.memory_space<hbm>> -> memref<8x128xi32, #tpu.memory_space<hbm>>
        %dma_start3A_68 = arith.constant 0 : i32
        %dma_start3A_69 = tpu.memref_slice %arg2[%add3A_61, %dma_start3A_68] : memref<6400x128xi32, #tpu.memory_space<hbm>> -> memref<8x128xi32, #tpu.memory_space<hbm>>
        tpu.enqueue_dma source(%dma_start3A_69 : memref<8x128xi32, #tpu.memory_space<hbm>>) target(%arg18 : memref<8x128xi32, #tpu.memory_space<vmem>>) target_semaphore(%run_scoped3A : memref<!tpu.dma_semaphore, #tpu.memory_space<semaphore_mem>>)
        %dma_wait3A = arith.constant 0 : i32
        %dma_wait3A_70 = tpu.memref_slice %arg2[%add3A_61, %dma_wait3A] : memref<6400x128xi32, #tpu.memory_space<hbm>> -> memref<8x128xi32, #tpu.memory_space<hbm>>
        %dma_wait3A_71 = arith.constant 0 : i32
        %dma_wait3A_72 = tpu.memref_slice %arg2[%add3A_61, %dma_wait3A_71] : memref<6400x128xi32, #tpu.memory_space<hbm>> -> memref<8x128xi32, #tpu.memory_space<hbm>>
        tpu.wait_dma2 semaphore(%run_scoped3A : memref<!tpu.dma_semaphore, #tpu.memory_space<semaphore_mem>>) src(%dma_wait3A_72 : memref<8x128xi32, #tpu.memory_space<hbm>>) dst(%arg18 : memref<8x128xi32, #tpu.memory_space<vmem>>)
        tpu.yield
      }) : () -> ()
      "tpu.region"() ({
        %run_scoped3A = tpu.sem_alloc : memref<!tpu.dma_semaphore, #tpu.memory_space<semaphore_mem>>
        %dma_start3A = arith.constant 0 : i32
        %dma_start3A_67 = tpu.memref_slice %arg3[%add3A_61, %dma_start3A] : memref<6400x128xi32, #tpu.memory_space<hbm>> -> memref<8x128xi32, #tpu.memory_space<hbm>>
        %dma_start3A_68 = arith.constant 0 : i32
        %dma_start3A_69 = tpu.memref_slice %arg3[%add3A_61, %dma_start3A_68] : memref<6400x128xi32, #tpu.memory_space<hbm>> -> memref<8x128xi32, #tpu.memory_space<hbm>>
        tpu.enqueue_dma source(%dma_start3A_69 : memref<8x128xi32, #tpu.memory_space<hbm>>) target(%arg19 : memref<8x128xi32, #tpu.memory_space<vmem>>) target_semaphore(%run_scoped3A : memref<!tpu.dma_semaphore, #tpu.memory_space<semaphore_mem>>)
        %dma_wait3A = arith.constant 0 : i32
        %dma_wait3A_70 = tpu.memref_slice %arg3[%add3A_61, %dma_wait3A] : memref<6400x128xi32, #tpu.memory_space<hbm>> -> memref<8x128xi32, #tpu.memory_space<hbm>>
        %dma_wait3A_71 = arith.constant 0 : i32
        %dma_wait3A_72 = tpu.memref_slice %arg3[%add3A_61, %dma_wait3A_71] : memref<6400x128xi32, #tpu.memory_space<hbm>> -> memref<8x128xi32, #tpu.memory_space<hbm>>
        tpu.wait_dma2 semaphore(%run_scoped3A : memref<!tpu.dma_semaphore, #tpu.memory_space<semaphore_mem>>) src(%dma_wait3A_72 : memref<8x128xi32, #tpu.memory_space<hbm>>) dst(%arg19 : memref<8x128xi32, #tpu.memory_space<vmem>>)
        tpu.yield
      }) : () -> ()
      "tpu.region"() ({
        %run_scoped3A = tpu.sem_alloc : memref<!tpu.dma_semaphore, #tpu.memory_space<semaphore_mem>>
        %dma_start3A = arith.constant 0 : i32
        %dma_start3A_67 = tpu.memref_slice %arg4[%add3A_61, %dma_start3A] : memref<6400x128xf32, #tpu.memory_space<hbm>> -> memref<8x128xf32, #tpu.memory_space<hbm>>
        %dma_start3A_68 = arith.constant 0 : i32
        %dma_start3A_69 = tpu.memref_slice %arg4[%add3A_61, %dma_start3A_68] : memref<6400x128xf32, #tpu.memory_space<hbm>> -> memref<8x128xf32, #tpu.memory_space<hbm>>
        tpu.enqueue_dma source(%dma_start3A_69 : memref<8x128xf32, #tpu.memory_space<hbm>>) target(%arg20 : memref<8x128xf32, #tpu.memory_space<vmem>>) target_semaphore(%run_scoped3A : memref<!tpu.dma_semaphore, #tpu.memory_space<semaphore_mem>>)
        %dma_wait3A = arith.constant 0 : i32
        %dma_wait3A_70 = tpu.memref_slice %arg4[%add3A_61, %dma_wait3A] : memref<6400x128xf32, #tpu.memory_space<hbm>> -> memref<8x128xf32, #tpu.memory_space<hbm>>
        %dma_wait3A_71 = arith.constant 0 : i32
        %dma_wait3A_72 = tpu.memref_slice %arg4[%add3A_61, %dma_wait3A_71] : memref<6400x128xf32, #tpu.memory_space<hbm>> -> memref<8x128xf32, #tpu.memory_space<hbm>>
        tpu.wait_dma2 semaphore(%run_scoped3A : memref<!tpu.dma_semaphore, #tpu.memory_space<semaphore_mem>>) src(%dma_wait3A_72 : memref<8x128xf32, #tpu.memory_space<hbm>>) dst(%arg20 : memref<8x128xf32, #tpu.memory_space<vmem>>)
        tpu.yield
      }) : () -> ()
      %scan3A_62 = arith.constant 0 : i32
      %scan3A_63 = arith.constant 8 : i32
      %scan3A_64 = arith.addi %scan3A_62, %scan3A_63 : i32
      %scan3A_65 = arith.constant 1 : i32
      scf.for %scan3A_67 = %scan3A_62 to %scan3A_64 step %scan3A_65  : i32 {
        %mul3A_68 = arith.constant 1 : i32
        %mul3A_69 = arith.muli %scan3A_67, %mul3A_68 : i32
        %add3A_70 = arith.constant 0 : i32
        %add3A_71 = arith.addi %add3A_70, %mul3A_69 : i32
        %dma_start3A = arith.constant 0 : i32
        %dma_start3A_72 = tpu.memref_slice %arg19[%add3A_71, %dma_start3A] : memref<8x128xi32, #tpu.memory_space<vmem>> -> memref<1x128xi32, #tpu.memory_space<vmem>>
        %dma_start3A_73 = tpu.memref_squeeze %dma_start3A_72 : memref<1x128xi32, #tpu.memory_space<vmem>> -> memref<128xi32, #tpu.memory_space<vmem>>
        %dma_start3A_74 = arith.constant 0 : i32
        %dma_start3A_75 = arith.constant 0 : i32
        %dma_start3A_76 = tpu.memref_slice %arg14[%arg0, %dma_start3A_74, %dma_start3A_75] : memref<2x51200x32xf32, #tpu.memory_space<hbm>> -> memref<1x51200x32xf32, #tpu.memory_space<hbm>>
        %dma_start3A_77 = tpu.memref_squeeze %dma_start3A_76 : memref<1x51200x32xf32, #tpu.memory_space<hbm>> -> memref<51200x32xf32, #tpu.memory_space<hbm>>
        %dma_start3A_78 = arith.constant 0 : i32
        %dma_start3A_79 = arith.constant 0 : i32
        %dma_start3A_80 = tpu.memref_slice %dma_start3A_77[%dma_start3A_78, %dma_start3A_79] : memref<51200x32xf32, #tpu.memory_space<hbm>> -> memref<51200x32xf32, #tpu.memory_space<hbm>>
        tpu.enqueue_indirect_dma source(%dma_start3A_80 : memref<51200x32xf32, #tpu.memory_space<hbm>>) target(%arg21 : memref<128x32xf32, #tpu.memory_space<vmem>>) offsets(%dma_start3A_73 : memref<128xi32, #tpu.memory_space<vmem>>) semaphore(%arg28 : memref<!tpu.dma_semaphore, #tpu.memory_space<semaphore_mem>>)
        %dma_wait3A = arith.constant 0 : i32
        %dma_wait3A_81 = tpu.memref_slice %arg19[%add3A_71, %dma_wait3A] : memref<8x128xi32, #tpu.memory_space<vmem>> -> memref<1x128xi32, #tpu.memory_space<vmem>>
        %dma_wait3A_82 = tpu.memref_squeeze %dma_wait3A_81 : memref<1x128xi32, #tpu.memory_space<vmem>> -> memref<128xi32, #tpu.memory_space<vmem>>
        %dma_wait3A_83 = arith.constant 0 : i32
        %dma_wait3A_84 = arith.constant 0 : i32
        %dma_wait3A_85 = tpu.memref_slice %arg14[%arg0, %dma_wait3A_83, %dma_wait3A_84] : memref<2x51200x32xf32, #tpu.memory_space<hbm>> -> memref<1x51200x32xf32, #tpu.memory_space<hbm>>
        %dma_wait3A_86 = tpu.memref_squeeze %dma_wait3A_85 : memref<1x51200x32xf32, #tpu.memory_space<hbm>> -> memref<51200x32xf32, #tpu.memory_space<hbm>>
        %dma_wait3A_87 = arith.constant 0 : i32
        %dma_wait3A_88 = arith.constant 0 : i32
        %dma_wait3A_89 = tpu.memref_slice %dma_wait3A_86[%dma_wait3A_87, %dma_wait3A_88] : memref<51200x32xf32, #tpu.memory_space<hbm>> -> memref<51200x32xf32, #tpu.memory_space<hbm>>
        tpu.wait_indirect_dma semaphore(%arg28 : memref<!tpu.dma_semaphore, #tpu.memory_space<semaphore_mem>>) src(%dma_wait3A_89 : memref<51200x32xf32, #tpu.memory_space<hbm>>) dst(%arg21 : memref<128x32xf32, #tpu.memory_space<vmem>>)
        %scan3A_90 = arith.constant 0 : i32
        %scan3A_91 = arith.constant 8 : i32
        %scan3A_92 = arith.addi %scan3A_90, %scan3A_91 : i32
        %scan3A_93 = arith.constant 1 : i32
        scf.for %scan3A_95 = %scan3A_90 to %scan3A_92 step %scan3A_93  : i32 {
          %mul3A_96 = arith.constant 1 : i32
          %mul3A_97 = arith.muli %scan3A_95, %mul3A_96 : i32
          %add3A_98 = arith.constant 0 : i32
          %add3A_99 = arith.addi %add3A_98, %mul3A_97 : i32
          %mul3A_100 = arith.constant 16 : i32
          %mul3A_101 = arith.muli %add3A_99, %mul3A_100 : i32
          %get3A = arith.index_cast %add3A_71 : i32 to index
          %get3A_102 = arith.index_cast %mul3A_101 : i32 to index
          %get3A_103 = tpu.vector_load %arg20[%get3A, %get3A_102] {strides = array<i32>} : memref<8x128xf32, #tpu.memory_space<vmem>>, vector<16xf32>,
          %mul3A_104 = arith.constant 16 : i32
          %mul3A_105 = arith.muli %add3A_99, %mul3A_104 : i32
          %add3A_106 = arith.constant 0 : i32
          %add3A_107 = arith.addi %mul3A_105, %add3A_106 : i32
          %slice3A = vector.extract_strided_slice %get3A_103 {offsets = [0], sizes = [1], strides = [1]} : vector<16xf32> to vector<1xf32>
          %squeeze3A = vector.extract %slice3A[0] : f32 from vector<1xf32>
          %get3A_108 = arith.index_cast %add3A_107 : i32 to index
          %get3A_109 = arith.constant 0 : index
          %get3A_110 = tpu.vector_load %arg21[%get3A_108, %get3A_109] {strides = array<i32>} : memref<128x32xf32, #tpu.memory_space<vmem>>, vector<16xf32>,
          %mul3A_111 = vector.broadcast %squeeze3A : f32 to vector<16xf32>
          %mul3A_112 = arith.mulf %get3A_110, %mul3A_111 : vector<16xf32>
          %swap3A = arith.index_cast %add3A_107 : i32 to index
          %swap3A_113 = arith.constant 0 : index
          %swap3A_114 = tpu.vector_load %arg21[%swap3A, %swap3A_113] {strides = array<i32>} : memref<128x32xf32, #tpu.memory_space<vmem>>, vector<16xf32>,
          tpu.vector_store %arg21[%swap3A, %swap3A_113], %mul3A_112 {strides = array<i32>} : memref<128x32xf32, #tpu.memory_space<vmem>>, vector<16xf32>,
          %get3A_115 = arith.index_cast %add3A_107 : i32 to index
          %get3A_116 = arith.constant 16 : index
          %get3A_117 = tpu.vector_load %arg21[%get3A_115, %get3A_116] {strides = array<i32>} : memref<128x32xf32, #tpu.memory_space<vmem>>, vector<16xf32>,
          %mul3A_118 = vector.broadcast %squeeze3A : f32 to vector<16xf32>
          %mul3A_119 = arith.mulf %get3A_117, %mul3A_118 : vector<16xf32>
          %swap3A_120 = arith.index_cast %add3A_107 : i32 to index
          %swap3A_121 = arith.constant 16 : index
          %swap3A_122 = tpu.vector_load %arg21[%swap3A_120, %swap3A_121] {strides = array<i32>} : memref<128x32xf32, #tpu.memory_space<vmem>>, vector<16xf32>,
          tpu.vector_store %arg21[%swap3A_120, %swap3A_121], %mul3A_119 {strides = array<i32>} : memref<128x32xf32, #tpu.memory_space<vmem>>, vector<16xf32>,
          %mul3A_123 = arith.constant 16 : i32
          %mul3A_124 = arith.muli %add3A_99, %mul3A_123 : i32
          %add3A_125 = arith.constant 1 : i32
          %add3A_126 = arith.addi %mul3A_124, %add3A_125 : i32
          %slice3A_127 = vector.extract_strided_slice %get3A_103 {offsets = [1], sizes = [1], strides = [1]} : vector<16xf32> to vector<1xf32>
          %squeeze3A_128 = vector.extract %slice3A_127[0] : f32 from vector<1xf32>
          %get3A_129 = arith.index_cast %add3A_126 : i32 to index
          %get3A_130 = arith.constant 0 : index
          %get3A_131 = tpu.vector_load %arg21[%get3A_129, %get3A_130] {strides = array<i32>} : memref<128x32xf32, #tpu.memory_space<vmem>>, vector<16xf32>,
          %mul3A_132 = vector.broadcast %squeeze3A_128 : f32 to vector<16xf32>
          %mul3A_133 = arith.mulf %get3A_131, %mul3A_132 : vector<16xf32>
          %swap3A_134 = arith.index_cast %add3A_126 : i32 to index
          %swap3A_135 = arith.constant 0 : index
          %swap3A_136 = tpu.vector_load %arg21[%swap3A_134, %swap3A_135] {strides = array<i32>} : memref<128x32xf32, #tpu.memory_space<vmem>>, vector<16xf32>,
          tpu.vector_store %arg21[%swap3A_134, %swap3A_135], %mul3A_133 {strides = array<i32>} : memref<128x32xf32, #tpu.memory_space<vmem>>, vector<16xf32>,
          %get3A_137 = arith.index_cast %add3A_126 : i32 to index
          %get3A_138 = arith.constant 16 : index
          %get3A_139 = tpu.vector_load %arg21[%get3A_137, %get3A_138] {strides = array<i32>} : memref<128x32xf32, #tpu.memory_space<vmem>>, vector<16xf32>,
          %mul3A_140 = vector.broadcast %squeeze3A_128 : f32 to vector<16xf32>
          %mul3A_141 = arith.mulf %get3A_139, %mul3A_140 : vector<16xf32>
          %swap3A_142 = arith.index_cast %add3A_126 : i32 to index
          %swap3A_143 = arith.constant 16 : index
          %swap3A_144 = tpu.vector_load %arg21[%swap3A_142, %swap3A_143] {strides = array<i32>} : memref<128x32xf32, #tpu.memory_space<vmem>>, vector<16xf32>,
          tpu.vector_store %arg21[%swap3A_142, %swap3A_143], %mul3A_141 {strides = array<i32>} : memref<128x32xf32, #tpu.memory_space<vmem>>, vector<16xf32>,
          %mul3A_145 = arith.constant 16 : i32
          %mul3A_146 = arith.muli %add3A_99, %mul3A_145 : i32
          %add3A_147 = arith.constant 2 : i32
          %add3A_148 = arith.addi %mul3A_146, %add3A_147 : i32
          %slice3A_149 = vector.extract_strided_slice %get3A_103 {offsets = [2], sizes = [1], strides = [1]} : vector<16xf32> to vector<1xf32>
          %squeeze3A_150 = vector.extract %slice3A_149[0] : f32 from vector<1xf32>
          %get3A_151 = arith.index_cast %add3A_148 : i32 to index
          %get3A_152 = arith.constant 0 : index
          %get3A_153 = tpu.vector_load %arg21[%get3A_151, %get3A_152] {strides = array<i32>} : memref<128x32xf32, #tpu.memory_space<vmem>>, vector<16xf32>,
          %mul3A_154 = vector.broadcast %squeeze3A_150 : f32 to vector<16xf32>
          %mul3A_155 = arith.mulf %get3A_153, %mul3A_154 : vector<16xf32>
          %swap3A_156 = arith.index_cast %add3A_148 : i32 to index
          %swap3A_157 = arith.constant 0 : index
          %swap3A_158 = tpu.vector_load %arg21[%swap3A_156, %swap3A_157] {strides = array<i32>} : memref<128x32xf32, #tpu.memory_space<vmem>>, vector<16xf32>,
          tpu.vector_store %arg21[%swap3A_156, %swap3A_157], %mul3A_155 {strides = array<i32>} : memref<128x32xf32, #tpu.memory_space<vmem>>, vector<16xf32>,
          %get3A_159 = arith.index_cast %add3A_148 : i32 to index
          %get3A_160 = arith.constant 16 : index
          %get3A_161 = tpu.vector_load %arg21[%get3A_159, %get3A_160] {strides = array<i32>} : memref<128x32xf32, #tpu.memory_space<vmem>>, vector<16xf32>,
          %mul3A_162 = vector.broadcast %squeeze3A_150 : f32 to vector<16xf32>
          %mul3A_163 = arith.mulf %get3A_161, %mul3A_162 : vector<16xf32>
          %swap3A_164 = arith.index_cast %add3A_148 : i32 to index
          %swap3A_165 = arith.constant 16 : index
          %swap3A_166 = tpu.vector_load %arg21[%swap3A_164, %swap3A_165] {strides = array<i32>} : memref<128x32xf32, #tpu.memory_space<vmem>>, vector<16xf32>,
          tpu.vector_store %arg21[%swap3A_164, %swap3A_165], %mul3A_163 {strides = array<i32>} : memref<128x32xf32, #tpu.memory_space<vmem>>, vector<16xf32>,
          %mul3A_167 = arith.constant 16 : i32
          %mul3A_168 = arith.muli %add3A_99, %mul3A_167 : i32
          %add3A_169 = arith.constant 3 : i32
          %add3A_170 = arith.addi %mul3A_168, %add3A_169 : i32
          %slice3A_171 = vector.extract_strided_slice %get3A_103 {offsets = [3], sizes = [1], strides = [1]} : vector<16xf32> to vector<1xf32>
          %squeeze3A_172 = vector.extract %slice3A_171[0] : f32 from vector<1xf32>
          %get3A_173 = arith.index_cast %add3A_170 : i32 to index
          %get3A_174 = arith.constant 0 : index
          %get3A_175 = tpu.vector_load %arg21[%get3A_173, %get3A_174] {strides = array<i32>} : memref<128x32xf32, #tpu.memory_space<vmem>>, vector<16xf32>,
          %mul3A_176 = vector.broadcast %squeeze3A_172 : f32 to vector<16xf32>
          %mul3A_177 = arith.mulf %get3A_175, %mul3A_176 : vector<16xf32>
          %swap3A_178 = arith.index_cast %add3A_170 : i32 to index
          %swap3A_179 = arith.constant 0 : index
          %swap3A_180 = tpu.vector_load %arg21[%swap3A_178, %swap3A_179] {strides = array<i32>} : memref<128x32xf32, #tpu.memory_space<vmem>>, vector<16xf32>,
          tpu.vector_store %arg21[%swap3A_178, %swap3A_179], %mul3A_177 {strides = array<i32>} : memref<128x32xf32, #tpu.memory_space<vmem>>, vector<16xf32>,
          %get3A_181 = arith.index_cast %add3A_170 : i32 to index
          %get3A_182 = arith.constant 16 : index
          %get3A_183 = tpu.vector_load %arg21[%get3A_181, %get3A_182] {strides = array<i32>} : memref<128x32xf32, #tpu.memory_space<vmem>>, vector<16xf32>,
          %mul3A_184 = vector.broadcast %squeeze3A_172 : f32 to vector<16xf32>
          %mul3A_185 = arith.mulf %get3A_183, %mul3A_184 : vector<16xf32>
          %swap3A_186 = arith.index_cast %add3A_170 : i32 to index
          %swap3A_187 = arith.constant 16 : index
          %swap3A_188 = tpu.vector_load %arg21[%swap3A_186, %swap3A_187] {strides = array<i32>} : memref<128x32xf32, #tpu.memory_space<vmem>>, vector<16xf32>,
          tpu.vector_store %arg21[%swap3A_186, %swap3A_187], %mul3A_185 {strides = array<i32>} : memref<128x32xf32, #tpu.memory_space<vmem>>, vector<16xf32>,
          %mul3A_189 = arith.constant 16 : i32
          %mul3A_190 = arith.muli %add3A_99, %mul3A_189 : i32
          %add3A_191 = arith.constant 4 : i32
          %add3A_192 = arith.addi %mul3A_190, %add3A_191 : i32
          %slice3A_193 = vector.extract_strided_slice %get3A_103 {offsets = [4], sizes = [1], strides = [1]} : vector<16xf32> to vector<1xf32>
          %squeeze3A_194 = vector.extract %slice3A_193[0] : f32 from vector<1xf32>
          %get3A_195 = arith.index_cast %add3A_192 : i32 to index
          %get3A_196 = arith.constant 0 : index
          %get3A_197 = tpu.vector_load %arg21[%get3A_195, %get3A_196] {strides = array<i32>} : memref<128x32xf32, #tpu.memory_space<vmem>>, vector<16xf32>,
          %mul3A_198 = vector.broadcast %squeeze3A_194 : f32 to vector<16xf32>
          %mul3A_199 = arith.mulf %get3A_197, %mul3A_198 : vector<16xf32>
          %swap3A_200 = arith.index_cast %add3A_192 : i32 to index
          %swap3A_201 = arith.constant 0 : index
          %swap3A_202 = tpu.vector_load %arg21[%swap3A_200, %swap3A_201] {strides = array<i32>} : memref<128x32xf32, #tpu.memory_space<vmem>>, vector<16xf32>,
          tpu.vector_store %arg21[%swap3A_200, %swap3A_201], %mul3A_199 {strides = array<i32>} : memref<128x32xf32, #tpu.memory_space<vmem>>, vector<16xf32>,
          %get3A_203 = arith.index_cast %add3A_192 : i32 to index
          %get3A_204 = arith.constant 16 : index
          %get3A_205 = tpu.vector_load %arg21[%get3A_203, %get3A_204] {strides = array<i32>} : memref<128x32xf32, #tpu.memory_space<vmem>>, vector<16xf32>,
          %mul3A_206 = vector.broadcast %squeeze3A_194 : f32 to vector<16xf32>
          %mul3A_207 = arith.mulf %get3A_205, %mul3A_206 : vector<16xf32>
          %swap3A_208 = arith.index_cast %add3A_192 : i32 to index
          %swap3A_209 = arith.constant 16 : index
          %swap3A_210 = tpu.vector_load %arg21[%swap3A_208, %swap3A_209] {strides = array<i32>} : memref<128x32xf32, #tpu.memory_space<vmem>>, vector<16xf32>,
          tpu.vector_store %arg21[%swap3A_208, %swap3A_209], %mul3A_207 {strides = array<i32>} : memref<128x32xf32, #tpu.memory_space<vmem>>, vector<16xf32>,
          %mul3A_211 = arith.constant 16 : i32
          %mul3A_212 = arith.muli %add3A_99, %mul3A_211 : i32
          %add3A_213 = arith.constant 5 : i32
          %add3A_214 = arith.addi %mul3A_212, %add3A_213 : i32
          %slice3A_215 = vector.extract_strided_slice %get3A_103 {offsets = [5], sizes = [1], strides = [1]} : vector<16xf32> to vector<1xf32>
          %squeeze3A_216 = vector.extract %slice3A_215[0] : f32 from vector<1xf32>
          %get3A_217 = arith.index_cast %add3A_214 : i32 to index
          %get3A_218 = arith.constant 0 : index
          %get3A_219 = tpu.vector_load %arg21[%get3A_217, %get3A_218] {strides = array<i32>} : memref<128x32xf32, #tpu.memory_space<vmem>>, vector<16xf32>,
          %mul3A_220 = vector.broadcast %squeeze3A_216 : f32 to vector<16xf32>
          %mul3A_221 = arith.mulf %get3A_219, %mul3A_220 : vector<16xf32>
          %swap3A_222 = arith.index_cast %add3A_214 : i32 to index
          %swap3A_223 = arith.constant 0 : index
          %swap3A_224 = tpu.vector_load %arg21[%swap3A_222, %swap3A_223] {strides = array<i32>} : memref<128x32xf32, #tpu.memory_space<vmem>>, vector<16xf32>,
          tpu.vector_store %arg21[%swap3A_222, %swap3A_223], %mul3A_221 {strides = array<i32>} : memref<128x32xf32, #tpu.memory_space<vmem>>, vector<16xf32>,
          %get3A_225 = arith.index_cast %add3A_214 : i32 to index
          %get3A_226 = arith.constant 16 : index
          %get3A_227 = tpu.vector_load %arg21[%get3A_225, %get3A_226] {strides = array<i32>} : memref<128x32xf32, #tpu.memory_space<vmem>>, vector<16xf32>,
          %mul3A_228 = vector.broadcast %squeeze3A_216 : f32 to vector<16xf32>
          %mul3A_229 = arith.mulf %get3A_227, %mul3A_228 : vector<16xf32>
          %swap3A_230 = arith.index_cast %add3A_214 : i32 to index
          %swap3A_231 = arith.constant 16 : index
          %swap3A_232 = tpu.vector_load %arg21[%swap3A_230, %swap3A_231] {strides = array<i32>} : memref<128x32xf32, #tpu.memory_space<vmem>>, vector<16xf32>,
          tpu.vector_store %arg21[%swap3A_230, %swap3A_231], %mul3A_229 {strides = array<i32>} : memref<128x32xf32, #tpu.memory_space<vmem>>, vector<16xf32>,
          %mul3A_233 = arith.constant 16 : i32
          %mul3A_234 = arith.muli %add3A_99, %mul3A_233 : i32
          %add3A_235 = arith.constant 6 : i32
          %add3A_236 = arith.addi %mul3A_234, %add3A_235 : i32
          %slice3A_237 = vector.extract_strided_slice %get3A_103 {offsets = [6], sizes = [1], strides = [1]} : vector<16xf32> to vector<1xf32>
          %squeeze3A_238 = vector.extract %slice3A_237[0] : f32 from vector<1xf32>
          %get3A_239 = arith.index_cast %add3A_236 : i32 to index
          %get3A_240 = arith.constant 0 : index
          %get3A_241 = tpu.vector_load %arg21[%get3A_239, %get3A_240] {strides = array<i32>} : memref<128x32xf32, #tpu.memory_space<vmem>>, vector<16xf32>,
          %mul3A_242 = vector.broadcast %squeeze3A_238 : f32 to vector<16xf32>
          %mul3A_243 = arith.mulf %get3A_241, %mul3A_242 : vector<16xf32>
          %swap3A_244 = arith.index_cast %add3A_236 : i32 to index
          %swap3A_245 = arith.constant 0 : index
          %swap3A_246 = tpu.vector_load %arg21[%swap3A_244, %swap3A_245] {strides = array<i32>} : memref<128x32xf32, #tpu.memory_space<vmem>>, vector<16xf32>,
          tpu.vector_store %arg21[%swap3A_244, %swap3A_245], %mul3A_243 {strides = array<i32>} : memref<128x32xf32, #tpu.memory_space<vmem>>, vector<16xf32>,
          %get3A_247 = arith.index_cast %add3A_236 : i32 to index
          %get3A_248 = arith.constant 16 : index
          %get3A_249 = tpu.vector_load %arg21[%get3A_247, %get3A_248] {strides = array<i32>} : memref<128x32xf32, #tpu.memory_space<vmem>>, vector<16xf32>,
          %mul3A_250 = vector.broadcast %squeeze3A_238 : f32 to vector<16xf32>
          %mul3A_251 = arith.mulf %get3A_249, %mul3A_250 : vector<16xf32>
          %swap3A_252 = arith.index_cast %add3A_236 : i32 to index
          %swap3A_253 = arith.constant 16 : index
          %swap3A_254 = tpu.vector_load %arg21[%swap3A_252, %swap3A_253] {strides = array<i32>} : memref<128x32xf32, #tpu.memory_space<vmem>>, vector<16xf32>,
          tpu.vector_store %arg21[%swap3A_252, %swap3A_253], %mul3A_251 {strides = array<i32>} : memref<128x32xf32, #tpu.memory_space<vmem>>, vector<16xf32>,
          %mul3A_255 = arith.constant 16 : i32
          %mul3A_256 = arith.muli %add3A_99, %mul3A_255 : i32
          %add3A_257 = arith.constant 7 : i32
          %add3A_258 = arith.addi %mul3A_256, %add3A_257 : i32
          %slice3A_259 = vector.extract_strided_slice %get3A_103 {offsets = [7], sizes = [1], strides = [1]} : vector<16xf32> to vector<1xf32>
          %squeeze3A_260 = vector.extract %slice3A_259[0] : f32 from vector<1xf32>
          %get3A_261 = arith.index_cast %add3A_258 : i32 to index
          %get3A_262 = arith.constant 0 : index
          %get3A_263 = tpu.vector_load %arg21[%get3A_261, %get3A_262] {strides = array<i32>} : memref<128x32xf32, #tpu.memory_space<vmem>>, vector<16xf32>,
          %mul3A_264 = vector.broadcast %squeeze3A_260 : f32 to vector<16xf32>
          %mul3A_265 = arith.mulf %get3A_263, %mul3A_264 : vector<16xf32>
          %swap3A_266 = arith.index_cast %add3A_258 : i32 to index
          %swap3A_267 = arith.constant 0 : index
          %swap3A_268 = tpu.vector_load %arg21[%swap3A_266, %swap3A_267] {strides = array<i32>} : memref<128x32xf32, #tpu.memory_space<vmem>>, vector<16xf32>,
          tpu.vector_store %arg21[%swap3A_266, %swap3A_267], %mul3A_265 {strides = array<i32>} : memref<128x32xf32, #tpu.memory_space<vmem>>, vector<16xf32>,
          %get3A_269 = arith.index_cast %add3A_258 : i32 to index
          %get3A_270 = arith.constant 16 : index
          %get3A_271 = tpu.vector_load %arg21[%get3A_269, %get3A_270] {strides = array<i32>} : memref<128x32xf32, #tpu.memory_space<vmem>>, vector<16xf32>,
          %mul3A_272 = vector.broadcast %squeeze3A_260 : f32 to vector<16xf32>
          %mul3A_273 = arith.mulf %get3A_271, %mul3A_272 : vector<16xf32>
          %swap3A_274 = arith.index_cast %add3A_258 : i32 to index
          %swap3A_275 = arith.constant 16 : index
          %swap3A_276 = tpu.vector_load %arg21[%swap3A_274, %swap3A_275] {strides = array<i32>} : memref<128x32xf32, #tpu.memory_space<vmem>>, vector<16xf32>,
          tpu.vector_store %arg21[%swap3A_274, %swap3A_275], %mul3A_273 {strides = array<i32>} : memref<128x32xf32, #tpu.memory_space<vmem>>, vector<16xf32>,
          %mul3A_277 = arith.constant 16 : i32
          %mul3A_278 = arith.muli %add3A_99, %mul3A_277 : i32
          %add3A_279 = arith.constant 8 : i32
          %add3A_280 = arith.addi %mul3A_278, %add3A_279 : i32
          %slice3A_281 = vector.extract_strided_slice %get3A_103 {offsets = [8], sizes = [1], strides = [1]} : vector<16xf32> to vector<1xf32>
          %squeeze3A_282 = vector.extract %slice3A_281[0] : f32 from vector<1xf32>
          %get3A_283 = arith.index_cast %add3A_280 : i32 to index
          %get3A_284 = arith.constant 0 : index
          %get3A_285 = tpu.vector_load %arg21[%get3A_283, %get3A_284] {strides = array<i32>} : memref<128x32xf32, #tpu.memory_space<vmem>>, vector<16xf32>,
          %mul3A_286 = vector.broadcast %squeeze3A_282 : f32 to vector<16xf32>
          %mul3A_287 = arith.mulf %get3A_285, %mul3A_286 : vector<16xf32>
          %swap3A_288 = arith.index_cast %add3A_280 : i32 to index
          %swap3A_289 = arith.constant 0 : index
          %swap3A_290 = tpu.vector_load %arg21[%swap3A_288, %swap3A_289] {strides = array<i32>} : memref<128x32xf32, #tpu.memory_space<vmem>>, vector<16xf32>,
          tpu.vector_store %arg21[%swap3A_288, %swap3A_289], %mul3A_287 {strides = array<i32>} : memref<128x32xf32, #tpu.memory_space<vmem>>, vector<16xf32>,
          %get3A_291 = arith.index_cast %add3A_280 : i32 to index
          %get3A_292 = arith.constant 16 : index
          %get3A_293 = tpu.vector_load %arg21[%get3A_291, %get3A_292] {strides = array<i32>} : memref<128x32xf32, #tpu.memory_space<vmem>>, vector<16xf32>,
          %mul3A_294 = vector.broadcast %squeeze3A_282 : f32 to vector<16xf32>
          %mul3A_295 = arith.mulf %get3A_293, %mul3A_294 : vector<16xf32>
          %swap3A_296 = arith.index_cast %add3A_280 : i32 to index
          %swap3A_297 = arith.constant 16 : index
          %swap3A_298 = tpu.vector_load %arg21[%swap3A_296, %swap3A_297] {strides = array<i32>} : memref<128x32xf32, #tpu.memory_space<vmem>>, vector<16xf32>,
          tpu.vector_store %arg21[%swap3A_296, %swap3A_297], %mul3A_295 {strides = array<i32>} : memref<128x32xf32, #tpu.memory_space<vmem>>, vector<16xf32>,
          %mul3A_299 = arith.constant 16 : i32
          %mul3A_300 = arith.muli %add3A_99, %mul3A_299 : i32
          %add3A_301 = arith.constant 9 : i32
          %add3A_302 = arith.addi %mul3A_300, %add3A_301 : i32
          %slice3A_303 = vector.extract_strided_slice %get3A_103 {offsets = [9], sizes = [1], strides = [1]} : vector<16xf32> to vector<1xf32>
          %squeeze3A_304 = vector.extract %slice3A_303[0] : f32 from vector<1xf32>
          %get3A_305 = arith.index_cast %add3A_302 : i32 to index
          %get3A_306 = arith.constant 0 : index
          %get3A_307 = tpu.vector_load %arg21[%get3A_305, %get3A_306] {strides = array<i32>} : memref<128x32xf32, #tpu.memory_space<vmem>>, vector<16xf32>,
          %mul3A_308 = vector.broadcast %squeeze3A_304 : f32 to vector<16xf32>
          %mul3A_309 = arith.mulf %get3A_307, %mul3A_308 : vector<16xf32>
          %swap3A_310 = arith.index_cast %add3A_302 : i32 to index
          %swap3A_311 = arith.constant 0 : index
          %swap3A_312 = tpu.vector_load %arg21[%swap3A_310, %swap3A_311] {strides = array<i32>} : memref<128x32xf32, #tpu.memory_space<vmem>>, vector<16xf32>,
          tpu.vector_store %arg21[%swap3A_310, %swap3A_311], %mul3A_309 {strides = array<i32>} : memref<128x32xf32, #tpu.memory_space<vmem>>, vector<16xf32>,
          %get3A_313 = arith.index_cast %add3A_302 : i32 to index
          %get3A_314 = arith.constant 16 : index
          %get3A_315 = tpu.vector_load %arg21[%get3A_313, %get3A_314] {strides = array<i32>} : memref<128x32xf32, #tpu.memory_space<vmem>>, vector<16xf32>,
          %mul3A_316 = vector.broadcast %squeeze3A_304 : f32 to vector<16xf32>
          %mul3A_317 = arith.mulf %get3A_315, %mul3A_316 : vector<16xf32>
          %swap3A_318 = arith.index_cast %add3A_302 : i32 to index
          %swap3A_319 = arith.constant 16 : index
          %swap3A_320 = tpu.vector_load %arg21[%swap3A_318, %swap3A_319] {strides = array<i32>} : memref<128x32xf32, #tpu.memory_space<vmem>>, vector<16xf32>,
          tpu.vector_store %arg21[%swap3A_318, %swap3A_319], %mul3A_317 {strides = array<i32>} : memref<128x32xf32, #tpu.memory_space<vmem>>, vector<16xf32>,
          %mul3A_321 = arith.constant 16 : i32
          %mul3A_322 = arith.muli %add3A_99, %mul3A_321 : i32
          %add3A_323 = arith.constant 10 : i32
          %add3A_324 = arith.addi %mul3A_322, %add3A_323 : i32
          %slice3A_325 = vector.extract_strided_slice %get3A_103 {offsets = [10], sizes = [1], strides = [1]} : vector<16xf32> to vector<1xf32>
          %squeeze3A_326 = vector.extract %slice3A_325[0] : f32 from vector<1xf32>
          %get3A_327 = arith.index_cast %add3A_324 : i32 to index
          %get3A_328 = arith.constant 0 : index
          %get3A_329 = tpu.vector_load %arg21[%get3A_327, %get3A_328] {strides = array<i32>} : memref<128x32xf32, #tpu.memory_space<vmem>>, vector<16xf32>,
          %mul3A_330 = vector.broadcast %squeeze3A_326 : f32 to vector<16xf32>
          %mul3A_331 = arith.mulf %get3A_329, %mul3A_330 : vector<16xf32>
          %swap3A_332 = arith.index_cast %add3A_324 : i32 to index
          %swap3A_333 = arith.constant 0 : index
          %swap3A_334 = tpu.vector_load %arg21[%swap3A_332, %swap3A_333] {strides = array<i32>} : memref<128x32xf32, #tpu.memory_space<vmem>>, vector<16xf32>,
          tpu.vector_store %arg21[%swap3A_332, %swap3A_333], %mul3A_331 {strides = array<i32>} : memref<128x32xf32, #tpu.memory_space<vmem>>, vector<16xf32>,
          %get3A_335 = arith.index_cast %add3A_324 : i32 to index
          %get3A_336 = arith.constant 16 : index
          %get3A_337 = tpu.vector_load %arg21[%get3A_335, %get3A_336] {strides = array<i32>} : memref<128x32xf32, #tpu.memory_space<vmem>>, vector<16xf32>,
          %mul3A_338 = vector.broadcast %squeeze3A_326 : f32 to vector<16xf32>
          %mul3A_339 = arith.mulf %get3A_337, %mul3A_338 : vector<16xf32>
          %swap3A_340 = arith.index_cast %add3A_324 : i32 to index
          %swap3A_341 = arith.constant 16 : index
          %swap3A_342 = tpu.vector_load %arg21[%swap3A_340, %swap3A_341] {strides = array<i32>} : memref<128x32xf32, #tpu.memory_space<vmem>>, vector<16xf32>,
          tpu.vector_store %arg21[%swap3A_340, %swap3A_341], %mul3A_339 {strides = array<i32>} : memref<128x32xf32, #tpu.memory_space<vmem>>, vector<16xf32>,
          %mul3A_343 = arith.constant 16 : i32
          %mul3A_344 = arith.muli %add3A_99, %mul3A_343 : i32
          %add3A_345 = arith.constant 11 : i32
          %add3A_346 = arith.addi %mul3A_344, %add3A_345 : i32
          %slice3A_347 = vector.extract_strided_slice %get3A_103 {offsets = [11], sizes = [1], strides = [1]} : vector<16xf32> to vector<1xf32>
          %squeeze3A_348 = vector.extract %slice3A_347[0] : f32 from vector<1xf32>
          %get3A_349 = arith.index_cast %add3A_346 : i32 to index
          %get3A_350 = arith.constant 0 : index
          %get3A_351 = tpu.vector_load %arg21[%get3A_349, %get3A_350] {strides = array<i32>} : memref<128x32xf32, #tpu.memory_space<vmem>>, vector<16xf32>,
          %mul3A_352 = vector.broadcast %squeeze3A_348 : f32 to vector<16xf32>
          %mul3A_353 = arith.mulf %get3A_351, %mul3A_352 : vector<16xf32>
          %swap3A_354 = arith.index_cast %add3A_346 : i32 to index
          %swap3A_355 = arith.constant 0 : index
          %swap3A_356 = tpu.vector_load %arg21[%swap3A_354, %swap3A_355] {strides = array<i32>} : memref<128x32xf32, #tpu.memory_space<vmem>>, vector<16xf32>,
          tpu.vector_store %arg21[%swap3A_354, %swap3A_355], %mul3A_353 {strides = array<i32>} : memref<128x32xf32, #tpu.memory_space<vmem>>, vector<16xf32>,
          %get3A_357 = arith.index_cast %add3A_346 : i32 to index
          %get3A_358 = arith.constant 16 : index
          %get3A_359 = tpu.vector_load %arg21[%get3A_357, %get3A_358] {strides = array<i32>} : memref<128x32xf32, #tpu.memory_space<vmem>>, vector<16xf32>,
          %mul3A_360 = vector.broadcast %squeeze3A_348 : f32 to vector<16xf32>
          %mul3A_361 = arith.mulf %get3A_359, %mul3A_360 : vector<16xf32>
          %swap3A_362 = arith.index_cast %add3A_346 : i32 to index
          %swap3A_363 = arith.constant 16 : index
          %swap3A_364 = tpu.vector_load %arg21[%swap3A_362, %swap3A_363] {strides = array<i32>} : memref<128x32xf32, #tpu.memory_space<vmem>>, vector<16xf32>,
          tpu.vector_store %arg21[%swap3A_362, %swap3A_363], %mul3A_361 {strides = array<i32>} : memref<128x32xf32, #tpu.memory_space<vmem>>, vector<16xf32>,
          %mul3A_365 = arith.constant 16 : i32
          %mul3A_366 = arith.muli %add3A_99, %mul3A_365 : i32
          %add3A_367 = arith.constant 12 : i32
          %add3A_368 = arith.addi %mul3A_366, %add3A_367 : i32
          %slice3A_369 = vector.extract_strided_slice %get3A_103 {offsets = [12], sizes = [1], strides = [1]} : vector<16xf32> to vector<1xf32>
          %squeeze3A_370 = vector.extract %slice3A_369[0] : f32 from vector<1xf32>
          %get3A_371 = arith.index_cast %add3A_368 : i32 to index
          %get3A_372 = arith.constant 0 : index
          %get3A_373 = tpu.vector_load %arg21[%get3A_371, %get3A_372] {strides = array<i32>} : memref<128x32xf32, #tpu.memory_space<vmem>>, vector<16xf32>,
          %mul3A_374 = vector.broadcast %squeeze3A_370 : f32 to vector<16xf32>
          %mul3A_375 = arith.mulf %get3A_373, %mul3A_374 : vector<16xf32>
          %swap3A_376 = arith.index_cast %add3A_368 : i32 to index
          %swap3A_377 = arith.constant 0 : index
          %swap3A_378 = tpu.vector_load %arg21[%swap3A_376, %swap3A_377] {strides = array<i32>} : memref<128x32xf32, #tpu.memory_space<vmem>>, vector<16xf32>,
          tpu.vector_store %arg21[%swap3A_376, %swap3A_377], %mul3A_375 {strides = array<i32>} : memref<128x32xf32, #tpu.memory_space<vmem>>, vector<16xf32>,
          %get3A_379 = arith.index_cast %add3A_368 : i32 to index
          %get3A_380 = arith.constant 16 : index
          %get3A_381 = tpu.vector_load %arg21[%get3A_379, %get3A_380] {strides = array<i32>} : memref<128x32xf32, #tpu.memory_space<vmem>>, vector<16xf32>,
          %mul3A_382 = vector.broadcast %squeeze3A_370 : f32 to vector<16xf32>
          %mul3A_383 = arith.mulf %get3A_381, %mul3A_382 : vector<16xf32>
          %swap3A_384 = arith.index_cast %add3A_368 : i32 to index
          %swap3A_385 = arith.constant 16 : index
          %swap3A_386 = tpu.vector_load %arg21[%swap3A_384, %swap3A_385] {strides = array<i32>} : memref<128x32xf32, #tpu.memory_space<vmem>>, vector<16xf32>,
          tpu.vector_store %arg21[%swap3A_384, %swap3A_385], %mul3A_383 {strides = array<i32>} : memref<128x32xf32, #tpu.memory_space<vmem>>, vector<16xf32>,
          %mul3A_387 = arith.constant 16 : i32
          %mul3A_388 = arith.muli %add3A_99, %mul3A_387 : i32
          %add3A_389 = arith.constant 13 : i32
          %add3A_390 = arith.addi %mul3A_388, %add3A_389 : i32
          %slice3A_391 = vector.extract_strided_slice %get3A_103 {offsets = [13], sizes = [1], strides = [1]} : vector<16xf32> to vector<1xf32>
          %squeeze3A_392 = vector.extract %slice3A_391[0] : f32 from vector<1xf32>
          %get3A_393 = arith.index_cast %add3A_390 : i32 to index
          %get3A_394 = arith.constant 0 : index
          %get3A_395 = tpu.vector_load %arg21[%get3A_393, %get3A_394] {strides = array<i32>} : memref<128x32xf32, #tpu.memory_space<vmem>>, vector<16xf32>,
          %mul3A_396 = vector.broadcast %squeeze3A_392 : f32 to vector<16xf32>
          %mul3A_397 = arith.mulf %get3A_395, %mul3A_396 : vector<16xf32>
          %swap3A_398 = arith.index_cast %add3A_390 : i32 to index
          %swap3A_399 = arith.constant 0 : index
          %swap3A_400 = tpu.vector_load %arg21[%swap3A_398, %swap3A_399] {strides = array<i32>} : memref<128x32xf32, #tpu.memory_space<vmem>>, vector<16xf32>,
          tpu.vector_store %arg21[%swap3A_398, %swap3A_399], %mul3A_397 {strides = array<i32>} : memref<128x32xf32, #tpu.memory_space<vmem>>, vector<16xf32>,
          %get3A_401 = arith.index_cast %add3A_390 : i32 to index
          %get3A_402 = arith.constant 16 : index
          %get3A_403 = tpu.vector_load %arg21[%get3A_401, %get3A_402] {strides = array<i32>} : memref<128x32xf32, #tpu.memory_space<vmem>>, vector<16xf32>,
          %mul3A_404 = vector.broadcast %squeeze3A_392 : f32 to vector<16xf32>
          %mul3A_405 = arith.mulf %get3A_403, %mul3A_404 : vector<16xf32>
          %swap3A_406 = arith.index_cast %add3A_390 : i32 to index
          %swap3A_407 = arith.constant 16 : index
          %swap3A_408 = tpu.vector_load %arg21[%swap3A_406, %swap3A_407] {strides = array<i32>} : memref<128x32xf32, #tpu.memory_space<vmem>>, vector<16xf32>,
          tpu.vector_store %arg21[%swap3A_406, %swap3A_407], %mul3A_405 {strides = array<i32>} : memref<128x32xf32, #tpu.memory_space<vmem>>, vector<16xf32>,
          %mul3A_409 = arith.constant 16 : i32
          %mul3A_410 = arith.muli %add3A_99, %mul3A_409 : i32
          %add3A_411 = arith.constant 14 : i32
          %add3A_412 = arith.addi %mul3A_410, %add3A_411 : i32
          %slice3A_413 = vector.extract_strided_slice %get3A_103 {offsets = [14], sizes = [1], strides = [1]} : vector<16xf32> to vector<1xf32>
          %squeeze3A_414 = vector.extract %slice3A_413[0] : f32 from vector<1xf32>
          %get3A_415 = arith.index_cast %add3A_412 : i32 to index
          %get3A_416 = arith.constant 0 : index
          %get3A_417 = tpu.vector_load %arg21[%get3A_415, %get3A_416] {strides = array<i32>} : memref<128x32xf32, #tpu.memory_space<vmem>>, vector<16xf32>,
          %mul3A_418 = vector.broadcast %squeeze3A_414 : f32 to vector<16xf32>
          %mul3A_419 = arith.mulf %get3A_417, %mul3A_418 : vector<16xf32>
          %swap3A_420 = arith.index_cast %add3A_412 : i32 to index
          %swap3A_421 = arith.constant 0 : index
          %swap3A_422 = tpu.vector_load %arg21[%swap3A_420, %swap3A_421] {strides = array<i32>} : memref<128x32xf32, #tpu.memory_space<vmem>>, vector<16xf32>,
          tpu.vector_store %arg21[%swap3A_420, %swap3A_421], %mul3A_419 {strides = array<i32>} : memref<128x32xf32, #tpu.memory_space<vmem>>, vector<16xf32>,
          %get3A_423 = arith.index_cast %add3A_412 : i32 to index
          %get3A_424 = arith.constant 16 : index
          %get3A_425 = tpu.vector_load %arg21[%get3A_423, %get3A_424] {strides = array<i32>} : memref<128x32xf32, #tpu.memory_space<vmem>>, vector<16xf32>,
          %mul3A_426 = vector.broadcast %squeeze3A_414 : f32 to vector<16xf32>
          %mul3A_427 = arith.mulf %get3A_425, %mul3A_426 : vector<16xf32>
          %swap3A_428 = arith.index_cast %add3A_412 : i32 to index
          %swap3A_429 = arith.constant 16 : index
          %swap3A_430 = tpu.vector_load %arg21[%swap3A_428, %swap3A_429] {strides = array<i32>} : memref<128x32xf32, #tpu.memory_space<vmem>>, vector<16xf32>,
          tpu.vector_store %arg21[%swap3A_428, %swap3A_429], %mul3A_427 {strides = array<i32>} : memref<128x32xf32, #tpu.memory_space<vmem>>, vector<16xf32>,
          %mul3A_431 = arith.constant 16 : i32
          %mul3A_432 = arith.muli %add3A_99, %mul3A_431 : i32
          %add3A_433 = arith.constant 15 : i32
          %add3A_434 = arith.addi %mul3A_432, %add3A_433 : i32
          %slice3A_435 = vector.extract_strided_slice %get3A_103 {offsets = [15], sizes = [1], strides = [1]} : vector<16xf32> to vector<1xf32>
          %squeeze3A_436 = vector.extract %slice3A_435[0] : f32 from vector<1xf32>
          %get3A_437 = arith.index_cast %add3A_434 : i32 to index
          %get3A_438 = arith.constant 0 : index
          %get3A_439 = tpu.vector_load %arg21[%get3A_437, %get3A_438] {strides = array<i32>} : memref<128x32xf32, #tpu.memory_space<vmem>>, vector<16xf32>,
          %mul3A_440 = vector.broadcast %squeeze3A_436 : f32 to vector<16xf32>
          %mul3A_441 = arith.mulf %get3A_439, %mul3A_440 : vector<16xf32>
          %swap3A_442 = arith.index_cast %add3A_434 : i32 to index
          %swap3A_443 = arith.constant 0 : index
          %swap3A_444 = tpu.vector_load %arg21[%swap3A_442, %swap3A_443] {strides = array<i32>} : memref<128x32xf32, #tpu.memory_space<vmem>>, vector<16xf32>,
          tpu.vector_store %arg21[%swap3A_442, %swap3A_443], %mul3A_441 {strides = array<i32>} : memref<128x32xf32, #tpu.memory_space<vmem>>, vector<16xf32>,
          %get3A_445 = arith.index_cast %add3A_434 : i32 to index
          %get3A_446 = arith.constant 16 : index
          %get3A_447 = tpu.vector_load %arg21[%get3A_445, %get3A_446] {strides = array<i32>} : memref<128x32xf32, #tpu.memory_space<vmem>>, vector<16xf32>,
          %mul3A_448 = vector.broadcast %squeeze3A_436 : f32 to vector<16xf32>
          %mul3A_449 = arith.mulf %get3A_447, %mul3A_448 : vector<16xf32>
          %swap3A_450 = arith.index_cast %add3A_434 : i32 to index
          %swap3A_451 = arith.constant 16 : index
          %swap3A_452 = tpu.vector_load %arg21[%swap3A_450, %swap3A_451] {strides = array<i32>} : memref<128x32xf32, #tpu.memory_space<vmem>>, vector<16xf32>,
          tpu.vector_store %arg21[%swap3A_450, %swap3A_451], %mul3A_449 {strides = array<i32>} : memref<128x32xf32, #tpu.memory_space<vmem>>, vector<16xf32>,
        }
        %scan3A_94 = arith.constant 8 : i32
        "tpu.region"() ({
          %run_scoped3A = tpu.sem_alloc : memref<!tpu.dma_semaphore, #tpu.memory_space<semaphore_mem>>
          %dma_start3A_95 = arith.constant 0 : i32
          %dma_start3A_96 = tpu.memref_slice %arg18[%add3A_71, %dma_start3A_95] : memref<8x128xi32, #tpu.memory_space<vmem>> -> memref<1x128xi32, #tpu.memory_space<vmem>>
          %dma_start3A_97 = tpu.memref_squeeze %dma_start3A_96 : memref<1x128xi32, #tpu.memory_space<vmem>> -> memref<128xi32, #tpu.memory_space<vmem>>
          %dma_start3A_98 = arith.constant 0 : i32
          %dma_start3A_99 = arith.constant 0 : i32
          %dma_start3A_100 = tpu.memref_slice %arg17[%dma_start3A_98, %dma_start3A_99] : memref<51200x32xf32, #tpu.memory_space<vmem_shared>> -> memref<51200x32xf32, #tpu.memory_space<vmem_shared>>
          tpu.enqueue_indirect_dma source(%arg21 : memref<128x32xf32, #tpu.memory_space<vmem>>) target(%dma_start3A_100 : memref<51200x32xf32, #tpu.memory_space<vmem_shared>>) offsets(%dma_start3A_97 : memref<128xi32, #tpu.memory_space<vmem>>) semaphore(%run_scoped3A : memref<!tpu.dma_semaphore, #tpu.memory_space<semaphore_mem>>) {add = true}
          %dma_wait3A_101 = arith.constant 0 : i32
          %dma_wait3A_102 = tpu.memref_slice %arg18[%add3A_71, %dma_wait3A_101] : memref<8x128xi32, #tpu.memory_space<vmem>> -> memref<1x128xi32, #tpu.memory_space<vmem>>
          %dma_wait3A_103 = tpu.memref_squeeze %dma_wait3A_102 : memref<1x128xi32, #tpu.memory_space<vmem>> -> memref<128xi32, #tpu.memory_space<vmem>>
          %dma_wait3A_104 = arith.constant 0 : i32
          %dma_wait3A_105 = arith.constant 0 : i32
          %dma_wait3A_106 = tpu.memref_slice %arg17[%dma_wait3A_104, %dma_wait3A_105] : memref<51200x32xf32, #tpu.memory_space<vmem_shared>> -> memref<51200x32xf32, #tpu.memory_space<vmem_shared>>
          tpu.wait_indirect_dma semaphore(%run_scoped3A : memref<!tpu.dma_semaphore, #tpu.memory_space<semaphore_mem>>) src(%arg21 : memref<128x32xf32, #tpu.memory_space<vmem>>) dst(%dma_wait3A_106 : memref<51200x32xf32, #tpu.memory_space<vmem_shared>>)
          tpu.yield
        }) : () -> ()
      }
      %scan3A_66 = arith.constant 8 : i32
    }
    %scan3A_37 = arith.constant 50 : i32
    %barrier3A_38 = arith.constant 0 : index
    tpu.barrier barrier_id(%barrier3A_38)
    %scan3A_39 = arith.constant 0 : i32
    %scan3A_40 = arith.constant 25 : i32
    %scan3A_41 = arith.addi %scan3A_39, %scan3A_40 : i32
    %scan3A_42 = arith.constant 1 : i32
    scf.for %scan3A_53 = %scan3A_39 to %scan3A_41 step %scan3A_42  : i32 {
      %mul3A_54 = arith.constant 1 : i32
      %mul3A_55 = arith.muli %scan3A_53, %mul3A_54 : i32
      %add3A = arith.constant 0 : i32
      %add3A_56 = arith.addi %add3A, %mul3A_55 : i32
      %mul3A_57 = arith.constant 3200 : i32
      %mul3A_58 = arith.muli %arg1, %mul3A_57 : i32
      %mul3A_59 = arith.constant 128 : i32
      %mul3A_60 = arith.muli %add3A_56, %mul3A_59 : i32
      %add3A_61 = arith.addi %mul3A_58, %mul3A_60 : i32
      "tpu.region"() ({
        %run_scoped3A_70 = tpu.sem_alloc : memref<!tpu.dma_semaphore, #tpu.memory_space<semaphore_mem>>
        %dma_start3A = arith.constant 0 : i32
        %dma_start3A_71 = tpu.memref_slice %arg17[%add3A_61, %dma_start3A] : memref<51200x32xf32, #tpu.memory_space<vmem_shared>> -> memref<128x32xf32, #tpu.memory_space<vmem_shared>>
        %dma_start3A_72 = arith.constant 0 : i32
        %dma_start3A_73 = tpu.memref_slice %arg17[%add3A_61, %dma_start3A_72] : memref<51200x32xf32, #tpu.memory_space<vmem_shared>> -> memref<128x32xf32, #tpu.memory_space<vmem_shared>>
        tpu.enqueue_dma source(%dma_start3A_73 : memref<128x32xf32, #tpu.memory_space<vmem_shared>>) target(%arg23 : memref<128x32xf32, #tpu.memory_space<vmem>>) target_semaphore(%run_scoped3A_70 : memref<!tpu.dma_semaphore, #tpu.memory_space<semaphore_mem>>)
        %dma_wait3A = arith.constant 0 : i32
        %dma_wait3A_74 = tpu.memref_slice %arg17[%add3A_61, %dma_wait3A] : memref<51200x32xf32, #tpu.memory_space<vmem_shared>> -> memref<128x32xf32, #tpu.memory_space<vmem_shared>>
        %dma_wait3A_75 = arith.constant 0 : i32
        %dma_wait3A_76 = tpu.memref_slice %arg17[%add3A_61, %dma_wait3A_75] : memref<51200x32xf32, #tpu.memory_space<vmem_shared>> -> memref<128x32xf32, #tpu.memory_space<vmem_shared>>
        tpu.wait_dma2 semaphore(%run_scoped3A_70 : memref<!tpu.dma_semaphore, #tpu.memory_space<semaphore_mem>>) src(%dma_wait3A_76 : memref<128x32xf32, #tpu.memory_space<vmem_shared>>) dst(%arg23 : memref<128x32xf32, #tpu.memory_space<vmem>>)
        tpu.yield
      }) : () -> ()
      "tpu.region"() ({
        %run_scoped3A_70 = tpu.sem_alloc : memref<!tpu.dma_semaphore, #tpu.memory_space<semaphore_mem>>
        %dma_start3A = arith.constant 0 : i32
        %dma_start3A_71 = tpu.memref_slice %arg17[%add3A_61, %dma_start3A] : memref<51200x32xf32, #tpu.memory_space<vmem_shared>> -> memref<128x32xf32, #tpu.memory_space<vmem_shared>>
        %dma_start3A_72 = arith.constant 0 : i32
        %dma_start3A_73 = tpu.memref_slice %arg17[%add3A_61, %dma_start3A_72] : memref<51200x32xf32, #tpu.memory_space<vmem_shared>> -> memref<128x32xf32, #tpu.memory_space<vmem_shared>>
        tpu.enqueue_dma source(%arg27 : memref<128x32xf32, #tpu.memory_space<vmem>>) target(%dma_start3A_73 : memref<128x32xf32, #tpu.memory_space<vmem_shared>>) target_semaphore(%run_scoped3A_70 : memref<!tpu.dma_semaphore, #tpu.memory_space<semaphore_mem>>)
        %dma_wait3A = arith.constant 0 : i32
        %dma_wait3A_74 = tpu.memref_slice %arg17[%add3A_61, %dma_wait3A] : memref<51200x32xf32, #tpu.memory_space<vmem_shared>> -> memref<128x32xf32, #tpu.memory_space<vmem_shared>>
        %dma_wait3A_75 = arith.constant 0 : i32
        %dma_wait3A_76 = tpu.memref_slice %arg17[%add3A_61, %dma_wait3A_75] : memref<51200x32xf32, #tpu.memory_space<vmem_shared>> -> memref<128x32xf32, #tpu.memory_space<vmem_shared>>
        tpu.wait_dma2 semaphore(%run_scoped3A_70 : memref<!tpu.dma_semaphore, #tpu.memory_space<semaphore_mem>>) src(%arg27 : memref<128x32xf32, #tpu.memory_space<vmem>>) dst(%dma_wait3A_76 : memref<128x32xf32, #tpu.memory_space<vmem_shared>>)
        tpu.yield
      }) : () -> ()
      %mul3A_62 = arith.constant 25 : i32
      %mul3A_63 = arith.muli %arg1, %mul3A_62 : i32
      %add3A_64 = arith.addi %mul3A_63, %add3A_56 : i32
      %run_scoped3A = arith.constant 0 : i32
      "tpu.region"() ({
        %run_scoped3A_70 = tpu.sem_alloc : memref<!tpu.dma_semaphore, #tpu.memory_space<semaphore_mem>>
        %dma_start3A = arith.constant 0 : i32
        %dma_start3A_71 = arith.constant 0 : i32
        %dma_start3A_72 = tpu.memref_slice %arg12[%run_scoped3A, %dma_start3A, %dma_start3A_71] : memref<2x400x128xf32, #tpu.memory_space<hbm>> -> memref<1x400x128xf32, #tpu.memory_space<hbm>>
        %dma_start3A_73 = tpu.memref_squeeze %dma_start3A_72 : memref<1x400x128xf32, #tpu.memory_space<hbm>> -> memref<400x128xf32, #tpu.memory_space<hbm>>
        %dma_start3A_74 = arith.constant 0 : i32
        %dma_start3A_75 = tpu.memref_slice %dma_start3A_73[%add3A_64, %dma_start3A_74] : memref<400x128xf32, #tpu.memory_space<hbm>> -> memref<1x128xf32, #tpu.memory_space<hbm>>
        %dma_start3A_76 = arith.constant 0 : i32
        %dma_start3A_77 = arith.constant 0 : i32
        %dma_start3A_78 = tpu.memref_slice %arg12[%run_scoped3A, %dma_start3A_76, %dma_start3A_77] : memref<2x400x128xf32, #tpu.memory_space<hbm>> -> memref<1x400x128xf32, #tpu.memory_space<hbm>>
        %dma_start3A_79 = tpu.memref_squeeze %dma_start3A_78 : memref<1x400x128xf32, #tpu.memory_space<hbm>> -> memref<400x128xf32, #tpu.memory_space<hbm>>
        %dma_start3A_80 = arith.constant 0 : i32
        %dma_start3A_81 = tpu.memref_slice %dma_start3A_79[%add3A_64, %dma_start3A_80] : memref<400x128xf32, #tpu.memory_space<hbm>> -> memref<1x128xf32, #tpu.memory_space<hbm>>
        tpu.enqueue_dma source(%dma_start3A_81 : memref<1x128xf32, #tpu.memory_space<hbm>>) target(%arg26 : memref<1x128xf32, #tpu.memory_space<vmem>>) target_semaphore(%run_scoped3A_70 : memref<!tpu.dma_semaphore, #tpu.memory_space<semaphore_mem>>)
        %dma_wait3A = arith.constant 0 : i32
        %dma_wait3A_82 = arith.constant 0 : i32
        %dma_wait3A_83 = tpu.memref_slice %arg12[%run_scoped3A, %dma_wait3A, %dma_wait3A_82] : memref<2x400x128xf32, #tpu.memory_space<hbm>> -> memref<1x400x128xf32, #tpu.memory_space<hbm>>
        %dma_wait3A_84 = tpu.memref_squeeze %dma_wait3A_83 : memref<1x400x128xf32, #tpu.memory_space<hbm>> -> memref<400x128xf32, #tpu.memory_space<hbm>>
        %dma_wait3A_85 = arith.constant 0 : i32
        %dma_wait3A_86 = tpu.memref_slice %dma_wait3A_84[%add3A_64, %dma_wait3A_85] : memref<400x128xf32, #tpu.memory_space<hbm>> -> memref<1x128xf32, #tpu.memory_space<hbm>>
        %dma_wait3A_87 = arith.constant 0 : i32
        %dma_wait3A_88 = arith.constant 0 : i32
        %dma_wait3A_89 = tpu.memref_slice %arg12[%run_scoped3A, %dma_wait3A_87, %dma_wait3A_88] : memref<2x400x128xf32, #tpu.memory_space<hbm>> -> memref<1x400x128xf32, #tpu.memory_space<hbm>>
        %dma_wait3A_90 = tpu.memref_squeeze %dma_wait3A_89 : memref<1x400x128xf32, #tpu.memory_space<hbm>> -> memref<400x128xf32, #tpu.memory_space<hbm>>
        %dma_wait3A_91 = arith.constant 0 : i32
        %dma_wait3A_92 = tpu.memref_slice %dma_wait3A_90[%add3A_64, %dma_wait3A_91] : memref<400x128xf32, #tpu.memory_space<hbm>> -> memref<1x128xf32, #tpu.memory_space<hbm>>
        tpu.wait_dma2 semaphore(%run_scoped3A_70 : memref<!tpu.dma_semaphore, #tpu.memory_space<semaphore_mem>>) src(%dma_wait3A_92 : memref<1x128xf32, #tpu.memory_space<hbm>>) dst(%arg26 : memref<1x128xf32, #tpu.memory_space<vmem>>)
        tpu.yield
      }) : () -> ()
      "tpu.region"() ({
        %run_scoped3A_70 = tpu.sem_alloc : memref<!tpu.dma_semaphore, #tpu.memory_space<semaphore_mem>>
        %dma_start3A = arith.constant 0 : i32
        %dma_start3A_71 = arith.constant 0 : i32
        %dma_start3A_72 = tpu.memref_slice %arg14[%arg0, %dma_start3A, %dma_start3A_71] : memref<2x51200x32xf32, #tpu.memory_space<hbm>> -> memref<1x51200x32xf32, #tpu.memory_space<hbm>>
        %dma_start3A_73 = tpu.memref_squeeze %dma_start3A_72 : memref<1x51200x32xf32, #tpu.memory_space<hbm>> -> memref<51200x32xf32, #tpu.memory_space<hbm>>
        %dma_start3A_74 = arith.constant 0 : i32
        %dma_start3A_75 = tpu.memref_slice %dma_start3A_73[%add3A_61, %dma_start3A_74] : memref<51200x32xf32, #tpu.memory_space<hbm>> -> memref<128x32xf32, #tpu.memory_space<hbm>>
        %dma_start3A_76 = arith.constant 0 : i32
        %dma_start3A_77 = arith.constant 0 : i32
        %dma_start3A_78 = tpu.memref_slice %arg14[%arg0, %dma_start3A_76, %dma_start3A_77] : memref<2x51200x32xf32, #tpu.memory_space<hbm>> -> memref<1x51200x32xf32, #tpu.memory_space<hbm>>
        %dma_start3A_79 = tpu.memref_squeeze %dma_start3A_78 : memref<1x51200x32xf32, #tpu.memory_space<hbm>> -> memref<51200x32xf32, #tpu.memory_space<hbm>>
        %dma_start3A_80 = arith.constant 0 : i32
        %dma_start3A_81 = tpu.memref_slice %dma_start3A_79[%add3A_61, %dma_start3A_80] : memref<51200x32xf32, #tpu.memory_space<hbm>> -> memref<128x32xf32, #tpu.memory_space<hbm>>
        tpu.enqueue_dma source(%dma_start3A_81 : memref<128x32xf32, #tpu.memory_space<hbm>>) target(%arg24 : memref<128x32xf32, #tpu.memory_space<vmem>>) target_semaphore(%run_scoped3A_70 : memref<!tpu.dma_semaphore, #tpu.memory_space<semaphore_mem>>)
        %dma_wait3A = arith.constant 0 : i32
        %dma_wait3A_82 = arith.constant 0 : i32
        %dma_wait3A_83 = tpu.memref_slice %arg14[%arg0, %dma_wait3A, %dma_wait3A_82] : memref<2x51200x32xf32, #tpu.memory_space<hbm>> -> memref<1x51200x32xf32, #tpu.memory_space<hbm>>
        %dma_wait3A_84 = tpu.memref_squeeze %dma_wait3A_83 : memref<1x51200x32xf32, #tpu.memory_space<hbm>> -> memref<51200x32xf32, #tpu.memory_space<hbm>>
        %dma_wait3A_85 = arith.constant 0 : i32
        %dma_wait3A_86 = tpu.memref_slice %dma_wait3A_84[%add3A_61, %dma_wait3A_85] : memref<51200x32xf32, #tpu.memory_space<hbm>> -> memref<128x32xf32, #tpu.memory_space<hbm>>
        %dma_wait3A_87 = arith.constant 0 : i32
        %dma_wait3A_88 = arith.constant 0 : i32
        %dma_wait3A_89 = tpu.memref_slice %arg14[%arg0, %dma_wait3A_87, %dma_wait3A_88] : memref<2x51200x32xf32, #tpu.memory_space<hbm>> -> memref<1x51200x32xf32, #tpu.memory_space<hbm>>
        %dma_wait3A_90 = tpu.memref_squeeze %dma_wait3A_89 : memref<1x51200x32xf32, #tpu.memory_space<hbm>> -> memref<51200x32xf32, #tpu.memory_space<hbm>>
        %dma_wait3A_91 = arith.constant 0 : i32
        %dma_wait3A_92 = tpu.memref_slice %dma_wait3A_90[%add3A_61, %dma_wait3A_91] : memref<51200x32xf32, #tpu.memory_space<hbm>> -> memref<128x32xf32, #tpu.memory_space<hbm>>
        tpu.wait_dma2 semaphore(%run_scoped3A_70 : memref<!tpu.dma_semaphore, #tpu.memory_space<semaphore_mem>>) src(%dma_wait3A_92 : memref<128x32xf32, #tpu.memory_space<hbm>>) dst(%arg24 : memref<128x32xf32, #tpu.memory_space<vmem>>)
        tpu.yield
      }) : () -> ()
      "tpu.region"() ({
        %run_scoped3A_70 = tpu.sem_alloc : memref<!tpu.dma_semaphore, #tpu.memory_space<semaphore_mem>>
        %dma_start3A = arith.constant 0 : i32
        %dma_start3A_71 = arith.constant 0 : i32
        %dma_start3A_72 = tpu.memref_slice %arg13[%arg0, %dma_start3A, %dma_start3A_71] : memref<2x51200x32xf32, #tpu.memory_space<hbm>> -> memref<1x51200x32xf32, #tpu.memory_space<hbm>>
        %dma_start3A_73 = tpu.memref_squeeze %dma_start3A_72 : memref<1x51200x32xf32, #tpu.memory_space<hbm>> -> memref<51200x32xf32, #tpu.memory_space<hbm>>
        %dma_start3A_74 = arith.constant 0 : i32
        %dma_start3A_75 = tpu.memref_slice %dma_start3A_73[%add3A_61, %dma_start3A_74] : memref<51200x32xf32, #tpu.memory_space<hbm>> -> memref<128x32xf32, #tpu.memory_space<hbm>>
        %dma_start3A_76 = arith.constant 0 : i32
        %dma_start3A_77 = arith.constant 0 : i32
        %dma_start3A_78 = tpu.memref_slice %arg13[%arg0, %dma_start3A_76, %dma_start3A_77] : memref<2x51200x32xf32, #tpu.memory_space<hbm>> -> memref<1x51200x32xf32, #tpu.memory_space<hbm>>
        %dma_start3A_79 = tpu.memref_squeeze %dma_start3A_78 : memref<1x51200x32xf32, #tpu.memory_space<hbm>> -> memref<51200x32xf32, #tpu.memory_space<hbm>>
        %dma_start3A_80 = arith.constant 0 : i32
        %dma_start3A_81 = tpu.memref_slice %dma_start3A_79[%add3A_61, %dma_start3A_80] : memref<51200x32xf32, #tpu.memory_space<hbm>> -> memref<128x32xf32, #tpu.memory_space<hbm>>
        tpu.enqueue_dma source(%dma_start3A_81 : memref<128x32xf32, #tpu.memory_space<hbm>>) target(%arg21 : memref<128x32xf32, #tpu.memory_space<vmem>>) target_semaphore(%run_scoped3A_70 : memref<!tpu.dma_semaphore, #tpu.memory_space<semaphore_mem>>)
        %dma_wait3A = arith.constant 0 : i32
        %dma_wait3A_82 = arith.constant 0 : i32
        %dma_wait3A_83 = tpu.memref_slice %arg13[%arg0, %dma_wait3A, %dma_wait3A_82] : memref<2x51200x32xf32, #tpu.memory_space<hbm>> -> memref<1x51200x32xf32, #tpu.memory_space<hbm>>
        %dma_wait3A_84 = tpu.memref_squeeze %dma_wait3A_83 : memref<1x51200x32xf32, #tpu.memory_space<hbm>> -> memref<51200x32xf32, #tpu.memory_space<hbm>>
        %dma_wait3A_85 = arith.constant 0 : i32
        %dma_wait3A_86 = tpu.memref_slice %dma_wait3A_84[%add3A_61, %dma_wait3A_85] : memref<51200x32xf32, #tpu.memory_space<hbm>> -> memref<128x32xf32, #tpu.memory_space<hbm>>
        %dma_wait3A_87 = arith.constant 0 : i32
        %dma_wait3A_88 = arith.constant 0 : i32
        %dma_wait3A_89 = tpu.memref_slice %arg13[%arg0, %dma_wait3A_87, %dma_wait3A_88] : memref<2x51200x32xf32, #tpu.memory_space<hbm>> -> memref<1x51200x32xf32, #tpu.memory_space<hbm>>
        %dma_wait3A_90 = tpu.memref_squeeze %dma_wait3A_89 : memref<1x51200x32xf32, #tpu.memory_space<hbm>> -> memref<51200x32xf32, #tpu.memory_space<hbm>>
        %dma_wait3A_91 = arith.constant 0 : i32
        %dma_wait3A_92 = tpu.memref_slice %dma_wait3A_90[%add3A_61, %dma_wait3A_91] : memref<51200x32xf32, #tpu.memory_space<hbm>> -> memref<128x32xf32, #tpu.memory_space<hbm>>
        tpu.wait_dma2 semaphore(%run_scoped3A_70 : memref<!tpu.dma_semaphore, #tpu.memory_space<semaphore_mem>>) src(%dma_wait3A_92 : memref<128x32xf32, #tpu.memory_space<hbm>>) dst(%arg21 : memref<128x32xf32, #tpu.memory_space<vmem>>)
        tpu.yield
      }) : () -> ()
      %scan3A_65 = arith.constant 0 : i32
      %scan3A_66 = arith.constant 8 : i32
      %scan3A_67 = arith.addi %scan3A_65, %scan3A_66 : i32
      %scan3A_68 = arith.constant 1 : i32
      scf.for %scan3A_70 = %scan3A_65 to %scan3A_67 step %scan3A_68  : i32 {
        %mul3A_71 = arith.constant 1 : i32
        %mul3A_72 = arith.muli %scan3A_70, %mul3A_71 : i32
        %add3A_73 = arith.constant 0 : i32
        %add3A_74 = arith.addi %add3A_73, %mul3A_72 : i32
        %mul3A_75 = arith.constant 16 : i32
        %mul3A_76 = arith.muli %add3A_74, %mul3A_75 : i32
        %get3A = arith.constant 0 : i32
        %get3A_77 = arith.index_cast %get3A : i32 to index
        %get3A_78 = arith.index_cast %mul3A_76 : i32 to index
        %get3A_79 = tpu.vector_load %arg26[%get3A_77, %get3A_78] {strides = array<i32>} : memref<1x128xf32, #tpu.memory_space<vmem>>, vector<16xf32>,
        %mul3A_80 = arith.constant 16 : i32
        %mul3A_81 = arith.muli %add3A_74, %mul3A_80 : i32
        %add3A_82 = arith.constant 0 : i32
        %add3A_83 = arith.addi %mul3A_81, %add3A_82 : i32
        %slice3A = vector.extract_strided_slice %get3A_79 {offsets = [0], sizes = [1], strides = [1]} : vector<16xf32> to vector<1xf32>
        %squeeze3A = vector.extract %slice3A[0] : f32 from vector<1xf32>
        %get3A_84 = arith.index_cast %add3A_83 : i32 to index
        %get3A_85 = arith.constant 0 : index
        %get3A_86 = tpu.vector_load %arg23[%get3A_84, %get3A_85] {strides = array<i32>} : memref<128x32xf32, #tpu.memory_space<vmem>>, vector<16xf32>,
        %mul3A_87 = vector.broadcast %squeeze3A : f32 to vector<16xf32>
        %mul3A_88 = arith.mulf %get3A_86, %mul3A_87 : vector<16xf32>
        %get3A_89 = arith.index_cast %add3A_83 : i32 to index
        %get3A_90 = arith.constant 16 : index
        %get3A_91 = tpu.vector_load %arg23[%get3A_89, %get3A_90] {strides = array<i32>} : memref<128x32xf32, #tpu.memory_space<vmem>>, vector<16xf32>,
        %mul3A_92 = vector.broadcast %squeeze3A : f32 to vector<16xf32>
        %mul3A_93 = arith.mulf %get3A_91, %mul3A_92 : vector<16xf32>
        %get3A_94 = arith.index_cast %add3A_83 : i32 to index
        %get3A_95 = arith.constant 0 : index
        %get3A_96 = tpu.vector_load %arg24[%get3A_94, %get3A_95] {strides = array<i32>} : memref<128x32xf32, #tpu.memory_space<vmem>>, vector<16xf32>,
        %mul3A_97 = arith.constant 2.000000e+00 : f32
        %mul3A_98 = vector.broadcast %mul3A_97 : f32 to vector<16xf32>
        %mul3A_99 = arith.mulf %mul3A_98, %get3A_96 : vector<16xf32>
        %add3A_100 = arith.addf %mul3A_88, %mul3A_99 : vector<16xf32>
        %get3A_101 = arith.index_cast %add3A_83 : i32 to index
        %get3A_102 = arith.constant 0 : index
        %get3A_103 = tpu.vector_load %arg21[%get3A_101, %get3A_102] {strides = array<i32>} : memref<128x32xf32, #tpu.memory_space<vmem>>, vector<16xf32>,
        %add3A_104 = arith.addf %add3A_100, %get3A_103 : vector<16xf32>
        %get3A_105 = arith.index_cast %add3A_83 : i32 to index
        %get3A_106 = arith.constant 16 : index
        %get3A_107 = tpu.vector_load %arg24[%get3A_105, %get3A_106] {strides = array<i32>} : memref<128x32xf32, #tpu.memory_space<vmem>>, vector<16xf32>,
        %mul3A_108 = arith.constant 2.000000e+00 : f32
        %mul3A_109 = vector.broadcast %mul3A_108 : f32 to vector<16xf32>
        %mul3A_110 = arith.mulf %mul3A_109, %get3A_107 : vector<16xf32>
        %add3A_111 = arith.addf %mul3A_93, %mul3A_110 : vector<16xf32>
        %get3A_112 = arith.index_cast %add3A_83 : i32 to index
        %get3A_113 = arith.constant 16 : index
        %get3A_114 = tpu.vector_load %arg21[%get3A_112, %get3A_113] {strides = array<i32>} : memref<128x32xf32, #tpu.memory_space<vmem>>, vector<16xf32>,
        %add3A_115 = arith.addf %add3A_111, %get3A_114 : vector<16xf32>
        %swap3A = arith.index_cast %add3A_83 : i32 to index
        %swap3A_116 = arith.constant 0 : index
        %swap3A_117 = tpu.vector_load %arg25[%swap3A, %swap3A_116] {strides = array<i32>} : memref<128x32xf32, #tpu.memory_space<vmem>>, vector<16xf32>,
        tpu.vector_store %arg25[%swap3A, %swap3A_116], %add3A_104 {strides = array<i32>} : memref<128x32xf32, #tpu.memory_space<vmem>>, vector<16xf32>,
        %swap3A_118 = arith.index_cast %add3A_83 : i32 to index
        %swap3A_119 = arith.constant 16 : index
        %swap3A_120 = tpu.vector_load %arg25[%swap3A_118, %swap3A_119] {strides = array<i32>} : memref<128x32xf32, #tpu.memory_space<vmem>>, vector<16xf32>,
        tpu.vector_store %arg25[%swap3A_118, %swap3A_119], %add3A_115 {strides = array<i32>} : memref<128x32xf32, #tpu.memory_space<vmem>>, vector<16xf32>,
        %mul3A_121 = arith.constant 16 : i32
        %mul3A_122 = arith.muli %add3A_74, %mul3A_121 : i32
        %add3A_123 = arith.constant 1 : i32
        %add3A_124 = arith.addi %mul3A_122, %add3A_123 : i32
        %slice3A_125 = vector.extract_strided_slice %get3A_79 {offsets = [1], sizes = [1], strides = [1]} : vector<16xf32> to vector<1xf32>
        %squeeze3A_126 = vector.extract %slice3A_125[0] : f32 from vector<1xf32>
        %get3A_127 = arith.index_cast %add3A_124 : i32 to index
        %get3A_128 = arith.constant 0 : index
        %get3A_129 = tpu.vector_load %arg23[%get3A_127, %get3A_128] {strides = array<i32>} : memref<128x32xf32, #tpu.memory_space<vmem>>, vector<16xf32>,
        %mul3A_130 = vector.broadcast %squeeze3A_126 : f32 to vector<16xf32>
        %mul3A_131 = arith.mulf %get3A_129, %mul3A_130 : vector<16xf32>
        %get3A_132 = arith.index_cast %add3A_124 : i32 to index
        %get3A_133 = arith.constant 16 : index
        %get3A_134 = tpu.vector_load %arg23[%get3A_132, %get3A_133] {strides = array<i32>} : memref<128x32xf32, #tpu.memory_space<vmem>>, vector<16xf32>,
        %mul3A_135 = vector.broadcast %squeeze3A_126 : f32 to vector<16xf32>
        %mul3A_136 = arith.mulf %get3A_134, %mul3A_135 : vector<16xf32>
        %get3A_137 = arith.index_cast %add3A_124 : i32 to index
        %get3A_138 = arith.constant 0 : index
        %get3A_139 = tpu.vector_load %arg24[%get3A_137, %get3A_138] {strides = array<i32>} : memref<128x32xf32, #tpu.memory_space<vmem>>, vector<16xf32>,
        %mul3A_140 = arith.constant 2.000000e+00 : f32
        %mul3A_141 = vector.broadcast %mul3A_140 : f32 to vector<16xf32>
        %mul3A_142 = arith.mulf %mul3A_141, %get3A_139 : vector<16xf32>
        %add3A_143 = arith.addf %mul3A_131, %mul3A_142 : vector<16xf32>
        %get3A_144 = arith.index_cast %add3A_124 : i32 to index
        %get3A_145 = arith.constant 0 : index
        %get3A_146 = tpu.vector_load %arg21[%get3A_144, %get3A_145] {strides = array<i32>} : memref<128x32xf32, #tpu.memory_space<vmem>>, vector<16xf32>,
        %add3A_147 = arith.addf %add3A_143, %get3A_146 : vector<16xf32>
        %get3A_148 = arith.index_cast %add3A_124 : i32 to index
        %get3A_149 = arith.constant 16 : index
        %get3A_150 = tpu.vector_load %arg24[%get3A_148, %get3A_149] {strides = array<i32>} : memref<128x32xf32, #tpu.memory_space<vmem>>, vector<16xf32>,
        %mul3A_151 = arith.constant 2.000000e+00 : f32
        %mul3A_152 = vector.broadcast %mul3A_151 : f32 to vector<16xf32>
        %mul3A_153 = arith.mulf %mul3A_152, %get3A_150 : vector<16xf32>
        %add3A_154 = arith.addf %mul3A_136, %mul3A_153 : vector<16xf32>
        %get3A_155 = arith.index_cast %add3A_124 : i32 to index
        %get3A_156 = arith.constant 16 : index
        %get3A_157 = tpu.vector_load %arg21[%get3A_155, %get3A_156] {strides = array<i32>} : memref<128x32xf32, #tpu.memory_space<vmem>>, vector<16xf32>,
        %add3A_158 = arith.addf %add3A_154, %get3A_157 : vector<16xf32>
        %swap3A_159 = arith.index_cast %add3A_124 : i32 to index
        %swap3A_160 = arith.constant 0 : index
        %swap3A_161 = tpu.vector_load %arg25[%swap3A_159, %swap3A_160] {strides = array<i32>} : memref<128x32xf32, #tpu.memory_space<vmem>>, vector<16xf32>,
        tpu.vector_store %arg25[%swap3A_159, %swap3A_160], %add3A_147 {strides = array<i32>} : memref<128x32xf32, #tpu.memory_space<vmem>>, vector<16xf32>,
        %swap3A_162 = arith.index_cast %add3A_124 : i32 to index
        %swap3A_163 = arith.constant 16 : index
        %swap3A_164 = tpu.vector_load %arg25[%swap3A_162, %swap3A_163] {strides = array<i32>} : memref<128x32xf32, #tpu.memory_space<vmem>>, vector<16xf32>,
        tpu.vector_store %arg25[%swap3A_162, %swap3A_163], %add3A_158 {strides = array<i32>} : memref<128x32xf32, #tpu.memory_space<vmem>>, vector<16xf32>,
        %mul3A_165 = arith.constant 16 : i32
        %mul3A_166 = arith.muli %add3A_74, %mul3A_165 : i32
        %add3A_167 = arith.constant 2 : i32
        %add3A_168 = arith.addi %mul3A_166, %add3A_167 : i32
        %slice3A_169 = vector.extract_strided_slice %get3A_79 {offsets = [2], sizes = [1], strides = [1]} : vector<16xf32> to vector<1xf32>
        %squeeze3A_170 = vector.extract %slice3A_169[0] : f32 from vector<1xf32>
        %get3A_171 = arith.index_cast %add3A_168 : i32 to index
        %get3A_172 = arith.constant 0 : index
        %get3A_173 = tpu.vector_load %arg23[%get3A_171, %get3A_172] {strides = array<i32>} : memref<128x32xf32, #tpu.memory_space<vmem>>, vector<16xf32>,
        %mul3A_174 = vector.broadcast %squeeze3A_170 : f32 to vector<16xf32>
        %mul3A_175 = arith.mulf %get3A_173, %mul3A_174 : vector<16xf32>
        %get3A_176 = arith.index_cast %add3A_168 : i32 to index
        %get3A_177 = arith.constant 16 : index
        %get3A_178 = tpu.vector_load %arg23[%get3A_176, %get3A_177] {strides = array<i32>} : memref<128x32xf32, #tpu.memory_space<vmem>>, vector<16xf32>,
        %mul3A_179 = vector.broadcast %squeeze3A_170 : f32 to vector<16xf32>
        %mul3A_180 = arith.mulf %get3A_178, %mul3A_179 : vector<16xf32>
        %get3A_181 = arith.index_cast %add3A_168 : i32 to index
        %get3A_182 = arith.constant 0 : index
        %get3A_183 = tpu.vector_load %arg24[%get3A_181, %get3A_182] {strides = array<i32>} : memref<128x32xf32, #tpu.memory_space<vmem>>, vector<16xf32>,
        %mul3A_184 = arith.constant 2.000000e+00 : f32
        %mul3A_185 = vector.broadcast %mul3A_184 : f32 to vector<16xf32>
        %mul3A_186 = arith.mulf %mul3A_185, %get3A_183 : vector<16xf32>
        %add3A_187 = arith.addf %mul3A_175, %mul3A_186 : vector<16xf32>
        %get3A_188 = arith.index_cast %add3A_168 : i32 to index
        %get3A_189 = arith.constant 0 : index
        %get3A_190 = tpu.vector_load %arg21[%get3A_188, %get3A_189] {strides = array<i32>} : memref<128x32xf32, #tpu.memory_space<vmem>>, vector<16xf32>,
        %add3A_191 = arith.addf %add3A_187, %get3A_190 : vector<16xf32>
        %get3A_192 = arith.index_cast %add3A_168 : i32 to index
        %get3A_193 = arith.constant 16 : index
        %get3A_194 = tpu.vector_load %arg24[%get3A_192, %get3A_193] {strides = array<i32>} : memref<128x32xf32, #tpu.memory_space<vmem>>, vector<16xf32>,
        %mul3A_195 = arith.constant 2.000000e+00 : f32
        %mul3A_196 = vector.broadcast %mul3A_195 : f32 to vector<16xf32>
        %mul3A_197 = arith.mulf %mul3A_196, %get3A_194 : vector<16xf32>
        %add3A_198 = arith.addf %mul3A_180, %mul3A_197 : vector<16xf32>
        %get3A_199 = arith.index_cast %add3A_168 : i32 to index
        %get3A_200 = arith.constant 16 : index
        %get3A_201 = tpu.vector_load %arg21[%get3A_199, %get3A_200] {strides = array<i32>} : memref<128x32xf32, #tpu.memory_space<vmem>>, vector<16xf32>,
        %add3A_202 = arith.addf %add3A_198, %get3A_201 : vector<16xf32>
        %swap3A_203 = arith.index_cast %add3A_168 : i32 to index
        %swap3A_204 = arith.constant 0 : index
        %swap3A_205 = tpu.vector_load %arg25[%swap3A_203, %swap3A_204] {strides = array<i32>} : memref<128x32xf32, #tpu.memory_space<vmem>>, vector<16xf32>,
        tpu.vector_store %arg25[%swap3A_203, %swap3A_204], %add3A_191 {strides = array<i32>} : memref<128x32xf32, #tpu.memory_space<vmem>>, vector<16xf32>,
        %swap3A_206 = arith.index_cast %add3A_168 : i32 to index
        %swap3A_207 = arith.constant 16 : index
        %swap3A_208 = tpu.vector_load %arg25[%swap3A_206, %swap3A_207] {strides = array<i32>} : memref<128x32xf32, #tpu.memory_space<vmem>>, vector<16xf32>,
        tpu.vector_store %arg25[%swap3A_206, %swap3A_207], %add3A_202 {strides = array<i32>} : memref<128x32xf32, #tpu.memory_space<vmem>>, vector<16xf32>,
        %mul3A_209 = arith.constant 16 : i32
        %mul3A_210 = arith.muli %add3A_74, %mul3A_209 : i32
        %add3A_211 = arith.constant 3 : i32
        %add3A_212 = arith.addi %mul3A_210, %add3A_211 : i32
        %slice3A_213 = vector.extract_strided_slice %get3A_79 {offsets = [3], sizes = [1], strides = [1]} : vector<16xf32> to vector<1xf32>
        %squeeze3A_214 = vector.extract %slice3A_213[0] : f32 from vector<1xf32>
        %get3A_215 = arith.index_cast %add3A_212 : i32 to index
        %get3A_216 = arith.constant 0 : index
        %get3A_217 = tpu.vector_load %arg23[%get3A_215, %get3A_216] {strides = array<i32>} : memref<128x32xf32, #tpu.memory_space<vmem>>, vector<16xf32>,
        %mul3A_218 = vector.broadcast %squeeze3A_214 : f32 to vector<16xf32>
        %mul3A_219 = arith.mulf %get3A_217, %mul3A_218 : vector<16xf32>
        %get3A_220 = arith.index_cast %add3A_212 : i32 to index
        %get3A_221 = arith.constant 16 : index
        %get3A_222 = tpu.vector_load %arg23[%get3A_220, %get3A_221] {strides = array<i32>} : memref<128x32xf32, #tpu.memory_space<vmem>>, vector<16xf32>,
        %mul3A_223 = vector.broadcast %squeeze3A_214 : f32 to vector<16xf32>
        %mul3A_224 = arith.mulf %get3A_222, %mul3A_223 : vector<16xf32>
        %get3A_225 = arith.index_cast %add3A_212 : i32 to index
        %get3A_226 = arith.constant 0 : index
        %get3A_227 = tpu.vector_load %arg24[%get3A_225, %get3A_226] {strides = array<i32>} : memref<128x32xf32, #tpu.memory_space<vmem>>, vector<16xf32>,
        %mul3A_228 = arith.constant 2.000000e+00 : f32
        %mul3A_229 = vector.broadcast %mul3A_228 : f32 to vector<16xf32>
        %mul3A_230 = arith.mulf %mul3A_229, %get3A_227 : vector<16xf32>
        %add3A_231 = arith.addf %mul3A_219, %mul3A_230 : vector<16xf32>
        %get3A_232 = arith.index_cast %add3A_212 : i32 to index
        %get3A_233 = arith.constant 0 : index
        %get3A_234 = tpu.vector_load %arg21[%get3A_232, %get3A_233] {strides = array<i32>} : memref<128x32xf32, #tpu.memory_space<vmem>>, vector<16xf32>,
        %add3A_235 = arith.addf %add3A_231, %get3A_234 : vector<16xf32>
        %get3A_236 = arith.index_cast %add3A_212 : i32 to index
        %get3A_237 = arith.constant 16 : index
        %get3A_238 = tpu.vector_load %arg24[%get3A_236, %get3A_237] {strides = array<i32>} : memref<128x32xf32, #tpu.memory_space<vmem>>, vector<16xf32>,
        %mul3A_239 = arith.constant 2.000000e+00 : f32
        %mul3A_240 = vector.broadcast %mul3A_239 : f32 to vector<16xf32>
        %mul3A_241 = arith.mulf %mul3A_240, %get3A_238 : vector<16xf32>
        %add3A_242 = arith.addf %mul3A_224, %mul3A_241 : vector<16xf32>
        %get3A_243 = arith.index_cast %add3A_212 : i32 to index
        %get3A_244 = arith.constant 16 : index
        %get3A_245 = tpu.vector_load %arg21[%get3A_243, %get3A_244] {strides = array<i32>} : memref<128x32xf32, #tpu.memory_space<vmem>>, vector<16xf32>,
        %add3A_246 = arith.addf %add3A_242, %get3A_245 : vector<16xf32>
        %swap3A_247 = arith.index_cast %add3A_212 : i32 to index
        %swap3A_248 = arith.constant 0 : index
        %swap3A_249 = tpu.vector_load %arg25[%swap3A_247, %swap3A_248] {strides = array<i32>} : memref<128x32xf32, #tpu.memory_space<vmem>>, vector<16xf32>,
        tpu.vector_store %arg25[%swap3A_247, %swap3A_248], %add3A_235 {strides = array<i32>} : memref<128x32xf32, #tpu.memory_space<vmem>>, vector<16xf32>,
        %swap3A_250 = arith.index_cast %add3A_212 : i32 to index
        %swap3A_251 = arith.constant 16 : index
        %swap3A_252 = tpu.vector_load %arg25[%swap3A_250, %swap3A_251] {strides = array<i32>} : memref<128x32xf32, #tpu.memory_space<vmem>>, vector<16xf32>,
        tpu.vector_store %arg25[%swap3A_250, %swap3A_251], %add3A_246 {strides = array<i32>} : memref<128x32xf32, #tpu.memory_space<vmem>>, vector<16xf32>,
        %mul3A_253 = arith.constant 16 : i32
        %mul3A_254 = arith.muli %add3A_74, %mul3A_253 : i32
        %add3A_255 = arith.constant 4 : i32
        %add3A_256 = arith.addi %mul3A_254, %add3A_255 : i32
        %slice3A_257 = vector.extract_strided_slice %get3A_79 {offsets = [4], sizes = [1], strides = [1]} : vector<16xf32> to vector<1xf32>
        %squeeze3A_258 = vector.extract %slice3A_257[0] : f32 from vector<1xf32>
        %get3A_259 = arith.index_cast %add3A_256 : i32 to index
        %get3A_260 = arith.constant 0 : index
        %get3A_261 = tpu.vector_load %arg23[%get3A_259, %get3A_260] {strides = array<i32>} : memref<128x32xf32, #tpu.memory_space<vmem>>, vector<16xf32>,
        %mul3A_262 = vector.broadcast %squeeze3A_258 : f32 to vector<16xf32>
        %mul3A_263 = arith.mulf %get3A_261, %mul3A_262 : vector<16xf32>
        %get3A_264 = arith.index_cast %add3A_256 : i32 to index
        %get3A_265 = arith.constant 16 : index
        %get3A_266 = tpu.vector_load %arg23[%get3A_264, %get3A_265] {strides = array<i32>} : memref<128x32xf32, #tpu.memory_space<vmem>>, vector<16xf32>,
        %mul3A_267 = vector.broadcast %squeeze3A_258 : f32 to vector<16xf32>
        %mul3A_268 = arith.mulf %get3A_266, %mul3A_267 : vector<16xf32>
        %get3A_269 = arith.index_cast %add3A_256 : i32 to index
        %get3A_270 = arith.constant 0 : index
        %get3A_271 = tpu.vector_load %arg24[%get3A_269, %get3A_270] {strides = array<i32>} : memref<128x32xf32, #tpu.memory_space<vmem>>, vector<16xf32>,
        %mul3A_272 = arith.constant 2.000000e+00 : f32
        %mul3A_273 = vector.broadcast %mul3A_272 : f32 to vector<16xf32>
        %mul3A_274 = arith.mulf %mul3A_273, %get3A_271 : vector<16xf32>
        %add3A_275 = arith.addf %mul3A_263, %mul3A_274 : vector<16xf32>
        %get3A_276 = arith.index_cast %add3A_256 : i32 to index
        %get3A_277 = arith.constant 0 : index
        %get3A_278 = tpu.vector_load %arg21[%get3A_276, %get3A_277] {strides = array<i32>} : memref<128x32xf32, #tpu.memory_space<vmem>>, vector<16xf32>,
        %add3A_279 = arith.addf %add3A_275, %get3A_278 : vector<16xf32>
        %get3A_280 = arith.index_cast %add3A_256 : i32 to index
        %get3A_281 = arith.constant 16 : index
        %get3A_282 = tpu.vector_load %arg24[%get3A_280, %get3A_281] {strides = array<i32>} : memref<128x32xf32, #tpu.memory_space<vmem>>, vector<16xf32>,
        %mul3A_283 = arith.constant 2.000000e+00 : f32
        %mul3A_284 = vector.broadcast %mul3A_283 : f32 to vector<16xf32>
        %mul3A_285 = arith.mulf %mul3A_284, %get3A_282 : vector<16xf32>
        %add3A_286 = arith.addf %mul3A_268, %mul3A_285 : vector<16xf32>
        %get3A_287 = arith.index_cast %add3A_256 : i32 to index
        %get3A_288 = arith.constant 16 : index
        %get3A_289 = tpu.vector_load %arg21[%get3A_287, %get3A_288] {strides = array<i32>} : memref<128x32xf32, #tpu.memory_space<vmem>>, vector<16xf32>,
        %add3A_290 = arith.addf %add3A_286, %get3A_289 : vector<16xf32>
        %swap3A_291 = arith.index_cast %add3A_256 : i32 to index
        %swap3A_292 = arith.constant 0 : index
        %swap3A_293 = tpu.vector_load %arg25[%swap3A_291, %swap3A_292] {strides = array<i32>} : memref<128x32xf32, #tpu.memory_space<vmem>>, vector<16xf32>,
        tpu.vector_store %arg25[%swap3A_291, %swap3A_292], %add3A_279 {strides = array<i32>} : memref<128x32xf32, #tpu.memory_space<vmem>>, vector<16xf32>,
        %swap3A_294 = arith.index_cast %add3A_256 : i32 to index
        %swap3A_295 = arith.constant 16 : index
        %swap3A_296 = tpu.vector_load %arg25[%swap3A_294, %swap3A_295] {strides = array<i32>} : memref<128x32xf32, #tpu.memory_space<vmem>>, vector<16xf32>,
        tpu.vector_store %arg25[%swap3A_294, %swap3A_295], %add3A_290 {strides = array<i32>} : memref<128x32xf32, #tpu.memory_space<vmem>>, vector<16xf32>,
        %mul3A_297 = arith.constant 16 : i32
        %mul3A_298 = arith.muli %add3A_74, %mul3A_297 : i32
        %add3A_299 = arith.constant 5 : i32
        %add3A_300 = arith.addi %mul3A_298, %add3A_299 : i32
        %slice3A_301 = vector.extract_strided_slice %get3A_79 {offsets = [5], sizes = [1], strides = [1]} : vector<16xf32> to vector<1xf32>
        %squeeze3A_302 = vector.extract %slice3A_301[0] : f32 from vector<1xf32>
        %get3A_303 = arith.index_cast %add3A_300 : i32 to index
        %get3A_304 = arith.constant 0 : index
        %get3A_305 = tpu.vector_load %arg23[%get3A_303, %get3A_304] {strides = array<i32>} : memref<128x32xf32, #tpu.memory_space<vmem>>, vector<16xf32>,
        %mul3A_306 = vector.broadcast %squeeze3A_302 : f32 to vector<16xf32>
        %mul3A_307 = arith.mulf %get3A_305, %mul3A_306 : vector<16xf32>
        %get3A_308 = arith.index_cast %add3A_300 : i32 to index
        %get3A_309 = arith.constant 16 : index
        %get3A_310 = tpu.vector_load %arg23[%get3A_308, %get3A_309] {strides = array<i32>} : memref<128x32xf32, #tpu.memory_space<vmem>>, vector<16xf32>,
        %mul3A_311 = vector.broadcast %squeeze3A_302 : f32 to vector<16xf32>
        %mul3A_312 = arith.mulf %get3A_310, %mul3A_311 : vector<16xf32>
        %get3A_313 = arith.index_cast %add3A_300 : i32 to index
        %get3A_314 = arith.constant 0 : index
        %get3A_315 = tpu.vector_load %arg24[%get3A_313, %get3A_314] {strides = array<i32>} : memref<128x32xf32, #tpu.memory_space<vmem>>, vector<16xf32>,
        %mul3A_316 = arith.constant 2.000000e+00 : f32
        %mul3A_317 = vector.broadcast %mul3A_316 : f32 to vector<16xf32>
        %mul3A_318 = arith.mulf %mul3A_317, %get3A_315 : vector<16xf32>
        %add3A_319 = arith.addf %mul3A_307, %mul3A_318 : vector<16xf32>
        %get3A_320 = arith.index_cast %add3A_300 : i32 to index
        %get3A_321 = arith.constant 0 : index
        %get3A_322 = tpu.vector_load %arg21[%get3A_320, %get3A_321] {strides = array<i32>} : memref<128x32xf32, #tpu.memory_space<vmem>>, vector<16xf32>,
        %add3A_323 = arith.addf %add3A_319, %get3A_322 : vector<16xf32>
        %get3A_324 = arith.index_cast %add3A_300 : i32 to index
        %get3A_325 = arith.constant 16 : index
        %get3A_326 = tpu.vector_load %arg24[%get3A_324, %get3A_325] {strides = array<i32>} : memref<128x32xf32, #tpu.memory_space<vmem>>, vector<16xf32>,
        %mul3A_327 = arith.constant 2.000000e+00 : f32
        %mul3A_328 = vector.broadcast %mul3A_327 : f32 to vector<16xf32>
        %mul3A_329 = arith.mulf %mul3A_328, %get3A_326 : vector<16xf32>
        %add3A_330 = arith.addf %mul3A_312, %mul3A_329 : vector<16xf32>
        %get3A_331 = arith.index_cast %add3A_300 : i32 to index
        %get3A_332 = arith.constant 16 : index
        %get3A_333 = tpu.vector_load %arg21[%get3A_331, %get3A_332] {strides = array<i32>} : memref<128x32xf32, #tpu.memory_space<vmem>>, vector<16xf32>,
        %add3A_334 = arith.addf %add3A_330, %get3A_333 : vector<16xf32>
        %swap3A_335 = arith.index_cast %add3A_300 : i32 to index
        %swap3A_336 = arith.constant 0 : index
        %swap3A_337 = tpu.vector_load %arg25[%swap3A_335, %swap3A_336] {strides = array<i32>} : memref<128x32xf32, #tpu.memory_space<vmem>>, vector<16xf32>,
        tpu.vector_store %arg25[%swap3A_335, %swap3A_336], %add3A_323 {strides = array<i32>} : memref<128x32xf32, #tpu.memory_space<vmem>>, vector<16xf32>,
        %swap3A_338 = arith.index_cast %add3A_300 : i32 to index
        %swap3A_339 = arith.constant 16 : index
        %swap3A_340 = tpu.vector_load %arg25[%swap3A_338, %swap3A_339] {strides = array<i32>} : memref<128x32xf32, #tpu.memory_space<vmem>>, vector<16xf32>,
        tpu.vector_store %arg25[%swap3A_338, %swap3A_339], %add3A_334 {strides = array<i32>} : memref<128x32xf32, #tpu.memory_space<vmem>>, vector<16xf32>,
        %mul3A_341 = arith.constant 16 : i32
        %mul3A_342 = arith.muli %add3A_74, %mul3A_341 : i32
        %add3A_343 = arith.constant 6 : i32
        %add3A_344 = arith.addi %mul3A_342, %add3A_343 : i32
        %slice3A_345 = vector.extract_strided_slice %get3A_79 {offsets = [6], sizes = [1], strides = [1]} : vector<16xf32> to vector<1xf32>
        %squeeze3A_346 = vector.extract %slice3A_345[0] : f32 from vector<1xf32>
        %get3A_347 = arith.index_cast %add3A_344 : i32 to index
        %get3A_348 = arith.constant 0 : index
        %get3A_349 = tpu.vector_load %arg23[%get3A_347, %get3A_348] {strides = array<i32>} : memref<128x32xf32, #tpu.memory_space<vmem>>, vector<16xf32>,
        %mul3A_350 = vector.broadcast %squeeze3A_346 : f32 to vector<16xf32>
        %mul3A_351 = arith.mulf %get3A_349, %mul3A_350 : vector<16xf32>
        %get3A_352 = arith.index_cast %add3A_344 : i32 to index
        %get3A_353 = arith.constant 16 : index
        %get3A_354 = tpu.vector_load %arg23[%get3A_352, %get3A_353] {strides = array<i32>} : memref<128x32xf32, #tpu.memory_space<vmem>>, vector<16xf32>,
        %mul3A_355 = vector.broadcast %squeeze3A_346 : f32 to vector<16xf32>
        %mul3A_356 = arith.mulf %get3A_354, %mul3A_355 : vector<16xf32>
        %get3A_357 = arith.index_cast %add3A_344 : i32 to index
        %get3A_358 = arith.constant 0 : index
        %get3A_359 = tpu.vector_load %arg24[%get3A_357, %get3A_358] {strides = array<i32>} : memref<128x32xf32, #tpu.memory_space<vmem>>, vector<16xf32>,
        %mul3A_360 = arith.constant 2.000000e+00 : f32
        %mul3A_361 = vector.broadcast %mul3A_360 : f32 to vector<16xf32>
        %mul3A_362 = arith.mulf %mul3A_361, %get3A_359 : vector<16xf32>
        %add3A_363 = arith.addf %mul3A_351, %mul3A_362 : vector<16xf32>
        %get3A_364 = arith.index_cast %add3A_344 : i32 to index
        %get3A_365 = arith.constant 0 : index
        %get3A_366 = tpu.vector_load %arg21[%get3A_364, %get3A_365] {strides = array<i32>} : memref<128x32xf32, #tpu.memory_space<vmem>>, vector<16xf32>,
        %add3A_367 = arith.addf %add3A_363, %get3A_366 : vector<16xf32>
        %get3A_368 = arith.index_cast %add3A_344 : i32 to index
        %get3A_369 = arith.constant 16 : index
        %get3A_370 = tpu.vector_load %arg24[%get3A_368, %get3A_369] {strides = array<i32>} : memref<128x32xf32, #tpu.memory_space<vmem>>, vector<16xf32>,
        %mul3A_371 = arith.constant 2.000000e+00 : f32
        %mul3A_372 = vector.broadcast %mul3A_371 : f32 to vector<16xf32>
        %mul3A_373 = arith.mulf %mul3A_372, %get3A_370 : vector<16xf32>
        %add3A_374 = arith.addf %mul3A_356, %mul3A_373 : vector<16xf32>
        %get3A_375 = arith.index_cast %add3A_344 : i32 to index
        %get3A_376 = arith.constant 16 : index
        %get3A_377 = tpu.vector_load %arg21[%get3A_375, %get3A_376] {strides = array<i32>} : memref<128x32xf32, #tpu.memory_space<vmem>>, vector<16xf32>,
        %add3A_378 = arith.addf %add3A_374, %get3A_377 : vector<16xf32>
        %swap3A_379 = arith.index_cast %add3A_344 : i32 to index
        %swap3A_380 = arith.constant 0 : index
        %swap3A_381 = tpu.vector_load %arg25[%swap3A_379, %swap3A_380] {strides = array<i32>} : memref<128x32xf32, #tpu.memory_space<vmem>>, vector<16xf32>,
        tpu.vector_store %arg25[%swap3A_379, %swap3A_380], %add3A_367 {strides = array<i32>} : memref<128x32xf32, #tpu.memory_space<vmem>>, vector<16xf32>,
        %swap3A_382 = arith.index_cast %add3A_344 : i32 to index
        %swap3A_383 = arith.constant 16 : index
        %swap3A_384 = tpu.vector_load %arg25[%swap3A_382, %swap3A_383] {strides = array<i32>} : memref<128x32xf32, #tpu.memory_space<vmem>>, vector<16xf32>,
        tpu.vector_store %arg25[%swap3A_382, %swap3A_383], %add3A_378 {strides = array<i32>} : memref<128x32xf32, #tpu.memory_space<vmem>>, vector<16xf32>,
        %mul3A_385 = arith.constant 16 : i32
        %mul3A_386 = arith.muli %add3A_74, %mul3A_385 : i32
        %add3A_387 = arith.constant 7 : i32
        %add3A_388 = arith.addi %mul3A_386, %add3A_387 : i32
        %slice3A_389 = vector.extract_strided_slice %get3A_79 {offsets = [7], sizes = [1], strides = [1]} : vector<16xf32> to vector<1xf32>
        %squeeze3A_390 = vector.extract %slice3A_389[0] : f32 from vector<1xf32>
        %get3A_391 = arith.index_cast %add3A_388 : i32 to index
        %get3A_392 = arith.constant 0 : index
        %get3A_393 = tpu.vector_load %arg23[%get3A_391, %get3A_392] {strides = array<i32>} : memref<128x32xf32, #tpu.memory_space<vmem>>, vector<16xf32>,
        %mul3A_394 = vector.broadcast %squeeze3A_390 : f32 to vector<16xf32>
        %mul3A_395 = arith.mulf %get3A_393, %mul3A_394 : vector<16xf32>
        %get3A_396 = arith.index_cast %add3A_388 : i32 to index
        %get3A_397 = arith.constant 16 : index
        %get3A_398 = tpu.vector_load %arg23[%get3A_396, %get3A_397] {strides = array<i32>} : memref<128x32xf32, #tpu.memory_space<vmem>>, vector<16xf32>,
        %mul3A_399 = vector.broadcast %squeeze3A_390 : f32 to vector<16xf32>
        %mul3A_400 = arith.mulf %get3A_398, %mul3A_399 : vector<16xf32>
        %get3A_401 = arith.index_cast %add3A_388 : i32 to index
        %get3A_402 = arith.constant 0 : index
        %get3A_403 = tpu.vector_load %arg24[%get3A_401, %get3A_402] {strides = array<i32>} : memref<128x32xf32, #tpu.memory_space<vmem>>, vector<16xf32>,
        %mul3A_404 = arith.constant 2.000000e+00 : f32
        %mul3A_405 = vector.broadcast %mul3A_404 : f32 to vector<16xf32>
        %mul3A_406 = arith.mulf %mul3A_405, %get3A_403 : vector<16xf32>
        %add3A_407 = arith.addf %mul3A_395, %mul3A_406 : vector<16xf32>
        %get3A_408 = arith.index_cast %add3A_388 : i32 to index
        %get3A_409 = arith.constant 0 : index
        %get3A_410 = tpu.vector_load %arg21[%get3A_408, %get3A_409] {strides = array<i32>} : memref<128x32xf32, #tpu.memory_space<vmem>>, vector<16xf32>,
        %add3A_411 = arith.addf %add3A_407, %get3A_410 : vector<16xf32>
        %get3A_412 = arith.index_cast %add3A_388 : i32 to index
        %get3A_413 = arith.constant 16 : index
        %get3A_414 = tpu.vector_load %arg24[%get3A_412, %get3A_413] {strides = array<i32>} : memref<128x32xf32, #tpu.memory_space<vmem>>, vector<16xf32>,
        %mul3A_415 = arith.constant 2.000000e+00 : f32
        %mul3A_416 = vector.broadcast %mul3A_415 : f32 to vector<16xf32>
        %mul3A_417 = arith.mulf %mul3A_416, %get3A_414 : vector<16xf32>
        %add3A_418 = arith.addf %mul3A_400, %mul3A_417 : vector<16xf32>
        %get3A_419 = arith.index_cast %add3A_388 : i32 to index
        %get3A_420 = arith.constant 16 : index
        %get3A_421 = tpu.vector_load %arg21[%get3A_419, %get3A_420] {strides = array<i32>} : memref<128x32xf32, #tpu.memory_space<vmem>>, vector<16xf32>,
        %add3A_422 = arith.addf %add3A_418, %get3A_421 : vector<16xf32>
        %swap3A_423 = arith.index_cast %add3A_388 : i32 to index
        %swap3A_424 = arith.constant 0 : index
        %swap3A_425 = tpu.vector_load %arg25[%swap3A_423, %swap3A_424] {strides = array<i32>} : memref<128x32xf32, #tpu.memory_space<vmem>>, vector<16xf32>,
        tpu.vector_store %arg25[%swap3A_423, %swap3A_424], %add3A_411 {strides = array<i32>} : memref<128x32xf32, #tpu.memory_space<vmem>>, vector<16xf32>,
        %swap3A_426 = arith.index_cast %add3A_388 : i32 to index
        %swap3A_427 = arith.constant 16 : index
        %swap3A_428 = tpu.vector_load %arg25[%swap3A_426, %swap3A_427] {strides = array<i32>} : memref<128x32xf32, #tpu.memory_space<vmem>>, vector<16xf32>,
        tpu.vector_store %arg25[%swap3A_426, %swap3A_427], %add3A_422 {strides = array<i32>} : memref<128x32xf32, #tpu.memory_space<vmem>>, vector<16xf32>,
        %mul3A_429 = arith.constant 16 : i32
        %mul3A_430 = arith.muli %add3A_74, %mul3A_429 : i32
        %add3A_431 = arith.constant 8 : i32
        %add3A_432 = arith.addi %mul3A_430, %add3A_431 : i32
        %slice3A_433 = vector.extract_strided_slice %get3A_79 {offsets = [8], sizes = [1], strides = [1]} : vector<16xf32> to vector<1xf32>
        %squeeze3A_434 = vector.extract %slice3A_433[0] : f32 from vector<1xf32>
        %get3A_435 = arith.index_cast %add3A_432 : i32 to index
        %get3A_436 = arith.constant 0 : index
        %get3A_437 = tpu.vector_load %arg23[%get3A_435, %get3A_436] {strides = array<i32>} : memref<128x32xf32, #tpu.memory_space<vmem>>, vector<16xf32>,
        %mul3A_438 = vector.broadcast %squeeze3A_434 : f32 to vector<16xf32>
        %mul3A_439 = arith.mulf %get3A_437, %mul3A_438 : vector<16xf32>
        %get3A_440 = arith.index_cast %add3A_432 : i32 to index
        %get3A_441 = arith.constant 16 : index
        %get3A_442 = tpu.vector_load %arg23[%get3A_440, %get3A_441] {strides = array<i32>} : memref<128x32xf32, #tpu.memory_space<vmem>>, vector<16xf32>,
        %mul3A_443 = vector.broadcast %squeeze3A_434 : f32 to vector<16xf32>
        %mul3A_444 = arith.mulf %get3A_442, %mul3A_443 : vector<16xf32>
        %get3A_445 = arith.index_cast %add3A_432 : i32 to index
        %get3A_446 = arith.constant 0 : index
        %get3A_447 = tpu.vector_load %arg24[%get3A_445, %get3A_446] {strides = array<i32>} : memref<128x32xf32, #tpu.memory_space<vmem>>, vector<16xf32>,
        %mul3A_448 = arith.constant 2.000000e+00 : f32
        %mul3A_449 = vector.broadcast %mul3A_448 : f32 to vector<16xf32>
        %mul3A_450 = arith.mulf %mul3A_449, %get3A_447 : vector<16xf32>
        %add3A_451 = arith.addf %mul3A_439, %mul3A_450 : vector<16xf32>
        %get3A_452 = arith.index_cast %add3A_432 : i32 to index
        %get3A_453 = arith.constant 0 : index
        %get3A_454 = tpu.vector_load %arg21[%get3A_452, %get3A_453] {strides = array<i32>} : memref<128x32xf32, #tpu.memory_space<vmem>>, vector<16xf32>,
        %add3A_455 = arith.addf %add3A_451, %get3A_454 : vector<16xf32>
        %get3A_456 = arith.index_cast %add3A_432 : i32 to index
        %get3A_457 = arith.constant 16 : index
        %get3A_458 = tpu.vector_load %arg24[%get3A_456, %get3A_457] {strides = array<i32>} : memref<128x32xf32, #tpu.memory_space<vmem>>, vector<16xf32>,
        %mul3A_459 = arith.constant 2.000000e+00 : f32
        %mul3A_460 = vector.broadcast %mul3A_459 : f32 to vector<16xf32>
        %mul3A_461 = arith.mulf %mul3A_460, %get3A_458 : vector<16xf32>
        %add3A_462 = arith.addf %mul3A_444, %mul3A_461 : vector<16xf32>
        %get3A_463 = arith.index_cast %add3A_432 : i32 to index
        %get3A_464 = arith.constant 16 : index
        %get3A_465 = tpu.vector_load %arg21[%get3A_463, %get3A_464] {strides = array<i32>} : memref<128x32xf32, #tpu.memory_space<vmem>>, vector<16xf32>,
        %add3A_466 = arith.addf %add3A_462, %get3A_465 : vector<16xf32>
        %swap3A_467 = arith.index_cast %add3A_432 : i32 to index
        %swap3A_468 = arith.constant 0 : index
        %swap3A_469 = tpu.vector_load %arg25[%swap3A_467, %swap3A_468] {strides = array<i32>} : memref<128x32xf32, #tpu.memory_space<vmem>>, vector<16xf32>,
        tpu.vector_store %arg25[%swap3A_467, %swap3A_468], %add3A_455 {strides = array<i32>} : memref<128x32xf32, #tpu.memory_space<vmem>>, vector<16xf32>,
        %swap3A_470 = arith.index_cast %add3A_432 : i32 to index
        %swap3A_471 = arith.constant 16 : index
        %swap3A_472 = tpu.vector_load %arg25[%swap3A_470, %swap3A_471] {strides = array<i32>} : memref<128x32xf32, #tpu.memory_space<vmem>>, vector<16xf32>,
        tpu.vector_store %arg25[%swap3A_470, %swap3A_471], %add3A_466 {strides = array<i32>} : memref<128x32xf32, #tpu.memory_space<vmem>>, vector<16xf32>,
        %mul3A_473 = arith.constant 16 : i32
        %mul3A_474 = arith.muli %add3A_74, %mul3A_473 : i32
        %add3A_475 = arith.constant 9 : i32
        %add3A_476 = arith.addi %mul3A_474, %add3A_475 : i32
        %slice3A_477 = vector.extract_strided_slice %get3A_79 {offsets = [9], sizes = [1], strides = [1]} : vector<16xf32> to vector<1xf32>
        %squeeze3A_478 = vector.extract %slice3A_477[0] : f32 from vector<1xf32>
        %get3A_479 = arith.index_cast %add3A_476 : i32 to index
        %get3A_480 = arith.constant 0 : index
        %get3A_481 = tpu.vector_load %arg23[%get3A_479, %get3A_480] {strides = array<i32>} : memref<128x32xf32, #tpu.memory_space<vmem>>, vector<16xf32>,
        %mul3A_482 = vector.broadcast %squeeze3A_478 : f32 to vector<16xf32>
        %mul3A_483 = arith.mulf %get3A_481, %mul3A_482 : vector<16xf32>
        %get3A_484 = arith.index_cast %add3A_476 : i32 to index
        %get3A_485 = arith.constant 16 : index
        %get3A_486 = tpu.vector_load %arg23[%get3A_484, %get3A_485] {strides = array<i32>} : memref<128x32xf32, #tpu.memory_space<vmem>>, vector<16xf32>,
        %mul3A_487 = vector.broadcast %squeeze3A_478 : f32 to vector<16xf32>
        %mul3A_488 = arith.mulf %get3A_486, %mul3A_487 : vector<16xf32>
        %get3A_489 = arith.index_cast %add3A_476 : i32 to index
        %get3A_490 = arith.constant 0 : index
        %get3A_491 = tpu.vector_load %arg24[%get3A_489, %get3A_490] {strides = array<i32>} : memref<128x32xf32, #tpu.memory_space<vmem>>, vector<16xf32>,
        %mul3A_492 = arith.constant 2.000000e+00 : f32
        %mul3A_493 = vector.broadcast %mul3A_492 : f32 to vector<16xf32>
        %mul3A_494 = arith.mulf %mul3A_493, %get3A_491 : vector<16xf32>
        %add3A_495 = arith.addf %mul3A_483, %mul3A_494 : vector<16xf32>
        %get3A_496 = arith.index_cast %add3A_476 : i32 to index
        %get3A_497 = arith.constant 0 : index
        %get3A_498 = tpu.vector_load %arg21[%get3A_496, %get3A_497] {strides = array<i32>} : memref<128x32xf32, #tpu.memory_space<vmem>>, vector<16xf32>,
        %add3A_499 = arith.addf %add3A_495, %get3A_498 : vector<16xf32>
        %get3A_500 = arith.index_cast %add3A_476 : i32 to index
        %get3A_501 = arith.constant 16 : index
        %get3A_502 = tpu.vector_load %arg24[%get3A_500, %get3A_501] {strides = array<i32>} : memref<128x32xf32, #tpu.memory_space<vmem>>, vector<16xf32>,
        %mul3A_503 = arith.constant 2.000000e+00 : f32
        %mul3A_504 = vector.broadcast %mul3A_503 : f32 to vector<16xf32>
        %mul3A_505 = arith.mulf %mul3A_504, %get3A_502 : vector<16xf32>
        %add3A_506 = arith.addf %mul3A_488, %mul3A_505 : vector<16xf32>
        %get3A_507 = arith.index_cast %add3A_476 : i32 to index
        %get3A_508 = arith.constant 16 : index
        %get3A_509 = tpu.vector_load %arg21[%get3A_507, %get3A_508] {strides = array<i32>} : memref<128x32xf32, #tpu.memory_space<vmem>>, vector<16xf32>,
        %add3A_510 = arith.addf %add3A_506, %get3A_509 : vector<16xf32>
        %swap3A_511 = arith.index_cast %add3A_476 : i32 to index
        %swap3A_512 = arith.constant 0 : index
        %swap3A_513 = tpu.vector_load %arg25[%swap3A_511, %swap3A_512] {strides = array<i32>} : memref<128x32xf32, #tpu.memory_space<vmem>>, vector<16xf32>,
        tpu.vector_store %arg25[%swap3A_511, %swap3A_512], %add3A_499 {strides = array<i32>} : memref<128x32xf32, #tpu.memory_space<vmem>>, vector<16xf32>,
        %swap3A_514 = arith.index_cast %add3A_476 : i32 to index
        %swap3A_515 = arith.constant 16 : index
        %swap3A_516 = tpu.vector_load %arg25[%swap3A_514, %swap3A_515] {strides = array<i32>} : memref<128x32xf32, #tpu.memory_space<vmem>>, vector<16xf32>,
        tpu.vector_store %arg25[%swap3A_514, %swap3A_515], %add3A_510 {strides = array<i32>} : memref<128x32xf32, #tpu.memory_space<vmem>>, vector<16xf32>,
        %mul3A_517 = arith.constant 16 : i32
        %mul3A_518 = arith.muli %add3A_74, %mul3A_517 : i32
        %add3A_519 = arith.constant 10 : i32
        %add3A_520 = arith.addi %mul3A_518, %add3A_519 : i32
        %slice3A_521 = vector.extract_strided_slice %get3A_79 {offsets = [10], sizes = [1], strides = [1]} : vector<16xf32> to vector<1xf32>
        %squeeze3A_522 = vector.extract %slice3A_521[0] : f32 from vector<1xf32>
        %get3A_523 = arith.index_cast %add3A_520 : i32 to index
        %get3A_524 = arith.constant 0 : index
        %get3A_525 = tpu.vector_load %arg23[%get3A_523, %get3A_524] {strides = array<i32>} : memref<128x32xf32, #tpu.memory_space<vmem>>, vector<16xf32>,
        %mul3A_526 = vector.broadcast %squeeze3A_522 : f32 to vector<16xf32>
        %mul3A_527 = arith.mulf %get3A_525, %mul3A_526 : vector<16xf32>
        %get3A_528 = arith.index_cast %add3A_520 : i32 to index
        %get3A_529 = arith.constant 16 : index
        %get3A_530 = tpu.vector_load %arg23[%get3A_528, %get3A_529] {strides = array<i32>} : memref<128x32xf32, #tpu.memory_space<vmem>>, vector<16xf32>,
        %mul3A_531 = vector.broadcast %squeeze3A_522 : f32 to vector<16xf32>
        %mul3A_532 = arith.mulf %get3A_530, %mul3A_531 : vector<16xf32>
        %get3A_533 = arith.index_cast %add3A_520 : i32 to index
        %get3A_534 = arith.constant 0 : index
        %get3A_535 = tpu.vector_load %arg24[%get3A_533, %get3A_534] {strides = array<i32>} : memref<128x32xf32, #tpu.memory_space<vmem>>, vector<16xf32>,
        %mul3A_536 = arith.constant 2.000000e+00 : f32
        %mul3A_537 = vector.broadcast %mul3A_536 : f32 to vector<16xf32>
        %mul3A_538 = arith.mulf %mul3A_537, %get3A_535 : vector<16xf32>
        %add3A_539 = arith.addf %mul3A_527, %mul3A_538 : vector<16xf32>
        %get3A_540 = arith.index_cast %add3A_520 : i32 to index
        %get3A_541 = arith.constant 0 : index
        %get3A_542 = tpu.vector_load %arg21[%get3A_540, %get3A_541] {strides = array<i32>} : memref<128x32xf32, #tpu.memory_space<vmem>>, vector<16xf32>,
        %add3A_543 = arith.addf %add3A_539, %get3A_542 : vector<16xf32>
        %get3A_544 = arith.index_cast %add3A_520 : i32 to index
        %get3A_545 = arith.constant 16 : index
        %get3A_546 = tpu.vector_load %arg24[%get3A_544, %get3A_545] {strides = array<i32>} : memref<128x32xf32, #tpu.memory_space<vmem>>, vector<16xf32>,
        %mul3A_547 = arith.constant 2.000000e+00 : f32
        %mul3A_548 = vector.broadcast %mul3A_547 : f32 to vector<16xf32>
        %mul3A_549 = arith.mulf %mul3A_548, %get3A_546 : vector<16xf32>
        %add3A_550 = arith.addf %mul3A_532, %mul3A_549 : vector<16xf32>
        %get3A_551 = arith.index_cast %add3A_520 : i32 to index
        %get3A_552 = arith.constant 16 : index
        %get3A_553 = tpu.vector_load %arg21[%get3A_551, %get3A_552] {strides = array<i32>} : memref<128x32xf32, #tpu.memory_space<vmem>>, vector<16xf32>,
        %add3A_554 = arith.addf %add3A_550, %get3A_553 : vector<16xf32>
        %swap3A_555 = arith.index_cast %add3A_520 : i32 to index
        %swap3A_556 = arith.constant 0 : index
        %swap3A_557 = tpu.vector_load %arg25[%swap3A_555, %swap3A_556] {strides = array<i32>} : memref<128x32xf32, #tpu.memory_space<vmem>>, vector<16xf32>,
        tpu.vector_store %arg25[%swap3A_555, %swap3A_556], %add3A_543 {strides = array<i32>} : memref<128x32xf32, #tpu.memory_space<vmem>>, vector<16xf32>,
        %swap3A_558 = arith.index_cast %add3A_520 : i32 to index
        %swap3A_559 = arith.constant 16 : index
        %swap3A_560 = tpu.vector_load %arg25[%swap3A_558, %swap3A_559] {strides = array<i32>} : memref<128x32xf32, #tpu.memory_space<vmem>>, vector<16xf32>,
        tpu.vector_store %arg25[%swap3A_558, %swap3A_559], %add3A_554 {strides = array<i32>} : memref<128x32xf32, #tpu.memory_space<vmem>>, vector<16xf32>,
        %mul3A_561 = arith.constant 16 : i32
        %mul3A_562 = arith.muli %add3A_74, %mul3A_561 : i32
        %add3A_563 = arith.constant 11 : i32
        %add3A_564 = arith.addi %mul3A_562, %add3A_563 : i32
        %slice3A_565 = vector.extract_strided_slice %get3A_79 {offsets = [11], sizes = [1], strides = [1]} : vector<16xf32> to vector<1xf32>
        %squeeze3A_566 = vector.extract %slice3A_565[0] : f32 from vector<1xf32>
        %get3A_567 = arith.index_cast %add3A_564 : i32 to index
        %get3A_568 = arith.constant 0 : index
        %get3A_569 = tpu.vector_load %arg23[%get3A_567, %get3A_568] {strides = array<i32>} : memref<128x32xf32, #tpu.memory_space<vmem>>, vector<16xf32>,
        %mul3A_570 = vector.broadcast %squeeze3A_566 : f32 to vector<16xf32>
        %mul3A_571 = arith.mulf %get3A_569, %mul3A_570 : vector<16xf32>
        %get3A_572 = arith.index_cast %add3A_564 : i32 to index
        %get3A_573 = arith.constant 16 : index
        %get3A_574 = tpu.vector_load %arg23[%get3A_572, %get3A_573] {strides = array<i32>} : memref<128x32xf32, #tpu.memory_space<vmem>>, vector<16xf32>,
        %mul3A_575 = vector.broadcast %squeeze3A_566 : f32 to vector<16xf32>
        %mul3A_576 = arith.mulf %get3A_574, %mul3A_575 : vector<16xf32>
        %get3A_577 = arith.index_cast %add3A_564 : i32 to index
        %get3A_578 = arith.constant 0 : index
        %get3A_579 = tpu.vector_load %arg24[%get3A_577, %get3A_578] {strides = array<i32>} : memref<128x32xf32, #tpu.memory_space<vmem>>, vector<16xf32>,
        %mul3A_580 = arith.constant 2.000000e+00 : f32
        %mul3A_581 = vector.broadcast %mul3A_580 : f32 to vector<16xf32>
        %mul3A_582 = arith.mulf %mul3A_581, %get3A_579 : vector<16xf32>
        %add3A_583 = arith.addf %mul3A_571, %mul3A_582 : vector<16xf32>
        %get3A_584 = arith.index_cast %add3A_564 : i32 to index
        %get3A_585 = arith.constant 0 : index
        %get3A_586 = tpu.vector_load %arg21[%get3A_584, %get3A_585] {strides = array<i32>} : memref<128x32xf32, #tpu.memory_space<vmem>>, vector<16xf32>,
        %add3A_587 = arith.addf %add3A_583, %get3A_586 : vector<16xf32>
        %get3A_588 = arith.index_cast %add3A_564 : i32 to index
        %get3A_589 = arith.constant 16 : index
        %get3A_590 = tpu.vector_load %arg24[%get3A_588, %get3A_589] {strides = array<i32>} : memref<128x32xf32, #tpu.memory_space<vmem>>, vector<16xf32>,
        %mul3A_591 = arith.constant 2.000000e+00 : f32
        %mul3A_592 = vector.broadcast %mul3A_591 : f32 to vector<16xf32>
        %mul3A_593 = arith.mulf %mul3A_592, %get3A_590 : vector<16xf32>
        %add3A_594 = arith.addf %mul3A_576, %mul3A_593 : vector<16xf32>
        %get3A_595 = arith.index_cast %add3A_564 : i32 to index
        %get3A_596 = arith.constant 16 : index
        %get3A_597 = tpu.vector_load %arg21[%get3A_595, %get3A_596] {strides = array<i32>} : memref<128x32xf32, #tpu.memory_space<vmem>>, vector<16xf32>,
        %add3A_598 = arith.addf %add3A_594, %get3A_597 : vector<16xf32>
        %swap3A_599 = arith.index_cast %add3A_564 : i32 to index
        %swap3A_600 = arith.constant 0 : index
        %swap3A_601 = tpu.vector_load %arg25[%swap3A_599, %swap3A_600] {strides = array<i32>} : memref<128x32xf32, #tpu.memory_space<vmem>>, vector<16xf32>,
        tpu.vector_store %arg25[%swap3A_599, %swap3A_600], %add3A_587 {strides = array<i32>} : memref<128x32xf32, #tpu.memory_space<vmem>>, vector<16xf32>,
        %swap3A_602 = arith.index_cast %add3A_564 : i32 to index
        %swap3A_603 = arith.constant 16 : index
        %swap3A_604 = tpu.vector_load %arg25[%swap3A_602, %swap3A_603] {strides = array<i32>} : memref<128x32xf32, #tpu.memory_space<vmem>>, vector<16xf32>,
        tpu.vector_store %arg25[%swap3A_602, %swap3A_603], %add3A_598 {strides = array<i32>} : memref<128x32xf32, #tpu.memory_space<vmem>>, vector<16xf32>,
        %mul3A_605 = arith.constant 16 : i32
        %mul3A_606 = arith.muli %add3A_74, %mul3A_605 : i32
        %add3A_607 = arith.constant 12 : i32
        %add3A_608 = arith.addi %mul3A_606, %add3A_607 : i32
        %slice3A_609 = vector.extract_strided_slice %get3A_79 {offsets = [12], sizes = [1], strides = [1]} : vector<16xf32> to vector<1xf32>
        %squeeze3A_610 = vector.extract %slice3A_609[0] : f32 from vector<1xf32>
        %get3A_611 = arith.index_cast %add3A_608 : i32 to index
        %get3A_612 = arith.constant 0 : index
        %get3A_613 = tpu.vector_load %arg23[%get3A_611, %get3A_612] {strides = array<i32>} : memref<128x32xf32, #tpu.memory_space<vmem>>, vector<16xf32>,
        %mul3A_614 = vector.broadcast %squeeze3A_610 : f32 to vector<16xf32>
        %mul3A_615 = arith.mulf %get3A_613, %mul3A_614 : vector<16xf32>
        %get3A_616 = arith.index_cast %add3A_608 : i32 to index
        %get3A_617 = arith.constant 16 : index
        %get3A_618 = tpu.vector_load %arg23[%get3A_616, %get3A_617] {strides = array<i32>} : memref<128x32xf32, #tpu.memory_space<vmem>>, vector<16xf32>,
        %mul3A_619 = vector.broadcast %squeeze3A_610 : f32 to vector<16xf32>
        %mul3A_620 = arith.mulf %get3A_618, %mul3A_619 : vector<16xf32>
        %get3A_621 = arith.index_cast %add3A_608 : i32 to index
        %get3A_622 = arith.constant 0 : index
        %get3A_623 = tpu.vector_load %arg24[%get3A_621, %get3A_622] {strides = array<i32>} : memref<128x32xf32, #tpu.memory_space<vmem>>, vector<16xf32>,
        %mul3A_624 = arith.constant 2.000000e+00 : f32
        %mul3A_625 = vector.broadcast %mul3A_624 : f32 to vector<16xf32>
        %mul3A_626 = arith.mulf %mul3A_625, %get3A_623 : vector<16xf32>
        %add3A_627 = arith.addf %mul3A_615, %mul3A_626 : vector<16xf32>
        %get3A_628 = arith.index_cast %add3A_608 : i32 to index
        %get3A_629 = arith.constant 0 : index
        %get3A_630 = tpu.vector_load %arg21[%get3A_628, %get3A_629] {strides = array<i32>} : memref<128x32xf32, #tpu.memory_space<vmem>>, vector<16xf32>,
        %add3A_631 = arith.addf %add3A_627, %get3A_630 : vector<16xf32>
        %get3A_632 = arith.index_cast %add3A_608 : i32 to index
        %get3A_633 = arith.constant 16 : index
        %get3A_634 = tpu.vector_load %arg24[%get3A_632, %get3A_633] {strides = array<i32>} : memref<128x32xf32, #tpu.memory_space<vmem>>, vector<16xf32>,
        %mul3A_635 = arith.constant 2.000000e+00 : f32
        %mul3A_636 = vector.broadcast %mul3A_635 : f32 to vector<16xf32>
        %mul3A_637 = arith.mulf %mul3A_636, %get3A_634 : vector<16xf32>
        %add3A_638 = arith.addf %mul3A_620, %mul3A_637 : vector<16xf32>
        %get3A_639 = arith.index_cast %add3A_608 : i32 to index
        %get3A_640 = arith.constant 16 : index
        %get3A_641 = tpu.vector_load %arg21[%get3A_639, %get3A_640] {strides = array<i32>} : memref<128x32xf32, #tpu.memory_space<vmem>>, vector<16xf32>,
        %add3A_642 = arith.addf %add3A_638, %get3A_641 : vector<16xf32>
        %swap3A_643 = arith.index_cast %add3A_608 : i32 to index
        %swap3A_644 = arith.constant 0 : index
        %swap3A_645 = tpu.vector_load %arg25[%swap3A_643, %swap3A_644] {strides = array<i32>} : memref<128x32xf32, #tpu.memory_space<vmem>>, vector<16xf32>,
        tpu.vector_store %arg25[%swap3A_643, %swap3A_644], %add3A_631 {strides = array<i32>} : memref<128x32xf32, #tpu.memory_space<vmem>>, vector<16xf32>,
        %swap3A_646 = arith.index_cast %add3A_608 : i32 to index
        %swap3A_647 = arith.constant 16 : index
        %swap3A_648 = tpu.vector_load %arg25[%swap3A_646, %swap3A_647] {strides = array<i32>} : memref<128x32xf32, #tpu.memory_space<vmem>>, vector<16xf32>,
        tpu.vector_store %arg25[%swap3A_646, %swap3A_647], %add3A_642 {strides = array<i32>} : memref<128x32xf32, #tpu.memory_space<vmem>>, vector<16xf32>,
        %mul3A_649 = arith.constant 16 : i32
        %mul3A_650 = arith.muli %add3A_74, %mul3A_649 : i32
        %add3A_651 = arith.constant 13 : i32
        %add3A_652 = arith.addi %mul3A_650, %add3A_651 : i32
        %slice3A_653 = vector.extract_strided_slice %get3A_79 {offsets = [13], sizes = [1], strides = [1]} : vector<16xf32> to vector<1xf32>
        %squeeze3A_654 = vector.extract %slice3A_653[0] : f32 from vector<1xf32>
        %get3A_655 = arith.index_cast %add3A_652 : i32 to index
        %get3A_656 = arith.constant 0 : index
        %get3A_657 = tpu.vector_load %arg23[%get3A_655, %get3A_656] {strides = array<i32>} : memref<128x32xf32, #tpu.memory_space<vmem>>, vector<16xf32>,
        %mul3A_658 = vector.broadcast %squeeze3A_654 : f32 to vector<16xf32>
        %mul3A_659 = arith.mulf %get3A_657, %mul3A_658 : vector<16xf32>
        %get3A_660 = arith.index_cast %add3A_652 : i32 to index
        %get3A_661 = arith.constant 16 : index
        %get3A_662 = tpu.vector_load %arg23[%get3A_660, %get3A_661] {strides = array<i32>} : memref<128x32xf32, #tpu.memory_space<vmem>>, vector<16xf32>,
        %mul3A_663 = vector.broadcast %squeeze3A_654 : f32 to vector<16xf32>
        %mul3A_664 = arith.mulf %get3A_662, %mul3A_663 : vector<16xf32>
        %get3A_665 = arith.index_cast %add3A_652 : i32 to index
        %get3A_666 = arith.constant 0 : index
        %get3A_667 = tpu.vector_load %arg24[%get3A_665, %get3A_666] {strides = array<i32>} : memref<128x32xf32, #tpu.memory_space<vmem>>, vector<16xf32>,
        %mul3A_668 = arith.constant 2.000000e+00 : f32
        %mul3A_669 = vector.broadcast %mul3A_668 : f32 to vector<16xf32>
        %mul3A_670 = arith.mulf %mul3A_669, %get3A_667 : vector<16xf32>
        %add3A_671 = arith.addf %mul3A_659, %mul3A_670 : vector<16xf32>
        %get3A_672 = arith.index_cast %add3A_652 : i32 to index
        %get3A_673 = arith.constant 0 : index
        %get3A_674 = tpu.vector_load %arg21[%get3A_672, %get3A_673] {strides = array<i32>} : memref<128x32xf32, #tpu.memory_space<vmem>>, vector<16xf32>,
        %add3A_675 = arith.addf %add3A_671, %get3A_674 : vector<16xf32>
        %get3A_676 = arith.index_cast %add3A_652 : i32 to index
        %get3A_677 = arith.constant 16 : index
        %get3A_678 = tpu.vector_load %arg24[%get3A_676, %get3A_677] {strides = array<i32>} : memref<128x32xf32, #tpu.memory_space<vmem>>, vector<16xf32>,
        %mul3A_679 = arith.constant 2.000000e+00 : f32
        %mul3A_680 = vector.broadcast %mul3A_679 : f32 to vector<16xf32>
        %mul3A_681 = arith.mulf %mul3A_680, %get3A_678 : vector<16xf32>
        %add3A_682 = arith.addf %mul3A_664, %mul3A_681 : vector<16xf32>
        %get3A_683 = arith.index_cast %add3A_652 : i32 to index
        %get3A_684 = arith.constant 16 : index
        %get3A_685 = tpu.vector_load %arg21[%get3A_683, %get3A_684] {strides = array<i32>} : memref<128x32xf32, #tpu.memory_space<vmem>>, vector<16xf32>,
        %add3A_686 = arith.addf %add3A_682, %get3A_685 : vector<16xf32>
        %swap3A_687 = arith.index_cast %add3A_652 : i32 to index
        %swap3A_688 = arith.constant 0 : index
        %swap3A_689 = tpu.vector_load %arg25[%swap3A_687, %swap3A_688] {strides = array<i32>} : memref<128x32xf32, #tpu.memory_space<vmem>>, vector<16xf32>,
        tpu.vector_store %arg25[%swap3A_687, %swap3A_688], %add3A_675 {strides = array<i32>} : memref<128x32xf32, #tpu.memory_space<vmem>>, vector<16xf32>,
        %swap3A_690 = arith.index_cast %add3A_652 : i32 to index
        %swap3A_691 = arith.constant 16 : index
        %swap3A_692 = tpu.vector_load %arg25[%swap3A_690, %swap3A_691] {strides = array<i32>} : memref<128x32xf32, #tpu.memory_space<vmem>>, vector<16xf32>,
        tpu.vector_store %arg25[%swap3A_690, %swap3A_691], %add3A_686 {strides = array<i32>} : memref<128x32xf32, #tpu.memory_space<vmem>>, vector<16xf32>,
        %mul3A_693 = arith.constant 16 : i32
        %mul3A_694 = arith.muli %add3A_74, %mul3A_693 : i32
        %add3A_695 = arith.constant 14 : i32
        %add3A_696 = arith.addi %mul3A_694, %add3A_695 : i32
        %slice3A_697 = vector.extract_strided_slice %get3A_79 {offsets = [14], sizes = [1], strides = [1]} : vector<16xf32> to vector<1xf32>
        %squeeze3A_698 = vector.extract %slice3A_697[0] : f32 from vector<1xf32>
        %get3A_699 = arith.index_cast %add3A_696 : i32 to index
        %get3A_700 = arith.constant 0 : index
        %get3A_701 = tpu.vector_load %arg23[%get3A_699, %get3A_700] {strides = array<i32>} : memref<128x32xf32, #tpu.memory_space<vmem>>, vector<16xf32>,
        %mul3A_702 = vector.broadcast %squeeze3A_698 : f32 to vector<16xf32>
        %mul3A_703 = arith.mulf %get3A_701, %mul3A_702 : vector<16xf32>
        %get3A_704 = arith.index_cast %add3A_696 : i32 to index
        %get3A_705 = arith.constant 16 : index
        %get3A_706 = tpu.vector_load %arg23[%get3A_704, %get3A_705] {strides = array<i32>} : memref<128x32xf32, #tpu.memory_space<vmem>>, vector<16xf32>,
        %mul3A_707 = vector.broadcast %squeeze3A_698 : f32 to vector<16xf32>
        %mul3A_708 = arith.mulf %get3A_706, %mul3A_707 : vector<16xf32>
        %get3A_709 = arith.index_cast %add3A_696 : i32 to index
        %get3A_710 = arith.constant 0 : index
        %get3A_711 = tpu.vector_load %arg24[%get3A_709, %get3A_710] {strides = array<i32>} : memref<128x32xf32, #tpu.memory_space<vmem>>, vector<16xf32>,
        %mul3A_712 = arith.constant 2.000000e+00 : f32
        %mul3A_713 = vector.broadcast %mul3A_712 : f32 to vector<16xf32>
        %mul3A_714 = arith.mulf %mul3A_713, %get3A_711 : vector<16xf32>
        %add3A_715 = arith.addf %mul3A_703, %mul3A_714 : vector<16xf32>
        %get3A_716 = arith.index_cast %add3A_696 : i32 to index
        %get3A_717 = arith.constant 0 : index
        %get3A_718 = tpu.vector_load %arg21[%get3A_716, %get3A_717] {strides = array<i32>} : memref<128x32xf32, #tpu.memory_space<vmem>>, vector<16xf32>,
        %add3A_719 = arith.addf %add3A_715, %get3A_718 : vector<16xf32>
        %get3A_720 = arith.index_cast %add3A_696 : i32 to index
        %get3A_721 = arith.constant 16 : index
        %get3A_722 = tpu.vector_load %arg24[%get3A_720, %get3A_721] {strides = array<i32>} : memref<128x32xf32, #tpu.memory_space<vmem>>, vector<16xf32>,
        %mul3A_723 = arith.constant 2.000000e+00 : f32
        %mul3A_724 = vector.broadcast %mul3A_723 : f32 to vector<16xf32>
        %mul3A_725 = arith.mulf %mul3A_724, %get3A_722 : vector<16xf32>
        %add3A_726 = arith.addf %mul3A_708, %mul3A_725 : vector<16xf32>
        %get3A_727 = arith.index_cast %add3A_696 : i32 to index
        %get3A_728 = arith.constant 16 : index
        %get3A_729 = tpu.vector_load %arg21[%get3A_727, %get3A_728] {strides = array<i32>} : memref<128x32xf32, #tpu.memory_space<vmem>>, vector<16xf32>,
        %add3A_730 = arith.addf %add3A_726, %get3A_729 : vector<16xf32>
        %swap3A_731 = arith.index_cast %add3A_696 : i32 to index
        %swap3A_732 = arith.constant 0 : index
        %swap3A_733 = tpu.vector_load %arg25[%swap3A_731, %swap3A_732] {strides = array<i32>} : memref<128x32xf32, #tpu.memory_space<vmem>>, vector<16xf32>,
        tpu.vector_store %arg25[%swap3A_731, %swap3A_732], %add3A_719 {strides = array<i32>} : memref<128x32xf32, #tpu.memory_space<vmem>>, vector<16xf32>,
        %swap3A_734 = arith.index_cast %add3A_696 : i32 to index
        %swap3A_735 = arith.constant 16 : index
        %swap3A_736 = tpu.vector_load %arg25[%swap3A_734, %swap3A_735] {strides = array<i32>} : memref<128x32xf32, #tpu.memory_space<vmem>>, vector<16xf32>,
        tpu.vector_store %arg25[%swap3A_734, %swap3A_735], %add3A_730 {strides = array<i32>} : memref<128x32xf32, #tpu.memory_space<vmem>>, vector<16xf32>,
        %mul3A_737 = arith.constant 16 : i32
        %mul3A_738 = arith.muli %add3A_74, %mul3A_737 : i32
        %add3A_739 = arith.constant 15 : i32
        %add3A_740 = arith.addi %mul3A_738, %add3A_739 : i32
        %slice3A_741 = vector.extract_strided_slice %get3A_79 {offsets = [15], sizes = [1], strides = [1]} : vector<16xf32> to vector<1xf32>
        %squeeze3A_742 = vector.extract %slice3A_741[0] : f32 from vector<1xf32>
        %get3A_743 = arith.index_cast %add3A_740 : i32 to index
        %get3A_744 = arith.constant 0 : index
        %get3A_745 = tpu.vector_load %arg23[%get3A_743, %get3A_744] {strides = array<i32>} : memref<128x32xf32, #tpu.memory_space<vmem>>, vector<16xf32>,
        %mul3A_746 = vector.broadcast %squeeze3A_742 : f32 to vector<16xf32>
        %mul3A_747 = arith.mulf %get3A_745, %mul3A_746 : vector<16xf32>
        %get3A_748 = arith.index_cast %add3A_740 : i32 to index
        %get3A_749 = arith.constant 16 : index
        %get3A_750 = tpu.vector_load %arg23[%get3A_748, %get3A_749] {strides = array<i32>} : memref<128x32xf32, #tpu.memory_space<vmem>>, vector<16xf32>,
        %mul3A_751 = vector.broadcast %squeeze3A_742 : f32 to vector<16xf32>
        %mul3A_752 = arith.mulf %get3A_750, %mul3A_751 : vector<16xf32>
        %get3A_753 = arith.index_cast %add3A_740 : i32 to index
        %get3A_754 = arith.constant 0 : index
        %get3A_755 = tpu.vector_load %arg24[%get3A_753, %get3A_754] {strides = array<i32>} : memref<128x32xf32, #tpu.memory_space<vmem>>, vector<16xf32>,
        %mul3A_756 = arith.constant 2.000000e+00 : f32
        %mul3A_757 = vector.broadcast %mul3A_756 : f32 to vector<16xf32>
        %mul3A_758 = arith.mulf %mul3A_757, %get3A_755 : vector<16xf32>
        %add3A_759 = arith.addf %mul3A_747, %mul3A_758 : vector<16xf32>
        %get3A_760 = arith.index_cast %add3A_740 : i32 to index
        %get3A_761 = arith.constant 0 : index
        %get3A_762 = tpu.vector_load %arg21[%get3A_760, %get3A_761] {strides = array<i32>} : memref<128x32xf32, #tpu.memory_space<vmem>>, vector<16xf32>,
        %add3A_763 = arith.addf %add3A_759, %get3A_762 : vector<16xf32>
        %get3A_764 = arith.index_cast %add3A_740 : i32 to index
        %get3A_765 = arith.constant 16 : index
        %get3A_766 = tpu.vector_load %arg24[%get3A_764, %get3A_765] {strides = array<i32>} : memref<128x32xf32, #tpu.memory_space<vmem>>, vector<16xf32>,
        %mul3A_767 = arith.constant 2.000000e+00 : f32
        %mul3A_768 = vector.broadcast %mul3A_767 : f32 to vector<16xf32>
        %mul3A_769 = arith.mulf %mul3A_768, %get3A_766 : vector<16xf32>
        %add3A_770 = arith.addf %mul3A_752, %mul3A_769 : vector<16xf32>
        %get3A_771 = arith.index_cast %add3A_740 : i32 to index
        %get3A_772 = arith.constant 16 : index
        %get3A_773 = tpu.vector_load %arg21[%get3A_771, %get3A_772] {strides = array<i32>} : memref<128x32xf32, #tpu.memory_space<vmem>>, vector<16xf32>,
        %add3A_774 = arith.addf %add3A_770, %get3A_773 : vector<16xf32>
        %swap3A_775 = arith.index_cast %add3A_740 : i32 to index
        %swap3A_776 = arith.constant 0 : index
        %swap3A_777 = tpu.vector_load %arg25[%swap3A_775, %swap3A_776] {strides = array<i32>} : memref<128x32xf32, #tpu.memory_space<vmem>>, vector<16xf32>,
        tpu.vector_store %arg25[%swap3A_775, %swap3A_776], %add3A_763 {strides = array<i32>} : memref<128x32xf32, #tpu.memory_space<vmem>>, vector<16xf32>,
        %swap3A_778 = arith.index_cast %add3A_740 : i32 to index
        %swap3A_779 = arith.constant 16 : index
        %swap3A_780 = tpu.vector_load %arg25[%swap3A_778, %swap3A_779] {strides = array<i32>} : memref<128x32xf32, #tpu.memory_space<vmem>>, vector<16xf32>,
        tpu.vector_store %arg25[%swap3A_778, %swap3A_779], %add3A_774 {strides = array<i32>} : memref<128x32xf32, #tpu.memory_space<vmem>>, vector<16xf32>,
      }
      %scan3A_69 = arith.constant 8 : i32
      "tpu.region"() ({
        %run_scoped3A_70 = tpu.sem_alloc : memref<!tpu.dma_semaphore, #tpu.memory_space<semaphore_mem>>
        %dma_start3A = arith.constant 0 : i32
        %dma_start3A_71 = arith.constant 0 : i32
        %dma_start3A_72 = tpu.memref_slice %arg15[%arg0, %dma_start3A, %dma_start3A_71] : memref<2x51200x32xf32, #tpu.memory_space<hbm>> -> memref<1x51200x32xf32, #tpu.memory_space<hbm>>
        %dma_start3A_73 = tpu.memref_squeeze %dma_start3A_72 : memref<1x51200x32xf32, #tpu.memory_space<hbm>> -> memref<51200x32xf32, #tpu.memory_space<hbm>>
        %dma_start3A_74 = arith.constant 0 : i32
        %dma_start3A_75 = tpu.memref_slice %dma_start3A_73[%add3A_61, %dma_start3A_74] : memref<51200x32xf32, #tpu.memory_space<hbm>> -> memref<128x32xf32, #tpu.memory_space<hbm>>
        %dma_start3A_76 = arith.constant 0 : i32
        %dma_start3A_77 = arith.constant 0 : i32
        %dma_start3A_78 = tpu.memref_slice %arg15[%arg0, %dma_start3A_76, %dma_start3A_77] : memref<2x51200x32xf32, #tpu.memory_space<hbm>> -> memref<1x51200x32xf32, #tpu.memory_space<hbm>>
        %dma_start3A_79 = tpu.memref_squeeze %dma_start3A_78 : memref<1x51200x32xf32, #tpu.memory_space<hbm>> -> memref<51200x32xf32, #tpu.memory_space<hbm>>
        %dma_start3A_80 = arith.constant 0 : i32
        %dma_start3A_81 = tpu.memref_slice %dma_start3A_79[%add3A_61, %dma_start3A_80] : memref<51200x32xf32, #tpu.memory_space<hbm>> -> memref<128x32xf32, #tpu.memory_space<hbm>>
        tpu.enqueue_dma source(%arg25 : memref<128x32xf32, #tpu.memory_space<vmem>>) target(%dma_start3A_81 : memref<128x32xf32, #tpu.memory_space<hbm>>) target_semaphore(%run_scoped3A_70 : memref<!tpu.dma_semaphore, #tpu.memory_space<semaphore_mem>>)
        %dma_wait3A = arith.constant 0 : i32
        %dma_wait3A_82 = arith.constant 0 : i32
        %dma_wait3A_83 = tpu.memref_slice %arg15[%arg0, %dma_wait3A, %dma_wait3A_82] : memref<2x51200x32xf32, #tpu.memory_space<hbm>> -> memref<1x51200x32xf32, #tpu.memory_space<hbm>>
        %dma_wait3A_84 = tpu.memref_squeeze %dma_wait3A_83 : memref<1x51200x32xf32, #tpu.memory_space<hbm>> -> memref<51200x32xf32, #tpu.memory_space<hbm>>
        %dma_wait3A_85 = arith.constant 0 : i32
        %dma_wait3A_86 = tpu.memref_slice %dma_wait3A_84[%add3A_61, %dma_wait3A_85] : memref<51200x32xf32, #tpu.memory_space<hbm>> -> memref<128x32xf32, #tpu.memory_space<hbm>>
        %dma_wait3A_87 = arith.constant 0 : i32
        %dma_wait3A_88 = arith.constant 0 : i32
        %dma_wait3A_89 = tpu.memref_slice %arg15[%arg0, %dma_wait3A_87, %dma_wait3A_88] : memref<2x51200x32xf32, #tpu.memory_space<hbm>> -> memref<1x51200x32xf32, #tpu.memory_space<hbm>>
        %dma_wait3A_90 = tpu.memref_squeeze %dma_wait3A_89 : memref<1x51200x32xf32, #tpu.memory_space<hbm>> -> memref<51200x32xf32, #tpu.memory_space<hbm>>
        %dma_wait3A_91 = arith.constant 0 : i32
        %dma_wait3A_92 = tpu.memref_slice %dma_wait3A_90[%add3A_61, %dma_wait3A_91] : memref<51200x32xf32, #tpu.memory_space<hbm>> -> memref<128x32xf32, #tpu.memory_space<hbm>>
        tpu.wait_dma2 semaphore(%run_scoped3A_70 : memref<!tpu.dma_semaphore, #tpu.memory_space<semaphore_mem>>) src(%arg25 : memref<128x32xf32, #tpu.memory_space<vmem>>) dst(%dma_wait3A_92 : memref<128x32xf32, #tpu.memory_space<hbm>>)
        tpu.yield
      }) : () -> ()
    }
    %scan3A_43 = arith.constant 25 : i32
    %barrier3A_44 = arith.constant 0 : index
    tpu.barrier barrier_id(%barrier3A_44)
    %mul3A = arith.constant 8 : i32
    %mul3A_45 = arith.muli %arg1, %mul3A : i32
    "tpu.region"() ({
      %run_scoped3A = tpu.sem_alloc : memref<!tpu.dma_semaphore, #tpu.memory_space<semaphore_mem>>
      %dma_start3A = arith.constant 0 : i32
      %dma_start3A_53 = tpu.memref_slice %arg10[%mul3A_45, %dma_start3A] : memref<128x128xi32, #tpu.memory_space<hbm>> -> memref<8x128xi32, #tpu.memory_space<hbm>>
      %dma_start3A_54 = arith.constant 0 : i32
      %dma_start3A_55 = tpu.memref_slice %arg10[%mul3A_45, %dma_start3A_54] : memref<128x128xi32, #tpu.memory_space<hbm>> -> memref<8x128xi32, #tpu.memory_space<hbm>>
      tpu.enqueue_dma source(%dma_start3A_55 : memref<8x128xi32, #tpu.memory_space<hbm>>) target(%arg18 : memref<8x128xi32, #tpu.memory_space<vmem>>) target_semaphore(%run_scoped3A : memref<!tpu.dma_semaphore, #tpu.memory_space<semaphore_mem>>)
      %dma_wait3A = arith.constant 0 : i32
      %dma_wait3A_56 = tpu.memref_slice %arg10[%mul3A_45, %dma_wait3A] : memref<128x128xi32, #tpu.memory_space<hbm>> -> memref<8x128xi32, #tpu.memory_space<hbm>>
      %dma_wait3A_57 = arith.constant 0 : i32
      %dma_wait3A_58 = tpu.memref_slice %arg10[%mul3A_45, %dma_wait3A_57] : memref<128x128xi32, #tpu.memory_space<hbm>> -> memref<8x128xi32, #tpu.memory_space<hbm>>
      tpu.wait_dma2 semaphore(%run_scoped3A : memref<!tpu.dma_semaphore, #tpu.memory_space<semaphore_mem>>) src(%dma_wait3A_58 : memref<8x128xi32, #tpu.memory_space<hbm>>) dst(%arg18 : memref<8x128xi32, #tpu.memory_space<vmem>>)
      tpu.yield
    }) : () -> ()
    %mul3A_46 = arith.constant 8 : i32
    %mul3A_47 = arith.muli %arg1, %mul3A_46 : i32
    "tpu.region"() ({
      %run_scoped3A = tpu.sem_alloc : memref<!tpu.dma_semaphore, #tpu.memory_space<semaphore_mem>>
      %dma_start3A = arith.constant 0 : i32
      %dma_start3A_53 = tpu.memref_slice %arg11[%mul3A_47, %dma_start3A] : memref<128x128xi32, #tpu.memory_space<hbm>> -> memref<8x128xi32, #tpu.memory_space<hbm>>
      %dma_start3A_54 = arith.constant 0 : i32
      %dma_start3A_55 = tpu.memref_slice %arg11[%mul3A_47, %dma_start3A_54] : memref<128x128xi32, #tpu.memory_space<hbm>> -> memref<8x128xi32, #tpu.memory_space<hbm>>
      tpu.enqueue_dma source(%dma_start3A_55 : memref<8x128xi32, #tpu.memory_space<hbm>>) target(%arg19 : memref<8x128xi32, #tpu.memory_space<vmem>>) target_semaphore(%run_scoped3A : memref<!tpu.dma_semaphore, #tpu.memory_space<semaphore_mem>>)
      %dma_wait3A = arith.constant 0 : i32
      %dma_wait3A_56 = tpu.memref_slice %arg11[%mul3A_47, %dma_wait3A] : memref<128x128xi32, #tpu.memory_space<hbm>> -> memref<8x128xi32, #tpu.memory_space<hbm>>
      %dma_wait3A_57 = arith.constant 0 : i32
      %dma_wait3A_58 = tpu.memref_slice %arg11[%mul3A_47, %dma_wait3A_57] : memref<128x128xi32, #tpu.memory_space<hbm>> -> memref<8x128xi32, #tpu.memory_space<hbm>>
      tpu.wait_dma2 semaphore(%run_scoped3A : memref<!tpu.dma_semaphore, #tpu.memory_space<semaphore_mem>>) src(%dma_wait3A_58 : memref<8x128xi32, #tpu.memory_space<hbm>>) dst(%arg19 : memref<8x128xi32, #tpu.memory_space<vmem>>)
      tpu.yield
    }) : () -> ()
    %scan3A_48 = arith.constant 0 : i32
    %scan3A_49 = arith.constant 8 : i32
    %scan3A_50 = arith.addi %scan3A_48, %scan3A_49 : i32
    %scan3A_51 = arith.constant 1 : i32
    scf.for %scan3A_53 = %scan3A_48 to %scan3A_50 step %scan3A_51  : i32 {
      %mul3A_54 = arith.constant 1 : i32
      %mul3A_55 = arith.muli %scan3A_53, %mul3A_54 : i32
      %add3A = arith.constant 0 : i32
      %add3A_56 = arith.addi %add3A, %mul3A_55 : i32
      %dma_start3A = arith.constant 0 : i32
      %dma_start3A_57 = tpu.memref_slice %arg18[%add3A_56, %dma_start3A] : memref<8x128xi32, #tpu.memory_space<vmem>> -> memref<1x128xi32, #tpu.memory_space<vmem>>
      %dma_start3A_58 = tpu.memref_squeeze %dma_start3A_57 : memref<1x128xi32, #tpu.memory_space<vmem>> -> memref<128xi32, #tpu.memory_space<vmem>>
      %dma_start3A_59 = arith.constant 0 : i32
      %dma_start3A_60 = arith.constant 0 : i32
      %dma_start3A_61 = tpu.memref_slice %arg15[%arg0, %dma_start3A_59, %dma_start3A_60] : memref<2x51200x32xf32, #tpu.memory_space<hbm>> -> memref<1x51200x32xf32, #tpu.memory_space<hbm>>
      %dma_start3A_62 = tpu.memref_squeeze %dma_start3A_61 : memref<1x51200x32xf32, #tpu.memory_space<hbm>> -> memref<51200x32xf32, #tpu.memory_space<hbm>>
      %dma_start3A_63 = arith.constant 0 : i32
      %dma_start3A_64 = arith.constant 0 : i32
      %dma_start3A_65 = tpu.memref_slice %dma_start3A_62[%dma_start3A_63, %dma_start3A_64] : memref<51200x32xf32, #tpu.memory_space<hbm>> -> memref<51200x32xf32, #tpu.memory_space<hbm>>
      tpu.enqueue_indirect_dma source(%dma_start3A_65 : memref<51200x32xf32, #tpu.memory_space<hbm>>) target(%arg21 : memref<128x32xf32, #tpu.memory_space<vmem>>) offsets(%dma_start3A_58 : memref<128xi32, #tpu.memory_space<vmem>>) semaphore(%arg28 : memref<!tpu.dma_semaphore, #tpu.memory_space<semaphore_mem>>)
      %dma_wait3A = arith.constant 0 : i32
      %dma_wait3A_66 = tpu.memref_slice %arg18[%add3A_56, %dma_wait3A] : memref<8x128xi32, #tpu.memory_space<vmem>> -> memref<1x128xi32, #tpu.memory_space<vmem>>
      %dma_wait3A_67 = tpu.memref_squeeze %dma_wait3A_66 : memref<1x128xi32, #tpu.memory_space<vmem>> -> memref<128xi32, #tpu.memory_space<vmem>>
      %dma_wait3A_68 = arith.constant 0 : i32
      %dma_wait3A_69 = arith.constant 0 : i32
      %dma_wait3A_70 = tpu.memref_slice %arg15[%arg0, %dma_wait3A_68, %dma_wait3A_69] : memref<2x51200x32xf32, #tpu.memory_space<hbm>> -> memref<1x51200x32xf32, #tpu.memory_space<hbm>>
      %dma_wait3A_71 = tpu.memref_squeeze %dma_wait3A_70 : memref<1x51200x32xf32, #tpu.memory_space<hbm>> -> memref<51200x32xf32, #tpu.memory_space<hbm>>
      %dma_wait3A_72 = arith.constant 0 : i32
      %dma_wait3A_73 = arith.constant 0 : i32
      %dma_wait3A_74 = tpu.memref_slice %dma_wait3A_71[%dma_wait3A_72, %dma_wait3A_73] : memref<51200x32xf32, #tpu.memory_space<hbm>> -> memref<51200x32xf32, #tpu.memory_space<hbm>>
      tpu.wait_indirect_dma semaphore(%arg28 : memref<!tpu.dma_semaphore, #tpu.memory_space<semaphore_mem>>) src(%dma_wait3A_74 : memref<51200x32xf32, #tpu.memory_space<hbm>>) dst(%arg21 : memref<128x32xf32, #tpu.memory_space<vmem>>)
      %dma_start3A_75 = arith.constant 0 : i32
      %dma_start3A_76 = tpu.memref_slice %arg19[%add3A_56, %dma_start3A_75] : memref<8x128xi32, #tpu.memory_space<vmem>> -> memref<1x128xi32, #tpu.memory_space<vmem>>
      %dma_start3A_77 = tpu.memref_squeeze %dma_start3A_76 : memref<1x128xi32, #tpu.memory_space<vmem>> -> memref<128xi32, #tpu.memory_space<vmem>>
      %dma_start3A_78 = arith.constant 0 : i32
      %dma_start3A_79 = arith.constant 0 : i32
      %dma_start3A_80 = tpu.memref_slice %arg9[%arg0, %dma_start3A_78, %dma_start3A_79] : memref<2x51200x32xf32, #tpu.memory_space<hbm>> -> memref<1x51200x32xf32, #tpu.memory_space<hbm>>
      %dma_start3A_81 = tpu.memref_squeeze %dma_start3A_80 : memref<1x51200x32xf32, #tpu.memory_space<hbm>> -> memref<51200x32xf32, #tpu.memory_space<hbm>>
      %dma_start3A_82 = arith.constant 0 : i32
      %dma_start3A_83 = arith.constant 0 : i32
      %dma_start3A_84 = tpu.memref_slice %dma_start3A_81[%dma_start3A_82, %dma_start3A_83] : memref<51200x32xf32, #tpu.memory_space<hbm>> -> memref<51200x32xf32, #tpu.memory_space<hbm>>
      tpu.enqueue_indirect_dma source(%dma_start3A_84 : memref<51200x32xf32, #tpu.memory_space<hbm>>) target(%arg23 : memref<128x32xf32, #tpu.memory_space<vmem>>) offsets(%dma_start3A_77 : memref<128xi32, #tpu.memory_space<vmem>>) semaphore(%arg28 : memref<!tpu.dma_semaphore, #tpu.memory_space<semaphore_mem>>)
      %dma_wait3A_85 = arith.constant 0 : i32
      %dma_wait3A_86 = tpu.memref_slice %arg19[%add3A_56, %dma_wait3A_85] : memref<8x128xi32, #tpu.memory_space<vmem>> -> memref<1x128xi32, #tpu.memory_space<vmem>>
      %dma_wait3A_87 = tpu.memref_squeeze %dma_wait3A_86 : memref<1x128xi32, #tpu.memory_space<vmem>> -> memref<128xi32, #tpu.memory_space<vmem>>
      %dma_wait3A_88 = arith.constant 0 : i32
      %dma_wait3A_89 = arith.constant 0 : i32
      %dma_wait3A_90 = tpu.memref_slice %arg9[%arg0, %dma_wait3A_88, %dma_wait3A_89] : memref<2x51200x32xf32, #tpu.memory_space<hbm>> -> memref<1x51200x32xf32, #tpu.memory_space<hbm>>
      %dma_wait3A_91 = tpu.memref_squeeze %dma_wait3A_90 : memref<1x51200x32xf32, #tpu.memory_space<hbm>> -> memref<51200x32xf32, #tpu.memory_space<hbm>>
      %dma_wait3A_92 = arith.constant 0 : i32
      %dma_wait3A_93 = arith.constant 0 : i32
      %dma_wait3A_94 = tpu.memref_slice %dma_wait3A_91[%dma_wait3A_92, %dma_wait3A_93] : memref<51200x32xf32, #tpu.memory_space<hbm>> -> memref<51200x32xf32, #tpu.memory_space<hbm>>
      tpu.wait_indirect_dma semaphore(%arg28 : memref<!tpu.dma_semaphore, #tpu.memory_space<semaphore_mem>>) src(%dma_wait3A_94 : memref<51200x32xf32, #tpu.memory_space<hbm>>) dst(%arg23 : memref<128x32xf32, #tpu.memory_space<vmem>>)
      %scan3A_95 = arith.constant 0 : i32
      %scan3A_96 = arith.constant 128 : i32
      %scan3A_97 = arith.addi %scan3A_95, %scan3A_96 : i32
      %scan3A_98 = arith.constant 1 : i32
      scf.for %scan3A_105 = %scan3A_95 to %scan3A_97 step %scan3A_98  : i32 {
        %mul3A_106 = arith.constant 1 : i32
        %mul3A_107 = arith.muli %scan3A_105, %mul3A_106 : i32
        %add3A_108 = arith.constant 0 : i32
        %add3A_109 = arith.addi %add3A_108, %mul3A_107 : i32
        %get3A = arith.index_cast %add3A_109 : i32 to index
        %get3A_110 = arith.constant 0 : index
        %get3A_111 = tpu.vector_load %arg21[%get3A, %get3A_110] {strides = array<i32>} : memref<128x32xf32, #tpu.memory_space<vmem>>, vector<16xf32>,
        %get3A_112 = arith.index_cast %add3A_109 : i32 to index
        %get3A_113 = arith.constant 0 : index
        %get3A_114 = tpu.vector_load %arg23[%get3A_112, %get3A_113] {strides = array<i32>} : memref<128x32xf32, #tpu.memory_space<vmem>>, vector<16xf32>,
        %mul3A_115 = arith.mulf %get3A_111, %get3A_114 : vector<16xf32>
        %get3A_116 = arith.index_cast %add3A_109 : i32 to index
        %get3A_117 = arith.constant 16 : index
        %get3A_118 = tpu.vector_load %arg21[%get3A_116, %get3A_117] {strides = array<i32>} : memref<128x32xf32, #tpu.memory_space<vmem>>, vector<16xf32>,
        %get3A_119 = arith.index_cast %add3A_109 : i32 to index
        %get3A_120 = arith.constant 16 : index
        %get3A_121 = tpu.vector_load %arg23[%get3A_119, %get3A_120] {strides = array<i32>} : memref<128x32xf32, #tpu.memory_space<vmem>>, vector<16xf32>,
        %mul3A_122 = arith.mulf %get3A_118, %get3A_121 : vector<16xf32>
        %add3A_123 = arith.addf %mul3A_115, %mul3A_122 : vector<16xf32>
        %swap3A = arith.index_cast %add3A_109 : i32 to index
        %swap3A_124 = arith.constant 0 : index
        %swap3A_125 = tpu.vector_load %arg22[%swap3A, %swap3A_124] {strides = array<i32>} : memref<128x16xf32, #tpu.memory_space<vmem>>, vector<16xf32>,
        tpu.vector_store %arg22[%swap3A, %swap3A_124], %add3A_123 {strides = array<i32>} : memref<128x16xf32, #tpu.memory_space<vmem>>, vector<16xf32>,
      }
      %scan3A_99 = arith.constant 128 : i32
      %mul3A_100 = arith.constant 1024 : i32
      %mul3A_101 = arith.muli %arg1, %mul3A_100 : i32
      %mul3A_102 = arith.constant 128 : i32
      %mul3A_103 = arith.muli %add3A_56, %mul3A_102 : i32
      %add3A_104 = arith.addi %mul3A_101, %mul3A_103 : i32
      "tpu.region"() ({
        %run_scoped3A = tpu.sem_alloc : memref<!tpu.dma_semaphore, #tpu.memory_space<semaphore_mem>>
        %dma_start3A_105 = arith.constant 0 : i32
        %dma_start3A_106 = arith.constant 0 : i32
        %dma_start3A_107 = tpu.memref_slice %arg16[%arg0, %dma_start3A_105, %dma_start3A_106] : memref<2x16384x16xf32, #tpu.memory_space<hbm>> -> memref<1x16384x16xf32, #tpu.memory_space<hbm>>
        %dma_start3A_108 = tpu.memref_squeeze %dma_start3A_107 : memref<1x16384x16xf32, #tpu.memory_space<hbm>> -> memref<16384x16xf32, #tpu.memory_space<hbm>>
        %dma_start3A_109 = arith.constant 0 : i32
        %dma_start3A_110 = tpu.memref_slice %dma_start3A_108[%add3A_104, %dma_start3A_109] : memref<16384x16xf32, #tpu.memory_space<hbm>> -> memref<128x16xf32, #tpu.memory_space<hbm>>
        %dma_start3A_111 = arith.constant 0 : i32
        %dma_start3A_112 = arith.constant 0 : i32
        %dma_start3A_113 = tpu.memref_slice %arg16[%arg0, %dma_start3A_111, %dma_start3A_112] : memref<2x16384x16xf32, #tpu.memory_space<hbm>> -> memref<1x16384x16xf32, #tpu.memory_space<hbm>>
        %dma_start3A_114 = tpu.memref_squeeze %dma_start3A_113 : memref<1x16384x16xf32, #tpu.memory_space<hbm>> -> memref<16384x16xf32, #tpu.memory_space<hbm>>
        %dma_start3A_115 = arith.constant 0 : i32
        %dma_start3A_116 = tpu.memref_slice %dma_start3A_114[%add3A_104, %dma_start3A_115] : memref<16384x16xf32, #tpu.memory_space<hbm>> -> memref<128x16xf32, #tpu.memory_space<hbm>>
        tpu.enqueue_dma source(%arg22 : memref<128x16xf32, #tpu.memory_space<vmem>>) target(%dma_start3A_116 : memref<128x16xf32, #tpu.memory_space<hbm>>) target_semaphore(%run_scoped3A : memref<!tpu.dma_semaphore, #tpu.memory_space<semaphore_mem>>)
        %dma_wait3A_117 = arith.constant 0 : i32
        %dma_wait3A_118 = arith.constant 0 : i32
        %dma_wait3A_119 = tpu.memref_slice %arg16[%arg0, %dma_wait3A_117, %dma_wait3A_118] : memref<2x16384x16xf32, #tpu.memory_space<hbm>> -> memref<1x16384x16xf32, #tpu.memory_space<hbm>>
        %dma_wait3A_120 = tpu.memref_squeeze %dma_wait3A_119 : memref<1x16384x16xf32, #tpu.memory_space<hbm>> -> memref<16384x16xf32, #tpu.memory_space<hbm>>
        %dma_wait3A_121 = arith.constant 0 : i32
        %dma_wait3A_122 = tpu.memref_slice %dma_wait3A_120[%add3A_104, %dma_wait3A_121] : memref<16384x16xf32, #tpu.memory_space<hbm>> -> memref<128x16xf32, #tpu.memory_space<hbm>>
        %dma_wait3A_123 = arith.constant 0 : i32
        %dma_wait3A_124 = arith.constant 0 : i32
        %dma_wait3A_125 = tpu.memref_slice %arg16[%arg0, %dma_wait3A_123, %dma_wait3A_124] : memref<2x16384x16xf32, #tpu.memory_space<hbm>> -> memref<1x16384x16xf32, #tpu.memory_space<hbm>>
        %dma_wait3A_126 = tpu.memref_squeeze %dma_wait3A_125 : memref<1x16384x16xf32, #tpu.memory_space<hbm>> -> memref<16384x16xf32, #tpu.memory_space<hbm>>
        %dma_wait3A_127 = arith.constant 0 : i32
        %dma_wait3A_128 = tpu.memref_slice %dma_wait3A_126[%add3A_104, %dma_wait3A_127] : memref<16384x16xf32, #tpu.memory_space<hbm>> -> memref<128x16xf32, #tpu.memory_space<hbm>>
        tpu.wait_dma2 semaphore(%run_scoped3A : memref<!tpu.dma_semaphore, #tpu.memory_space<semaphore_mem>>) src(%arg22 : memref<128x16xf32, #tpu.memory_space<vmem>>) dst(%dma_wait3A_128 : memref<128x16xf32, #tpu.memory_space<hbm>>)
        tpu.yield
      }) : () -> ()
    }
    %scan3A_52 = arith.constant 8 : i32
    return
  }
}

#map = affine_map<(d0, d1) -> (0, 0, 0)>
module attributes {stable_mosaic.version = 14 : i64} {
  func.func @deg_kernel(%arg0: i32, %arg1: i32, %arg2: memref<2x6400x128xi32, #tpu.memory_space<hbm>>, %arg3: memref<2x6400x128xf32, #tpu.memory_space<hbm>>, %arg4: memref<2x400x128xf32, #tpu.memory_space<hbm>>, %arg5: memref<51200x16xf32, #tpu.memory_space<vmem_shared>>, %arg6: memref<8x128xi32, #tpu.memory_space<vmem>>, %arg7: memref<8x128xf32, #tpu.memory_space<vmem>>, %arg8: memref<128x16xf32, #tpu.memory_space<vmem>>, %arg9: memref<128x16xf32, #tpu.memory_space<vmem>>, %arg10: memref<1x128xf32, #tpu.memory_space<vmem>>, %arg11: memref<128x16xf32, #tpu.memory_space<vmem>>, %arg12: memref<!tpu.dma_semaphore, #tpu.memory_space<semaphore_mem>>) attributes {dimension_semantics = [#tpu.dimension_semantics<core_parallel>, #tpu.dimension_semantics<subcore_parallel>], iteration_bounds = array<i64: 2, 16>, scalar_prefetch = 0 : i64, scratch_operands = 8 : i64, tpu.core_type = #tpu.core_type<sc_vector_subcore>, window_params = [{transform_indices = #map}, {transform_indices = #map}, {transform_indices = #map}]} {
    %scan3A = arith.constant 0 : i32
    %scan3A_0 = arith.constant 128 : i32
    %scan3A_1 = arith.addi %scan3A, %scan3A_0 : i32
    %scan3A_2 = arith.constant 1 : i32
    scf.for %scan3A_21 = %scan3A to %scan3A_1 step %scan3A_2  : i32 {
      %mul3A = arith.constant 1 : i32
      %mul3A_22 = arith.muli %scan3A_21, %mul3A : i32
      %add3A = arith.constant 0 : i32
      %add3A_23 = arith.addi %add3A, %mul3A_22 : i32
      %broadcast_in_dim3A_24 = arith.constant 0.000000e+00 : f32
      %broadcast_in_dim3A_25 = vector.broadcast %broadcast_in_dim3A_24 : f32 to vector<16xf32>
      %swap3A = arith.index_cast %add3A_23 : i32 to index
      %swap3A_26 = arith.constant 0 : index
      %swap3A_27 = tpu.vector_load %arg11[%swap3A, %swap3A_26] {strides = array<i32>} : memref<128x16xf32, #tpu.memory_space<vmem>>, vector<16xf32>,
      tpu.vector_store %arg11[%swap3A, %swap3A_26], %broadcast_in_dim3A_25 {strides = array<i32>} : memref<128x16xf32, #tpu.memory_space<vmem>>, vector<16xf32>,
    }
    %scan3A_3 = arith.constant 128 : i32
    %scan3A_4 = arith.constant 0 : i32
    %scan3A_5 = arith.constant 25 : i32
    %scan3A_6 = arith.addi %scan3A_4, %scan3A_5 : i32
    %scan3A_7 = arith.constant 1 : i32
    scf.for %scan3A_21 = %scan3A_4 to %scan3A_6 step %scan3A_7  : i32 {
      %mul3A = arith.constant 1 : i32
      %mul3A_22 = arith.muli %scan3A_21, %mul3A : i32
      %add3A = arith.constant 0 : i32
      %add3A_23 = arith.addi %add3A, %mul3A_22 : i32
      %mul3A_24 = arith.constant 3200 : i32
      %mul3A_25 = arith.muli %arg1, %mul3A_24 : i32
      %mul3A_26 = arith.constant 128 : i32
      %mul3A_27 = arith.muli %add3A_23, %mul3A_26 : i32
      %add3A_28 = arith.addi %mul3A_25, %mul3A_27 : i32
      "tpu.region"() ({
        %run_scoped3A = tpu.sem_alloc : memref<!tpu.dma_semaphore, #tpu.memory_space<semaphore_mem>>
        %dma_start3A = arith.constant 0 : i32
        %dma_start3A_29 = tpu.memref_slice %arg5[%add3A_28, %dma_start3A] : memref<51200x16xf32, #tpu.memory_space<vmem_shared>> -> memref<128x16xf32, #tpu.memory_space<vmem_shared>>
        %dma_start3A_30 = arith.constant 0 : i32
        %dma_start3A_31 = tpu.memref_slice %arg5[%add3A_28, %dma_start3A_30] : memref<51200x16xf32, #tpu.memory_space<vmem_shared>> -> memref<128x16xf32, #tpu.memory_space<vmem_shared>>
        tpu.enqueue_dma source(%arg11 : memref<128x16xf32, #tpu.memory_space<vmem>>) target(%dma_start3A_31 : memref<128x16xf32, #tpu.memory_space<vmem_shared>>) target_semaphore(%run_scoped3A : memref<!tpu.dma_semaphore, #tpu.memory_space<semaphore_mem>>)
        %dma_wait3A = arith.constant 0 : i32
        %dma_wait3A_32 = tpu.memref_slice %arg5[%add3A_28, %dma_wait3A] : memref<51200x16xf32, #tpu.memory_space<vmem_shared>> -> memref<128x16xf32, #tpu.memory_space<vmem_shared>>
        %dma_wait3A_33 = arith.constant 0 : i32
        %dma_wait3A_34 = tpu.memref_slice %arg5[%add3A_28, %dma_wait3A_33] : memref<51200x16xf32, #tpu.memory_space<vmem_shared>> -> memref<128x16xf32, #tpu.memory_space<vmem_shared>>
        tpu.wait_dma2 semaphore(%run_scoped3A : memref<!tpu.dma_semaphore, #tpu.memory_space<semaphore_mem>>) src(%arg11 : memref<128x16xf32, #tpu.memory_space<vmem>>) dst(%dma_wait3A_34 : memref<128x16xf32, #tpu.memory_space<vmem_shared>>)
        tpu.yield
      }) : () -> ()
    }
    %scan3A_8 = arith.constant 25 : i32
    %barrier3A = arith.constant 0 : index
    tpu.barrier barrier_id(%barrier3A)
    %scan3A_9 = arith.constant 0 : i32
    %scan3A_10 = arith.constant 50 : i32
    %scan3A_11 = arith.addi %scan3A_9, %scan3A_10 : i32
    %scan3A_12 = arith.constant 1 : i32
    scf.for %scan3A_21 = %scan3A_9 to %scan3A_11 step %scan3A_12  : i32 {
      %mul3A = arith.constant 1 : i32
      %mul3A_22 = arith.muli %scan3A_21, %mul3A : i32
      %add3A = arith.constant 0 : i32
      %add3A_23 = arith.addi %add3A, %mul3A_22 : i32
      %mul3A_24 = arith.constant 400 : i32
      %mul3A_25 = arith.muli %arg1, %mul3A_24 : i32
      %mul3A_26 = arith.constant 8 : i32
      %mul3A_27 = arith.muli %add3A_23, %mul3A_26 : i32
      %add3A_28 = arith.addi %mul3A_25, %mul3A_27 : i32
      "tpu.region"() ({
        %run_scoped3A = tpu.sem_alloc : memref<!tpu.dma_semaphore, #tpu.memory_space<semaphore_mem>>
        %dma_start3A = arith.constant 0 : i32
        %dma_start3A_34 = arith.constant 0 : i32
        %dma_start3A_35 = tpu.memref_slice %arg2[%arg0, %dma_start3A, %dma_start3A_34] : memref<2x6400x128xi32, #tpu.memory_space<hbm>> -> memref<1x6400x128xi32, #tpu.memory_space<hbm>>
        %dma_start3A_36 = tpu.memref_squeeze %dma_start3A_35 : memref<1x6400x128xi32, #tpu.memory_space<hbm>> -> memref<6400x128xi32, #tpu.memory_space<hbm>>
        %dma_start3A_37 = arith.constant 0 : i32
        %dma_start3A_38 = tpu.memref_slice %dma_start3A_36[%add3A_28, %dma_start3A_37] : memref<6400x128xi32, #tpu.memory_space<hbm>> -> memref<8x128xi32, #tpu.memory_space<hbm>>
        %dma_start3A_39 = arith.constant 0 : i32
        %dma_start3A_40 = arith.constant 0 : i32
        %dma_start3A_41 = tpu.memref_slice %arg2[%arg0, %dma_start3A_39, %dma_start3A_40] : memref<2x6400x128xi32, #tpu.memory_space<hbm>> -> memref<1x6400x128xi32, #tpu.memory_space<hbm>>
        %dma_start3A_42 = tpu.memref_squeeze %dma_start3A_41 : memref<1x6400x128xi32, #tpu.memory_space<hbm>> -> memref<6400x128xi32, #tpu.memory_space<hbm>>
        %dma_start3A_43 = arith.constant 0 : i32
        %dma_start3A_44 = tpu.memref_slice %dma_start3A_42[%add3A_28, %dma_start3A_43] : memref<6400x128xi32, #tpu.memory_space<hbm>> -> memref<8x128xi32, #tpu.memory_space<hbm>>
        tpu.enqueue_dma source(%dma_start3A_44 : memref<8x128xi32, #tpu.memory_space<hbm>>) target(%arg6 : memref<8x128xi32, #tpu.memory_space<vmem>>) target_semaphore(%run_scoped3A : memref<!tpu.dma_semaphore, #tpu.memory_space<semaphore_mem>>)
        %dma_wait3A = arith.constant 0 : i32
        %dma_wait3A_45 = arith.constant 0 : i32
        %dma_wait3A_46 = tpu.memref_slice %arg2[%arg0, %dma_wait3A, %dma_wait3A_45] : memref<2x6400x128xi32, #tpu.memory_space<hbm>> -> memref<1x6400x128xi32, #tpu.memory_space<hbm>>
        %dma_wait3A_47 = tpu.memref_squeeze %dma_wait3A_46 : memref<1x6400x128xi32, #tpu.memory_space<hbm>> -> memref<6400x128xi32, #tpu.memory_space<hbm>>
        %dma_wait3A_48 = arith.constant 0 : i32
        %dma_wait3A_49 = tpu.memref_slice %dma_wait3A_47[%add3A_28, %dma_wait3A_48] : memref<6400x128xi32, #tpu.memory_space<hbm>> -> memref<8x128xi32, #tpu.memory_space<hbm>>
        %dma_wait3A_50 = arith.constant 0 : i32
        %dma_wait3A_51 = arith.constant 0 : i32
        %dma_wait3A_52 = tpu.memref_slice %arg2[%arg0, %dma_wait3A_50, %dma_wait3A_51] : memref<2x6400x128xi32, #tpu.memory_space<hbm>> -> memref<1x6400x128xi32, #tpu.memory_space<hbm>>
        %dma_wait3A_53 = tpu.memref_squeeze %dma_wait3A_52 : memref<1x6400x128xi32, #tpu.memory_space<hbm>> -> memref<6400x128xi32, #tpu.memory_space<hbm>>
        %dma_wait3A_54 = arith.constant 0 : i32
        %dma_wait3A_55 = tpu.memref_slice %dma_wait3A_53[%add3A_28, %dma_wait3A_54] : memref<6400x128xi32, #tpu.memory_space<hbm>> -> memref<8x128xi32, #tpu.memory_space<hbm>>
        tpu.wait_dma2 semaphore(%run_scoped3A : memref<!tpu.dma_semaphore, #tpu.memory_space<semaphore_mem>>) src(%dma_wait3A_55 : memref<8x128xi32, #tpu.memory_space<hbm>>) dst(%arg6 : memref<8x128xi32, #tpu.memory_space<vmem>>)
        tpu.yield
      }) : () -> ()
      "tpu.region"() ({
        %run_scoped3A = tpu.sem_alloc : memref<!tpu.dma_semaphore, #tpu.memory_space<semaphore_mem>>
        %dma_start3A = arith.constant 0 : i32
        %dma_start3A_34 = arith.constant 0 : i32
        %dma_start3A_35 = tpu.memref_slice %arg3[%arg0, %dma_start3A, %dma_start3A_34] : memref<2x6400x128xf32, #tpu.memory_space<hbm>> -> memref<1x6400x128xf32, #tpu.memory_space<hbm>>
        %dma_start3A_36 = tpu.memref_squeeze %dma_start3A_35 : memref<1x6400x128xf32, #tpu.memory_space<hbm>> -> memref<6400x128xf32, #tpu.memory_space<hbm>>
        %dma_start3A_37 = arith.constant 0 : i32
        %dma_start3A_38 = tpu.memref_slice %dma_start3A_36[%add3A_28, %dma_start3A_37] : memref<6400x128xf32, #tpu.memory_space<hbm>> -> memref<8x128xf32, #tpu.memory_space<hbm>>
        %dma_start3A_39 = arith.constant 0 : i32
        %dma_start3A_40 = arith.constant 0 : i32
        %dma_start3A_41 = tpu.memref_slice %arg3[%arg0, %dma_start3A_39, %dma_start3A_40] : memref<2x6400x128xf32, #tpu.memory_space<hbm>> -> memref<1x6400x128xf32, #tpu.memory_space<hbm>>
        %dma_start3A_42 = tpu.memref_squeeze %dma_start3A_41 : memref<1x6400x128xf32, #tpu.memory_space<hbm>> -> memref<6400x128xf32, #tpu.memory_space<hbm>>
        %dma_start3A_43 = arith.constant 0 : i32
        %dma_start3A_44 = tpu.memref_slice %dma_start3A_42[%add3A_28, %dma_start3A_43] : memref<6400x128xf32, #tpu.memory_space<hbm>> -> memref<8x128xf32, #tpu.memory_space<hbm>>
        tpu.enqueue_dma source(%dma_start3A_44 : memref<8x128xf32, #tpu.memory_space<hbm>>) target(%arg7 : memref<8x128xf32, #tpu.memory_space<vmem>>) target_semaphore(%run_scoped3A : memref<!tpu.dma_semaphore, #tpu.memory_space<semaphore_mem>>)
        %dma_wait3A = arith.constant 0 : i32
        %dma_wait3A_45 = arith.constant 0 : i32
        %dma_wait3A_46 = tpu.memref_slice %arg3[%arg0, %dma_wait3A, %dma_wait3A_45] : memref<2x6400x128xf32, #tpu.memory_space<hbm>> -> memref<1x6400x128xf32, #tpu.memory_space<hbm>>
        %dma_wait3A_47 = tpu.memref_squeeze %dma_wait3A_46 : memref<1x6400x128xf32, #tpu.memory_space<hbm>> -> memref<6400x128xf32, #tpu.memory_space<hbm>>
        %dma_wait3A_48 = arith.constant 0 : i32
        %dma_wait3A_49 = tpu.memref_slice %dma_wait3A_47[%add3A_28, %dma_wait3A_48] : memref<6400x128xf32, #tpu.memory_space<hbm>> -> memref<8x128xf32, #tpu.memory_space<hbm>>
        %dma_wait3A_50 = arith.constant 0 : i32
        %dma_wait3A_51 = arith.constant 0 : i32
        %dma_wait3A_52 = tpu.memref_slice %arg3[%arg0, %dma_wait3A_50, %dma_wait3A_51] : memref<2x6400x128xf32, #tpu.memory_space<hbm>> -> memref<1x6400x128xf32, #tpu.memory_space<hbm>>
        %dma_wait3A_53 = tpu.memref_squeeze %dma_wait3A_52 : memref<1x6400x128xf32, #tpu.memory_space<hbm>> -> memref<6400x128xf32, #tpu.memory_space<hbm>>
        %dma_wait3A_54 = arith.constant 0 : i32
        %dma_wait3A_55 = tpu.memref_slice %dma_wait3A_53[%add3A_28, %dma_wait3A_54] : memref<6400x128xf32, #tpu.memory_space<hbm>> -> memref<8x128xf32, #tpu.memory_space<hbm>>
        tpu.wait_dma2 semaphore(%run_scoped3A : memref<!tpu.dma_semaphore, #tpu.memory_space<semaphore_mem>>) src(%dma_wait3A_55 : memref<8x128xf32, #tpu.memory_space<hbm>>) dst(%arg7 : memref<8x128xf32, #tpu.memory_space<vmem>>)
        tpu.yield
      }) : () -> ()
      %scan3A_29 = arith.constant 0 : i32
      %scan3A_30 = arith.constant 8 : i32
      %scan3A_31 = arith.addi %scan3A_29, %scan3A_30 : i32
      %scan3A_32 = arith.constant 1 : i32
      scf.for %scan3A_34 = %scan3A_29 to %scan3A_31 step %scan3A_32  : i32 {
        %mul3A_35 = arith.constant 1 : i32
        %mul3A_36 = arith.muli %scan3A_34, %mul3A_35 : i32
        %add3A_37 = arith.constant 0 : i32
        %add3A_38 = arith.addi %add3A_37, %mul3A_36 : i32
        %scan3A_39 = arith.constant 0 : i32
        %scan3A_40 = arith.constant 8 : i32
        %scan3A_41 = arith.addi %scan3A_39, %scan3A_40 : i32
        %scan3A_42 = arith.constant 1 : i32
        scf.for %scan3A_44 = %scan3A_39 to %scan3A_41 step %scan3A_42  : i32 {
          %mul3A_45 = arith.constant 1 : i32
          %mul3A_46 = arith.muli %scan3A_44, %mul3A_45 : i32
          %add3A_47 = arith.constant 0 : i32
          %add3A_48 = arith.addi %add3A_47, %mul3A_46 : i32
          %mul3A_49 = arith.constant 16 : i32
          %mul3A_50 = arith.muli %add3A_48, %mul3A_49 : i32
          %get3A = arith.index_cast %add3A_38 : i32 to index
          %get3A_51 = arith.index_cast %mul3A_50 : i32 to index
          %get3A_52 = tpu.vector_load %arg7[%get3A, %get3A_51] {strides = array<i32>} : memref<8x128xf32, #tpu.memory_space<vmem>>, vector<16xf32>,
          %slice3A = vector.extract_strided_slice %get3A_52 {offsets = [0], sizes = [1], strides = [1]} : vector<16xf32> to vector<1xf32>
          %squeeze3A = vector.extract %slice3A[0] : f32 from vector<1xf32>
          %broadcast_in_dim3A_53 = vector.broadcast %squeeze3A : f32 to vector<16xf32>
          %mul3A_54 = arith.constant 16 : i32
          %mul3A_55 = arith.muli %add3A_48, %mul3A_54 : i32
          %add3A_56 = arith.constant 0 : i32
          %add3A_57 = arith.addi %mul3A_55, %add3A_56 : i32
          %swap3A = arith.index_cast %add3A_57 : i32 to index
          %swap3A_58 = arith.constant 0 : index
          %swap3A_59 = tpu.vector_load %arg8[%swap3A, %swap3A_58] {strides = array<i32>} : memref<128x16xf32, #tpu.memory_space<vmem>>, vector<16xf32>,
          tpu.vector_store %arg8[%swap3A, %swap3A_58], %broadcast_in_dim3A_53 {strides = array<i32>} : memref<128x16xf32, #tpu.memory_space<vmem>>, vector<16xf32>,
          %slice3A_60 = vector.extract_strided_slice %get3A_52 {offsets = [1], sizes = [1], strides = [1]} : vector<16xf32> to vector<1xf32>
          %squeeze3A_61 = vector.extract %slice3A_60[0] : f32 from vector<1xf32>
          %broadcast_in_dim3A_62 = vector.broadcast %squeeze3A_61 : f32 to vector<16xf32>
          %mul3A_63 = arith.constant 16 : i32
          %mul3A_64 = arith.muli %add3A_48, %mul3A_63 : i32
          %add3A_65 = arith.constant 1 : i32
          %add3A_66 = arith.addi %mul3A_64, %add3A_65 : i32
          %swap3A_67 = arith.index_cast %add3A_66 : i32 to index
          %swap3A_68 = arith.constant 0 : index
          %swap3A_69 = tpu.vector_load %arg8[%swap3A_67, %swap3A_68] {strides = array<i32>} : memref<128x16xf32, #tpu.memory_space<vmem>>, vector<16xf32>,
          tpu.vector_store %arg8[%swap3A_67, %swap3A_68], %broadcast_in_dim3A_62 {strides = array<i32>} : memref<128x16xf32, #tpu.memory_space<vmem>>, vector<16xf32>,
          %slice3A_70 = vector.extract_strided_slice %get3A_52 {offsets = [2], sizes = [1], strides = [1]} : vector<16xf32> to vector<1xf32>
          %squeeze3A_71 = vector.extract %slice3A_70[0] : f32 from vector<1xf32>
          %broadcast_in_dim3A_72 = vector.broadcast %squeeze3A_71 : f32 to vector<16xf32>
          %mul3A_73 = arith.constant 16 : i32
          %mul3A_74 = arith.muli %add3A_48, %mul3A_73 : i32
          %add3A_75 = arith.constant 2 : i32
          %add3A_76 = arith.addi %mul3A_74, %add3A_75 : i32
          %swap3A_77 = arith.index_cast %add3A_76 : i32 to index
          %swap3A_78 = arith.constant 0 : index
          %swap3A_79 = tpu.vector_load %arg8[%swap3A_77, %swap3A_78] {strides = array<i32>} : memref<128x16xf32, #tpu.memory_space<vmem>>, vector<16xf32>,
          tpu.vector_store %arg8[%swap3A_77, %swap3A_78], %broadcast_in_dim3A_72 {strides = array<i32>} : memref<128x16xf32, #tpu.memory_space<vmem>>, vector<16xf32>,
          %slice3A_80 = vector.extract_strided_slice %get3A_52 {offsets = [3], sizes = [1], strides = [1]} : vector<16xf32> to vector<1xf32>
          %squeeze3A_81 = vector.extract %slice3A_80[0] : f32 from vector<1xf32>
          %broadcast_in_dim3A_82 = vector.broadcast %squeeze3A_81 : f32 to vector<16xf32>
          %mul3A_83 = arith.constant 16 : i32
          %mul3A_84 = arith.muli %add3A_48, %mul3A_83 : i32
          %add3A_85 = arith.constant 3 : i32
          %add3A_86 = arith.addi %mul3A_84, %add3A_85 : i32
          %swap3A_87 = arith.index_cast %add3A_86 : i32 to index
          %swap3A_88 = arith.constant 0 : index
          %swap3A_89 = tpu.vector_load %arg8[%swap3A_87, %swap3A_88] {strides = array<i32>} : memref<128x16xf32, #tpu.memory_space<vmem>>, vector<16xf32>,
          tpu.vector_store %arg8[%swap3A_87, %swap3A_88], %broadcast_in_dim3A_82 {strides = array<i32>} : memref<128x16xf32, #tpu.memory_space<vmem>>, vector<16xf32>,
          %slice3A_90 = vector.extract_strided_slice %get3A_52 {offsets = [4], sizes = [1], strides = [1]} : vector<16xf32> to vector<1xf32>
          %squeeze3A_91 = vector.extract %slice3A_90[0] : f32 from vector<1xf32>
          %broadcast_in_dim3A_92 = vector.broadcast %squeeze3A_91 : f32 to vector<16xf32>
          %mul3A_93 = arith.constant 16 : i32
          %mul3A_94 = arith.muli %add3A_48, %mul3A_93 : i32
          %add3A_95 = arith.constant 4 : i32
          %add3A_96 = arith.addi %mul3A_94, %add3A_95 : i32
          %swap3A_97 = arith.index_cast %add3A_96 : i32 to index
          %swap3A_98 = arith.constant 0 : index
          %swap3A_99 = tpu.vector_load %arg8[%swap3A_97, %swap3A_98] {strides = array<i32>} : memref<128x16xf32, #tpu.memory_space<vmem>>, vector<16xf32>,
          tpu.vector_store %arg8[%swap3A_97, %swap3A_98], %broadcast_in_dim3A_92 {strides = array<i32>} : memref<128x16xf32, #tpu.memory_space<vmem>>, vector<16xf32>,
          %slice3A_100 = vector.extract_strided_slice %get3A_52 {offsets = [5], sizes = [1], strides = [1]} : vector<16xf32> to vector<1xf32>
          %squeeze3A_101 = vector.extract %slice3A_100[0] : f32 from vector<1xf32>
          %broadcast_in_dim3A_102 = vector.broadcast %squeeze3A_101 : f32 to vector<16xf32>
          %mul3A_103 = arith.constant 16 : i32
          %mul3A_104 = arith.muli %add3A_48, %mul3A_103 : i32
          %add3A_105 = arith.constant 5 : i32
          %add3A_106 = arith.addi %mul3A_104, %add3A_105 : i32
          %swap3A_107 = arith.index_cast %add3A_106 : i32 to index
          %swap3A_108 = arith.constant 0 : index
          %swap3A_109 = tpu.vector_load %arg8[%swap3A_107, %swap3A_108] {strides = array<i32>} : memref<128x16xf32, #tpu.memory_space<vmem>>, vector<16xf32>,
          tpu.vector_store %arg8[%swap3A_107, %swap3A_108], %broadcast_in_dim3A_102 {strides = array<i32>} : memref<128x16xf32, #tpu.memory_space<vmem>>, vector<16xf32>,
          %slice3A_110 = vector.extract_strided_slice %get3A_52 {offsets = [6], sizes = [1], strides = [1]} : vector<16xf32> to vector<1xf32>
          %squeeze3A_111 = vector.extract %slice3A_110[0] : f32 from vector<1xf32>
          %broadcast_in_dim3A_112 = vector.broadcast %squeeze3A_111 : f32 to vector<16xf32>
          %mul3A_113 = arith.constant 16 : i32
          %mul3A_114 = arith.muli %add3A_48, %mul3A_113 : i32
          %add3A_115 = arith.constant 6 : i32
          %add3A_116 = arith.addi %mul3A_114, %add3A_115 : i32
          %swap3A_117 = arith.index_cast %add3A_116 : i32 to index
          %swap3A_118 = arith.constant 0 : index
          %swap3A_119 = tpu.vector_load %arg8[%swap3A_117, %swap3A_118] {strides = array<i32>} : memref<128x16xf32, #tpu.memory_space<vmem>>, vector<16xf32>,
          tpu.vector_store %arg8[%swap3A_117, %swap3A_118], %broadcast_in_dim3A_112 {strides = array<i32>} : memref<128x16xf32, #tpu.memory_space<vmem>>, vector<16xf32>,
          %slice3A_120 = vector.extract_strided_slice %get3A_52 {offsets = [7], sizes = [1], strides = [1]} : vector<16xf32> to vector<1xf32>
          %squeeze3A_121 = vector.extract %slice3A_120[0] : f32 from vector<1xf32>
          %broadcast_in_dim3A_122 = vector.broadcast %squeeze3A_121 : f32 to vector<16xf32>
          %mul3A_123 = arith.constant 16 : i32
          %mul3A_124 = arith.muli %add3A_48, %mul3A_123 : i32
          %add3A_125 = arith.constant 7 : i32
          %add3A_126 = arith.addi %mul3A_124, %add3A_125 : i32
          %swap3A_127 = arith.index_cast %add3A_126 : i32 to index
          %swap3A_128 = arith.constant 0 : index
          %swap3A_129 = tpu.vector_load %arg8[%swap3A_127, %swap3A_128] {strides = array<i32>} : memref<128x16xf32, #tpu.memory_space<vmem>>, vector<16xf32>,
          tpu.vector_store %arg8[%swap3A_127, %swap3A_128], %broadcast_in_dim3A_122 {strides = array<i32>} : memref<128x16xf32, #tpu.memory_space<vmem>>, vector<16xf32>,
          %slice3A_130 = vector.extract_strided_slice %get3A_52 {offsets = [8], sizes = [1], strides = [1]} : vector<16xf32> to vector<1xf32>
          %squeeze3A_131 = vector.extract %slice3A_130[0] : f32 from vector<1xf32>
          %broadcast_in_dim3A_132 = vector.broadcast %squeeze3A_131 : f32 to vector<16xf32>
          %mul3A_133 = arith.constant 16 : i32
          %mul3A_134 = arith.muli %add3A_48, %mul3A_133 : i32
          %add3A_135 = arith.constant 8 : i32
          %add3A_136 = arith.addi %mul3A_134, %add3A_135 : i32
          %swap3A_137 = arith.index_cast %add3A_136 : i32 to index
          %swap3A_138 = arith.constant 0 : index
          %swap3A_139 = tpu.vector_load %arg8[%swap3A_137, %swap3A_138] {strides = array<i32>} : memref<128x16xf32, #tpu.memory_space<vmem>>, vector<16xf32>,
          tpu.vector_store %arg8[%swap3A_137, %swap3A_138], %broadcast_in_dim3A_132 {strides = array<i32>} : memref<128x16xf32, #tpu.memory_space<vmem>>, vector<16xf32>,
          %slice3A_140 = vector.extract_strided_slice %get3A_52 {offsets = [9], sizes = [1], strides = [1]} : vector<16xf32> to vector<1xf32>
          %squeeze3A_141 = vector.extract %slice3A_140[0] : f32 from vector<1xf32>
          %broadcast_in_dim3A_142 = vector.broadcast %squeeze3A_141 : f32 to vector<16xf32>
          %mul3A_143 = arith.constant 16 : i32
          %mul3A_144 = arith.muli %add3A_48, %mul3A_143 : i32
          %add3A_145 = arith.constant 9 : i32
          %add3A_146 = arith.addi %mul3A_144, %add3A_145 : i32
          %swap3A_147 = arith.index_cast %add3A_146 : i32 to index
          %swap3A_148 = arith.constant 0 : index
          %swap3A_149 = tpu.vector_load %arg8[%swap3A_147, %swap3A_148] {strides = array<i32>} : memref<128x16xf32, #tpu.memory_space<vmem>>, vector<16xf32>,
          tpu.vector_store %arg8[%swap3A_147, %swap3A_148], %broadcast_in_dim3A_142 {strides = array<i32>} : memref<128x16xf32, #tpu.memory_space<vmem>>, vector<16xf32>,
          %slice3A_150 = vector.extract_strided_slice %get3A_52 {offsets = [10], sizes = [1], strides = [1]} : vector<16xf32> to vector<1xf32>
          %squeeze3A_151 = vector.extract %slice3A_150[0] : f32 from vector<1xf32>
          %broadcast_in_dim3A_152 = vector.broadcast %squeeze3A_151 : f32 to vector<16xf32>
          %mul3A_153 = arith.constant 16 : i32
          %mul3A_154 = arith.muli %add3A_48, %mul3A_153 : i32
          %add3A_155 = arith.constant 10 : i32
          %add3A_156 = arith.addi %mul3A_154, %add3A_155 : i32
          %swap3A_157 = arith.index_cast %add3A_156 : i32 to index
          %swap3A_158 = arith.constant 0 : index
          %swap3A_159 = tpu.vector_load %arg8[%swap3A_157, %swap3A_158] {strides = array<i32>} : memref<128x16xf32, #tpu.memory_space<vmem>>, vector<16xf32>,
          tpu.vector_store %arg8[%swap3A_157, %swap3A_158], %broadcast_in_dim3A_152 {strides = array<i32>} : memref<128x16xf32, #tpu.memory_space<vmem>>, vector<16xf32>,
          %slice3A_160 = vector.extract_strided_slice %get3A_52 {offsets = [11], sizes = [1], strides = [1]} : vector<16xf32> to vector<1xf32>
          %squeeze3A_161 = vector.extract %slice3A_160[0] : f32 from vector<1xf32>
          %broadcast_in_dim3A_162 = vector.broadcast %squeeze3A_161 : f32 to vector<16xf32>
          %mul3A_163 = arith.constant 16 : i32
          %mul3A_164 = arith.muli %add3A_48, %mul3A_163 : i32
          %add3A_165 = arith.constant 11 : i32
          %add3A_166 = arith.addi %mul3A_164, %add3A_165 : i32
          %swap3A_167 = arith.index_cast %add3A_166 : i32 to index
          %swap3A_168 = arith.constant 0 : index
          %swap3A_169 = tpu.vector_load %arg8[%swap3A_167, %swap3A_168] {strides = array<i32>} : memref<128x16xf32, #tpu.memory_space<vmem>>, vector<16xf32>,
          tpu.vector_store %arg8[%swap3A_167, %swap3A_168], %broadcast_in_dim3A_162 {strides = array<i32>} : memref<128x16xf32, #tpu.memory_space<vmem>>, vector<16xf32>,
          %slice3A_170 = vector.extract_strided_slice %get3A_52 {offsets = [12], sizes = [1], strides = [1]} : vector<16xf32> to vector<1xf32>
          %squeeze3A_171 = vector.extract %slice3A_170[0] : f32 from vector<1xf32>
          %broadcast_in_dim3A_172 = vector.broadcast %squeeze3A_171 : f32 to vector<16xf32>
          %mul3A_173 = arith.constant 16 : i32
          %mul3A_174 = arith.muli %add3A_48, %mul3A_173 : i32
          %add3A_175 = arith.constant 12 : i32
          %add3A_176 = arith.addi %mul3A_174, %add3A_175 : i32
          %swap3A_177 = arith.index_cast %add3A_176 : i32 to index
          %swap3A_178 = arith.constant 0 : index
          %swap3A_179 = tpu.vector_load %arg8[%swap3A_177, %swap3A_178] {strides = array<i32>} : memref<128x16xf32, #tpu.memory_space<vmem>>, vector<16xf32>,
          tpu.vector_store %arg8[%swap3A_177, %swap3A_178], %broadcast_in_dim3A_172 {strides = array<i32>} : memref<128x16xf32, #tpu.memory_space<vmem>>, vector<16xf32>,
          %slice3A_180 = vector.extract_strided_slice %get3A_52 {offsets = [13], sizes = [1], strides = [1]} : vector<16xf32> to vector<1xf32>
          %squeeze3A_181 = vector.extract %slice3A_180[0] : f32 from vector<1xf32>
          %broadcast_in_dim3A_182 = vector.broadcast %squeeze3A_181 : f32 to vector<16xf32>
          %mul3A_183 = arith.constant 16 : i32
          %mul3A_184 = arith.muli %add3A_48, %mul3A_183 : i32
          %add3A_185 = arith.constant 13 : i32
          %add3A_186 = arith.addi %mul3A_184, %add3A_185 : i32
          %swap3A_187 = arith.index_cast %add3A_186 : i32 to index
          %swap3A_188 = arith.constant 0 : index
          %swap3A_189 = tpu.vector_load %arg8[%swap3A_187, %swap3A_188] {strides = array<i32>} : memref<128x16xf32, #tpu.memory_space<vmem>>, vector<16xf32>,
          tpu.vector_store %arg8[%swap3A_187, %swap3A_188], %broadcast_in_dim3A_182 {strides = array<i32>} : memref<128x16xf32, #tpu.memory_space<vmem>>, vector<16xf32>,
          %slice3A_190 = vector.extract_strided_slice %get3A_52 {offsets = [14], sizes = [1], strides = [1]} : vector<16xf32> to vector<1xf32>
          %squeeze3A_191 = vector.extract %slice3A_190[0] : f32 from vector<1xf32>
          %broadcast_in_dim3A_192 = vector.broadcast %squeeze3A_191 : f32 to vector<16xf32>
          %mul3A_193 = arith.constant 16 : i32
          %mul3A_194 = arith.muli %add3A_48, %mul3A_193 : i32
          %add3A_195 = arith.constant 14 : i32
          %add3A_196 = arith.addi %mul3A_194, %add3A_195 : i32
          %swap3A_197 = arith.index_cast %add3A_196 : i32 to index
          %swap3A_198 = arith.constant 0 : index
          %swap3A_199 = tpu.vector_load %arg8[%swap3A_197, %swap3A_198] {strides = array<i32>} : memref<128x16xf32, #tpu.memory_space<vmem>>, vector<16xf32>,
          tpu.vector_store %arg8[%swap3A_197, %swap3A_198], %broadcast_in_dim3A_192 {strides = array<i32>} : memref<128x16xf32, #tpu.memory_space<vmem>>, vector<16xf32>,
          %slice3A_200 = vector.extract_strided_slice %get3A_52 {offsets = [15], sizes = [1], strides = [1]} : vector<16xf32> to vector<1xf32>
          %squeeze3A_201 = vector.extract %slice3A_200[0] : f32 from vector<1xf32>
          %broadcast_in_dim3A_202 = vector.broadcast %squeeze3A_201 : f32 to vector<16xf32>
          %mul3A_203 = arith.constant 16 : i32
          %mul3A_204 = arith.muli %add3A_48, %mul3A_203 : i32
          %add3A_205 = arith.constant 15 : i32
          %add3A_206 = arith.addi %mul3A_204, %add3A_205 : i32
          %swap3A_207 = arith.index_cast %add3A_206 : i32 to index
          %swap3A_208 = arith.constant 0 : index
          %swap3A_209 = tpu.vector_load %arg8[%swap3A_207, %swap3A_208] {strides = array<i32>} : memref<128x16xf32, #tpu.memory_space<vmem>>, vector<16xf32>,
          tpu.vector_store %arg8[%swap3A_207, %swap3A_208], %broadcast_in_dim3A_202 {strides = array<i32>} : memref<128x16xf32, #tpu.memory_space<vmem>>, vector<16xf32>,
        }
        %scan3A_43 = arith.constant 8 : i32
        "tpu.region"() ({
          %run_scoped3A = tpu.sem_alloc : memref<!tpu.dma_semaphore, #tpu.memory_space<semaphore_mem>>
          %dma_start3A = arith.constant 0 : i32
          %dma_start3A_44 = tpu.memref_slice %arg6[%add3A_38, %dma_start3A] : memref<8x128xi32, #tpu.memory_space<vmem>> -> memref<1x128xi32, #tpu.memory_space<vmem>>
          %dma_start3A_45 = tpu.memref_squeeze %dma_start3A_44 : memref<1x128xi32, #tpu.memory_space<vmem>> -> memref<128xi32, #tpu.memory_space<vmem>>
          %dma_start3A_46 = arith.constant 0 : i32
          %dma_start3A_47 = arith.constant 0 : i32
          %dma_start3A_48 = tpu.memref_slice %arg5[%dma_start3A_46, %dma_start3A_47] : memref<51200x16xf32, #tpu.memory_space<vmem_shared>> -> memref<51200x16xf32, #tpu.memory_space<vmem_shared>>
          tpu.enqueue_indirect_dma source(%arg8 : memref<128x16xf32, #tpu.memory_space<vmem>>) target(%dma_start3A_48 : memref<51200x16xf32, #tpu.memory_space<vmem_shared>>) offsets(%dma_start3A_45 : memref<128xi32, #tpu.memory_space<vmem>>) semaphore(%run_scoped3A : memref<!tpu.dma_semaphore, #tpu.memory_space<semaphore_mem>>) {add = true}
          %dma_wait3A = arith.constant 0 : i32
          %dma_wait3A_49 = tpu.memref_slice %arg6[%add3A_38, %dma_wait3A] : memref<8x128xi32, #tpu.memory_space<vmem>> -> memref<1x128xi32, #tpu.memory_space<vmem>>
          %dma_wait3A_50 = tpu.memref_squeeze %dma_wait3A_49 : memref<1x128xi32, #tpu.memory_space<vmem>> -> memref<128xi32, #tpu.memory_space<vmem>>
          %dma_wait3A_51 = arith.constant 0 : i32
          %dma_wait3A_52 = arith.constant 0 : i32
          %dma_wait3A_53 = tpu.memref_slice %arg5[%dma_wait3A_51, %dma_wait3A_52] : memref<51200x16xf32, #tpu.memory_space<vmem_shared>> -> memref<51200x16xf32, #tpu.memory_space<vmem_shared>>
          tpu.wait_indirect_dma semaphore(%run_scoped3A : memref<!tpu.dma_semaphore, #tpu.memory_space<semaphore_mem>>) src(%arg8 : memref<128x16xf32, #tpu.memory_space<vmem>>) dst(%dma_wait3A_53 : memref<51200x16xf32, #tpu.memory_space<vmem_shared>>)
          tpu.yield
        }) : () -> ()
      }
      %scan3A_33 = arith.constant 8 : i32
    }
    %scan3A_13 = arith.constant 50 : i32
    %barrier3A_14 = arith.constant 0 : index
    tpu.barrier barrier_id(%barrier3A_14)
    %iota3A = tpu.iota {dimensions = array<i32: 0>} : vector<16xi32>
    %broadcast_in_dim3A = arith.constant 0 : i32
    %broadcast_in_dim3A_15 = vector.broadcast %broadcast_in_dim3A : i32 to vector<16xi32>
    %scan3A_16 = arith.constant 0 : i32
    %scan3A_17 = arith.constant 25 : i32
    %scan3A_18 = arith.addi %scan3A_16, %scan3A_17 : i32
    %scan3A_19 = arith.constant 1 : i32
    scf.for %scan3A_21 = %scan3A_16 to %scan3A_18 step %scan3A_19  : i32 {
      %mul3A = arith.constant 1 : i32
      %mul3A_22 = arith.muli %scan3A_21, %mul3A : i32
      %add3A = arith.constant 0 : i32
      %add3A_23 = arith.addi %add3A, %mul3A_22 : i32
      %mul3A_24 = arith.constant 3200 : i32
      %mul3A_25 = arith.muli %arg1, %mul3A_24 : i32
      %mul3A_26 = arith.constant 128 : i32
      %mul3A_27 = arith.muli %add3A_23, %mul3A_26 : i32
      %add3A_28 = arith.addi %mul3A_25, %mul3A_27 : i32
      "tpu.region"() ({
        %run_scoped3A = tpu.sem_alloc : memref<!tpu.dma_semaphore, #tpu.memory_space<semaphore_mem>>
        %dma_start3A = arith.constant 0 : i32
        %dma_start3A_37 = tpu.memref_slice %arg5[%add3A_28, %dma_start3A] : memref<51200x16xf32, #tpu.memory_space<vmem_shared>> -> memref<128x16xf32, #tpu.memory_space<vmem_shared>>
        %dma_start3A_38 = arith.constant 0 : i32
        %dma_start3A_39 = tpu.memref_slice %arg5[%add3A_28, %dma_start3A_38] : memref<51200x16xf32, #tpu.memory_space<vmem_shared>> -> memref<128x16xf32, #tpu.memory_space<vmem_shared>>
        tpu.enqueue_dma source(%dma_start3A_39 : memref<128x16xf32, #tpu.memory_space<vmem_shared>>) target(%arg9 : memref<128x16xf32, #tpu.memory_space<vmem>>) target_semaphore(%run_scoped3A : memref<!tpu.dma_semaphore, #tpu.memory_space<semaphore_mem>>)
        %dma_wait3A = arith.constant 0 : i32
        %dma_wait3A_40 = tpu.memref_slice %arg5[%add3A_28, %dma_wait3A] : memref<51200x16xf32, #tpu.memory_space<vmem_shared>> -> memref<128x16xf32, #tpu.memory_space<vmem_shared>>
        %dma_wait3A_41 = arith.constant 0 : i32
        %dma_wait3A_42 = tpu.memref_slice %arg5[%add3A_28, %dma_wait3A_41] : memref<51200x16xf32, #tpu.memory_space<vmem_shared>> -> memref<128x16xf32, #tpu.memory_space<vmem_shared>>
        tpu.wait_dma2 semaphore(%run_scoped3A : memref<!tpu.dma_semaphore, #tpu.memory_space<semaphore_mem>>) src(%dma_wait3A_42 : memref<128x16xf32, #tpu.memory_space<vmem_shared>>) dst(%arg9 : memref<128x16xf32, #tpu.memory_space<vmem>>)
        tpu.yield
      }) : () -> ()
      %scan3A_29 = arith.constant 0 : i32
      %scan3A_30 = arith.constant 8 : i32
      %scan3A_31 = arith.addi %scan3A_29, %scan3A_30 : i32
      %scan3A_32 = arith.constant 1 : i32
      scf.for %scan3A_37 = %scan3A_29 to %scan3A_31 step %scan3A_32  : i32 {
        %mul3A_38 = arith.constant 1 : i32
        %mul3A_39 = arith.muli %scan3A_37, %mul3A_38 : i32
        %add3A_40 = arith.constant 0 : i32
        %add3A_41 = arith.addi %add3A_40, %mul3A_39 : i32
        %mul3A_42 = arith.constant 16 : i32
        %mul3A_43 = arith.muli %add3A_41, %mul3A_42 : i32
        %add3A_44 = vector.broadcast %mul3A_43 : i32 to vector<16xi32>
        %add3A_45 = arith.addi %add3A_44, %iota3A : vector<16xi32>
        %gather3A = tpu.vector_load_idx %arg9[%add3A_45, %broadcast_in_dim3A_15] : memref<128x16xf32, #tpu.memory_space<vmem>>[vector<16xi32>, vector<16xi32>], vector<16xf32>,
        %add3A_46 = arith.constant 9.99999993E-9 : f32
        %add3A_47 = vector.broadcast %add3A_46 : f32 to vector<16xf32>
        %add3A_48 = arith.addf %gather3A, %add3A_47 : vector<16xf32>
        %div3A = arith.constant 1.000000e+00 : f32
        %div3A_49 = vector.broadcast %div3A : f32 to vector<16xf32>
        %div3A_50 = arith.divf %div3A_49, %add3A_48 : vector<16xf32>
        %mul3A_51 = arith.constant 16 : i32
        %mul3A_52 = arith.muli %add3A_41, %mul3A_51 : i32
        %swap3A = arith.constant 0 : i32
        %swap3A_53 = arith.index_cast %swap3A : i32 to index
        %swap3A_54 = arith.index_cast %mul3A_52 : i32 to index
        %swap3A_55 = tpu.vector_load %arg10[%swap3A_53, %swap3A_54] {strides = array<i32>} : memref<1x128xf32, #tpu.memory_space<vmem>>, vector<16xf32>,
        tpu.vector_store %arg10[%swap3A_53, %swap3A_54], %div3A_50 {strides = array<i32>} : memref<1x128xf32, #tpu.memory_space<vmem>>, vector<16xf32>,
      }
      %scan3A_33 = arith.constant 8 : i32
      %mul3A_34 = arith.constant 25 : i32
      %mul3A_35 = arith.muli %arg1, %mul3A_34 : i32
      %add3A_36 = arith.addi %mul3A_35, %add3A_23 : i32
      "tpu.region"() ({
        %run_scoped3A = tpu.sem_alloc : memref<!tpu.dma_semaphore, #tpu.memory_space<semaphore_mem>>
        %dma_start3A = arith.constant 0 : i32
        %dma_start3A_37 = arith.constant 0 : i32
        %dma_start3A_38 = tpu.memref_slice %arg4[%arg0, %dma_start3A, %dma_start3A_37] : memref<2x400x128xf32, #tpu.memory_space<hbm>> -> memref<1x400x128xf32, #tpu.memory_space<hbm>>
        %dma_start3A_39 = tpu.memref_squeeze %dma_start3A_38 : memref<1x400x128xf32, #tpu.memory_space<hbm>> -> memref<400x128xf32, #tpu.memory_space<hbm>>
        %dma_start3A_40 = arith.constant 0 : i32
        %dma_start3A_41 = tpu.memref_slice %dma_start3A_39[%add3A_36, %dma_start3A_40] : memref<400x128xf32, #tpu.memory_space<hbm>> -> memref<1x128xf32, #tpu.memory_space<hbm>>
        %dma_start3A_42 = arith.constant 0 : i32
        %dma_start3A_43 = arith.constant 0 : i32
        %dma_start3A_44 = tpu.memref_slice %arg4[%arg0, %dma_start3A_42, %dma_start3A_43] : memref<2x400x128xf32, #tpu.memory_space<hbm>> -> memref<1x400x128xf32, #tpu.memory_space<hbm>>
        %dma_start3A_45 = tpu.memref_squeeze %dma_start3A_44 : memref<1x400x128xf32, #tpu.memory_space<hbm>> -> memref<400x128xf32, #tpu.memory_space<hbm>>
        %dma_start3A_46 = arith.constant 0 : i32
        %dma_start3A_47 = tpu.memref_slice %dma_start3A_45[%add3A_36, %dma_start3A_46] : memref<400x128xf32, #tpu.memory_space<hbm>> -> memref<1x128xf32, #tpu.memory_space<hbm>>
        tpu.enqueue_dma source(%arg10 : memref<1x128xf32, #tpu.memory_space<vmem>>) target(%dma_start3A_47 : memref<1x128xf32, #tpu.memory_space<hbm>>) target_semaphore(%run_scoped3A : memref<!tpu.dma_semaphore, #tpu.memory_space<semaphore_mem>>)
        %dma_wait3A = arith.constant 0 : i32
        %dma_wait3A_48 = arith.constant 0 : i32
        %dma_wait3A_49 = tpu.memref_slice %arg4[%arg0, %dma_wait3A, %dma_wait3A_48] : memref<2x400x128xf32, #tpu.memory_space<hbm>> -> memref<1x400x128xf32, #tpu.memory_space<hbm>>
        %dma_wait3A_50 = tpu.memref_squeeze %dma_wait3A_49 : memref<1x400x128xf32, #tpu.memory_space<hbm>> -> memref<400x128xf32, #tpu.memory_space<hbm>>
        %dma_wait3A_51 = arith.constant 0 : i32
        %dma_wait3A_52 = tpu.memref_slice %dma_wait3A_50[%add3A_36, %dma_wait3A_51] : memref<400x128xf32, #tpu.memory_space<hbm>> -> memref<1x128xf32, #tpu.memory_space<hbm>>
        %dma_wait3A_53 = arith.constant 0 : i32
        %dma_wait3A_54 = arith.constant 0 : i32
        %dma_wait3A_55 = tpu.memref_slice %arg4[%arg0, %dma_wait3A_53, %dma_wait3A_54] : memref<2x400x128xf32, #tpu.memory_space<hbm>> -> memref<1x400x128xf32, #tpu.memory_space<hbm>>
        %dma_wait3A_56 = tpu.memref_squeeze %dma_wait3A_55 : memref<1x400x128xf32, #tpu.memory_space<hbm>> -> memref<400x128xf32, #tpu.memory_space<hbm>>
        %dma_wait3A_57 = arith.constant 0 : i32
        %dma_wait3A_58 = tpu.memref_slice %dma_wait3A_56[%add3A_36, %dma_wait3A_57] : memref<400x128xf32, #tpu.memory_space<hbm>> -> memref<1x128xf32, #tpu.memory_space<hbm>>
        tpu.wait_dma2 semaphore(%run_scoped3A : memref<!tpu.dma_semaphore, #tpu.memory_space<semaphore_mem>>) src(%arg10 : memref<1x128xf32, #tpu.memory_space<vmem>>) dst(%dma_wait3A_58 : memref<1x128xf32, #tpu.memory_space<hbm>>)
        tpu.yield
      }) : () -> ()
    }
    %scan3A_20 = arith.constant 25 : i32
    return
  }
}

module attributes {stable_mosaic.version = 14 : i64} {
  func.func @body(%arg0: memref<2x16384x16xf32, #tpu.memory_space<vmem>>, %arg1: memref<1x16384xf32, #tpu.memory_space<vmem>>) attributes {dimension_semantics = [], scalar_prefetch = 0 : i64, scratch_operands = 0 : i64, tpu.core_type = #tpu.core_type<tc>} {
    %get3A = arith.constant 0 : index
    %get3A_0 = arith.constant 0 : index
    %get3A_1 = arith.constant 0 : index
    %get3A_2 = vector.load %arg0[%get3A, %get3A_0, %get3A_1] : memref<2x16384x16xf32, #tpu.memory_space<vmem>>, vector<2x16384x16xf32>
    %reduce_sum3A = arith.constant dense<0.000000e+00> : vector<16384xf32>
    %reduce_sum3A_3 = vector.multi_reduction <add>, %get3A_2, %reduce_sum3A [0, 2] : vector<2x16384x16xf32> to vector<16384xf32>
    %mul3A = arith.constant 2.000000e+00 : f32
    %mul3A_4 = vector.broadcast %mul3A : f32 to vector<16384xf32>
    %mul3A_5 = arith.mulf %mul3A_4, %reduce_sum3A_3 : vector<16384xf32>
    %logistic3A = arith.negf %mul3A_5 : vector<16384xf32>
    %logistic3A_6 = math.exp %logistic3A : vector<16384xf32>
    %logistic3A_7 = arith.constant 1.000000e+00 : f32
    %logistic3A_8 = vector.broadcast %logistic3A_7 : f32 to vector<16384xf32>
    %logistic3A_9 = arith.addf %logistic3A_8, %logistic3A_6 : vector<16384xf32>
    %logistic3A_10 = arith.divf %logistic3A_8, %logistic3A_9 : vector<16384xf32>
    %broadcast_in_dim3A = vector.shape_cast %logistic3A_10 : vector<16384xf32> to vector<1x16384xf32>
    %swap3A = arith.constant 0 : index
    %swap3A_11 = arith.constant 0 : index
    %swap3A_12 = vector.load %arg1[%swap3A, %swap3A_11] : memref<1x16384xf32, #tpu.memory_space<vmem>>, vector<1x16384xf32>
    tpu.vector_store %arg1[%swap3A, %swap3A_11], %broadcast_in_dim3A {strides = array<i32>} : memref<1x16384xf32, #tpu.memory_space<vmem>>, vector<1x16384xf32>,
    return
  }
}

</mosaic_0001>

<sc_bundles>
// kernel: kernel.5.cloned.1.call-start
scs
__scs_entry_jumppad:
0x0: {  	(pc) =	sbr.rel $0x88, $3  }
0x1: {  	(tag) =	ssettag $0x0;
	lr =	simm.s32 $0x1  }
0x2: {  	[smem:$0x3F97] =	sst lr;
	_ =	strace $0xD0000000  }
0x3: {  	_ = 	snop  }
0x4: {  	_ = 	snop  }
0x5: {  	_ = 	snop  }
0x6: {  	_ = 	snop  }
0x7: {  	_ = 	snop  }
__scs_overlays_trampoline_lowered:
0x8: {  	[smem:$0x3FA6] =	sst s0  }
0x9: {  	[smem:$0x3FA7] =	sst s1  }
0xa: {  	[smem:$0x3FA8] =	sst s2  }
0xb: {  	[smem:$0x3FA9] =	sst s3  }
0xc: {  	[smem:$0x3FAA] =	sst s4  }
0xd: {  	[smem:$0x3FAB] =	sst s5  }
0xe: {  	[smem:$0x3FAC] =	sst s6  }
0xf: {  	[smem:$0x3FAD] =	sst s7  }
0x10: {  	[smem:$0x3FAE] =	sst s8  }
0x11: {  	[smem:$0x3FAF] =	sst s9;
	s0 =	simm.s32 @!p0 $0x0  }
0x12: {  	s1 =	sld [smem:$0x3F95];
	s0 =	simm.s32 @p0 $0x1  }
0x13: {  	[smem:$0x3FB0] =	sst s0;
	s0 =	simm.s32 @!p1 $0x0  }
0x14: {  	s2 =	sld [smem:$0x3F94];
	s0 =	simm.s32 @p1 $0x1  }
0x15: {  	[smem:$0x3FB1] =	sst s0;
	s0 =	simm.s32 @!p2 $0x0  }
0x16: {  	s3 =	sld [smem:$0x3FDB];
	s0 =	simm.s32 @p2 $0x1  }
0x17: {  	s4 =	simm.s32 $0x1BF5;
	[smem:$0x3FB3] =	sst s0  }
0x18: {  	s0 =	sld [smem:$0x3F96];
	_ =	swait.ge [sflag:s4], $0x0  }
0x19: {  	s7 =	sld [smem:$0x3F97]  }
0x1a: {  	s8 =	sadd.s32 $0xFFFFE003, lr  }
0x1b: {  	s9 =	sadd.s32 $0xFFFFFEF7, lr;
	s5 =	simm.s32 $0xFFFFFFFF;
	p2 =	slt.u32 s8, $0xFFFFF086  }
0x1c: {  	p1 =	slt.u32 s9, $0xF7A;
	s5 =	simm.s32 @!p2 $0x0  }
0x1d: {  	s5 =	simm.s32 @p1 $0x1;
	p0 =	seq.s32 s7, s2  }
0x1e: {  	s7 =	smul.u32 @!p0 $0xF7A, s2;
	p2 =	seq.s32 @!p0 s5, $0x0  }
0x1f: {  	s9 =	smul.u32 $0xF7A, s1;
	s8 =	simm.s32 @!p0 $0x1BF5;
	p2 =	por !p2, p0  }
0x20: {  	[sflag:s8] =	ssyncset.s32 @!p0 $0xFFFFF086;
	s6 =	sadd.s32 @!p0 s3, s7;
	s7 =	simm.s32 @!p0 $0x108  }
0x21: {  	s3 =	sadd.s32 s3, s9;
	s6 =	sadd.s32 @!p0 $0x88, s6;
	s7 =	simm.s32 @p2 $0x1082  }
0x22: {  	[simem:s7], [sflag:s8] =	dma.local @!p0 [hbm:s6], $0xF7A  }
0x23: {  	s9 =	sor.u32 $0xD0000000, s2;
	s6 =	simm.s32 $0x108;
	_ =	swait.ge @!p0 [sflag:s8], $0x0  }
0x24: {  	s3 =	sadd.s32 $0x88, s3;
	s6 =	simm.s32 @!p1 $0x1082;
	[sflag:s4] =	ssyncset.s32 $0xFFFFF086  }
0x25: {  	[simem:s6], [sflag:s4] =	dma.local [hbm:s3], $0xF7A  }
0x26: {  	[smem:$0x3F97] =	sst s1;
	(tag) =	ssettag s2;
	_ =	strace s9  }
0x27: {  	s1 =	sld [smem:$0x3FA7]  }
0x28: {  	s2 =	sld [smem:$0x3FA8]  }
0x29: {  	s4 =	sld [smem:$0x3FAA]  }
0x2a: {  	p0 =	seq.s32 s5, $0x0;
	s5 =	sld [smem:$0x3FAB]  }
0x2b: {  	s6 =	sld [smem:$0x3FAC]  }
0x2c: {  	s7 =	sld [smem:$0x3FAD]  }
0x2d: {  	s3 =	simm.s32 $0x108;
	s8 =	sld [smem:$0x3FAE]  }
0x2e: {  	s3 =	simm.s32 @!p0 $0x1082;
	s9 =	sld [smem:$0x3FAF]  }
0x2f: {  	lr =	sadd.s32 s0, s3;
	s0 =	sld [smem:$0x3FA6]  }
0x30: {  	s3 =	sld [smem:$0x3FA9]  }
0x31: {  	[smem:$0x3FB2] =	sst s10  }
0x32: {  	s10 =	sld [smem:$0x3FB0];
	_ =	sdelay $0x3  }
0x33: {  	p0 =	seq.s32 s10, $0x1;
	s10 =	sld [smem:$0x3FB2];
	_ =	sdelay $0x3  }
0x34: {  	[smem:$0x3FB2] =	sst s10  }
0x35: {  	s10 =	sld [smem:$0x3FB1];
	_ =	sdelay $0x3  }
0x36: {  	p1 =	seq.s32 s10, $0x1;
	s10 =	sld [smem:$0x3FB2];
	_ =	sdelay $0x3  }
0x37: {  	[smem:$0x3FB2] =	sst s10  }
0x38: {  	s10 =	sld [smem:$0x3FB3]  }
0x39: {  	_ = 	snop;
	(pc) =	sbr.ind lr, $3  }
0x3a: {  	_ = 	snop  }
0x3b: {  	_ = 	snop  }
0x3c: {  	p2 =	seq.s32 s10, $0x1;
	s10 =	sld [smem:$0x3FB2]  }
0x3d: {  	_ =	shalt  }
0x3e: {  	_ =	shalt  }
0x3f: {  	_ =	shalt  }
0x40: {  	_ =	shalt  }
0x41: {  	_ =	shalt  }
0x42: {  	_ =	shalt  }
0x43: {  	_ =	shalt  }
0x44: {  	_ =	shalt  }
0x45: {  	_ =	shalt  }
0x46: {  	_ =	shalt  }
0x47: {  	_ =	shalt  }
0x48: {  	_ =	shalt  }
0x49: {  	_ =	shalt  }
0x4a: {  	_ =	shalt  }
0x4b: {  	_ =	shalt  }
0x4c: {  	_ =	shalt  }
0x4d: {  	_ =	shalt  }
0x4e: {  	_ =	shalt  }
0x4f: {  	_ =	shalt  }
0x50: {  	_ =	shalt  }
0x51: {  	_ =	shalt  }
0x52: {  	_ =	shalt  }
0x53: {  	_ =	shalt  }
0x54: {  	_ =	shalt  }
0x55: {  	_ =	shalt  }
0x56: {  	_ =	shalt  }
0x57: {  	_ =	shalt  }
0x58: {  	_ =	shalt  }
0x59: {  	_ =	shalt  }
0x5a: {  	_ =	shalt  }
0x5b: {  	_ =	shalt  }
0x5c: {  	_ =	shalt  }
0x5d: {  	_ =	shalt  }
0x5e: {  	_ =	shalt  }
0x5f: {  	_ =	shalt  }
0x60: {  	_ =	shalt  }
0x61: {  	_ =	shalt  }
0x62: {  	_ =	shalt  }
0x63: {  	_ =	shalt  }
0x64: {  	_ =	shalt  }
0x65: {  	_ =	shalt  }
0x66: {  	_ =	shalt  }
0x67: {  	_ =	shalt  }
0x68: {  	_ =	shalt  }
0x69: {  	_ =	shalt  }
0x6a: {  	_ =	shalt  }
0x6b: {  	_ =	shalt  }
0x6c: {  	_ =	shalt  }
0x6d: {  	_ =	shalt  }
0x6e: {  	_ =	shalt  }
0x6f: {  	_ =	shalt  }
0x70: {  	_ =	shalt  }
0x71: {  	_ =	shalt  }
0x72: {  	_ =	shalt  }
0x73: {  	_ =	shalt  }
0x74: {  	_ =	shalt  }
0x75: {  	_ =	shalt  }
0x76: {  	_ =	shalt  }
0x77: {  	_ =	shalt  }
0x78: {  	_ =	shalt  }
0x79: {  	_ =	shalt  }
0x7a: {  	_ =	shalt  }
0x7b: {  	_ =	shalt  }
0x7c: {  	_ =	shalt  }
0x7d: {  	_ =	shalt  }
0x7e: {  	_ =	shalt  }
0x7f: {  	_ =	shalt  }
0x80: {  	_ =	shalt  }
0x81: {  	_ =	shalt  }
0x82: {  	_ =	shalt  }
0x83: {  	_ =	shalt  }
0x84: {  	_ =	shalt  }
0x85: {  	_ =	shalt  }
0x86: {  	_ =	shalt  }
0x87: {  	_ =	shalt  }
.Lfunc_end0:
.L_simem_size_0:
called_computation_lowered:
.L_overlay_start_0:
0x88: {  	s2 =	sld [smem:$0x3FD9]  }
0x89: {  	s3 =	sld [smem:$0x3FFE];
	_ =	sdelay $0x1  }
0x8a: {  	s1 =	srdreg.scid  }
0x8b: {  	s0 =	sand.u32 $0x1, s1  }
0x8c: {  	s16 =	sshll.u32 s0, $0xA;
	s2 =	sadd.s32 s3, s2  }
0x8d: {  	s2 =	sadd.s32 s2, s16  }
0x8e: {  	[smem:$0x3FBE] =	sst s2  }
0x8f: {  	_ = 	snop  }
0x90: {  	(tm) =	ssettm $0x1  }
0x91: {  	s17 =	sld [smem:$0x3FFB];
	_ =	sdelay $0x3  }
0x92: {  	_ =	strace s17  }
0x93: {  	s2 =	sld [smem:$0x3FFC];
	_ =	sdelay $0x3  }
0x94: {  	_ =	strace s2  }
0x95: {  	s2 =	sld [smem:$0x3FFD];
	_ =	sdelay $0x3  }
0x96: {  	_ =	strace s2  }
0x97: {  	_ =	strace $0x8FFFFFFF  }
0x98: {  	s18 =	sld [smem:$0x3FDB];
	_ =	sdelay $0x1  }
0x99: {  	s19 =	simm.s32 $_scs_section_size  }
0x9a: {  	s4 =	simm.s32 $_size__tile_overlayer_lowered;
	s5 =	simm.s32 $_tile_overlayer_lowered  }
0x9b: {  	s22 =	simm.s32 $0x1BFF;
	s21 =	sshll.u32 s5, $0x1;
	s2 =	sadd.s32 s19, s18  }
0x9c: {  	s6 =	simm.s32 $0x0;
	s20 =	sshll.u32 s4, $0x1;
	s4 =	sadd.s32 s21, s2  }
0x9d: {  	[timem:s6], [sflag:s22] =	dma.local [hbm:s4], s20  }
0x9e: {  	_ =	swait.ge [sflag:s22], s20  }
0x9f: {  	s3 =	ssub.s32 $0x0, s20;
	[sflag:s22] =	ssyncset.done $0x0  }
0xa0: {  	[sflag:s22] =	ssyncadd.s32 s3;
	_ =	sdelay $0x1  }
0xa1: {  	s23 =	simm.s32 $0x1B8B  }
0xa2: {  	_ =	swait.ge [sflag:s23], $0x1  }
0xa3: {  	[sflag:s23] =	ssyncset.done $0x0  }
0xa4: {  	s25 =	simm.s32 $0x1B8E;
	s24 =	sld [smem:$0x3FFE];
	[sflag:s23] =	ssyncadd.s32 $0xFFFFFFFF  }
0xa5: {  	s26 =	simm.s32 $execute0_lowered;
	[smem:$0x3FD2] =	sst s25  }
0xa6: {  	s4 =	sshll.u32 s26, $0x1;
	_ =	strace $0x80000046;
	[dreg:$0x1] =	wrdreg $0xFFFFFFFF  }
0xa7: {  	s28 =	simm.s32 $_size_execute0_lowered;
	s2 =	sadd.s32 s2, s4;
	[dreg:$0x0] =	wrdreg $0x0  }
0xa8: {  	s4 =	sshll.u32 s28, $0x1;
	[dreg:$0x2] =	wrdreg s2  }
0xa9: {  	[dreg:$0x3] =	wrdreg s4  }
0xaa: {  	[dreg:$0x4] =	wrdreg $0xC0  }
0xab: {  	_ =	task [dreg:s6], $0x5FFFF  }
0xac: {  	[dreg:$0x1] =	wrdreg $0xFFFFFFFF  }
0xad: {  	[dreg:$0x0] =	wrdreg $0x60  }
0xae: {  	[dreg:$0x2] =	wrdreg s24  }
0xaf: {  	[dreg:$0x3] =	wrdreg $0x0  }
0xb0: {  	[dreg:$0x4] =	wrdreg $0x9  }
0xb1: {  	_ =	task.clear_ibuf [dreg:s6], $0x5FFFF;
	_ =	strace $0x90000046  }
0xb2: {  	s29 =	simm.s32 $0x9;
	_ =	strace $0x80000048  }
0xb3: {  	_ =	swait.ge [sflag:s29], $0x1  }
0xb4: {  	[sflag:s29] =	ssyncadd.s32 $0xFFFFFFFF  }
0xb5: {  	_ =	strace $0x90000048  }
0xb6: {  	_ =	sfence  }
0xb7: {  	s30 =	sld [smem:$0x0];
	_ =	sdelay $0x2  }
0xb8: {  	s31 =	sshll.u32 s1, $0xD;
	s1 =	sshrl.u32 s1, $0x2  }
0xb9: {  	s3 =	sand.u32 $0x4000, s31;
	s1 =	sadd.s32 s1, s30  }
0xba: {  	s0 =	sor.u32 s3, s0;
	s1 =	sshll.u32 s1, $0x11  }
0xbb: {  	s0 =	sor.u32 s1, s0  }
0xbc: {  	s0 =	sadd.s32 $0x8F2B, s0  }
0xbd: {  	[sflag:s0] =	ssyncadd.remote.s32 $0x1  }
0xbe: {  	_ =	sfence.sel $0xFFFF  }
0xbf: {  	[dreg:$0x0] =	wrdreg $0xFFFFFFFF;
	(pc) =	sbr.abs _section_cstart, $3  }
0xc0: {  	[dreg:$0x1] =	wrdreg $0xFFFFFFFF  }
0xc1: {  	_ =	task.clear_ibuf [dreg:s6], $0x2FFFF;
	_ =	strace $0x9FFFFFFF  }
0xc2: {  	(tm) =	ssettm $0x7FFFFFFF  }
0xc3: {  	_ =	shalt  }
tec
execute0_lowered:
.L_overlay_start_1:
0x0: {  	(tag) =	ssettag $0x1  }
0x1: {  	s4 =	rddreg [dreg:$0x0]  }
0x2: {  	s0 =	srdreg.scid;
	s1 =	rddreg [dreg:$0x1]  }
0x3: {  	s3 =	simm.s32 $0x0;
	s2 =	stileid.u32;
	s12 =	simm.s32 $0x1  }
0x4: {  	s13 =	simm.s32 $0xC800;
	s14 =	simm.s32 $0x80;
	s15 =	simm.s32 $0xD000  }
0x5: {  	s16 =	simm.s32 $0xD800;
	s5 =	sand.u32 $0x1, s0;
	s8 =	smul.u32 $0x32000, s2  }
0x6: {  	s17 =	simm.s32 $0xE000;
	s18 =	simm.s32 $0x0;
	s6 =	smul.u32 $0x19000, s5  }
0x7: {  	[smem:$0x7FF] =	sst s3;
	s7 =	smul.u32 $0x1900, s5;
	s5 =	ssub.s32 $0x2, s5  }
0x8: {  	s0 =	rddreg [dreg:$0x2];
	_ =	strace $0x80000047;
	s30 =	sshrl.u32 s5, $0x1  }
0x9: {  	s31 =	sshrl.u32 s8, $0x2;
	s8 =	smul.u32 $0x19, s2;
	s9 =	sadd.s32 s6, s4  }
0xa: {  	s10 =	sadd.s32 s7, s4;
	s11 =	ssub.s32 s5, s30;
	s4 =	sadd.s32 s31, s1  }
0xb: {  	v1 =	vlaneseq.u32;
	s6 =	smul.u32 $0xC800, s2;
	s5 =	sadd.s32 $0x98C00, s9;
	s7 =	sadd.s32 $0x34C00, s9  }
0xc: {  	v0 =	vimm.f32 $0.0e+00;
	v1 =	vmul.u32 $0x10, v1;
	s9 =	sadd.s32 $0xCAC00, s10;
	s10 =	smax.u32 s11, $0x1;
	s11 =	simm.s32 $0xE080  }
.LBB2_1:
0xd: {  	s19 =	simm.s32 $0x0  }
.LBB2_2:
0xe: {  	p0 =	sne.s32 s19, $0x1FC0  }
.Ltmp0:
0xf: {  	_ = 	snop;
	(pc) =	sbr.rel @p0 .LBB2_2-.Ltmp0, $3  }
0x10: {  	_ =	sdelay $0x1  }
0x11: {  	s20 =	sshra.s32 s19, $0x2  }
0x12: {  	s19 =	sadd.s32 $0x40, s19;
	[tilespmem:s20+$0xE080] =	vst v0  }
0x13: {  	s19 =	sadd.s32 $0x0, s4  }
0x14: {  	[spmem:s19] =	stream.linear.scatter [tilespmem:s11], [sflag:$0x1], $0x800, $0x38;
	[tilespmem:$0xE880] =	vst v63  }
0x15: {  	s19 =	simm.s32 $0x2000;
	_ =	swait.ge [sflag:s12], $0x800  }
.LBB2_4:
0x16: {  	s20 =	sshra.s32 s19, $0x2;
	[sflag:s12] =	ssyncset.done $0x0;
	p0 =	sne.s32 s19, $0x30000  }
.Ltmp1:
0x17: {  	s20 =	sadd.s32 s20, s4;
	[sflag:s12] =	ssyncadd.s32 $0xFFFFF800;
	(pc) =	sbr.rel @p0 .LBB2_4-.Ltmp1, $3  }
0x18: {  	[spmem:s20] =	stream.linear.scatter [tilespmem:s11], [sflag:$0x1], $0x800, $0x38;
	[tilespmem:$0xE880] =	vst v63  }
0x19: {  	s19 =	sadd.s32 $0x2000, s19;
	_ =	sdelay $0x1  }
0x1a: {  	_ =	swait.ge [sflag:s12], $0x800  }
0x1b: {  	[sflag:s12] =	ssyncset.done $0x0  }
0x1c: {  	[sflag:s12] =	ssyncadd.s32 $0xFFFFF800  }
0x1d: {  	s19 =	simm.s32 $0x0;
	s20 =	simm.s32 $0x0;
	[bflag:$0x0] =	sbarrier.arrive $0xFFFF  }
.LBB2_6:
0x1e: {  	s21 =	sshll.u32 s20, $0xA  }
0x1f: {  	s21 =	sadd.s32 s6, s21  }
0x20: {  	s21 =	sshrl.u32 s21, $0x3  }
0x21: {  	s22 =	sadd.s32 s21, s5  }
0x22: {  	[tilespmem:s13], [sflag:$0x1] =	stream.linear.gather [hbm4b:s22+s19], $0x400, $0x38;
	[tilespmem:$0xE880] =	vst v63  }
0x23: {  	_ =	swait.ge [sflag:s12], $0x400  }
0x24: {  	[sflag:s12] =	ssyncset.done $0x0  }
0x25: {  	s31 =	sadd.s32 s21, s7;
	s21 =	simm.s32 $0xCC00;
	[sflag:s12] =	ssyncadd.s32 $0xFFFFFC00  }
0x26: {  	[tilespmem:s21], [sflag:$0x1] =	stream.linear.gather [hbm4b:s31+s19], $0x400, $0x38;
	[tilespmem:$0xE880] =	vst v63  }
0x27: {  	_ =	swait.ge [sflag:s12], $0x400  }
0x28: {  	[sflag:s12] =	ssyncset.done $0x0  }
0x29: {  	s22 =	simm.s32 $0x0;
	[sflag:s12] =	ssyncadd.s32 $0xFFFFFC00  }
.LBB2_7:
0x2a: {  	v2 =	vmov s21;
	_ =	sdelay $0x3  }
0x2b: {  	s23 =	simm.s32 $0x0  }
0x2c: {  	v3 =	vld.idx.msk [tilespmem:v2+s23+$0x0 ss:$0x1], $0xffff;
	_ =	sdelay $0x4  }
0x2d: {  	v4 =	vbroadcast v3, $0x0  }
0x2e: {  	s23 =	simm.s32 $0xD080;
	v5 =	vbroadcast v3, $0x1  }
0x2f: {  	v6 =	vbroadcast v3, $0x2;
	[tilespmem:s23+$0xFFFFFF80] =	vst v4  }
0x30: {  	v52 =	vbroadcast v3, $0x3;
	[tilespmem:s23+$0xFFFFFF90] =	vst v5  }
0x31: {  	v53 =	vbroadcast v3, $0x4;
	[tilespmem:s23+$0xFFFFFFA0] =	vst v6  }
0x32: {  	v54 =	vbroadcast v3, $0x5;
	[tilespmem:s23+$0xFFFFFFB0] =	vst v52  }
0x33: {  	v55 =	vbroadcast v3, $0x6;
	[tilespmem:s23+$0xFFFFFFC0] =	vst v53  }
0x34: {  	v56 =	vbroadcast v3, $0x7;
	[tilespmem:s23+$0xFFFFFFD0] =	vst v54  }
0x35: {  	v57 =	vbroadcast v3, $0x8;
	[tilespmem:s23+$0xFFFFFFE0] =	vst v55  }
0x36: {  	v58 =	vbroadcast v3, $0x9;
	[tilespmem:s23+$0xFFFFFFF0] =	vst v56  }
0x37: {  	v59 =	vbroadcast v3, $0xA;
	[tilespmem:s23+$0x0] =	vst v57  }
0x38: {  	v60 =	vbroadcast v3, $0xB;
	[tilespmem:s23+$0x10] =	vst v58  }
0x39: {  	v61 =	vbroadcast v3, $0xC;
	[tilespmem:s23+$0x20] =	vst v59  }
0x3a: {  	v62 =	vbroadcast v3, $0xD;
	[tilespmem:s23+$0x30] =	vst v60  }
0x3b: {  	v63 =	vbroadcast v3, $0xE;
	[tilespmem:s23+$0x40] =	vst v61  }
0x3c: {  	v3 =	vbroadcast v3, $0xF;
	[tilespmem:s23+$0x50] =	vst v62  }
0x3d: {  	[tilespmem:s23+$0x60] =	vst v63  }
0x3e: {  	s24 =	sshll.u32 s22, $0x9;
	s26 =	simm.s32 $0x10;
	s25 =	simm.s32 $0x80;
	[tilespmem:s23+$0x70] =	vst v3  }
.LBB2_8:
0x3f: {  	p0 =	sne.s32 s25, $0x1C0;
	v3 =	vld.idx.msk [tilespmem:v2+s26+$0x0 ss:$0x1], $0xffff;
	_ =	sdelay $0x5  }
0x40: {  	v4 =	vbroadcast v3, $0x0;
	v5 =	vbroadcast v3, $0x1  }
0x41: {  	s23 =	sadd.s32 $0x100, s23;
	v6 =	vbroadcast v3, $0x2;
	v7 =	vbroadcast v3, $0x3  }
0x42: {  	v8 =	vbroadcast v3, $0x5;
	[tilespmem:s23+$0xFFFFFF80] =	vst v4;
	v4 =	vbroadcast v3, $0x4  }
0x43: {  	v9 =	vbroadcast v3, $0x7;
	[tilespmem:s23+$0xFFFFFF90] =	vst v5;
	v5 =	vbroadcast v3, $0x6  }
0x44: {  	v10 =	vbroadcast v3, $0x9;
	[tilespmem:s23+$0xFFFFFFA0] =	vst v6;
	v6 =	vbroadcast v3, $0x8  }
0x45: {  	v11 =	vbroadcast v3, $0xB;
	[tilespmem:s23+$0xFFFFFFB0] =	vst v7;
	v7 =	vbroadcast v3, $0xA  }
0x46: {  	v12 =	vbroadcast v3, $0xD;
	[tilespmem:s23+$0xFFFFFFC0] =	vst v4;
	v4 =	vbroadcast v3, $0xC  }
0x47: {  	[tilespmem:s23+$0xFFFFFFD0] =	vst v8;
	v8 =	vbroadcast v3, $0xE;
	v3 =	vbroadcast v3, $0xF  }
0x48: {  	[tilespmem:s23+$0xFFFFFFE0] =	vst v5  }
0x49: {  	[tilespmem:s23+$0xFFFFFFF0] =	vst v9  }
0x4a: {  	[tilespmem:s23+$0x0] =	vst v6  }
0x4b: {  	[tilespmem:s23+$0x10] =	vst v10  }
0x4c: {  	[tilespmem:s23+$0x20] =	vst v7  }
.Ltmp2:
0x4d: {  	[tilespmem:s23+$0x30] =	vst v11;
	(pc) =	sbr.rel @p0 .LBB2_8-.Ltmp2, $4  }
0x4e: {  	[tilespmem:s23+$0x40] =	vst v4  }
0x4f: {  	[tilespmem:s23+$0x50] =	vst v12  }
0x50: {  	[tilespmem:s23+$0x60] =	vst v8  }
0x51: {  	s26 =	sshra.s32 s25, $0x2;
	s25 =	sadd.s32 $0x40, s25;
	[tilespmem:s23+$0x70] =	vst v3  }
0x52: {  	_ =	sdelay $0x3  }
0x53: {  	v2 =	vld.idx.msk [tilespmem:v2+s26+$0x0 ss:$0x1], $0xffff;
	_ =	sdelay $0x4  }
0x54: {  	v3 =	vbroadcast v2, $0x0  }
0x55: {  	s23 =	sadd.s32 $0x100, s23;
	v4 =	vbroadcast v2, $0x1  }
0x56: {  	v5 =	vbroadcast v2, $0x2;
	[tilespmem:s23+$0xFFFFFF80] =	vst v3  }
0x57: {  	v56 =	vbroadcast v2, $0x4;
	[tilespmem:s23+$0xFFFFFF90] =	vst v4  }
0x58: {  	v57 =	vbroadcast v2, $0x5;
	[tilespmem:s23+$0xFFFFFFA0] =	vst v5  }
0x59: {  	v58 =	vbroadcast v2, $0x7;
	[tilespmem:s23+$0xFFFFFFC0] =	vst v56  }
0x5a: {  	v59 =	vbroadcast v2, $0x8;
	[tilespmem:s23+$0xFFFFFFD0] =	vst v57  }
0x5b: {  	v60 =	vbroadcast v2, $0xA;
	[tilespmem:s23+$0xFFFFFFF0] =	vst v58  }
0x5c: {  	v3 =	vbroadcast v2, $0x3;
	[tilespmem:s23+$0x0] =	vst v59  }
0x5d: {  	v61 =	vbroadcast v2, $0xB;
	[tilespmem:s23+$0x20] =	vst v60  }
0x5e: {  	[tilespmem:s23+$0xFFFFFFB0] =	vst v3;
	v3 =	vbroadcast v2, $0x6  }
0x5f: {  	v62 =	vbroadcast v2, $0xD;
	[tilespmem:s23+$0x30] =	vst v61  }
0x60: {  	[tilespmem:s23+$0xFFFFFFE0] =	vst v3;
	v3 =	vbroadcast v2, $0x9  }
0x61: {  	v63 =	vbroadcast v2, $0xE;
	[tilespmem:s23+$0x50] =	vst v62  }
0x62: {  	[tilespmem:s23+$0x10] =	vst v3;
	v3 =	vbroadcast v2, $0xC  }
0x63: {  	s22 =	sadd.s32 $0x1, s22;
	[tilespmem:s23+$0x60] =	vst v63;
	v2 =	vbroadcast v2, $0xF  }
0x64: {  	s24 =	sshrl.u32 s24, $0x2;
	p0 =	sne.s32 s22, $0x8;
	[tilespmem:s23+$0x40] =	vst v3  }
.Ltmp3:
0x65: {  	s31 =	sadd.s32 $0xC800, s24;
	[tilespmem:s23+$0x70] =	vst v2;
	(pc) =	sbr.rel @p0 .LBB2_7-.Ltmp3, $4  }
0x66: {  	[spmem:s1] =	stream.indirect.scatter.add.f32 [tilespmem:s15], [sflag:$0x1], $0x10, s31, s14, $0xb8;
	[tilespmem:$0xE880] =	vst v63  }
0x67: {  	_ =	swait.ge [sflag:s12], $0x800  }
0x68: {  	[sflag:s12] =	ssyncset.done $0x0  }
0x69: {  	s21 =	sadd.s32 $0x80, s21;
	[sflag:s12] =	ssyncadd.s32 $0xFFFFF800  }
0x6a: {  	s20 =	sadd.s32 $0x1, s20  }
0x6b: {  	p0 =	sne.s32 s20, $0x32  }
.Ltmp4:
0x6c: {  	_ = 	snop;
	(pc) =	sbr.rel @p0 .LBB2_6-.Ltmp4, $1  }
0x6d: {  	_ =	sdelay $0x3  }
0x6e: {  	[bflag:$0x0] =	sbarrier.arrive $0xFFFF;
	s19 =	simm.s32 $0x0;
	s20 =	simm.s32 $0x0  }
.LBB2_12:
0x6f: {  	s21 =	sshll.u32 s20, $0xB;
	v2 =	vmov s19  }
0x70: {  	s21 =	sand.u32 $0x3FFFF800, s21;
	v2 =	vshll.u32 v2, $0x4  }
0x71: {  	s21 =	sadd.s32 s21, s4;
	v2 =	vor.u32 v1, v2  }
0x72: {  	[tilespmem:s16], [sflag:$0x1] =	stream.linear.gather [spmem:s21], $0x800, $0x38;
	[tilespmem:$0xE880] =	vst v63  }
0x73: {  	_ =	swait.ge [sflag:s12], $0x800  }
0x74: {  	[sflag:s12] =	ssyncset.done $0x0  }
0x75: {  	[sflag:s12] =	ssyncadd.s32 $0xFFFFF800  }
0x76: {  	v2 =	vld.idx.msk [tilespmem:v2+s16+$0x0], $0xffff;
	_ =	sdelay $0x4  }
0x77: {  	v2 =	vadd.f32 $9.999999930e-09, v2;
	_ =	sdelay $0x1  }
0x78: {  	(erf) = vrcp.f32 v2;
	_ =	sdelay $0x2  }
0x79: {  	s31 =	simm.s32 $0x10  }
0x7a: {  	v2 =	vmov s31  }
0x7b: {  	v2 =	vshll.u32 v2, $0x4  }
0x7c: {  	v2 =	vor.u32 v1, v2;
	_ =	sdelay $0x2  }
0x7d: {  	s21 =	simm.s32 $0xE000;
	v3 =	vpop (erf)  }
0x7e: {  	[tilespmem:s21+$0x0] =	vst v3  }
0x7f: {  	v2 =	vld.idx.msk [tilespmem:v2+s16+$0x0], $0xffff;
	_ =	sdelay $0x4  }
0x80: {  	v2 =	vadd.f32 $9.999999930e-09, v2;
	_ =	sdelay $0x1  }
0x81: {  	(erf) = vrcp.f32 v2;
	_ =	sdelay $0x2  }
0x82: {  	s22 =	simm.s32 $0x20  }
0x83: {  	v2 =	vmov s22;
	s22 =	simm.s32 $0x30  }
.LBB2_13:
0x84: {  	p0 =	sne.s32 s22, $0x70;
	v2 =	vshll.u32 v2, $0x4  }
0x85: {  	v2 =	vor.u32 v1, v2;
	_ =	sdelay $0x2  }
0x86: {  	s21 =	sadd.s32 $0x10, s21;
	v3 =	vpop (erf)  }
0x87: {  	[tilespmem:s21+$0x0] =	vst v3  }
0x88: {  	v2 =	vld.idx.msk [tilespmem:v2+s16+$0x0], $0xffff;
	_ =	sdelay $0x5  }
0x89: {  	v2 =	vadd.f32 $9.999999930e-09, v2;
	_ =	sdelay $0x1  }
.Ltmp5:
0x8a: {  	(erf) = vrcp.f32 v2;
	(pc) =	sbr.rel @p0 .LBB2_13-.Ltmp5, $2  }
0x8b: {  	_ =	sdelay $0x2  }
0x8c: {  	v2 =	vmov s22;
	s22 =	sadd.s32 $0x10, s22  }
0x8d: {  	v2 =	vshll.u32 v2, $0x4  }
0x8e: {  	v2 =	vor.u32 v1, v2;
	_ =	sdelay $0x2  }
0x8f: {  	s21 =	sadd.s32 $0x10, s21;
	v3 =	vpop (erf)  }
0x90: {  	[tilespmem:s21+$0x0] =	vst v3  }
0x91: {  	v2 =	vld.idx.msk [tilespmem:v2+s16+$0x0], $0xffff;
	_ =	sdelay $0x4  }
0x92: {  	v2 =	vadd.f32 $9.999999930e-09, v2;
	_ =	sdelay $0x1  }
0x93: {  	(erf) = vrcp.f32 v2;
	_ =	sdelay $0x7  }
0x94: {  	s22 =	sadd.s32 s8, s20;
	s20 =	sadd.s32 $0x1, s20  }
0x95: {  	s22 =	sshll.u32 s22, $0x4;
	p0 =	sne.s32 s20, $0x19;
	s21 =	sadd.s32 $0x10, s21;
	v2 =	vpop (erf)  }
.Ltmp6:
0x96: {  	s31 =	sadd.s32 s22, s9;
	[tilespmem:s21+$0x0] =	vst v2;
	(pc) =	sbr.rel @p0 .LBB2_12-.Ltmp6, $4  }
0x97: {  	[hbm4b:s31+s3] =	stream.linear.scatter [tilespmem:s17], [sflag:$0x1], $0x80, $0x38;
	[tilespmem:$0xE880] =	vst v63  }
0x98: {  	_ =	swait.ge [sflag:s12], $0x80  }
0x99: {  	[sflag:s12] =	ssyncset.done $0x0  }
0x9a: {  	[sflag:s12] =	ssyncadd.s32 $0xFFFFFF80  }
0x9b: {  	s18 =	sadd.s32 $0x1, s18  }
0x9c: {  	p0 =	sne.s32 s18, s10  }
.Ltmp7:
0x9d: {  	_ = 	snop;
	(pc) =	sbr.rel @p0 .LBB2_1-.Ltmp7, $1  }
0x9e: {  	_ =	sdelay $0x3  }
0x9f: {  	_ =	sfence.sel $0x180000  }
0xa0: {  	[bflag:$0x0] =	sbarrier.arrive $0xFFFF  }
0xa1: {  	p0 =	sne.s32 s2, $0x0;
	_ =	strace $0x90000047  }
0xa2: {  	s0 =	sadd.s32 @!p0 $0x100000, s0;
	[bflag:$0x2] =	sbarrier.arrive $0xFFFF  }
0xa3: {  	[sflag:s0] =	ssyncadd.tile.s32 @!p0 $0x1;
	_ =	shalt  }
.Lfunc_end2:
_tile_overlayer_lowered:
.L_overlay_start_2:
0xa4: {  	(tag) =	ssettag $0x2  }
0xa5: {  	s0 =	rddreg [dreg:$0x0];
	s2 =	stileid.u32  }
0xa6: {  	s1 =	rddreg [dreg:$0x1];
	p0 =	sne.s32 s2, $0x0  }
0xa7: {  	s3 =	rddreg [dreg:$0x2];
	[bflag:$0x3] =	sbarrier.arrive $0xFFFF;
	s2 =	simm.s32 @!p0 $0x1C01  }
0xa8: {  	[timem:s3], [sflag:s2] =	dma.local @!p0 [hbm:s0], s1  }
0xa9: {  	s0 =	simm.s32 @!p0 $0x1  }
0xaa: {  	_ =	swait.ge @!p0 [sflag:s0], s1  }
0xab: {  	s1 =	ssub.s32 @!p0 $0x0, s1;
	[sflag:s0] =	ssyncset.done @!p0 $0x0  }
0xac: {  	[sflag:s0] =	ssyncadd.s32 @!p0 s1  }
0xad: {  	[bflag:$0x3] =	sbarrier.arrive $0xFFFF  }
0xae: {  	_ =	shalt  }

// kernel: kernel.8.cloned.1.call-start
scs
__scs_entry_jumppad:
0x0: {  	(pc) =	sbr.rel $0x88, $3  }
0x1: {  	(tag) =	ssettag $0x0;
	lr =	simm.s32 $0x1  }
0x2: {  	[smem:$0x3F97] =	sst lr;
	_ =	strace $0xD0000000  }
0x3: {  	_ = 	snop  }
0x4: {  	_ = 	snop  }
0x5: {  	_ = 	snop  }
0x6: {  	_ = 	snop  }
0x7: {  	_ = 	snop  }
__scs_overlays_trampoline_lowered:
0x8: {  	[smem:$0x3FA6] =	sst s0  }
0x9: {  	[smem:$0x3FA7] =	sst s1  }
0xa: {  	[smem:$0x3FA8] =	sst s2  }
0xb: {  	[smem:$0x3FA9] =	sst s3  }
0xc: {  	[smem:$0x3FAA] =	sst s4  }
0xd: {  	[smem:$0x3FAB] =	sst s5  }
0xe: {  	[smem:$0x3FAC] =	sst s6  }
0xf: {  	[smem:$0x3FAD] =	sst s7  }
0x10: {  	[smem:$0x3FAE] =	sst s8  }
0x11: {  	[smem:$0x3FAF] =	sst s9;
	s0 =	simm.s32 @!p0 $0x0  }
0x12: {  	s1 =	sld [smem:$0x3F95];
	s0 =	simm.s32 @p0 $0x1  }
0x13: {  	[smem:$0x3FB0] =	sst s0;
	s0 =	simm.s32 @!p1 $0x0  }
0x14: {  	s2 =	sld [smem:$0x3F94];
	s0 =	simm.s32 @p1 $0x1  }
0x15: {  	[smem:$0x3FB1] =	sst s0;
	s0 =	simm.s32 @!p2 $0x0  }
0x16: {  	s3 =	sld [smem:$0x3FDB];
	s0 =	simm.s32 @p2 $0x1  }
0x17: {  	s4 =	simm.s32 $0x1BF5;
	[smem:$0x3FB3] =	sst s0  }
0x18: {  	s0 =	sld [smem:$0x3F96];
	_ =	swait.ge [sflag:s4], $0x0  }
0x19: {  	s7 =	sld [smem:$0x3F97]  }
0x1a: {  	s8 =	sadd.s32 $0xFFFFE003, lr  }
0x1b: {  	s9 =	sadd.s32 $0xFFFFFEF7, lr;
	s5 =	simm.s32 $0xFFFFFFFF;
	p2 =	slt.u32 s8, $0xFFFFF086  }
0x1c: {  	p1 =	slt.u32 s9, $0xF7A;
	s5 =	simm.s32 @!p2 $0x0  }
0x1d: {  	s5 =	simm.s32 @p1 $0x1;
	p0 =	seq.s32 s7, s2  }
0x1e: {  	s7 =	smul.u32 @!p0 $0xF7A, s2;
	p2 =	seq.s32 @!p0 s5, $0x0  }
0x1f: {  	s9 =	smul.u32 $0xF7A, s1;
	s8 =	simm.s32 @!p0 $0x1BF5;
	p2 =	por !p2, p0  }
0x20: {  	[sflag:s8] =	ssyncset.s32 @!p0 $0xFFFFF086;
	s6 =	sadd.s32 @!p0 s3, s7;
	s7 =	simm.s32 @!p0 $0x108  }
0x21: {  	s3 =	sadd.s32 s3, s9;
	s6 =	sadd.s32 @!p0 $0x88, s6;
	s7 =	simm.s32 @p2 $0x1082  }
0x22: {  	[simem:s7], [sflag:s8] =	dma.local @!p0 [hbm:s6], $0xF7A  }
0x23: {  	s9 =	sor.u32 $0xD0000000, s2;
	s6 =	simm.s32 $0x108;
	_ =	swait.ge @!p0 [sflag:s8], $0x0  }
0x24: {  	s3 =	sadd.s32 $0x88, s3;
	s6 =	simm.s32 @!p1 $0x1082;
	[sflag:s4] =	ssyncset.s32 $0xFFFFF086  }
0x25: {  	[simem:s6], [sflag:s4] =	dma.local [hbm:s3], $0xF7A  }
0x26: {  	[smem:$0x3F97] =	sst s1;
	(tag) =	ssettag s2;
	_ =	strace s9  }
0x27: {  	s1 =	sld [smem:$0x3FA7]  }
0x28: {  	s2 =	sld [smem:$0x3FA8]  }
0x29: {  	s4 =	sld [smem:$0x3FAA]  }
0x2a: {  	p0 =	seq.s32 s5, $0x0;
	s5 =	sld [smem:$0x3FAB]  }
0x2b: {  	s6 =	sld [smem:$0x3FAC]  }
0x2c: {  	s7 =	sld [smem:$0x3FAD]  }
0x2d: {  	s3 =	simm.s32 $0x108;
	s8 =	sld [smem:$0x3FAE]  }
0x2e: {  	s3 =	simm.s32 @!p0 $0x1082;
	s9 =	sld [smem:$0x3FAF]  }
0x2f: {  	lr =	sadd.s32 s0, s3;
	s0 =	sld [smem:$0x3FA6]  }
0x30: {  	s3 =	sld [smem:$0x3FA9]  }
0x31: {  	[smem:$0x3FB2] =	sst s10  }
0x32: {  	s10 =	sld [smem:$0x3FB0];
	_ =	sdelay $0x3  }
0x33: {  	p0 =	seq.s32 s10, $0x1;
	s10 =	sld [smem:$0x3FB2];
	_ =	sdelay $0x3  }
0x34: {  	[smem:$0x3FB2] =	sst s10  }
0x35: {  	s10 =	sld [smem:$0x3FB1];
	_ =	sdelay $0x3  }
0x36: {  	p1 =	seq.s32 s10, $0x1;
	s10 =	sld [smem:$0x3FB2];
	_ =	sdelay $0x3  }
0x37: {  	[smem:$0x3FB2] =	sst s10  }
0x38: {  	s10 =	sld [smem:$0x3FB3]  }
0x39: {  	_ = 	snop;
	(pc) =	sbr.ind lr, $3  }
0x3a: {  	_ = 	snop  }
0x3b: {  	_ = 	snop  }
0x3c: {  	p2 =	seq.s32 s10, $0x1;
	s10 =	sld [smem:$0x3FB2]  }
0x3d: {  	_ =	shalt  }
0x3e: {  	_ =	shalt  }
0x3f: {  	_ =	shalt  }
0x40: {  	_ =	shalt  }
0x41: {  	_ =	shalt  }
0x42: {  	_ =	shalt  }
0x43: {  	_ =	shalt  }
0x44: {  	_ =	shalt  }
0x45: {  	_ =	shalt  }
0x46: {  	_ =	shalt  }
0x47: {  	_ =	shalt  }
0x48: {  	_ =	shalt  }
0x49: {  	_ =	shalt  }
0x4a: {  	_ =	shalt  }
0x4b: {  	_ =	shalt  }
0x4c: {  	_ =	shalt  }
0x4d: {  	_ =	shalt  }
0x4e: {  	_ =	shalt  }
0x4f: {  	_ =	shalt  }
0x50: {  	_ =	shalt  }
0x51: {  	_ =	shalt  }
0x52: {  	_ =	shalt  }
0x53: {  	_ =	shalt  }
0x54: {  	_ =	shalt  }
0x55: {  	_ =	shalt  }
0x56: {  	_ =	shalt  }
0x57: {  	_ =	shalt  }
0x58: {  	_ =	shalt  }
0x59: {  	_ =	shalt  }
0x5a: {  	_ =	shalt  }
0x5b: {  	_ =	shalt  }
0x5c: {  	_ =	shalt  }
0x5d: {  	_ =	shalt  }
0x5e: {  	_ =	shalt  }
0x5f: {  	_ =	shalt  }
0x60: {  	_ =	shalt  }
0x61: {  	_ =	shalt  }
0x62: {  	_ =	shalt  }
0x63: {  	_ =	shalt  }
0x64: {  	_ =	shalt  }
0x65: {  	_ =	shalt  }
0x66: {  	_ =	shalt  }
0x67: {  	_ =	shalt  }
0x68: {  	_ =	shalt  }
0x69: {  	_ =	shalt  }
0x6a: {  	_ =	shalt  }
0x6b: {  	_ =	shalt  }
0x6c: {  	_ =	shalt  }
0x6d: {  	_ =	shalt  }
0x6e: {  	_ =	shalt  }
0x6f: {  	_ =	shalt  }
0x70: {  	_ =	shalt  }
0x71: {  	_ =	shalt  }
0x72: {  	_ =	shalt  }
0x73: {  	_ =	shalt  }
0x74: {  	_ =	shalt  }
0x75: {  	_ =	shalt  }
0x76: {  	_ =	shalt  }
0x77: {  	_ =	shalt  }
0x78: {  	_ =	shalt  }
0x79: {  	_ =	shalt  }
0x7a: {  	_ =	shalt  }
0x7b: {  	_ =	shalt  }
0x7c: {  	_ =	shalt  }
0x7d: {  	_ =	shalt  }
0x7e: {  	_ =	shalt  }
0x7f: {  	_ =	shalt  }
0x80: {  	_ =	shalt  }
0x81: {  	_ =	shalt  }
0x82: {  	_ =	shalt  }
0x83: {  	_ =	shalt  }
0x84: {  	_ =	shalt  }
0x85: {  	_ =	shalt  }
0x86: {  	_ =	shalt  }
0x87: {  	_ =	shalt  }
.Lfunc_end0:
.L_simem_size_0:
called_computation.1_lowered:
.L_overlay_start_0:
0x88: {  	s2 =	sld [smem:$0x3FD9]  }
0x89: {  	s3 =	sld [smem:$0x3FFE];
	_ =	sdelay $0x1  }
0x8a: {  	s1 =	srdreg.scid  }
0x8b: {  	s0 =	sand.u32 $0x1, s1  }
0x8c: {  	s17 =	sshll.u32 s0, $0xA;
	s2 =	sadd.s32 s3, s2  }
0x8d: {  	s2 =	sadd.s32 s2, s17  }
0x8e: {  	[smem:$0x3FBE] =	sst s2  }
0x8f: {  	_ = 	snop  }
0x90: {  	s2 =	sld [smem:$0x3FC9]  }
0x91: {  	s18 =	sld [smem:$0x3FC8];
	(tm) =	ssettm $0x1  }
0x92: {  	s4 =	sld [smem:$0x3FFB];
	_ =	sdelay $0x3  }
0x93: {  	_ =	strace s4  }
0x94: {  	s4 =	sld [smem:$0x3FFC];
	_ =	sdelay $0x3  }
0x95: {  	_ =	strace s4  }
0x96: {  	s4 =	sld [smem:$0x3FFD];
	_ =	sdelay $0x3  }
0x97: {  	_ =	strace s4  }
0x98: {  	_ =	strace $0x8FFFFFFF  }
0x99: {  	s19 =	sld [smem:$0x3FDB];
	_ =	sdelay $0x1  }
0x9a: {  	s5 =	simm.s32 $_scs_section_size  }
0x9b: {  	s6 =	simm.s32 $_size__tile_overlayer_lowered;
	s7 =	simm.s32 $_tile_overlayer_lowered  }
0x9c: {  	s22 =	simm.s32 $0x1BFF;
	s21 =	sshll.u32 s7, $0x1;
	s4 =	sadd.s32 s5, s19  }
0x9d: {  	s8 =	simm.s32 $0x0;
	s20 =	sshll.u32 s6, $0x1;
	s6 =	sadd.s32 s21, s4  }
0x9e: {  	[timem:s8], [sflag:s22] =	dma.local [hbm:s6], s20  }
0x9f: {  	_ =	swait.ge [sflag:s22], s20  }
0xa0: {  	s5 =	ssub.s32 $0x0, s20;
	[sflag:s22] =	ssyncset.done $0x0  }
0xa1: {  	[sflag:s22] =	ssyncadd.s32 s5;
	_ =	sdelay $0x1  }
0xa2: {  	s23 =	simm.s32 $0x1B8B  }
0xa3: {  	_ =	swait.ge [sflag:s23], $0x1  }
0xa4: {  	[sflag:s23] =	ssyncset.done $0x0  }
0xa5: {  	s25 =	simm.s32 $0x1B8E;
	s24 =	sld [smem:$0x3FFE];
	[sflag:s23] =	ssyncadd.s32 $0xFFFFFFFF  }
0xa6: {  	s26 =	simm.s32 $execute0_lowered;
	[smem:$0x3FD2] =	sst s25  }
0xa7: {  	s6 =	sshll.u32 s26, $0x1;
	_ =	strace $0x80000049;
	[dreg:$0x1] =	wrdreg $0xFFFFFFFF  }
0xa8: {  	s28 =	simm.s32 $_size_execute0_lowered;
	s4 =	sadd.s32 s4, s6;
	[dreg:$0x0] =	wrdreg $0x0  }
0xa9: {  	s6 =	sshll.u32 s28, $0x1;
	[dreg:$0x2] =	wrdreg s4  }
0xaa: {  	[dreg:$0x3] =	wrdreg s6  }
0xab: {  	[dreg:$0x4] =	wrdreg $0xC0  }
0xac: {  	_ =	task [dreg:s8], $0x5FFFF  }
0xad: {  	[dreg:$0x1] =	wrdreg $0xFFFFFFFF  }
0xae: {  	[dreg:$0x0] =	wrdreg $0x60  }
0xaf: {  	[dreg:$0x2] =	wrdreg s24  }
0xb0: {  	[dreg:$0x3] =	wrdreg s2  }
0xb1: {  	[dreg:$0x4] =	wrdreg s18  }
0xb2: {  	[dreg:$0x5] =	wrdreg $0x0  }
0xb3: {  	[dreg:$0x6] =	wrdreg $0x9  }
0xb4: {  	_ =	task.clear_ibuf [dreg:s8], $0x7FFFF;
	_ =	strace $0x90000049  }
0xb5: {  	s29 =	simm.s32 $0x9;
	_ =	strace $0x8000004B  }
0xb6: {  	_ =	swait.ge [sflag:s29], $0x1  }
0xb7: {  	[sflag:s29] =	ssyncadd.s32 $0xFFFFFFFF  }
0xb8: {  	_ =	strace $0x9000004B  }
0xb9: {  	_ =	sfence  }
0xba: {  	s30 =	sld [smem:$0x0];
	_ =	sdelay $0x2  }
0xbb: {  	s31 =	sshll.u32 s1, $0xD;
	s1 =	sshrl.u32 s1, $0x2  }
0xbc: {  	s3 =	sand.u32 $0x4000, s31;
	s1 =	sadd.s32 s1, s30  }
0xbd: {  	s0 =	sor.u32 s3, s0;
	s1 =	sshll.u32 s1, $0x11  }
0xbe: {  	s0 =	sor.u32 s1, s0  }
0xbf: {  	s0 =	sadd.s32 $0x8F2B, s0  }
0xc0: {  	[sflag:s0] =	ssyncadd.remote.s32 $0x1  }
0xc1: {  	_ =	sfence.sel $0xFFFF  }
0xc2: {  	[dreg:$0x0] =	wrdreg $0xFFFFFFFF;
	(pc) =	sbr.abs _section_cstart, $3  }
0xc3: {  	[dreg:$0x1] =	wrdreg $0xFFFFFFFF  }
0xc4: {  	_ =	task.clear_ibuf [dreg:s8], $0x2FFFF;
	_ =	strace $0x9FFFFFFF  }
0xc5: {  	(tm) =	ssettm $0x7FFFFFFF  }
tec
execute0_lowered:
.L_overlay_start_1:
0x0: {  	(tag) =	ssettag $0x1  }
0x1: {  	s0 =	rddreg [dreg:$0x0]  }
0x2: {  	s6 =	rddreg [dreg:$0x1]  }
0x3: {  	s7 =	rddreg [dreg:$0x2]  }
0x4: {  	s1 =	rddreg [dreg:$0x3];
	s2 =	simm.s32 $0x0  }
0x5: {  	s22 =	srdreg.scid;
	s21 =	stileid.u32;
	s28 =	simm.s32 $0x2  }
0x6: {  	s30 =	simm.s32 $0x19400;
	s31 =	simm.s32 $0x80;
	[smem:$0x7FF] =	sst s2  }
0x7: {  	s3 =	sadd.s32 $0x7FC00, s0;
	s4 =	sadd.s32 $0xCDE00, s0;
	s5 =	sadd.s32 $0x1BC00, s0  }
0x8: {  	s8 =	sadd.s32 $0x66C00, s0;
	s9 =	sadd.s32 $0xE6E00, s0;
	s23 =	sadd.s32 $0x2C00, s0  }
0x9: {  	s12 =	smul.u32 $0x64000, s21;
	_ =	strace $0x8000004A;
	[dreg:$0x5] =	wrdreg s8  }
0xa: {  	s10 =	sadd.s32 $0xCAC00, s0;
	s14 =	smul.u32 $0x19000, s21;
	[dreg:$0x6] =	wrdreg s9  }
0xb: {  	s15 =	smul.u32 $0x19, s21;
	s26 =	sshll.u32 s21, $0x7;
	[dreg:$0x7] =	wrdreg s23  }
0xc: {  	s8 =	sand.u32 $0x1, s22;
	s6 =	sadd.s32 s6, s26;
	s23 =	sshll.u32 s21, $0xB  }
0xd: {  	s24 =	smul.u32 $0x32000, s8;
	s11 =	sshll.u32 s8, $0xF;
	[dreg:$0x9] =	wrdreg s6  }
0xe: {  	s8 =	ssub.s32 $0x2, s8;
	s12 =	sshrl.u32 s12, $0x2;
	[dreg:$0xc] =	wrdreg s23  }
0xf: {  	s16 =	sadd.s32 s11, s0;
	s25 =	sshrl.u32 s8, $0x1;
	s11 =	smul.u32 $0xC800, s21  }
0x10: {  	s12 =	sadd.s32 s12, s1;
	s21 =	simm.s32 $0x1B400;
	s9 =	sadd.s32 s24, s0  }
0x11: {  	s8 =	ssub.s32 s8, s25;
	s25 =	sadd.s32 $0xCC500, s0;
	s0 =	sadd.s32 s7, s26  }
0x12: {  	s22 =	sadd.s32 $0x34C00, s16;
	s26 =	simm.s32 $0x1E480;
	s7 =	simm.s32 $0x0  }
0x13: {  	s13 =	sadd.s32 $0x25DE00, s9;
	s17 =	sadd.s32 $0xFFE00, s9;
	[dreg:$0xa] =	wrdreg s0  }
0x14: {  	s18 =	sadd.s32 $0x2C1E00, s9;
	s19 =	sadd.s32 $0x163E00, s9;
	[dreg:$0x8] =	wrdreg s25  }
0x15: {  	s20 =	sadd.s32 $0x1C7E00, s9;
	s29 =	smax.u32 s8, $0x1;
	[dreg:$0xb] =	wrdreg s22  }
0x16: {  	v0 =	vimm.f32 $0.0e+00;
	s0 =	simm.s32 $0x19C00;
	s8 =	simm.s32 $0x1;
	[dreg:$0xd] =	wrdreg s29  }
.LBB2_1:
0x17: {  	[dreg:$0xe] =	wrdreg s7;
	s6 =	simm.s32 $0x0  }
.LBB2_2:
0x18: {  	p0 =	sne.s32 s6, $0x3F80  }
.Ltmp0:
0x19: {  	_ = 	snop;
	(pc) =	sbr.rel @p0 .LBB2_2-.Ltmp0, $4  }
0x1a: {  	_ = 	snop  }
0x1b: {  	s7 =	sshra.s32 s6, $0x2  }
0x1c: {  	[tilespmem:s7+$0x1E480] =	vst v0  }
0x1d: {  	s6 =	sadd.s32 $0x80, s6;
	[tilespmem:s7+$0x1E490] =	vst v0  }
0x1e: {  	s6 =	sadd.s32 $0x0, s12  }
0x1f: {  	[spmem:s6] =	stream.linear.scatter [tilespmem:s26], [sflag:$0x2], $0x1000, $0x38;
	[tilespmem:$0x1F480] =	vst v63  }
0x20: {  	s6 =	simm.s32 $0x4000;
	_ =	swait.ge [sflag:s28], $0x1000  }
.LBB2_4:
0x21: {  	s7 =	sshra.s32 s6, $0x2;
	[sflag:s28] =	ssyncset.done $0x0;
	p0 =	sne.s32 s6, $0x60000  }
.Ltmp1:
0x22: {  	s7 =	sadd.s32 s7, s12;
	[sflag:s28] =	ssyncadd.s32 $0xFFFFF000;
	(pc) =	sbr.rel @p0 .LBB2_4-.Ltmp1, $3  }
0x23: {  	[spmem:s7] =	stream.linear.scatter [tilespmem:s26], [sflag:$0x2], $0x1000, $0x38;
	[tilespmem:$0x1F480] =	vst v63  }
0x24: {  	s6 =	sadd.s32 $0x4000, s6;
	_ =	sdelay $0x1  }
0x25: {  	_ =	swait.ge [sflag:s28], $0x1000  }
0x26: {  	[sflag:s28] =	ssyncset.done $0x0  }
0x27: {  	[sflag:s28] =	ssyncadd.s32 $0xFFFFF000  }
0x28: {  	s6 =	simm.s32 $0x0;
	s7 =	simm.s32 $0x0;
	[bflag:$0x0] =	sbarrier.arrive $0xFFFF  }
.LBB2_6:
0x29: {  	s9 =	sshll.u32 s7, $0xA  }
0x2a: {  	s9 =	sadd.s32 s11, s9  }
0x2b: {  	s16 =	rddreg [dreg:$0x5];
	s9 =	sshrl.u32 s9, $0x3  }
0x2c: {  	s22 =	simm.s32 $0x19000;
	s16 =	sadd.s32 s16, s9  }
0x2d: {  	[tilespmem:s22], [sflag:$0x2] =	stream.linear.gather [hbm4b:s16+s6], $0x400, $0x38;
	[tilespmem:$0x1F480] =	vst v63  }
0x2e: {  	_ =	swait.ge [sflag:s28], $0x400  }
0x2f: {  	[sflag:s28] =	ssyncset.done $0x0;
	s25 =	rddreg [dreg:$0x6]  }
0x30: {  	[sflag:s28] =	ssyncadd.s32 $0xFFFFFC00;
	s16 =	sadd.s32 s25, s9  }
0x31: {  	[tilespmem:s30], [sflag:$0x2] =	stream.linear.gather [hbm4b:s16+s6], $0x400, $0x38;
	[tilespmem:$0x1F480] =	vst v63  }
0x32: {  	_ =	swait.ge [sflag:s28], $0x400  }
0x33: {  	[sflag:s28] =	ssyncset.done $0x0;
	s29 =	rddreg [dreg:$0x7]  }
0x34: {  	[sflag:s28] =	ssyncadd.s32 $0xFFFFFC00;
	s16 =	sadd.s32 s29, s9;
	s9 =	simm.s32 $0x19800  }
0x35: {  	[tilespmem:s9], [sflag:$0x2] =	stream.linear.gather [hbm4b:s16+s6], $0x400, $0x38;
	[tilespmem:$0x1F480] =	vst v63  }
0x36: {  	_ =	swait.ge [sflag:s28], $0x400  }
0x37: {  	[sflag:s28] =	ssyncset.done $0x0  }
0x38: {  	s16 =	simm.s32 $0x0;
	[sflag:s28] =	ssyncadd.s32 $0xFFFFFC00  }
.LBB2_7:
0x39: {  	s23 =	sshll.u32 s16, $0x7  }
0x3a: {  	s22 =	sadd.s32 $0x19400, s23  }
0x3b: {  	[tilespmem:s0], [sflag:$0x1] =	stream.indirect.gather [hbm4b:s13+s31], $0x20, s22, s31, $0xb8;
	[tilespmem:$0x1F480] =	vst v63  }
0x3c: {  	_ =	swait.ge [sflag:s8], $0x1000  }
0x3d: {  	[sflag:s8] =	ssyncset.done $0x0  }
0x3e: {  	s24 =	simm.s32 $0x19D00;
	[sflag:s8] =	ssyncadd.s32 $0xFFFFF000  }
0x3f: {  	v7 =	vld [tilespmem:s24+$0xFFFFFFA0]  }
0x40: {  	v4 =	vld [tilespmem:s24+$0xFFFFFFF0]  }
0x41: {  	v1 =	vld [tilespmem:s24+$0xFFFFFF60]  }
0x42: {  	v5 =	vmov s9;
	v8 =	vld [tilespmem:s24+$0xFFFFFFD0]  }
0x43: {  	v9 =	vld [tilespmem:s24+$0x80]  }
0x44: {  	v12 =	vld [tilespmem:s24+$0xFFFFFF10]  }
0x45: {  	v16 =	vld [tilespmem:s24+$0xE0]  }
0x46: {  	s29 =	simm.s32 $0x0;
	v11 =	vld [tilespmem:s24+$0xFFFFFF40]  }
0x47: {  	v2 =	vld.idx.msk [tilespmem:v5+s29+$0x0 ss:$0x1], $0xffff  }
0x48: {  	v3 =	vld [tilespmem:s24+$0xFFFFFF90]  }
0x49: {  	v10 =	vld [tilespmem:s24+$0xFFFFFFC0]  }
0x4a: {  	v13 =	vld [tilespmem:s24+$0xFFFFFF00]  }
0x4b: {  	v14 =	vld [tilespmem:s24+$0xD0]  }
0x4c: {  	v23 =	vld [tilespmem:s24+$0xC0]  }
0x4d: {  	v21 =	vld [tilespmem:s24+$0x90];
	v19 =	vbroadcast v2, $0x0;
	v6 =	vbroadcast v2, $0xF  }
0x4e: {  	v22 =	vld [tilespmem:s24+$0xFFFFFF50];
	v20 =	vbroadcast v2, $0x2;
	v18 =	vbroadcast v2, $0xE  }
0x4f: {  	v17 =	vld [tilespmem:s24+$0xB0];
	v15 =	vbroadcast v2, $0xC;
	v25 =	vmul.f32 v19, v13  }
0x50: {  	s25 =	simm.s32 $0x40;
	s22 =	simm.s32 $0x19D00;
	v13 =	vbroadcast v2, $0xD;
	v24 =	vmul.f32 v11, v20;
	v11 =	vld [tilespmem:s24+$0x60]  }
.LBB2_8:
0x51: {  	p0 =	sne.s32 s25, $0x1C0  }
0x52: {  	[tilespmem:s24+$0xFFFFFF00] =	vst v25;
	v25 =	vld [tilespmem:s24+$0xFFFFFFB0];
	v23 =	vmul.f32 v23, v18;
	v16 =	vmul.f32 v16, v6;
	s22 =	sadd.s32 $0x200, s22;
	s29 =	smov.u32 s25;
	s25 =	sadd.s32 $0x40, s25  }
0x53: {  	[tilespmem:s24+$0xFFFFFF40] =	vst v24;
	v24 =	vbroadcast v2, $0xA;
	v21 =	vmul.f32 v21, v15;
	v26 =	vld [tilespmem:s24+$0xA0]  }
0x54: {  	v12 =	vmul.f32 v12, v19;
	v19 =	vmul.f32 v22, v20;
	v20 =	vld [tilespmem:s24+$0x70];
	[tilespmem:s24+$0xE0] =	vst v16  }
0x55: {  	v16 =	vbroadcast v2, $0x5;
	v22 =	vld [tilespmem:s24+$0xFFFFFFE0];
	v17 =	vmul.f32 v17, v13;
	[tilespmem:s24+$0xC0] =	vst v23  }
0x56: {  	v14 =	vmul.f32 v14, v18;
	[tilespmem:s24+$0xFFFFFF10] =	vst v12;
	v12 =	vbroadcast v2, $0x6;
	v23 =	vld [tilespmem:s24+$0x40]  }
0x57: {  	v27 =	vbroadcast v2, $0xB;
	v7 =	vmul.f32 v7, v16;
	v18 =	vld [tilespmem:s24+$0xFFFFFF20];
	[tilespmem:s24+$0x90] =	vst v21  }
0x58: {  	v21 =	vbroadcast v2, $0x9;
	[tilespmem:s24+$0xFFFFFF50] =	vst v19;
	v19 =	vld [tilespmem:s24+$0x20];
	v13 =	vmul.f32 v26, v13  }
0x59: {  	v16 =	vmul.f32 v25, v16;
	v25 =	vld [tilespmem:s24+$0x50];
	v20 =	vmul.f32 v20, v27;
	[tilespmem:s24+$0xD0] =	vst v14  }
0x5a: {  	v9 =	vmul.f32 v9, v15;
	v14 =	vbroadcast v2, $0x7;
	v26 =	vld [tilespmem:s24+$0x30];
	[tilespmem:s24+$0xA0] =	vst v13  }
0x5b: {  	v10 =	vmul.f32 v10, v12;
	v13 =	vbroadcast v2, $0x3;
	v15 =	vld [tilespmem:s24+$0x0];
	[tilespmem:s24+$0x70] =	vst v20  }
0x5c: {  	v11 =	vmul.f32 v11, v27;
	v8 =	vmul.f32 v8, v12;
	v12 =	vld [tilespmem:s24+$0x10];
	[tilespmem:s24+$0x80] =	vst v9  }
0x5d: {  	v20 =	vbroadcast v2, $0x8;
	v23 =	vmul.f32 v23, v24;
	v9 =	vld [tilespmem:s24+$0xFFFFFF30];
	[tilespmem:s24+$0xB0] =	vst v17  }
0x5e: {  	v17 =	vbroadcast v2, $0x1;
	v27 =	vld [tilespmem:s24+$0xFFFFFF70];
	[tilespmem:s24+$0xFFFFFFD0] =	vst v8;
	v24 =	vmul.f32 v25, v24  }
0x5f: {  	v4 =	vmul.f32 v4, v14;
	v8 =	vmul.f32 v22, v14;
	[tilespmem:s24+$0xFFFFFFC0] =	vst v10;
	v10 =	vld [tilespmem:s24+$0xF0]  }
0x60: {  	v22 =	vmul.f32 v26, v21;
	v14 =	vld [tilespmem:s24+$0xFFFFFF80];
	[tilespmem:s24+$0xFFFFFFA0] =	vst v7;
	v15 =	vmul.f32 v15, v20  }
0x61: {  	v7 =	vld [tilespmem:s22+$0xFFFFFFA0];
	[tilespmem:s24+$0xFFFFFFF0] =	vst v4;
	v20 =	vmul.f32 v12, v20;
	v12 =	vmul.f32 v19, v21  }
0x62: {  	v4 =	vmul.f32 v18, v17;
	v17 =	vmul.f32 v9, v17;
	[tilespmem:s24+$0x60] =	vst v11  }
0x63: {  	v1 =	vmul.f32 v1, v13;
	v9 =	vmul.f32 v27, v13;
	[tilespmem:s24+$0xFFFFFFB0] =	vst v16  }
0x64: {  	v2 =	vbroadcast v2, $0x4;
	[tilespmem:s24+$0xFFFFFF20] =	vst v4;
	v4 =	vmul.f32 v10, v6  }
0x65: {  	[tilespmem:s24+$0xFFFFFF60] =	vst v1  }
0x66: {  	v6 =	vmul.f32 v14, v2;
	v1 =	vmul.f32 v3, v2;
	[tilespmem:s24+$0x40] =	vst v23  }
0x67: {  	[tilespmem:s24+$0xFFFFFFE0] =	vst v8  }
0x68: {  	[tilespmem:s24+$0xF0] =	vst v4  }
0x69: {  	[tilespmem:s24+$0xFFFFFF90] =	vst v1  }
0x6a: {  	[tilespmem:s24+$0xFFFFFF70] =	vst v9  }
0x6b: {  	v4 =	vld [tilespmem:s22+$0xFFFFFFF0];
	[tilespmem:s24+$0x20] =	vst v12  }
0x6c: {  	v1 =	vld [tilespmem:s22+$0xFFFFFF60];
	[tilespmem:s24+$0x30] =	vst v22  }
0x6d: {  	v8 =	vld [tilespmem:s22+$0xFFFFFFD0];
	[tilespmem:s24+$0xFFFFFF80] =	vst v6  }
0x6e: {  	v9 =	vld [tilespmem:s22+$0x80];
	[tilespmem:s24+$0x50] =	vst v24  }
0x6f: {  	v12 =	vld [tilespmem:s22+$0xFFFFFF10];
	[tilespmem:s24+$0x0] =	vst v15  }
0x70: {  	v16 =	vld [tilespmem:s22+$0xE0];
	[tilespmem:s24+$0xFFFFFF30] =	vst v17  }
0x71: {  	s29 =	sshra.s32 s29, $0x2;
	v11 =	vld [tilespmem:s22+$0xFFFFFF40];
	[tilespmem:s24+$0x10] =	vst v20;
	s24 =	smov.u32 s22  }
0x72: {  	v2 =	vld.idx.msk [tilespmem:v5+s29+$0x0 ss:$0x1], $0xffff  }
0x73: {  	v3 =	vld [tilespmem:s22+$0xFFFFFF90]  }
0x74: {  	v10 =	vld [tilespmem:s22+$0xFFFFFFC0]  }
0x75: {  	v13 =	vld [tilespmem:s22+$0xFFFFFF00]  }
0x76: {  	v14 =	vld [tilespmem:s22+$0xD0]  }
.Ltmp2:
0x77: {  	v23 =	vld [tilespmem:s22+$0xC0];
	(pc) =	sbr.rel @p0 .LBB2_8-.Ltmp2, $4  }
0x78: {  	v19 =	vbroadcast v2, $0x0;
	v6 =	vbroadcast v2, $0xF;
	v21 =	vld [tilespmem:s22+$0x90]  }
0x79: {  	v20 =	vbroadcast v2, $0x2;
	v18 =	vbroadcast v2, $0xE;
	v22 =	vld [tilespmem:s22+$0xFFFFFF50]  }
0x7a: {  	v25 =	vmul.f32 v19, v13;
	v13 =	vbroadcast v2, $0xD;
	v17 =	vld [tilespmem:s22+$0xB0]  }
0x7b: {  	v15 =	vbroadcast v2, $0xC;
	v24 =	vmul.f32 v11, v20;
	v11 =	vld [tilespmem:s22+$0x60]  }
0x7c: {  	[tilespmem:s24+$0xFFFFFF00] =	vst v25;
	v5 =	vmul.f32 v16, v6  }
0x7d: {  	v0 =	vmul.f32 v23, v18;
	[tilespmem:s24+$0xFFFFFF40] =	vst v24  }
0x7e: {  	v12 =	vmul.f32 v12, v19;
	[tilespmem:s24+$0xE0] =	vst v5  }
0x7f: {  	v28 =	vmul.f32 v14, v18;
	[tilespmem:s24+$0xC0] =	vst v0  }
0x80: {  	v26 =	vmul.f32 v21, v15;
	[tilespmem:s24+$0xFFFFFF10] =	vst v12  }
0x81: {  	v34 =	vbroadcast v2, $0x6;
	v9 =	vmul.f32 v9, v15;
	[tilespmem:s24+$0xD0] =	vst v28  }
0x82: {  	v20 =	vmul.f32 v22, v20;
	[tilespmem:s24+$0x90] =	vst v26  }
0x83: {  	v38 =	vbroadcast v2, $0x5;
	v8 =	vmul.f32 v8, v34;
	[tilespmem:s24+$0x80] =	vst v9  }
0x84: {  	v40 =	vbroadcast v2, $0x7;
	v10 =	vmul.f32 v10, v34;
	[tilespmem:s24+$0xFFFFFF50] =	vst v20  }
0x85: {  	v47 =	vbroadcast v2, $0x3;
	v7 =	vmul.f32 v7, v38;
	[tilespmem:s24+$0xFFFFFFD0] =	vst v8  }
0x86: {  	v25 =	vld [tilespmem:s24+$0x70];
	v52 =	vbroadcast v2, $0x4;
	v4 =	vmul.f32 v4, v40;
	[tilespmem:s24+$0xFFFFFFC0] =	vst v10  }
0x87: {  	v27 =	vld [tilespmem:s24+$0xFFFFFFB0];
	v1 =	vmul.f32 v1, v47;
	[tilespmem:s24+$0xFFFFFFA0] =	vst v7  }
0x88: {  	v29 =	vld [tilespmem:s24+$0xFFFFFF20];
	v30 =	vbroadcast v2, $0xB;
	v3 =	vmul.f32 v3, v52;
	[tilespmem:s24+$0xFFFFFFF0] =	vst v4  }
0x89: {  	v33 =	vld [tilespmem:s24+$0x40];
	v36 =	vmul.f32 v17, v13;
	[tilespmem:s24+$0xFFFFFF60] =	vst v1  }
0x8a: {  	v31 =	vld [tilespmem:s24+$0xFFFFFFE0];
	v11 =	vmul.f32 v11, v30;
	[tilespmem:s24+$0xFFFFFF90] =	vst v3  }
0x8b: {  	v45 =	vbroadcast v2, $0x1;
	v48 =	vld [tilespmem:s24+$0xF0];
	v19 =	vmul.f32 v25, v30;
	[tilespmem:s24+$0xB0] =	vst v36  }
0x8c: {  	v42 =	vld [tilespmem:s24+$0xFFFFFF70];
	v49 =	vbroadcast v2, $0xA;
	v46 =	vmul.f32 v27, v38;
	[tilespmem:s24+$0x60] =	vst v11  }
0x8d: {  	v37 =	vld [tilespmem:s24+$0x20];
	v14 =	vmul.f32 v29, v45;
	[tilespmem:s24+$0x70] =	vst v19  }
0x8e: {  	v39 =	vld [tilespmem:s24+$0x30];
	v51 =	vmul.f32 v33, v49;
	[tilespmem:s24+$0xFFFFFFB0] =	vst v46  }
0x8f: {  	v43 =	vld [tilespmem:s24+$0xFFFFFF80];
	v5 =	vmul.f32 v31, v40;
	[tilespmem:s24+$0xFFFFFF20] =	vst v14  }
0x90: {  	v35 =	vld [tilespmem:s24+$0x50];
	v54 =	vbroadcast v2, $0x9;
	v53 =	vmul.f32 v48, v6;
	[tilespmem:s24+$0x40] =	vst v51  }
0x91: {  	v41 =	vld [tilespmem:s24+$0x0];
	v55 =	vmul.f32 v42, v47;
	[tilespmem:s24+$0xFFFFFFE0] =	vst v5  }
0x92: {  	v50 =	vld [tilespmem:s24+$0xFFFFFF30];
	v56 =	vmul.f32 v37, v54;
	[tilespmem:s24+$0xF0] =	vst v53  }
0x93: {  	v44 =	vld [tilespmem:s24+$0x10];
	v57 =	vmul.f32 v39, v54;
	[tilespmem:s24+$0xFFFFFF70] =	vst v55  }
0x94: {  	v58 =	vbroadcast v2, $0x8;
	v24 =	vld [tilespmem:s24+$0xA0];
	v59 =	vmul.f32 v43, v52;
	[tilespmem:s24+$0x20] =	vst v56  }
0x95: {  	v60 =	vmul.f32 v35, v49;
	[tilespmem:s24+$0x30] =	vst v57  }
0x96: {  	v61 =	vmul.f32 v41, v58;
	[tilespmem:s24+$0xFFFFFF80] =	vst v59  }
0x97: {  	v62 =	vmul.f32 v50, v45;
	[tilespmem:s24+$0x50] =	vst v60  }
0x98: {  	v63 =	vmul.f32 v44, v58;
	[tilespmem:s24+$0x0] =	vst v61  }
0x99: {  	s16 =	sadd.s32 $0x1, s16;
	v32 =	vmul.f32 v24, v13;
	[tilespmem:s24+$0xFFFFFF30] =	vst v62  }
0x9a: {  	p0 =	sne.s32 s16, $0x8;
	[tilespmem:s24+$0x10] =	vst v63  }
.Ltmp3:
0x9b: {  	s22 =	sadd.s32 $0x19000, s23;
	[tilespmem:s24+$0xA0] =	vst v32;
	(pc) =	sbr.rel @p0 .LBB2_7-.Ltmp3, $4  }
0x9c: {  	[spmem:s1] =	stream.indirect.scatter.add.f32 [tilespmem:s0], [sflag:$0x2], $0x20, s22, s31, $0xb8;
	[tilespmem:$0x1F480] =	vst v63  }
0x9d: {  	_ =	swait.ge [sflag:s28], $0x1000  }
0x9e: {  	[sflag:s28] =	ssyncset.done $0x0  }
0x9f: {  	s9 =	sadd.s32 $0x80, s9;
	[sflag:s28] =	ssyncadd.s32 $0xFFFFF000  }
0xa0: {  	s7 =	sadd.s32 $0x1, s7  }
0xa1: {  	p0 =	sne.s32 s7, $0x32  }
.Ltmp4:
0xa2: {  	_ = 	snop;
	(pc) =	sbr.rel @p0 .LBB2_6-.Ltmp4, $1  }
0xa3: {  	_ =	sdelay $0x3  }
0xa4: {  	[bflag:$0x0] =	sbarrier.arrive $0xFFFF;
	s6 =	simm.s32 $0x0  }
0xa5: {  	s7 =	simm.s32 $0x0;
	s29 =	simm.s32 $0x1D400;
	s25 =	rddreg [dreg:$0x8]  }
.LBB2_12:
0xa6: {  	s9 =	sshll.u32 s7, $0xC  }
0xa7: {  	s9 =	sadd.s32 s14, s9  }
0xa8: {  	s16 =	sadd.s32 s9, s1  }
0xa9: {  	[tilespmem:s21], [sflag:$0x2] =	stream.linear.gather [spmem:s16], $0x1000, $0x38;
	[tilespmem:$0x1F480] =	vst v63  }
0xaa: {  	_ =	swait.ge [sflag:s28], $0x1000  }
0xab: {  	[sflag:s28] =	ssyncset.done $0x0  }
0xac: {  	[sflag:s28] =	ssyncadd.s32 $0xFFFFF000  }
0xad: {  	[spmem:s16] =	stream.linear.scatter [tilespmem:s26], [sflag:$0x2], $0x1000, $0x38;
	[tilespmem:$0x1F480] =	vst v63  }
0xae: {  	s24 =	sadd.s32 s15, s7;
	_ =	swait.ge [sflag:s28], $0x1000  }
0xaf: {  	s16 =	sshll.u32 s24, $0x4;
	[sflag:s28] =	ssyncset.done $0x0  }
0xb0: {  	s23 =	simm.s32 $0x1E400;
	s16 =	sadd.s32 s16, s25;
	[sflag:s28] =	ssyncadd.s32 $0xFFFFF000  }
0xb1: {  	[tilespmem:s23], [sflag:$0x2] =	stream.linear.gather [hbm4b:s16+s6], $0x80, $0x38;
	[tilespmem:$0x1F480] =	vst v63  }
0xb2: {  	_ =	swait.ge [sflag:s28], $0x80  }
0xb3: {  	[sflag:s28] =	ssyncset.done $0x0  }
0xb4: {  	s16 =	simm.s32 $0x0;
	[sflag:s28] =	ssyncadd.s32 $0xFFFFFF80  }
0xb5: {  	v10 =	vld [tilespmem:s16+$0x1B400]  }
0xb6: {  	v9 =	vld [tilespmem:s16+$0x1B410]  }
0xb7: {  	v8 =	vld [tilespmem:s16+$0x1B420]  }
0xb8: {  	v7 =	vld [tilespmem:s16+$0x1B430]  }
0xb9: {  	v6 =	vld [tilespmem:s16+$0x1B440]  }
0xba: {  	v5 =	vld [tilespmem:s16+$0x1B450]  }
0xbb: {  	v3 =	vld [tilespmem:s16+$0x1B460]  }
0xbc: {  	v4 =	vld [tilespmem:s16+$0x1B470]  }
0xbd: {  	v2 =	vld [tilespmem:s16+$0x1B480]  }
0xbe: {  	s22 =	simm.s32 $0x800;
	v1 =	vld [tilespmem:s23+$0x0]  }
.LBB2_13:
0xbf: {  	p0 =	sne.s32 s22, $0x3800;
	v11 =	vld [tilespmem:s16+$0x1B490]  }
0xc0: {  	v12 =	vld [tilespmem:s16+$0x1B4A0]  }
0xc1: {  	v13 =	vld [tilespmem:s16+$0x1B4B0]  }
0xc2: {  	v14 =	vld [tilespmem:s16+$0x1B4C0]  }
0xc3: {  	v15 =	vbroadcast v1, $0x0;
	v16 =	vbroadcast v1, $0x1;
	v17 =	vld [tilespmem:s16+$0x1B4D0]  }
0xc4: {  	v18 =	vbroadcast v1, $0x2;
	v19 =	vbroadcast v1, $0x3;
	v20 =	vld [tilespmem:s16+$0x1B4E0]  }
0xc5: {  	v10 =	vmul.f32 v15, v10;
	v9 =	vmul.f32 v9, v15;
	v15 =	vld [tilespmem:s16+$0x1B4F0]  }
0xc6: {  	v8 =	vmul.f32 v8, v16;
	v7 =	vmul.f32 v7, v16;
	v16 =	vld [tilespmem:s16+$0x1B500]  }
0xc7: {  	v6 =	vmul.f32 v6, v18;
	v5 =	vmul.f32 v5, v18;
	[tilespmem:s16+$0x1D400] =	vst v10;
	v10 =	vld [tilespmem:s16+$0x1B510]  }
0xc8: {  	v3 =	vmul.f32 v3, v19;
	v4 =	vmul.f32 v4, v19;
	[tilespmem:s16+$0x1D410] =	vst v9;
	v9 =	vld [tilespmem:s16+$0x1B520]  }
0xc9: {  	v18 =	vbroadcast v1, $0x5;
	[tilespmem:s16+$0x1D420] =	vst v8;
	v8 =	vbroadcast v1, $0x4;
	v19 =	vld [tilespmem:s16+$0x1B530]  }
0xca: {  	v21 =	vbroadcast v1, $0x7;
	[tilespmem:s16+$0x1D430] =	vst v7;
	v7 =	vbroadcast v1, $0x6;
	v22 =	vld [tilespmem:s16+$0x1B540]  }
0xcb: {  	[tilespmem:s16+$0x1D440] =	vst v6;
	v2 =	vmul.f32 v2, v8;
	v6 =	vmul.f32 v11, v8;
	v8 =	vld [tilespmem:s16+$0x1B550]  }
0xcc: {  	v11 =	vmul.f32 v13, v18;
	[tilespmem:s16+$0x1D450] =	vst v5;
	v5 =	vmul.f32 v12, v18;
	v12 =	vld [tilespmem:s16+$0x1B560]  }
0xcd: {  	[tilespmem:s16+$0x1D460] =	vst v3;
	v3 =	vmul.f32 v14, v7;
	v7 =	vmul.f32 v17, v7;
	v13 =	vld [tilespmem:s16+$0x1B570]  }
0xce: {  	v14 =	vmul.f32 v15, v21;
	[tilespmem:s16+$0x1D470] =	vst v4;
	v4 =	vmul.f32 v20, v21;
	v15 =	vld [tilespmem:s16+$0x1B580]  }
0xcf: {  	v17 =	vbroadcast v1, $0x9;
	[tilespmem:s16+$0x1D480] =	vst v2;
	v2 =	vbroadcast v1, $0x8;
	v18 =	vld [tilespmem:s16+$0x1B590]  }
0xd0: {  	v20 =	vbroadcast v1, $0xB;
	[tilespmem:s16+$0x1D490] =	vst v6;
	v6 =	vbroadcast v1, $0xA;
	v21 =	vld [tilespmem:s16+$0x1B5A0]  }
0xd1: {  	[tilespmem:s16+$0x1D4A0] =	vst v5;
	v5 =	vmul.f32 v16, v2;
	v2 =	vmul.f32 v10, v2;
	v10 =	vld [tilespmem:s16+$0x1B5B0]  }
0xd2: {  	v9 =	vmul.f32 v9, v17;
	[tilespmem:s16+$0x1D4B0] =	vst v11;
	v11 =	vmul.f32 v19, v17;
	v16 =	vld [tilespmem:s16+$0x1B5C0]  }
0xd3: {  	[tilespmem:s16+$0x1D4C0] =	vst v3;
	v3 =	vmul.f32 v22, v6;
	v6 =	vmul.f32 v8, v6;
	v8 =	vld [tilespmem:s16+$0x1B5D0]  }
0xd4: {  	[tilespmem:s16+$0x1D4D0] =	vst v7;
	v7 =	vmul.f32 v12, v20;
	v12 =	vmul.f32 v13, v20;
	v13 =	vld [tilespmem:s16+$0x1B5E0]  }
0xd5: {  	v17 =	vbroadcast v1, $0xD;
	[tilespmem:s16+$0x1D4E0] =	vst v4;
	v4 =	vbroadcast v1, $0xC;
	v19 =	vld [tilespmem:s16+$0x1B5F0]  }
0xd6: {  	[tilespmem:s16+$0x1D4F0] =	vst v14;
	v14 =	vbroadcast v1, $0xE;
	v1 =	vbroadcast v1, $0xF  }
0xd7: {  	[tilespmem:s16+$0x1D500] =	vst v5;
	v5 =	vmul.f32 v15, v4;
	v4 =	vmul.f32 v18, v4  }
0xd8: {  	v15 =	vmul.f32 v10, v17;
	[tilespmem:s16+$0x1D510] =	vst v2;
	v2 =	vmul.f32 v21, v17  }
0xd9: {  	v16 =	vmul.f32 v16, v14;
	v14 =	vmul.f32 v8, v14;
	[tilespmem:s16+$0x1D520] =	vst v9  }
0xda: {  	[tilespmem:s16+$0x1D530] =	vst v11;
	v11 =	vmul.f32 v13, v1;
	v1 =	vmul.f32 v19, v1  }
0xdb: {  	[tilespmem:s16+$0x1D540] =	vst v3  }
0xdc: {  	[tilespmem:s16+$0x1D550] =	vst v6  }
0xdd: {  	s24 =	sshra.s32 s22, $0x2;
	[tilespmem:s16+$0x1D560] =	vst v7  }
0xde: {  	v10 =	vld [tilespmem:s24+$0x1B400];
	[tilespmem:s16+$0x1D570] =	vst v12  }
0xdf: {  	v9 =	vld [tilespmem:s24+$0x1B410];
	[tilespmem:s16+$0x1D580] =	vst v5  }
0xe0: {  	v8 =	vld [tilespmem:s24+$0x1B420];
	[tilespmem:s16+$0x1D590] =	vst v4  }
0xe1: {  	v7 =	vld [tilespmem:s24+$0x1B430];
	[tilespmem:s16+$0x1D5A0] =	vst v2  }
0xe2: {  	v6 =	vld [tilespmem:s24+$0x1B440];
	[tilespmem:s16+$0x1D5B0] =	vst v15  }
.Ltmp5:
0xe3: {  	v5 =	vld [tilespmem:s24+$0x1B450];
	[tilespmem:s16+$0x1D5C0] =	vst v16;
	(pc) =	sbr.rel @p0 .LBB2_13-.Ltmp5, $4  }
0xe4: {  	v3 =	vld [tilespmem:s24+$0x1B460];
	[tilespmem:s16+$0x1D5D0] =	vst v14  }
0xe5: {  	v4 =	vld [tilespmem:s24+$0x1B470];
	[tilespmem:s16+$0x1D5E0] =	vst v11  }
0xe6: {  	s23 =	sadd.s32 $0x10, s23;
	v2 =	vld [tilespmem:s24+$0x1B480];
	[tilespmem:s16+$0x1D5F0] =	vst v1;
	s16 =	smov.u32 s24  }
0xe7: {  	s22 =	sadd.s32 $0x800, s22;
	v1 =	vld [tilespmem:s23+$0x0]  }
0xe8: {  	_ =	sdelay $0x3  }
0xe9: {  	v15 =	vbroadcast v1, $0x0;
	_ =	sdelay $0x1  }
0xea: {  	v20 =	vbroadcast v1, $0x1;
	v10 =	vmul.f32 v15, v10  }
0xeb: {  	v9 =	vmul.f32 v9, v15  }
0xec: {  	v32 =	vbroadcast v1, $0x2;
	v8 =	vmul.f32 v8, v20;
	[tilespmem:s16+$0x1D400] =	vst v10  }
0xed: {  	v7 =	vmul.f32 v7, v20;
	[tilespmem:s16+$0x1D410] =	vst v9  }
0xee: {  	v11 =	vld [tilespmem:s16+$0x1B490];
	v35 =	vbroadcast v1, $0x3;
	v6 =	vmul.f32 v6, v32;
	[tilespmem:s16+$0x1D420] =	vst v8  }
0xef: {  	v12 =	vld [tilespmem:s16+$0x1B4A0];
	v5 =	vmul.f32 v5, v32;
	[tilespmem:s16+$0x1D430] =	vst v7  }
0xf0: {  	v13 =	vld [tilespmem:s16+$0x1B4B0];
	v38 =	vbroadcast v1, $0x4;
	v3 =	vmul.f32 v3, v35;
	[tilespmem:s16+$0x1D440] =	vst v6  }
0xf1: {  	v14 =	vld [tilespmem:s16+$0x1B4C0];
	v4 =	vmul.f32 v4, v35;
	[tilespmem:s16+$0x1D450] =	vst v5  }
0xf2: {  	v16 =	vld [tilespmem:s16+$0x1B4D0];
	v41 =	vbroadcast v1, $0x5;
	v2 =	vmul.f32 v2, v38;
	[tilespmem:s16+$0x1D460] =	vst v3  }
0xf3: {  	v17 =	vld [tilespmem:s16+$0x1B4E0];
	v11 =	vmul.f32 v11, v38;
	[tilespmem:s16+$0x1D470] =	vst v4  }
0xf4: {  	v18 =	vld [tilespmem:s16+$0x1B4F0];
	v44 =	vbroadcast v1, $0x6;
	v12 =	vmul.f32 v12, v41;
	[tilespmem:s16+$0x1D480] =	vst v2  }
0xf5: {  	v19 =	vld [tilespmem:s16+$0x1B500];
	v13 =	vmul.f32 v13, v41;
	[tilespmem:s16+$0x1D490] =	vst v11  }
0xf6: {  	v43 =	vld [tilespmem:s16+$0x1B5A0];
	v47 =	vbroadcast v1, $0x7;
	v14 =	vmul.f32 v14, v44;
	[tilespmem:s16+$0x1D4A0] =	vst v12  }
0xf7: {  	v45 =	vld [tilespmem:s16+$0x1B5B0];
	v15 =	vmul.f32 v16, v44;
	[tilespmem:s16+$0x1D4B0] =	vst v13  }
0xf8: {  	v46 =	vld [tilespmem:s16+$0x1B5C0];
	v50 =	vbroadcast v1, $0x8;
	v49 =	vmul.f32 v17, v47;
	[tilespmem:s16+$0x1D4C0] =	vst v14  }
0xf9: {  	v51 =	vld [tilespmem:s16+$0x1B5E0];
	v57 =	vbroadcast v1, $0xD;
	v18 =	vmul.f32 v18, v47;
	[tilespmem:s16+$0x1D4D0] =	vst v15  }
0xfa: {  	v53 =	vld [tilespmem:s16+$0x1B5F0];
	v52 =	vbroadcast v1, $0x9;
	v19 =	vmul.f32 v19, v50;
	[tilespmem:s16+$0x1D4E0] =	vst v49  }
0xfb: {  	v30 =	vld [tilespmem:s16+$0x1B510];
	v58 =	vbroadcast v1, $0xE;
	v59 =	vmul.f32 v43, v57;
	[tilespmem:s16+$0x1D4F0] =	vst v18  }
0xfc: {  	v31 =	vld [tilespmem:s16+$0x1B520];
	v61 =	vbroadcast v1, $0xF;
	v60 =	vmul.f32 v45, v57;
	[tilespmem:s16+$0x1D500] =	vst v19  }
0xfd: {  	v33 =	vld [tilespmem:s16+$0x1B530];
	v54 =	vbroadcast v1, $0xA;
	v62 =	vmul.f32 v46, v58;
	[tilespmem:s16+$0x1D5A0] =	vst v59  }
0xfe: {  	v34 =	vld [tilespmem:s16+$0x1B540];
	v55 =	vbroadcast v1, $0xB;
	v63 =	vmul.f32 v51, v61;
	[tilespmem:s16+$0x1D5B0] =	vst v60  }
0xff: {  	v36 =	vld [tilespmem:s16+$0x1B550];
	v56 =	vbroadcast v1, $0xC;
	v1 =	vmul.f32 v53, v61;
	[tilespmem:s16+$0x1D5C0] =	vst v62  }
0x100: {  	v37 =	vld [tilespmem:s16+$0x1B560];
	v10 =	vmul.f32 v30, v50;
	[tilespmem:s16+$0x1D5E0] =	vst v63  }
0x101: {  	v39 =	vld [tilespmem:s16+$0x1B570];
	v9 =	vmul.f32 v31, v52;
	[tilespmem:s16+$0x1D5F0] =	vst v1  }
0x102: {  	v40 =	vld [tilespmem:s16+$0x1B580];
	v8 =	vmul.f32 v33, v52;
	[tilespmem:s16+$0x1D510] =	vst v10  }
0x103: {  	v42 =	vld [tilespmem:s16+$0x1B590];
	v7 =	vmul.f32 v34, v54;
	[tilespmem:s16+$0x1D520] =	vst v9  }
0x104: {  	v48 =	vld [tilespmem:s16+$0x1B5D0];
	v6 =	vmul.f32 v36, v54;
	[tilespmem:s16+$0x1D530] =	vst v8  }
0x105: {  	v5 =	vmul.f32 v37, v55;
	[tilespmem:s16+$0x1D540] =	vst v7  }
0x106: {  	v3 =	vmul.f32 v39, v55;
	[tilespmem:s16+$0x1D550] =	vst v6  }
0x107: {  	v4 =	vmul.f32 v40, v56;
	[tilespmem:s16+$0x1D560] =	vst v5  }
0x108: {  	v2 =	vmul.f32 v42, v56;
	[tilespmem:s16+$0x1D570] =	vst v3  }
0x109: {  	s7 =	sadd.s32 $0x1, s7;
	[tilespmem:s16+$0x1D580] =	vst v4;
	v3 =	vmul.f32 v48, v58  }
0x10a: {  	s9 =	sshrl.u32 s9, $0x3;
	p0 =	sne.s32 s7, $0x19;
	[tilespmem:s16+$0x1D590] =	vst v2  }
.Ltmp6:
0x10b: {  	s9 =	sadd.s32 s9, s17;
	[tilespmem:s16+$0x1D5D0] =	vst v3;
	(pc) =	sbr.rel @p0 .LBB2_12-.Ltmp6, $4  }
0x10c: {  	[hbm4b:s9+s2] =	stream.linear.scatter [tilespmem:s29], [sflag:$0x2], $0x1000, $0x38;
	[tilespmem:$0x1F480] =	vst v63  }
0x10d: {  	_ =	swait.ge [sflag:s28], $0x1000  }
0x10e: {  	[sflag:s28] =	ssyncset.done $0x0  }
0x10f: {  	[sflag:s28] =	ssyncadd.s32 $0xFFFFF000  }
0x110: {  	[bflag:$0x0] =	sbarrier.arrive $0xFFFF;
	s6 =	simm.s32 $0x0;
	s7 =	simm.s32 $0x0  }
.LBB2_16:
0x111: {  	s9 =	sshll.u32 s7, $0xA  }
0x112: {  	s9 =	sadd.s32 s11, s9  }
0x113: {  	s9 =	sshrl.u32 s9, $0x3  }
0x114: {  	s22 =	simm.s32 $0x19000;
	s16 =	sadd.s32 s3, s9  }
0x115: {  	[tilespmem:s22], [sflag:$0x2] =	stream.linear.gather [hbm4b:s16+s6], $0x400, $0x38;
	[tilespmem:$0x1F480] =	vst v63  }
0x116: {  	_ =	swait.ge [sflag:s28], $0x400  }
0x117: {  	[sflag:s28] =	ssyncset.done $0x0  }
0x118: {  	s25 =	sadd.s32 s4, s9;
	[sflag:s28] =	ssyncadd.s32 $0xFFFFFC00  }
0x119: {  	[tilespmem:s30], [sflag:$0x2] =	stream.linear.gather [hbm4b:s25+s6], $0x400, $0x38;
	[tilespmem:$0x1F480] =	vst v63  }
0x11a: {  	_ =	swait.ge [sflag:s28], $0x400  }
0x11b: {  	[sflag:s28] =	ssyncset.done $0x0  }
0x11c: {  	s29 =	sadd.s32 s5, s9;
	s9 =	simm.s32 $0x19800;
	[sflag:s28] =	ssyncadd.s32 $0xFFFFFC00  }
0x11d: {  	[tilespmem:s9], [sflag:$0x2] =	stream.linear.gather [hbm4b:s29+s6], $0x400, $0x38;
	[tilespmem:$0x1F480] =	vst v63  }
0x11e: {  	_ =	swait.ge [sflag:s28], $0x400  }
0x11f: {  	[sflag:s28] =	ssyncset.done $0x0  }
0x120: {  	s16 =	simm.s32 $0x0;
	[sflag:s28] =	ssyncadd.s32 $0xFFFFFC00  }
.LBB2_17:
0x121: {  	s23 =	sshll.u32 s16, $0x7  }
0x122: {  	s22 =	sadd.s32 $0x19400, s23  }
0x123: {  	[tilespmem:s0], [sflag:$0x1] =	stream.indirect.gather [hbm4b:s18+s31], $0x20, s22, s31, $0xb8;
	[tilespmem:$0x1F480] =	vst v63  }
0x124: {  	_ =	swait.ge [sflag:s8], $0x1000  }
0x125: {  	[sflag:s8] =	ssyncset.done $0x0  }
0x126: {  	s24 =	simm.s32 $0x19D00;
	[sflag:s8] =	ssyncadd.s32 $0xFFFFF000  }
0x127: {  	v7 =	vld [tilespmem:s24+$0xFFFFFFA0]  }
0x128: {  	v4 =	vld [tilespmem:s24+$0xFFFFFFF0]  }
0x129: {  	v1 =	vld [tilespmem:s24+$0xFFFFFF60]  }
0x12a: {  	v5 =	vmov s9;
	v8 =	vld [tilespmem:s24+$0xFFFFFFD0]  }
0x12b: {  	v9 =	vld [tilespmem:s24+$0x80]  }
0x12c: {  	v12 =	vld [tilespmem:s24+$0xFFFFFF10]  }
0x12d: {  	v16 =	vld [tilespmem:s24+$0xE0]  }
0x12e: {  	s29 =	simm.s32 $0x0;
	v11 =	vld [tilespmem:s24+$0xFFFFFF40]  }
0x12f: {  	v2 =	vld.idx.msk [tilespmem:v5+s29+$0x0 ss:$0x1], $0xffff  }
0x130: {  	v3 =	vld [tilespmem:s24+$0xFFFFFF90]  }
0x131: {  	v10 =	vld [tilespmem:s24+$0xFFFFFFC0]  }
0x132: {  	v13 =	vld [tilespmem:s24+$0xFFFFFF00]  }
0x133: {  	v14 =	vld [tilespmem:s24+$0xD0]  }
0x134: {  	v23 =	vld [tilespmem:s24+$0xC0]  }
0x135: {  	v21 =	vld [tilespmem:s24+$0x90];
	v19 =	vbroadcast v2, $0x0;
	v6 =	vbroadcast v2, $0xF  }
0x136: {  	v22 =	vld [tilespmem:s24+$0xFFFFFF50];
	v20 =	vbroadcast v2, $0x2;
	v18 =	vbroadcast v2, $0xE  }
0x137: {  	v17 =	vld [tilespmem:s24+$0xB0];
	v15 =	vbroadcast v2, $0xC;
	v25 =	vmul.f32 v19, v13  }
0x138: {  	s25 =	simm.s32 $0x40;
	s22 =	simm.s32 $0x19D00;
	v13 =	vbroadcast v2, $0xD;
	v24 =	vmul.f32 v11, v20;
	v11 =	vld [tilespmem:s24+$0x60]  }
.LBB2_18:
0x139: {  	p0 =	sne.s32 s25, $0x1C0  }
0x13a: {  	[tilespmem:s24+$0xFFFFFF00] =	vst v25;
	v25 =	vld [tilespmem:s24+$0xFFFFFFB0];
	v23 =	vmul.f32 v23, v18;
	v16 =	vmul.f32 v16, v6;
	s22 =	sadd.s32 $0x200, s22;
	s29 =	smov.u32 s25;
	s25 =	sadd.s32 $0x40, s25  }
0x13b: {  	[tilespmem:s24+$0xFFFFFF40] =	vst v24;
	v24 =	vbroadcast v2, $0xA;
	v21 =	vmul.f32 v21, v15;
	v26 =	vld [tilespmem:s24+$0xA0]  }
0x13c: {  	v12 =	vmul.f32 v12, v19;
	v19 =	vmul.f32 v22, v20;
	v20 =	vld [tilespmem:s24+$0x70];
	[tilespmem:s24+$0xE0] =	vst v16  }
0x13d: {  	v16 =	vbroadcast v2, $0x5;
	v22 =	vld [tilespmem:s24+$0xFFFFFFE0];
	v17 =	vmul.f32 v17, v13;
	[tilespmem:s24+$0xC0] =	vst v23  }
0x13e: {  	v14 =	vmul.f32 v14, v18;
	[tilespmem:s24+$0xFFFFFF10] =	vst v12;
	v12 =	vbroadcast v2, $0x6;
	v23 =	vld [tilespmem:s24+$0x40]  }
0x13f: {  	v27 =	vbroadcast v2, $0xB;
	v7 =	vmul.f32 v7, v16;
	v18 =	vld [tilespmem:s24+$0xFFFFFF20];
	[tilespmem:s24+$0x90] =	vst v21  }
0x140: {  	v21 =	vbroadcast v2, $0x9;
	[tilespmem:s24+$0xFFFFFF50] =	vst v19;
	v19 =	vld [tilespmem:s24+$0x20];
	v13 =	vmul.f32 v26, v13  }
0x141: {  	v16 =	vmul.f32 v25, v16;
	v25 =	vld [tilespmem:s24+$0x50];
	v20 =	vmul.f32 v20, v27;
	[tilespmem:s24+$0xD0] =	vst v14  }
0x142: {  	v9 =	vmul.f32 v9, v15;
	v14 =	vbroadcast v2, $0x7;
	v26 =	vld [tilespmem:s24+$0x30];
	[tilespmem:s24+$0xA0] =	vst v13  }
0x143: {  	v10 =	vmul.f32 v10, v12;
	v13 =	vbroadcast v2, $0x3;
	v15 =	vld [tilespmem:s24+$0x0];
	[tilespmem:s24+$0x70] =	vst v20  }
0x144: {  	v11 =	vmul.f32 v11, v27;
	v8 =	vmul.f32 v8, v12;
	v12 =	vld [tilespmem:s24+$0x10];
	[tilespmem:s24+$0x80] =	vst v9  }
0x145: {  	v20 =	vbroadcast v2, $0x8;
	v23 =	vmul.f32 v23, v24;
	v9 =	vld [tilespmem:s24+$0xFFFFFF30];
	[tilespmem:s24+$0xB0] =	vst v17  }
0x146: {  	v17 =	vbroadcast v2, $0x1;
	v27 =	vld [tilespmem:s24+$0xFFFFFF70];
	[tilespmem:s24+$0xFFFFFFD0] =	vst v8;
	v24 =	vmul.f32 v25, v24  }
0x147: {  	v4 =	vmul.f32 v4, v14;
	v8 =	vmul.f32 v22, v14;
	[tilespmem:s24+$0xFFFFFFC0] =	vst v10;
	v10 =	vld [tilespmem:s24+$0xF0]  }
0x148: {  	v22 =	vmul.f32 v26, v21;
	v14 =	vld [tilespmem:s24+$0xFFFFFF80];
	[tilespmem:s24+$0xFFFFFFA0] =	vst v7;
	v15 =	vmul.f32 v15, v20  }
0x149: {  	v7 =	vld [tilespmem:s22+$0xFFFFFFA0];
	[tilespmem:s24+$0xFFFFFFF0] =	vst v4;
	v20 =	vmul.f32 v12, v20;
	v12 =	vmul.f32 v19, v21  }
0x14a: {  	v4 =	vmul.f32 v18, v17;
	v17 =	vmul.f32 v9, v17;
	[tilespmem:s24+$0x60] =	vst v11  }
0x14b: {  	v1 =	vmul.f32 v1, v13;
	v9 =	vmul.f32 v27, v13;
	[tilespmem:s24+$0xFFFFFFB0] =	vst v16  }
0x14c: {  	v2 =	vbroadcast v2, $0x4;
	[tilespmem:s24+$0xFFFFFF20] =	vst v4;
	v4 =	vmul.f32 v10, v6  }
0x14d: {  	[tilespmem:s24+$0xFFFFFF60] =	vst v1  }
0x14e: {  	v6 =	vmul.f32 v14, v2;
	v1 =	vmul.f32 v3, v2;
	[tilespmem:s24+$0x40] =	vst v23  }
0x14f: {  	[tilespmem:s24+$0xFFFFFFE0] =	vst v8  }
0x150: {  	[tilespmem:s24+$0xF0] =	vst v4  }
0x151: {  	[tilespmem:s24+$0xFFFFFF90] =	vst v1  }
0x152: {  	[tilespmem:s24+$0xFFFFFF70] =	vst v9  }
0x153: {  	v4 =	vld [tilespmem:s22+$0xFFFFFFF0];
	[tilespmem:s24+$0x20] =	vst v12  }
0x154: {  	v1 =	vld [tilespmem:s22+$0xFFFFFF60];
	[tilespmem:s24+$0x30] =	vst v22  }
0x155: {  	v8 =	vld [tilespmem:s22+$0xFFFFFFD0];
	[tilespmem:s24+$0xFFFFFF80] =	vst v6  }
0x156: {  	v9 =	vld [tilespmem:s22+$0x80];
	[tilespmem:s24+$0x50] =	vst v24  }
0x157: {  	v12 =	vld [tilespmem:s22+$0xFFFFFF10];
	[tilespmem:s24+$0x0] =	vst v15  }
0x158: {  	v16 =	vld [tilespmem:s22+$0xE0];
	[tilespmem:s24+$0xFFFFFF30] =	vst v17  }
0x159: {  	s29 =	sshra.s32 s29, $0x2;
	v11 =	vld [tilespmem:s22+$0xFFFFFF40];
	[tilespmem:s24+$0x10] =	vst v20;
	s24 =	smov.u32 s22  }
0x15a: {  	v2 =	vld.idx.msk [tilespmem:v5+s29+$0x0 ss:$0x1], $0xffff  }
0x15b: {  	v3 =	vld [tilespmem:s22+$0xFFFFFF90]  }
0x15c: {  	v10 =	vld [tilespmem:s22+$0xFFFFFFC0]  }
0x15d: {  	v13 =	vld [tilespmem:s22+$0xFFFFFF00]  }
0x15e: {  	v14 =	vld [tilespmem:s22+$0xD0]  }
.Ltmp7:
0x15f: {  	v23 =	vld [tilespmem:s22+$0xC0];
	(pc) =	sbr.rel @p0 .LBB2_18-.Ltmp7, $4  }
0x160: {  	v19 =	vbroadcast v2, $0x0;
	v6 =	vbroadcast v2, $0xF;
	v21 =	vld [tilespmem:s22+$0x90]  }
0x161: {  	v20 =	vbroadcast v2, $0x2;
	v18 =	vbroadcast v2, $0xE;
	v22 =	vld [tilespmem:s22+$0xFFFFFF50]  }
0x162: {  	v25 =	vmul.f32 v19, v13;
	v13 =	vbroadcast v2, $0xD;
	v17 =	vld [tilespmem:s22+$0xB0]  }
0x163: {  	v15 =	vbroadcast v2, $0xC;
	v24 =	vmul.f32 v11, v20;
	v11 =	vld [tilespmem:s22+$0x60]  }
0x164: {  	[tilespmem:s24+$0xFFFFFF00] =	vst v25;
	v5 =	vmul.f32 v16, v6  }
0x165: {  	v0 =	vmul.f32 v23, v18;
	[tilespmem:s24+$0xFFFFFF40] =	vst v24  }
0x166: {  	v12 =	vmul.f32 v12, v19;
	[tilespmem:s24+$0xE0] =	vst v5  }
0x167: {  	v28 =	vmul.f32 v14, v18;
	[tilespmem:s24+$0xC0] =	vst v0  }
0x168: {  	v26 =	vmul.f32 v21, v15;
	[tilespmem:s24+$0xFFFFFF10] =	vst v12  }
0x169: {  	v34 =	vbroadcast v2, $0x6;
	v9 =	vmul.f32 v9, v15;
	[tilespmem:s24+$0xD0] =	vst v28  }
0x16a: {  	v20 =	vmul.f32 v22, v20;
	[tilespmem:s24+$0x90] =	vst v26  }
0x16b: {  	v38 =	vbroadcast v2, $0x5;
	v8 =	vmul.f32 v8, v34;
	[tilespmem:s24+$0x80] =	vst v9  }
0x16c: {  	v40 =	vbroadcast v2, $0x7;
	v10 =	vmul.f32 v10, v34;
	[tilespmem:s24+$0xFFFFFF50] =	vst v20  }
0x16d: {  	v47 =	vbroadcast v2, $0x3;
	v7 =	vmul.f32 v7, v38;
	[tilespmem:s24+$0xFFFFFFD0] =	vst v8  }
0x16e: {  	v25 =	vld [tilespmem:s24+$0x70];
	v52 =	vbroadcast v2, $0x4;
	v4 =	vmul.f32 v4, v40;
	[tilespmem:s24+$0xFFFFFFC0] =	vst v10  }
0x16f: {  	v27 =	vld [tilespmem:s24+$0xFFFFFFB0];
	v1 =	vmul.f32 v1, v47;
	[tilespmem:s24+$0xFFFFFFA0] =	vst v7  }
0x170: {  	v29 =	vld [tilespmem:s24+$0xFFFFFF20];
	v30 =	vbroadcast v2, $0xB;
	v3 =	vmul.f32 v3, v52;
	[tilespmem:s24+$0xFFFFFFF0] =	vst v4  }
0x171: {  	v33 =	vld [tilespmem:s24+$0x40];
	v36 =	vmul.f32 v17, v13;
	[tilespmem:s24+$0xFFFFFF60] =	vst v1  }
0x172: {  	v31 =	vld [tilespmem:s24+$0xFFFFFFE0];
	v11 =	vmul.f32 v11, v30;
	[tilespmem:s24+$0xFFFFFF90] =	vst v3  }
0x173: {  	v45 =	vbroadcast v2, $0x1;
	v48 =	vld [tilespmem:s24+$0xF0];
	v19 =	vmul.f32 v25, v30;
	[tilespmem:s24+$0xB0] =	vst v36  }
0x174: {  	v42 =	vld [tilespmem:s24+$0xFFFFFF70];
	v49 =	vbroadcast v2, $0xA;
	v46 =	vmul.f32 v27, v38;
	[tilespmem:s24+$0x60] =	vst v11  }
0x175: {  	v37 =	vld [tilespmem:s24+$0x20];
	v14 =	vmul.f32 v29, v45;
	[tilespmem:s24+$0x70] =	vst v19  }
0x176: {  	v39 =	vld [tilespmem:s24+$0x30];
	v51 =	vmul.f32 v33, v49;
	[tilespmem:s24+$0xFFFFFFB0] =	vst v46  }
0x177: {  	v43 =	vld [tilespmem:s24+$0xFFFFFF80];
	v5 =	vmul.f32 v31, v40;
	[tilespmem:s24+$0xFFFFFF20] =	vst v14  }
0x178: {  	v35 =	vld [tilespmem:s24+$0x50];
	v54 =	vbroadcast v2, $0x9;
	v53 =	vmul.f32 v48, v6;
	[tilespmem:s24+$0x40] =	vst v51  }
0x179: {  	v41 =	vld [tilespmem:s24+$0x0];
	v55 =	vmul.f32 v42, v47;
	[tilespmem:s24+$0xFFFFFFE0] =	vst v5  }
0x17a: {  	v50 =	vld [tilespmem:s24+$0xFFFFFF30];
	v56 =	vmul.f32 v37, v54;
	[tilespmem:s24+$0xF0] =	vst v53  }
0x17b: {  	v44 =	vld [tilespmem:s24+$0x10];
	v57 =	vmul.f32 v39, v54;
	[tilespmem:s24+$0xFFFFFF70] =	vst v55  }
0x17c: {  	v58 =	vbroadcast v2, $0x8;
	v24 =	vld [tilespmem:s24+$0xA0];
	v59 =	vmul.f32 v43, v52;
	[tilespmem:s24+$0x20] =	vst v56  }
0x17d: {  	v60 =	vmul.f32 v35, v49;
	[tilespmem:s24+$0x30] =	vst v57  }
0x17e: {  	v61 =	vmul.f32 v41, v58;
	[tilespmem:s24+$0xFFFFFF80] =	vst v59  }
0x17f: {  	v62 =	vmul.f32 v50, v45;
	[tilespmem:s24+$0x50] =	vst v60  }
0x180: {  	v63 =	vmul.f32 v44, v58;
	[tilespmem:s24+$0x0] =	vst v61  }
0x181: {  	s16 =	sadd.s32 $0x1, s16;
	v32 =	vmul.f32 v24, v13;
	[tilespmem:s24+$0xFFFFFF30] =	vst v62  }
0x182: {  	p0 =	sne.s32 s16, $0x8;
	[tilespmem:s24+$0x10] =	vst v63  }
.Ltmp8:
0x183: {  	s22 =	sadd.s32 $0x19000, s23;
	[tilespmem:s24+$0xA0] =	vst v32;
	(pc) =	sbr.rel @p0 .LBB2_17-.Ltmp8, $4  }
0x184: {  	[spmem:s1] =	stream.indirect.scatter.add.f32 [tilespmem:s0], [sflag:$0x2], $0x20, s22, s31, $0xb8;
	[tilespmem:$0x1F480] =	vst v63  }
0x185: {  	_ =	swait.ge [sflag:s28], $0x1000  }
0x186: {  	[sflag:s28] =	ssyncset.done $0x0  }
0x187: {  	s9 =	sadd.s32 $0x80, s9;
	[sflag:s28] =	ssyncadd.s32 $0xFFFFF000  }
0x188: {  	s7 =	sadd.s32 $0x1, s7  }
0x189: {  	p0 =	sne.s32 s7, $0x32  }
.Ltmp9:
0x18a: {  	_ = 	snop;
	(pc) =	sbr.rel @p0 .LBB2_16-.Ltmp9, $1  }
0x18b: {  	_ =	sdelay $0x3  }
0x18c: {  	[bflag:$0x0] =	sbarrier.arrive $0xFFFF  }
0x18d: {  	s6 =	simm.s32 $0x0;
	s7 =	simm.s32 $0x0;
	s25 =	simm.s32 $0x1D400  }
.LBB2_22:
0x18e: {  	s9 =	sshll.u32 s7, $0xC  }
0x18f: {  	s9 =	sadd.s32 s14, s9  }
0x190: {  	s16 =	sadd.s32 s9, s1  }
0x191: {  	[tilespmem:s21], [sflag:$0x2] =	stream.linear.gather [spmem:s16], $0x1000, $0x38;
	[tilespmem:$0x1F480] =	vst v63  }
0x192: {  	_ =	swait.ge [sflag:s28], $0x1000  }
0x193: {  	[sflag:s28] =	ssyncset.done $0x0  }
0x194: {  	[sflag:s28] =	ssyncadd.s32 $0xFFFFF000  }
0x195: {  	[spmem:s16] =	stream.linear.scatter [tilespmem:s26], [sflag:$0x2], $0x1000, $0x38;
	[tilespmem:$0x1F480] =	vst v63  }
0x196: {  	s24 =	sadd.s32 s15, s7;
	_ =	swait.ge [sflag:s28], $0x1000  }
0x197: {  	s16 =	sshll.u32 s24, $0x4;
	[sflag:s28] =	ssyncset.done $0x0  }
0x198: {  	s23 =	simm.s32 $0x1E400;
	s16 =	sadd.s32 s10, s16;
	[sflag:s28] =	ssyncadd.s32 $0xFFFFF000  }
0x199: {  	[tilespmem:s23], [sflag:$0x2] =	stream.linear.gather [hbm4b:s16+s6], $0x80, $0x38;
	[tilespmem:$0x1F480] =	vst v63  }
0x19a: {  	_ =	swait.ge [sflag:s28], $0x80  }
0x19b: {  	s9 =	sshrl.u32 s9, $0x3;
	[sflag:s28] =	ssyncset.done $0x0  }
0x19c: {  	s22 =	simm.s32 $0x1C400;
	s29 =	sadd.s32 s9, s18;
	[sflag:s28] =	ssyncadd.s32 $0xFFFFFF80  }
0x19d: {  	[tilespmem:s22], [sflag:$0x2] =	stream.linear.gather [hbm4b:s29+s6], $0x1000, $0x38;
	[tilespmem:$0x1F480] =	vst v63  }
0x19e: {  	_ =	swait.ge [sflag:s28], $0x1000  }
0x19f: {  	[sflag:s28] =	ssyncset.done $0x0  }
0x1a0: {  	s16 =	simm.s32 $0x0;
	[sflag:s28] =	ssyncadd.s32 $0xFFFFF000  }
0x1a1: {  	v30 =	vld [tilespmem:s16+$0x1C400]  }
0x1a2: {  	v31 =	vld [tilespmem:s16+$0x1C410]  }
0x1a3: {  	v28 =	vld [tilespmem:s16+$0x1C420]  }
0x1a4: {  	v29 =	vld [tilespmem:s16+$0x1C430]  }
0x1a5: {  	v27 =	vld [tilespmem:s16+$0x1C440]  }
0x1a6: {  	v26 =	vld [tilespmem:s16+$0x1C450]  }
0x1a7: {  	v24 =	vld [tilespmem:s16+$0x1C460]  }
0x1a8: {  	v25 =	vld [tilespmem:s16+$0x1C470]  }
0x1a9: {  	v23 =	vld [tilespmem:s16+$0x1C480]  }
0x1aa: {  	v22 =	vld [tilespmem:s16+$0x1C490]  }
0x1ab: {  	v20 =	vld [tilespmem:s16+$0x1C4A0]  }
0x1ac: {  	v21 =	vld [tilespmem:s16+$0x1C4B0]  }
0x1ad: {  	v19 =	vld [tilespmem:s16+$0x1C4C0]  }
0x1ae: {  	v18 =	vld [tilespmem:s16+$0x1C4D0]  }
0x1af: {  	v17 =	vld [tilespmem:s16+$0x1C4E0]  }
0x1b0: {  	v16 =	vld [tilespmem:s16+$0x1C4F0]  }
0x1b1: {  	v15 =	vld [tilespmem:s16+$0x1C500]  }
0x1b2: {  	v14 =	vld [tilespmem:s16+$0x1C510]  }
0x1b3: {  	v13 =	vld [tilespmem:s16+$0x1C520]  }
0x1b4: {  	v12 =	vld [tilespmem:s16+$0x1C530]  }
0x1b5: {  	v11 =	vld [tilespmem:s16+$0x1C540]  }
0x1b6: {  	v10 =	vld [tilespmem:s16+$0x1C550]  }
0x1b7: {  	v8 =	vld [tilespmem:s16+$0x1C560]  }
0x1b8: {  	v7 =	vld [tilespmem:s16+$0x1C570]  }
0x1b9: {  	v6 =	vld [tilespmem:s16+$0x1C580]  }
0x1ba: {  	v5 =	vld [tilespmem:s16+$0x1C590]  }
0x1bb: {  	v4 =	vld [tilespmem:s16+$0x1C5A0]  }
0x1bc: {  	v3 =	vld [tilespmem:s16+$0x1C5B0]  }
0x1bd: {  	v2 =	vld [tilespmem:s16+$0x1C5C0]  }
0x1be: {  	v1 =	vld [tilespmem:s16+$0x1C5D0]  }
0x1bf: {  	v34 =	vld [tilespmem:s16+$0x1B400]  }
0x1c0: {  	v33 =	vld [tilespmem:s16+$0x1B410]  }
0x1c1: {  	v32 =	vld [tilespmem:s16+$0x1B420]  }
0x1c2: {  	s24 =	simm.s32 $0x800;
	v9 =	vld [tilespmem:s23+$0x0]  }
.LBB2_23:
0x1c3: {  	p0 =	sne.s32 s24, $0x3800;
	v35 =	vld [tilespmem:s16+$0x1B430]  }
0x1c4: {  	v36 =	vld [tilespmem:s16+$0x1B440]  }
0x1c5: {  	v37 =	vld [tilespmem:s16+$0x1B450]  }
0x1c6: {  	v38 =	vld [tilespmem:s16+$0x1B460]  }
0x1c7: {  	v39 =	vbroadcast v9, $0x0;
	v40 =	vbroadcast v9, $0x1;
	v41 =	vld [tilespmem:s16+$0x1B470]  }
0x1c8: {  	v42 =	vbroadcast v9, $0x2;
	v43 =	vbroadcast v9, $0x3;
	v44 =	vld [tilespmem:s16+$0x1B480]  }
0x1c9: {  	v34 =	vmul.f32 v39, v34;
	v33 =	vmul.f32 v33, v39;
	v39 =	vld [tilespmem:s16+$0x1B490]  }
0x1ca: {  	v32 =	vmul.f32 v32, v40;
	v35 =	vmul.f32 v35, v40;
	v40 =	vld [tilespmem:s16+$0x1B4A0]  }
0x1cb: {  	v30 =	vadd.f32 v30, v34;
	v31 =	vadd.f32 v31, v33;
	v33 =	vmul.f32 v36, v42;
	v34 =	vld [tilespmem:s16+$0x1B4B0]  }
0x1cc: {  	v28 =	vadd.f32 v28, v32;
	v29 =	vadd.f32 v29, v35;
	v32 =	vmul.f32 v37, v42;
	v35 =	vld [tilespmem:s16+$0x1B4C0]  }
0x1cd: {  	[tilespmem:s16+$0x1D400] =	vst v30;
	v27 =	vadd.f32 v27, v33;
	v30 =	vmul.f32 v38, v43;
	v33 =	vmul.f32 v41, v43;
	v36 =	vld [tilespmem:s16+$0x1B4D0]  }
0x1ce: {  	v26 =	vadd.f32 v26, v32;
	v32 =	vbroadcast v9, $0x5;
	[tilespmem:s16+$0x1D410] =	vst v31;
	v31 =	vbroadcast v9, $0x4;
	v37 =	vld [tilespmem:s16+$0x1B4E0]  }
0x1cf: {  	[tilespmem:s16+$0x1D420] =	vst v28;
	v24 =	vadd.f32 v24, v30;
	v25 =	vadd.f32 v25, v33;
	v28 =	vbroadcast v9, $0x6;
	v30 =	vld [tilespmem:s16+$0x1B4F0]  }
0x1d0: {  	[tilespmem:s16+$0x1D430] =	vst v29;
	v29 =	vmul.f32 v44, v31;
	v31 =	vmul.f32 v39, v31;
	v33 =	vld [tilespmem:s16+$0x1B500]  }
0x1d1: {  	[tilespmem:s16+$0x1D440] =	vst v27;
	v27 =	vmul.f32 v40, v32;
	v32 =	vmul.f32 v34, v32;
	v34 =	vld [tilespmem:s16+$0x1B510]  }
0x1d2: {  	[tilespmem:s16+$0x1D450] =	vst v26;
	v23 =	vadd.f32 v23, v29;
	v22 =	vadd.f32 v22, v31;
	v26 =	vmul.f32 v35, v28;
	v29 =	vld [tilespmem:s16+$0x1B520]  }
0x1d3: {  	[tilespmem:s16+$0x1D460] =	vst v24;
	v20 =	vadd.f32 v20, v27;
	v21 =	vadd.f32 v21, v32;
	v24 =	vmul.f32 v36, v28;
	v27 =	vld [tilespmem:s16+$0x1B530]  }
0x1d4: {  	[tilespmem:s16+$0x1D470] =	vst v25;
	v19 =	vadd.f32 v19, v26;
	v25 =	vbroadcast v9, $0x7;
	v26 =	vbroadcast v9, $0x8;
	v28 =	vld [tilespmem:s16+$0x1B540]  }
0x1d5: {  	[tilespmem:s16+$0x1D480] =	vst v23;
	v18 =	vadd.f32 v18, v24;
	v23 =	vbroadcast v9, $0x9;
	v24 =	vbroadcast v9, $0xA;
	v31 =	vld [tilespmem:s16+$0x1B550]  }
0x1d6: {  	[tilespmem:s16+$0x1D490] =	vst v22;
	v22 =	vmul.f32 v37, v25;
	v25 =	vmul.f32 v30, v25;
	v30 =	vld [tilespmem:s16+$0x1B560]  }
0x1d7: {  	[tilespmem:s16+$0x1D4A0] =	vst v20;
	v20 =	vmul.f32 v33, v26;
	v26 =	vmul.f32 v34, v26;
	v32 =	vld [tilespmem:s16+$0x1B570]  }
0x1d8: {  	[tilespmem:s16+$0x1D4B0] =	vst v21;
	v17 =	vadd.f32 v17, v22;
	v16 =	vadd.f32 v16, v25;
	v21 =	vmul.f32 v29, v23;
	v22 =	vld [tilespmem:s16+$0x1B580]  }
0x1d9: {  	[tilespmem:s16+$0x1D4C0] =	vst v19;
	v15 =	vadd.f32 v15, v20;
	v14 =	vadd.f32 v14, v26;
	v19 =	vmul.f32 v27, v23;
	v20 =	vld [tilespmem:s16+$0x1B590]  }
0x1da: {  	[tilespmem:s16+$0x1D4D0] =	vst v18;
	v13 =	vadd.f32 v13, v21;
	v18 =	vmul.f32 v28, v24;
	v21 =	vmul.f32 v31, v24;
	v23 =	vld [tilespmem:s16+$0x1B5A0]  }
0x1db: {  	[tilespmem:s16+$0x1D4E0] =	vst v17;
	v12 =	vadd.f32 v12, v19;
	v17 =	vbroadcast v9, $0xB;
	v19 =	vbroadcast v9, $0xC;
	v24 =	vld [tilespmem:s16+$0x1B5B0]  }
0x1dc: {  	[tilespmem:s16+$0x1D4F0] =	vst v16;
	v11 =	vadd.f32 v11, v18;
	v10 =	vadd.f32 v10, v21;
	v16 =	vbroadcast v9, $0xD;
	v18 =	vld [tilespmem:s16+$0x1B5C0]  }
0x1dd: {  	[tilespmem:s16+$0x1D500] =	vst v15;
	v15 =	vmul.f32 v30, v17;
	v17 =	vmul.f32 v32, v17;
	v21 =	vld [tilespmem:s16+$0x1B5D0]  }
0x1de: {  	[tilespmem:s16+$0x1D510] =	vst v14;
	v14 =	vmul.f32 v22, v19;
	v19 =	vmul.f32 v20, v19;
	v20 =	vld [tilespmem:s16+$0x1B5E0]  }
0x1df: {  	[tilespmem:s16+$0x1D520] =	vst v13;
	v8 =	vadd.f32 v8, v15;
	v7 =	vadd.f32 v7, v17;
	v13 =	vmul.f32 v23, v16;
	v15 =	vld [tilespmem:s16+$0x1B5F0]  }
0x1e0: {  	[tilespmem:s16+$0x1D530] =	vst v12;
	v6 =	vadd.f32 v6, v14;
	v5 =	vadd.f32 v5, v19;
	v12 =	vmul.f32 v24, v16;
	v14 =	vld [tilespmem:s16+$0x1C5E0]  }
0x1e1: {  	s22 =	sshra.s32 s24, $0x2;
	[tilespmem:s16+$0x1D540] =	vst v11;
	v4 =	vadd.f32 v4, v13;
	v11 =	vbroadcast v9, $0xE;
	v9 =	vbroadcast v9, $0xF;
	v13 =	vld [tilespmem:s16+$0x1C5F0]  }
0x1e2: {  	v30 =	vld [tilespmem:s22+$0x1C400];
	[tilespmem:s16+$0x1D550] =	vst v10;
	v3 =	vadd.f32 v3, v12  }
0x1e3: {  	v31 =	vld [tilespmem:s22+$0x1C410];
	[tilespmem:s16+$0x1D560] =	vst v8;
	v8 =	vmul.f32 v18, v11;
	v10 =	vmul.f32 v21, v11  }
0x1e4: {  	v28 =	vld [tilespmem:s22+$0x1C420];
	[tilespmem:s16+$0x1D570] =	vst v7;
	v7 =	vmul.f32 v20, v9;
	v9 =	vmul.f32 v15, v9  }
0x1e5: {  	v29 =	vld [tilespmem:s22+$0x1C430];
	[tilespmem:s16+$0x1D580] =	vst v6;
	v2 =	vadd.f32 v2, v8;
	v1 =	vadd.f32 v1, v10  }
0x1e6: {  	v27 =	vld [tilespmem:s22+$0x1C440];
	[tilespmem:s16+$0x1D590] =	vst v5;
	v5 =	vadd.f32 v14, v7;
	v6 =	vadd.f32 v13, v9  }
0x1e7: {  	v26 =	vld [tilespmem:s22+$0x1C450];
	[tilespmem:s16+$0x1D5A0] =	vst v4  }
0x1e8: {  	v24 =	vld [tilespmem:s22+$0x1C460];
	[tilespmem:s16+$0x1D5B0] =	vst v3  }
0x1e9: {  	v25 =	vld [tilespmem:s22+$0x1C470];
	[tilespmem:s16+$0x1D5C0] =	vst v2  }
0x1ea: {  	v23 =	vld [tilespmem:s22+$0x1C480];
	[tilespmem:s16+$0x1D5D0] =	vst v1  }
0x1eb: {  	v22 =	vld [tilespmem:s22+$0x1C490];
	[tilespmem:s16+$0x1D5E0] =	vst v5  }
0x1ec: {  	v20 =	vld [tilespmem:s22+$0x1C4A0];
	[tilespmem:s16+$0x1D5F0] =	vst v6;
	s16 =	smov.u32 s22  }
0x1ed: {  	v21 =	vld [tilespmem:s16+$0x1C4B0]  }
0x1ee: {  	v19 =	vld [tilespmem:s16+$0x1C4C0]  }
0x1ef: {  	v18 =	vld [tilespmem:s16+$0x1C4D0]  }
0x1f0: {  	v17 =	vld [tilespmem:s16+$0x1C4E0]  }
0x1f1: {  	v16 =	vld [tilespmem:s16+$0x1C4F0]  }
0x1f2: {  	v15 =	vld [tilespmem:s16+$0x1C500]  }
0x1f3: {  	v14 =	vld [tilespmem:s16+$0x1C510]  }
0x1f4: {  	v13 =	vld [tilespmem:s16+$0x1C520]  }
0x1f5: {  	v12 =	vld [tilespmem:s16+$0x1C530]  }
0x1f6: {  	v11 =	vld [tilespmem:s16+$0x1C540]  }
0x1f7: {  	v10 =	vld [tilespmem:s16+$0x1C550]  }
0x1f8: {  	v8 =	vld [tilespmem:s16+$0x1C560]  }
0x1f9: {  	v7 =	vld [tilespmem:s16+$0x1C570]  }
0x1fa: {  	v6 =	vld [tilespmem:s16+$0x1C580]  }
0x1fb: {  	v5 =	vld [tilespmem:s16+$0x1C590]  }
0x1fc: {  	v4 =	vld [tilespmem:s16+$0x1C5A0]  }
0x1fd: {  	v3 =	vld [tilespmem:s16+$0x1C5B0]  }
0x1fe: {  	v2 =	vld [tilespmem:s16+$0x1C5C0]  }
.Ltmp10:
0x1ff: {  	v1 =	vld [tilespmem:s16+$0x1C5D0];
	(pc) =	sbr.rel @p0 .LBB2_23-.Ltmp10, $4  }
0x200: {  	v34 =	vld [tilespmem:s16+$0x1B400]  }
0x201: {  	v33 =	vld [tilespmem:s16+$0x1B410]  }
0x202: {  	s23 =	sadd.s32 $0x10, s23;
	v32 =	vld [tilespmem:s16+$0x1B420]  }
0x203: {  	s24 =	sadd.s32 $0x800, s24;
	v9 =	vld [tilespmem:s23+$0x0]  }
0x204: {  	_ =	sdelay $0x1  }
0x205: {  	v35 =	vld [tilespmem:s16+$0x1B430]  }
0x206: {  	v36 =	vld [tilespmem:s16+$0x1B440]  }
0x207: {  	v37 =	vld [tilespmem:s16+$0x1B450];
	v39 =	vbroadcast v9, $0x0  }
0x208: {  	v38 =	vld [tilespmem:s16+$0x1B460]  }
0x209: {  	v40 =	vld [tilespmem:s16+$0x1B470];
	v44 =	vbroadcast v9, $0x1;
	v34 =	vmul.f32 v39, v34  }
0x20a: {  	v41 =	vld [tilespmem:s16+$0x1B480];
	v33 =	vmul.f32 v33, v39  }
0x20b: {  	v42 =	vld [tilespmem:s16+$0x1B490];
	v0 =	vbroadcast v9, $0x2;
	v32 =	vmul.f32 v32, v44;
	v30 =	vadd.f32 v30, v34  }
0x20c: {  	v43 =	vld [tilespmem:s16+$0x1B4A0];
	v47 =	vbroadcast v9, $0x3;
	v35 =	vmul.f32 v35, v44;
	v31 =	vadd.f32 v31, v33  }
0x20d: {  	v62 =	vld [tilespmem:s16+$0x1B4B0];
	v45 =	vmul.f32 v36, v0;
	v28 =	vadd.f32 v28, v32;
	[tilespmem:s16+$0x1D400] =	vst v30  }
0x20e: {  	v63 =	vld [tilespmem:s16+$0x1B4C0];
	v52 =	vbroadcast v9, $0x4;
	v49 =	vmul.f32 v38, v47;
	v29 =	vadd.f32 v29, v35;
	[tilespmem:s16+$0x1D410] =	vst v31  }
0x20f: {  	v46 =	vld [tilespmem:s16+$0x1B4F0];
	v56 =	vbroadcast v9, $0x5;
	v51 =	vmul.f32 v40, v47;
	v27 =	vadd.f32 v27, v45;
	[tilespmem:s16+$0x1D420] =	vst v28  }
0x210: {  	v48 =	vld [tilespmem:s16+$0x1B500];
	v54 =	vmul.f32 v41, v52;
	v24 =	vadd.f32 v24, v49;
	[tilespmem:s16+$0x1D430] =	vst v29  }
0x211: {  	v50 =	vld [tilespmem:s16+$0x1B510];
	v58 =	vmul.f32 v43, v56;
	v25 =	vadd.f32 v25, v51;
	[tilespmem:s16+$0x1D440] =	vst v27  }
0x212: {  	v53 =	vld [tilespmem:s16+$0x1B520];
	v33 =	vmul.f32 v37, v0;
	v23 =	vadd.f32 v23, v54;
	[tilespmem:s16+$0x1D460] =	vst v24  }
0x213: {  	v55 =	vld [tilespmem:s16+$0x1B530];
	v60 =	vbroadcast v9, $0x6;
	v35 =	vmul.f32 v42, v52;
	v20 =	vadd.f32 v20, v58;
	[tilespmem:s16+$0x1D470] =	vst v25  }
0x214: {  	v57 =	vld [tilespmem:s16+$0x1B540];
	v0 =	vbroadcast v9, $0x7;
	v26 =	vadd.f32 v26, v33;
	[tilespmem:s16+$0x1D480] =	vst v23;
	v33 =	vmul.f32 v62, v56  }
0x215: {  	v59 =	vld [tilespmem:s16+$0x1B550];
	v39 =	vbroadcast v9, $0x8;
	v22 =	vadd.f32 v22, v35;
	v62 =	vmul.f32 v63, v60;
	[tilespmem:s16+$0x1D4A0] =	vst v20  }
0x216: {  	v61 =	vld [tilespmem:s16+$0x1B560];
	v28 =	vmul.f32 v46, v0;
	[tilespmem:s16+$0x1D450] =	vst v26;
	v21 =	vadd.f32 v21, v33  }
0x217: {  	v44 =	vld [tilespmem:s16+$0x1B4E0];
	v42 =	vbroadcast v9, $0x9;
	v29 =	vmul.f32 v48, v39;
	[tilespmem:s16+$0x1D490] =	vst v22;
	v19 =	vadd.f32 v19, v62  }
0x218: {  	v36 =	vld [tilespmem:s16+$0x1B580];
	v45 =	vbroadcast v9, $0xA;
	v27 =	vmul.f32 v50, v39;
	v16 =	vadd.f32 v16, v28;
	[tilespmem:s16+$0x1D4B0] =	vst v21  }
0x219: {  	v40 =	vld [tilespmem:s16+$0x1B5A0];
	v24 =	vmul.f32 v55, v42;
	v15 =	vadd.f32 v15, v29;
	[tilespmem:s16+$0x1D4C0] =	vst v19  }
0x21a: {  	v41 =	vld [tilespmem:s16+$0x1B5B0];
	v25 =	vmul.f32 v57, v45;
	v14 =	vadd.f32 v14, v27;
	[tilespmem:s16+$0x1D4F0] =	vst v16  }
0x21b: {  	v38 =	vld [tilespmem:s16+$0x1B590];
	v49 =	vbroadcast v9, $0xC;
	v23 =	vmul.f32 v59, v45;
	v12 =	vadd.f32 v12, v24;
	[tilespmem:s16+$0x1D500] =	vst v15  }
0x21c: {  	v43 =	vld [tilespmem:s16+$0x1B5C0];
	v51 =	vbroadcast v9, $0xD;
	v37 =	vmul.f32 v44, v0;
	v11 =	vadd.f32 v11, v25;
	[tilespmem:s16+$0x1D510] =	vst v14  }
0x21d: {  	v30 =	vld [tilespmem:s16+$0x1B4D0];
	v52 =	vmul.f32 v36, v49;
	v10 =	vadd.f32 v10, v23;
	[tilespmem:s16+$0x1D530] =	vst v12  }
0x21e: {  	v63 =	vld [tilespmem:s16+$0x1B570];
	v54 =	vmul.f32 v40, v51;
	v17 =	vadd.f32 v17, v37;
	[tilespmem:s16+$0x1D540] =	vst v11  }
0x21f: {  	v47 =	vbroadcast v9, $0xB;
	v46 =	vld [tilespmem:s16+$0x1B5E0];
	v56 =	vmul.f32 v41, v51;
	v6 =	vadd.f32 v6, v52;
	[tilespmem:s16+$0x1D550] =	vst v10  }
0x220: {  	v48 =	vld [tilespmem:s16+$0x1B5F0];
	v55 =	vbroadcast v9, $0xE;
	v26 =	vmul.f32 v53, v42;
	v4 =	vadd.f32 v4, v54;
	[tilespmem:s16+$0x1D4E0] =	vst v17  }
0x221: {  	v50 =	vld [tilespmem:s16+$0x1C5E0];
	v22 =	vmul.f32 v61, v47;
	v3 =	vadd.f32 v3, v56;
	[tilespmem:s16+$0x1D580] =	vst v6  }
0x222: {  	v44 =	vld [tilespmem:s16+$0x1B5D0];
	v58 =	vmul.f32 v43, v55;
	v13 =	vadd.f32 v13, v26;
	[tilespmem:s16+$0x1D5A0] =	vst v4  }
0x223: {  	v57 =	vbroadcast v9, $0xF;
	v53 =	vld [tilespmem:s16+$0x1C5F0];
	v8 =	vadd.f32 v8, v22;
	v12 =	vmul.f32 v38, v49;
	[tilespmem:s16+$0x1D5B0] =	vst v3  }
0x224: {  	v2 =	vadd.f32 v2, v58;
	v30 =	vmul.f32 v30, v60;
	[tilespmem:s16+$0x1D520] =	vst v13  }
0x225: {  	v60 =	vmul.f32 v46, v57;
	[tilespmem:s16+$0x1D560] =	vst v8;
	v5 =	vadd.f32 v5, v12  }
0x226: {  	v61 =	vmul.f32 v48, v57;
	[tilespmem:s16+$0x1D5C0] =	vst v2;
	v18 =	vadd.f32 v18, v30  }
0x227: {  	v13 =	vmul.f32 v63, v47;
	v62 =	vadd.f32 v50, v60;
	[tilespmem:s16+$0x1D590] =	vst v5  }
0x228: {  	v59 =	vmul.f32 v44, v55;
	v63 =	vadd.f32 v53, v61;
	[tilespmem:s16+$0x1D4D0] =	vst v18  }
0x229: {  	v7 =	vadd.f32 v7, v13;
	[tilespmem:s16+$0x1D5E0] =	vst v62  }
0x22a: {  	s7 =	sadd.s32 $0x1, s7;
	v1 =	vadd.f32 v1, v59;
	[tilespmem:s16+$0x1D5F0] =	vst v63  }
0x22b: {  	p0 =	sne.s32 s7, $0x19;
	[tilespmem:s16+$0x1D570] =	vst v7  }
.Ltmp11:
0x22c: {  	s9 =	sadd.s32 s9, s19;
	[tilespmem:s16+$0x1D5D0] =	vst v1;
	(pc) =	sbr.rel @p0 .LBB2_22-.Ltmp11, $4  }
0x22d: {  	[hbm4b:s9+s2] =	stream.linear.scatter [tilespmem:s25], [sflag:$0x2], $0x1000, $0x38;
	[tilespmem:$0x1F480] =	vst v63  }
0x22e: {  	_ =	swait.ge [sflag:s28], $0x1000  }
0x22f: {  	[sflag:s28] =	ssyncset.done $0x0  }
0x230: {  	[sflag:s28] =	ssyncadd.s32 $0xFFFFF000  }
0x231: {  	[bflag:$0x0] =	sbarrier.arrive $0xFFFF;
	s6 =	simm.s32 $0x0;
	s7 =	simm.s32 $0x0  }
.LBB2_26:
0x232: {  	s9 =	sshll.u32 s7, $0xA  }
0x233: {  	s9 =	sadd.s32 s11, s9  }
0x234: {  	s9 =	sshrl.u32 s9, $0x3  }
0x235: {  	s22 =	simm.s32 $0x19000;
	s16 =	sadd.s32 s3, s9  }
0x236: {  	[tilespmem:s22], [sflag:$0x2] =	stream.linear.gather [hbm4b:s16+s6], $0x400, $0x38;
	[tilespmem:$0x1F480] =	vst v63  }
0x237: {  	_ =	swait.ge [sflag:s28], $0x400  }
0x238: {  	[sflag:s28] =	ssyncset.done $0x0  }
0x239: {  	s25 =	sadd.s32 s4, s9;
	[sflag:s28] =	ssyncadd.s32 $0xFFFFFC00  }
0x23a: {  	[tilespmem:s30], [sflag:$0x2] =	stream.linear.gather [hbm4b:s25+s6], $0x400, $0x38;
	[tilespmem:$0x1F480] =	vst v63  }
0x23b: {  	_ =	swait.ge [sflag:s28], $0x400  }
0x23c: {  	[sflag:s28] =	ssyncset.done $0x0  }
0x23d: {  	s29 =	sadd.s32 s5, s9;
	s9 =	simm.s32 $0x19800;
	[sflag:s28] =	ssyncadd.s32 $0xFFFFFC00  }
0x23e: {  	[tilespmem:s9], [sflag:$0x2] =	stream.linear.gather [hbm4b:s29+s6], $0x400, $0x38;
	[tilespmem:$0x1F480] =	vst v63  }
0x23f: {  	_ =	swait.ge [sflag:s28], $0x400  }
0x240: {  	[sflag:s28] =	ssyncset.done $0x0  }
0x241: {  	s16 =	simm.s32 $0x0;
	[sflag:s28] =	ssyncadd.s32 $0xFFFFFC00  }
.LBB2_27:
0x242: {  	s23 =	sshll.u32 s16, $0x7  }
0x243: {  	s22 =	sadd.s32 $0x19400, s23  }
0x244: {  	[tilespmem:s0], [sflag:$0x1] =	stream.indirect.gather [hbm4b:s19+s31], $0x20, s22, s31, $0xb8;
	[tilespmem:$0x1F480] =	vst v63  }
0x245: {  	_ =	swait.ge [sflag:s8], $0x1000  }
0x246: {  	[sflag:s8] =	ssyncset.done $0x0  }
0x247: {  	s24 =	simm.s32 $0x19D00;
	[sflag:s8] =	ssyncadd.s32 $0xFFFFF000  }
0x248: {  	v7 =	vld [tilespmem:s24+$0xFFFFFFA0]  }
0x249: {  	v4 =	vld [tilespmem:s24+$0xFFFFFFF0]  }
0x24a: {  	v1 =	vld [tilespmem:s24+$0xFFFFFF60]  }
0x24b: {  	v5 =	vmov s9;
	v8 =	vld [tilespmem:s24+$0xFFFFFFD0]  }
0x24c: {  	v9 =	vld [tilespmem:s24+$0x80]  }
0x24d: {  	v12 =	vld [tilespmem:s24+$0xFFFFFF10]  }
0x24e: {  	v16 =	vld [tilespmem:s24+$0xE0]  }
0x24f: {  	s29 =	simm.s32 $0x0;
	v11 =	vld [tilespmem:s24+$0xFFFFFF40]  }
0x250: {  	v2 =	vld.idx.msk [tilespmem:v5+s29+$0x0 ss:$0x1], $0xffff  }
0x251: {  	v3 =	vld [tilespmem:s24+$0xFFFFFF90]  }
0x252: {  	v10 =	vld [tilespmem:s24+$0xFFFFFFC0]  }
0x253: {  	v13 =	vld [tilespmem:s24+$0xFFFFFF00]  }
0x254: {  	v14 =	vld [tilespmem:s24+$0xD0]  }
0x255: {  	v23 =	vld [tilespmem:s24+$0xC0]  }
0x256: {  	v21 =	vld [tilespmem:s24+$0x90];
	v19 =	vbroadcast v2, $0x0;
	v6 =	vbroadcast v2, $0xF  }
0x257: {  	v22 =	vld [tilespmem:s24+$0xFFFFFF50];
	v20 =	vbroadcast v2, $0x2;
	v18 =	vbroadcast v2, $0xE  }
0x258: {  	v17 =	vld [tilespmem:s24+$0xB0];
	v15 =	vbroadcast v2, $0xC;
	v25 =	vmul.f32 v19, v13  }
0x259: {  	s25 =	simm.s32 $0x40;
	s22 =	simm.s32 $0x19D00;
	v13 =	vbroadcast v2, $0xD;
	v24 =	vmul.f32 v11, v20;
	v11 =	vld [tilespmem:s24+$0x60]  }
.LBB2_28:
0x25a: {  	p0 =	sne.s32 s25, $0x1C0  }
0x25b: {  	[tilespmem:s24+$0xFFFFFF00] =	vst v25;
	v25 =	vld [tilespmem:s24+$0xFFFFFFB0];
	v23 =	vmul.f32 v23, v18;
	v16 =	vmul.f32 v16, v6;
	s22 =	sadd.s32 $0x200, s22;
	s29 =	smov.u32 s25;
	s25 =	sadd.s32 $0x40, s25  }
0x25c: {  	[tilespmem:s24+$0xFFFFFF40] =	vst v24;
	v24 =	vbroadcast v2, $0xA;
	v21 =	vmul.f32 v21, v15;
	v26 =	vld [tilespmem:s24+$0xA0]  }
0x25d: {  	v12 =	vmul.f32 v12, v19;
	v19 =	vmul.f32 v22, v20;
	v20 =	vld [tilespmem:s24+$0x70];
	[tilespmem:s24+$0xE0] =	vst v16  }
0x25e: {  	v16 =	vbroadcast v2, $0x5;
	v22 =	vld [tilespmem:s24+$0xFFFFFFE0];
	v17 =	vmul.f32 v17, v13;
	[tilespmem:s24+$0xC0] =	vst v23  }
0x25f: {  	v14 =	vmul.f32 v14, v18;
	[tilespmem:s24+$0xFFFFFF10] =	vst v12;
	v12 =	vbroadcast v2, $0x6;
	v23 =	vld [tilespmem:s24+$0x40]  }
0x260: {  	v27 =	vbroadcast v2, $0xB;
	v7 =	vmul.f32 v7, v16;
	v18 =	vld [tilespmem:s24+$0xFFFFFF20];
	[tilespmem:s24+$0x90] =	vst v21  }
0x261: {  	v21 =	vbroadcast v2, $0x9;
	[tilespmem:s24+$0xFFFFFF50] =	vst v19;
	v19 =	vld [tilespmem:s24+$0x20];
	v13 =	vmul.f32 v26, v13  }
0x262: {  	v16 =	vmul.f32 v25, v16;
	v25 =	vld [tilespmem:s24+$0x50];
	v20 =	vmul.f32 v20, v27;
	[tilespmem:s24+$0xD0] =	vst v14  }
0x263: {  	v9 =	vmul.f32 v9, v15;
	v14 =	vbroadcast v2, $0x7;
	v26 =	vld [tilespmem:s24+$0x30];
	[tilespmem:s24+$0xA0] =	vst v13  }
0x264: {  	v10 =	vmul.f32 v10, v12;
	v13 =	vbroadcast v2, $0x3;
	v15 =	vld [tilespmem:s24+$0x0];
	[tilespmem:s24+$0x70] =	vst v20  }
0x265: {  	v11 =	vmul.f32 v11, v27;
	v8 =	vmul.f32 v8, v12;
	v12 =	vld [tilespmem:s24+$0x10];
	[tilespmem:s24+$0x80] =	vst v9  }
0x266: {  	v20 =	vbroadcast v2, $0x8;
	v23 =	vmul.f32 v23, v24;
	v9 =	vld [tilespmem:s24+$0xFFFFFF30];
	[tilespmem:s24+$0xB0] =	vst v17  }
0x267: {  	v17 =	vbroadcast v2, $0x1;
	v27 =	vld [tilespmem:s24+$0xFFFFFF70];
	[tilespmem:s24+$0xFFFFFFD0] =	vst v8;
	v24 =	vmul.f32 v25, v24  }
0x268: {  	v4 =	vmul.f32 v4, v14;
	v8 =	vmul.f32 v22, v14;
	[tilespmem:s24+$0xFFFFFFC0] =	vst v10;
	v10 =	vld [tilespmem:s24+$0xF0]  }
0x269: {  	v22 =	vmul.f32 v26, v21;
	v14 =	vld [tilespmem:s24+$0xFFFFFF80];
	[tilespmem:s24+$0xFFFFFFA0] =	vst v7;
	v15 =	vmul.f32 v15, v20  }
0x26a: {  	v7 =	vld [tilespmem:s22+$0xFFFFFFA0];
	[tilespmem:s24+$0xFFFFFFF0] =	vst v4;
	v20 =	vmul.f32 v12, v20;
	v12 =	vmul.f32 v19, v21  }
0x26b: {  	v4 =	vmul.f32 v18, v17;
	v17 =	vmul.f32 v9, v17;
	[tilespmem:s24+$0x60] =	vst v11  }
0x26c: {  	v1 =	vmul.f32 v1, v13;
	v9 =	vmul.f32 v27, v13;
	[tilespmem:s24+$0xFFFFFFB0] =	vst v16  }
0x26d: {  	v2 =	vbroadcast v2, $0x4;
	[tilespmem:s24+$0xFFFFFF20] =	vst v4;
	v4 =	vmul.f32 v10, v6  }
0x26e: {  	[tilespmem:s24+$0xFFFFFF60] =	vst v1  }
0x26f: {  	v6 =	vmul.f32 v14, v2;
	v1 =	vmul.f32 v3, v2;
	[tilespmem:s24+$0x40] =	vst v23  }
0x270: {  	[tilespmem:s24+$0xFFFFFFE0] =	vst v8  }
0x271: {  	[tilespmem:s24+$0xF0] =	vst v4  }
0x272: {  	[tilespmem:s24+$0xFFFFFF90] =	vst v1  }
0x273: {  	[tilespmem:s24+$0xFFFFFF70] =	vst v9  }
0x274: {  	v4 =	vld [tilespmem:s22+$0xFFFFFFF0];
	[tilespmem:s24+$0x20] =	vst v12  }
0x275: {  	v1 =	vld [tilespmem:s22+$0xFFFFFF60];
	[tilespmem:s24+$0x30] =	vst v22  }
0x276: {  	v8 =	vld [tilespmem:s22+$0xFFFFFFD0];
	[tilespmem:s24+$0xFFFFFF80] =	vst v6  }
0x277: {  	v9 =	vld [tilespmem:s22+$0x80];
	[tilespmem:s24+$0x50] =	vst v24  }
0x278: {  	v12 =	vld [tilespmem:s22+$0xFFFFFF10];
	[tilespmem:s24+$0x0] =	vst v15  }
0x279: {  	v16 =	vld [tilespmem:s22+$0xE0];
	[tilespmem:s24+$0xFFFFFF30] =	vst v17  }
0x27a: {  	s29 =	sshra.s32 s29, $0x2;
	v11 =	vld [tilespmem:s22+$0xFFFFFF40];
	[tilespmem:s24+$0x10] =	vst v20;
	s24 =	smov.u32 s22  }
0x27b: {  	v2 =	vld.idx.msk [tilespmem:v5+s29+$0x0 ss:$0x1], $0xffff  }
0x27c: {  	v3 =	vld [tilespmem:s22+$0xFFFFFF90]  }
0x27d: {  	v10 =	vld [tilespmem:s22+$0xFFFFFFC0]  }
0x27e: {  	v13 =	vld [tilespmem:s22+$0xFFFFFF00]  }
0x27f: {  	v14 =	vld [tilespmem:s22+$0xD0]  }
.Ltmp12:
0x280: {  	v23 =	vld [tilespmem:s22+$0xC0];
	(pc) =	sbr.rel @p0 .LBB2_28-.Ltmp12, $4  }
0x281: {  	v19 =	vbroadcast v2, $0x0;
	v6 =	vbroadcast v2, $0xF;
	v21 =	vld [tilespmem:s22+$0x90]  }
0x282: {  	v20 =	vbroadcast v2, $0x2;
	v18 =	vbroadcast v2, $0xE;
	v22 =	vld [tilespmem:s22+$0xFFFFFF50]  }
0x283: {  	v25 =	vmul.f32 v19, v13;
	v13 =	vbroadcast v2, $0xD;
	v17 =	vld [tilespmem:s22+$0xB0]  }
0x284: {  	v15 =	vbroadcast v2, $0xC;
	v24 =	vmul.f32 v11, v20;
	v11 =	vld [tilespmem:s22+$0x60]  }
0x285: {  	[tilespmem:s24+$0xFFFFFF00] =	vst v25;
	v5 =	vmul.f32 v16, v6  }
0x286: {  	v0 =	vmul.f32 v23, v18;
	[tilespmem:s24+$0xFFFFFF40] =	vst v24  }
0x287: {  	v12 =	vmul.f32 v12, v19;
	[tilespmem:s24+$0xE0] =	vst v5  }
0x288: {  	v28 =	vmul.f32 v14, v18;
	[tilespmem:s24+$0xC0] =	vst v0  }
0x289: {  	v26 =	vmul.f32 v21, v15;
	[tilespmem:s24+$0xFFFFFF10] =	vst v12  }
0x28a: {  	v34 =	vbroadcast v2, $0x6;
	v9 =	vmul.f32 v9, v15;
	[tilespmem:s24+$0xD0] =	vst v28  }
0x28b: {  	v20 =	vmul.f32 v22, v20;
	[tilespmem:s24+$0x90] =	vst v26  }
0x28c: {  	v38 =	vbroadcast v2, $0x5;
	v8 =	vmul.f32 v8, v34;
	[tilespmem:s24+$0x80] =	vst v9  }
0x28d: {  	v40 =	vbroadcast v2, $0x7;
	v10 =	vmul.f32 v10, v34;
	[tilespmem:s24+$0xFFFFFF50] =	vst v20  }
0x28e: {  	v47 =	vbroadcast v2, $0x3;
	v7 =	vmul.f32 v7, v38;
	[tilespmem:s24+$0xFFFFFFD0] =	vst v8  }
0x28f: {  	v25 =	vld [tilespmem:s24+$0x70];
	v52 =	vbroadcast v2, $0x4;
	v4 =	vmul.f32 v4, v40;
	[tilespmem:s24+$0xFFFFFFC0] =	vst v10  }
0x290: {  	v27 =	vld [tilespmem:s24+$0xFFFFFFB0];
	v1 =	vmul.f32 v1, v47;
	[tilespmem:s24+$0xFFFFFFA0] =	vst v7  }
0x291: {  	v29 =	vld [tilespmem:s24+$0xFFFFFF20];
	v30 =	vbroadcast v2, $0xB;
	v3 =	vmul.f32 v3, v52;
	[tilespmem:s24+$0xFFFFFFF0] =	vst v4  }
0x292: {  	v33 =	vld [tilespmem:s24+$0x40];
	v36 =	vmul.f32 v17, v13;
	[tilespmem:s24+$0xFFFFFF60] =	vst v1  }
0x293: {  	v31 =	vld [tilespmem:s24+$0xFFFFFFE0];
	v11 =	vmul.f32 v11, v30;
	[tilespmem:s24+$0xFFFFFF90] =	vst v3  }
0x294: {  	v45 =	vbroadcast v2, $0x1;
	v48 =	vld [tilespmem:s24+$0xF0];
	v19 =	vmul.f32 v25, v30;
	[tilespmem:s24+$0xB0] =	vst v36  }
0x295: {  	v42 =	vld [tilespmem:s24+$0xFFFFFF70];
	v49 =	vbroadcast v2, $0xA;
	v46 =	vmul.f32 v27, v38;
	[tilespmem:s24+$0x60] =	vst v11  }
0x296: {  	v37 =	vld [tilespmem:s24+$0x20];
	v14 =	vmul.f32 v29, v45;
	[tilespmem:s24+$0x70] =	vst v19  }
0x297: {  	v39 =	vld [tilespmem:s24+$0x30];
	v51 =	vmul.f32 v33, v49;
	[tilespmem:s24+$0xFFFFFFB0] =	vst v46  }
0x298: {  	v43 =	vld [tilespmem:s24+$0xFFFFFF80];
	v5 =	vmul.f32 v31, v40;
	[tilespmem:s24+$0xFFFFFF20] =	vst v14  }
0x299: {  	v35 =	vld [tilespmem:s24+$0x50];
	v54 =	vbroadcast v2, $0x9;
	v53 =	vmul.f32 v48, v6;
	[tilespmem:s24+$0x40] =	vst v51  }
0x29a: {  	v41 =	vld [tilespmem:s24+$0x0];
	v55 =	vmul.f32 v42, v47;
	[tilespmem:s24+$0xFFFFFFE0] =	vst v5  }
0x29b: {  	v50 =	vld [tilespmem:s24+$0xFFFFFF30];
	v56 =	vmul.f32 v37, v54;
	[tilespmem:s24+$0xF0] =	vst v53  }
0x29c: {  	v44 =	vld [tilespmem:s24+$0x10];
	v57 =	vmul.f32 v39, v54;
	[tilespmem:s24+$0xFFFFFF70] =	vst v55  }
0x29d: {  	v58 =	vbroadcast v2, $0x8;
	v24 =	vld [tilespmem:s24+$0xA0];
	v59 =	vmul.f32 v43, v52;
	[tilespmem:s24+$0x20] =	vst v56  }
0x29e: {  	v60 =	vmul.f32 v35, v49;
	[tilespmem:s24+$0x30] =	vst v57  }
0x29f: {  	v61 =	vmul.f32 v41, v58;
	[tilespmem:s24+$0xFFFFFF80] =	vst v59  }
0x2a0: {  	v62 =	vmul.f32 v50, v45;
	[tilespmem:s24+$0x50] =	vst v60  }
0x2a1: {  	v63 =	vmul.f32 v44, v58;
	[tilespmem:s24+$0x0] =	vst v61  }
0x2a2: {  	s16 =	sadd.s32 $0x1, s16;
	v32 =	vmul.f32 v24, v13;
	[tilespmem:s24+$0xFFFFFF30] =	vst v62  }
0x2a3: {  	p0 =	sne.s32 s16, $0x8;
	[tilespmem:s24+$0x10] =	vst v63  }
.Ltmp13:
0x2a4: {  	s22 =	sadd.s32 $0x19000, s23;
	[tilespmem:s24+$0xA0] =	vst v32;
	(pc) =	sbr.rel @p0 .LBB2_27-.Ltmp13, $4  }
0x2a5: {  	[spmem:s1] =	stream.indirect.scatter.add.f32 [tilespmem:s0], [sflag:$0x2], $0x20, s22, s31, $0xb8;
	[tilespmem:$0x1F480] =	vst v63  }
0x2a6: {  	_ =	swait.ge [sflag:s28], $0x1000  }
0x2a7: {  	[sflag:s28] =	ssyncset.done $0x0  }
0x2a8: {  	s9 =	sadd.s32 $0x80, s9;
	[sflag:s28] =	ssyncadd.s32 $0xFFFFF000  }
0x2a9: {  	s7 =	sadd.s32 $0x1, s7  }
0x2aa: {  	p0 =	sne.s32 s7, $0x32  }
.Ltmp14:
0x2ab: {  	_ = 	snop;
	(pc) =	sbr.rel @p0 .LBB2_26-.Ltmp14, $1  }
0x2ac: {  	_ =	sdelay $0x3  }
0x2ad: {  	[bflag:$0x0] =	sbarrier.arrive $0xFFFF  }
0x2ae: {  	s6 =	simm.s32 $0x0;
	s7 =	simm.s32 $0x0;
	s29 =	simm.s32 $0x1D400  }
.LBB2_32:
0x2af: {  	s9 =	sshll.u32 s7, $0xC  }
0x2b0: {  	s9 =	sadd.s32 s14, s9  }
0x2b1: {  	s16 =	sadd.s32 s9, s1  }
0x2b2: {  	[tilespmem:s21], [sflag:$0x2] =	stream.linear.gather [spmem:s16], $0x1000, $0x38;
	[tilespmem:$0x1F480] =	vst v63  }
0x2b3: {  	_ =	swait.ge [sflag:s28], $0x1000  }
0x2b4: {  	[sflag:s28] =	ssyncset.done $0x0  }
0x2b5: {  	[sflag:s28] =	ssyncadd.s32 $0xFFFFF000  }
0x2b6: {  	[spmem:s16] =	stream.linear.scatter [tilespmem:s26], [sflag:$0x2], $0x1000, $0x38;
	[tilespmem:$0x1F480] =	vst v63  }
0x2b7: {  	s23 =	sadd.s32 s15, s7;
	_ =	swait.ge [sflag:s28], $0x1000  }
0x2b8: {  	s16 =	sshll.u32 s23, $0x4;
	[sflag:s28] =	ssyncset.done $0x0  }
0x2b9: {  	s23 =	simm.s32 $0x1E400;
	s16 =	sadd.s32 s10, s16;
	[sflag:s28] =	ssyncadd.s32 $0xFFFFF000  }
0x2ba: {  	[tilespmem:s23], [sflag:$0x2] =	stream.linear.gather [hbm4b:s16+s6], $0x80, $0x38;
	[tilespmem:$0x1F480] =	vst v63  }
0x2bb: {  	_ =	swait.ge [sflag:s28], $0x80  }
0x2bc: {  	s9 =	sshrl.u32 s9, $0x3;
	[sflag:s28] =	ssyncset.done $0x0  }
0x2bd: {  	s22 =	simm.s32 $0x1C400;
	s24 =	sadd.s32 s9, s19;
	[sflag:s28] =	ssyncadd.s32 $0xFFFFFF80  }
0x2be: {  	[tilespmem:s22], [sflag:$0x2] =	stream.linear.gather [hbm4b:s24+s6], $0x1000, $0x38;
	[tilespmem:$0x1F480] =	vst v63  }
0x2bf: {  	_ =	swait.ge [sflag:s28], $0x1000  }
0x2c0: {  	[sflag:s28] =	ssyncset.done $0x0  }
0x2c1: {  	s25 =	sadd.s32 s9, s17;
	[sflag:s28] =	ssyncadd.s32 $0xFFFFF000  }
0x2c2: {  	[tilespmem:s0], [sflag:$0x2] =	stream.linear.gather [hbm4b:s25+s6], $0x1000, $0x38;
	[tilespmem:$0x1F480] =	vst v63  }
0x2c3: {  	_ =	swait.ge [sflag:s28], $0x1000  }
0x2c4: {  	[sflag:s28] =	ssyncset.done $0x0  }
0x2c5: {  	s16 =	simm.s32 $0x0;
	[sflag:s28] =	ssyncadd.s32 $0xFFFFF000  }
0x2c6: {  	v23 =	vld [tilespmem:s16+$0x19C00]  }
0x2c7: {  	v24 =	vld [tilespmem:s16+$0x19C10]  }
0x2c8: {  	v25 =	vld [tilespmem:s16+$0x19C20]  }
0x2c9: {  	v26 =	vld [tilespmem:s16+$0x19C30]  }
0x2ca: {  	v22 =	vld [tilespmem:s16+$0x19C40]  }
0x2cb: {  	v21 =	vld [tilespmem:s16+$0x19C50]  }
0x2cc: {  	v19 =	vld [tilespmem:s16+$0x19C60]  }
0x2cd: {  	v20 =	vld [tilespmem:s16+$0x19C70]  }
0x2ce: {  	v18 =	vld [tilespmem:s16+$0x19C80]  }
0x2cf: {  	v17 =	vld [tilespmem:s16+$0x19C90]  }
0x2d0: {  	v16 =	vld [tilespmem:s16+$0x19CA0]  }
0x2d1: {  	v15 =	vld [tilespmem:s16+$0x19CB0]  }
0x2d2: {  	v14 =	vld [tilespmem:s16+$0x19CC0]  }
0x2d3: {  	v13 =	vld [tilespmem:s16+$0x19CD0]  }
0x2d4: {  	v12 =	vld [tilespmem:s16+$0x19CE0]  }
0x2d5: {  	v10 =	vld [tilespmem:s16+$0x19CF0]  }
0x2d6: {  	v9 =	vld [tilespmem:s16+$0x19D00]  }
0x2d7: {  	v8 =	vld [tilespmem:s16+$0x19D10]  }
0x2d8: {  	v7 =	vld [tilespmem:s16+$0x19D20]  }
0x2d9: {  	v0 =	vld [tilespmem:s16+$0x19D30]  }
0x2da: {  	v59 =	vld [tilespmem:s16+$0x19D40]  }
0x2db: {  	v60 =	vld [tilespmem:s16+$0x19D50]  }
0x2dc: {  	v61 =	vld [tilespmem:s16+$0x19D60]  }
0x2dd: {  	v62 =	vld [tilespmem:s16+$0x19D70]  }
0x2de: {  	v63 =	vld [tilespmem:s16+$0x19D80]  }
0x2df: {  	v50 =	vld [tilespmem:s16+$0x1B400]  }
0x2e0: {  	v49 =	vld [tilespmem:s16+$0x1B410]  }
0x2e1: {  	v11 =	vld [tilespmem:s16+$0x1C400]  }
0x2e2: {  	v27 =	vld [tilespmem:s16+$0x1C410]  }
0x2e3: {  	v47 =	vld [tilespmem:s16+$0x1B420]  }
0x2e4: {  	v48 =	vld [tilespmem:s16+$0x1B430]  }
0x2e5: {  	v28 =	vld [tilespmem:s16+$0x1C420]  }
0x2e6: {  	v29 =	vld [tilespmem:s16+$0x1C430]  }
0x2e7: {  	v30 =	vld [tilespmem:s16+$0x1C440]  }
0x2e8: {  	v31 =	vld [tilespmem:s16+$0x1C450]  }
0x2e9: {  	v32 =	vld [tilespmem:s16+$0x1C460]  }
0x2ea: {  	v33 =	vld [tilespmem:s16+$0x1C470]  }
0x2eb: {  	v34 =	vld [tilespmem:s16+$0x1C480]  }
0x2ec: {  	v35 =	vld [tilespmem:s16+$0x1C490]  }
0x2ed: {  	v36 =	vld [tilespmem:s16+$0x1C4A0]  }
0x2ee: {  	v38 =	vld [tilespmem:s16+$0x1C4B0]  }
0x2ef: {  	v40 =	vld [tilespmem:s16+$0x1C4C0]  }
0x2f0: {  	v51 =	vld [tilespmem:s16+$0x1C4D0]  }
0x2f1: {  	v52 =	vld [tilespmem:s16+$0x1C4E0]  }
0x2f2: {  	v53 =	vld [tilespmem:s16+$0x1C4F0]  }
0x2f3: {  	v56 =	vld [tilespmem:s16+$0x1C500]  }
0x2f4: {  	v44 =	vld [tilespmem:s16+$0x1C530]  }
0x2f5: {  	v45 =	vld [tilespmem:s16+$0x1C540];
	[tilespmem:$0x1FFC0] =	vst v60  }
0x2f6: {  	v43 =	vld [tilespmem:s16+$0x1C550];
	[tilespmem:$0x1FFD0] =	vst v61;
	v61 =	vadd.f32 v11, v11  }
0x2f7: {  	v42 =	vld [tilespmem:s16+$0x1C560];
	[tilespmem:$0x1FFE0] =	vst v62;
	v62 =	vadd.f32 v27, v27;
	v60 =	vadd.f32 v28, v28  }
0x2f8: {  	v37 =	vld [tilespmem:s16+$0x1C570];
	[tilespmem:$0x1FFB0] =	vst v59;
	v59 =	vadd.f32 v29, v29;
	v57 =	vadd.f32 v30, v30  }
0x2f9: {  	[tilespmem:$0x1FFF0] =	vst v63;
	v63 =	vld [tilespmem:s16+$0x1C510];
	v58 =	vadd.f32 v31, v31;
	v54 =	vadd.f32 v32, v32  }
0x2fa: {  	[tilespmem:$0x1FFA0] =	vst v0;
	v0 =	vld [tilespmem:s16+$0x1C520];
	v55 =	vadd.f32 v33, v33;
	v46 =	vadd.f32 v34, v34  }
0x2fb: {  	v39 =	vld [tilespmem:s16+$0x1C580];
	v41 =	vadd.f32 v35, v35;
	v36 =	vadd.f32 v36, v36  }
0x2fc: {  	v34 =	vadd.f32 v38, v38;
	v33 =	vadd.f32 v40, v40;
	v40 =	vld [tilespmem:s16+$0x1C590]  }
0x2fd: {  	v32 =	vadd.f32 v51, v51;
	v31 =	vadd.f32 v52, v52;
	v38 =	vld [tilespmem:s16+$0x1C5A0]  }
0x2fe: {  	v30 =	vadd.f32 v53, v53;
	v29 =	vadd.f32 v56, v56;
	v11 =	vld [tilespmem:s23+$0x0]  }
0x2ff: {  	s24 =	simm.s32 $0x800;
	v35 =	vld [tilespmem:s16+$0x1C5B0];
	v28 =	vadd.f32 v63, v63;
	v27 =	vadd.f32 v0, v0  }
.LBB2_33:
0x300: {  	v0 =	vld [tilespmem:s16+$0x1C5C0];
	v53 =	vadd.f32 v44, v44;
	v56 =	vadd.f32 v45, v45  }
0x301: {  	v63 =	vld [tilespmem:s16+$0x1C5E0];
	v52 =	vadd.f32 v43, v43;
	v51 =	vadd.f32 v42, v42  }
0x302: {  	v3 =	vld [tilespmem:s16+$0x1B450];
	v45 =	vadd.f32 v37, v37;
	v43 =	vadd.f32 v39, v39  }
0x303: {  	v1 =	vld [tilespmem:s16+$0x1B440];
	v42 =	vadd.f32 v40, v40;
	v37 =	vadd.f32 v38, v38;
	v40 =	vbroadcast v11, $0x0  }
0x304: {  	v2 =	vbroadcast v11, $0x1;
	v38 =	vadd.f32 v35, v35;
	v4 =	vbroadcast v11, $0x2  }
0x305: {  	v5 =	vld [tilespmem:s16+$0x1B460];
	v6 =	vbroadcast v11, $0x3;
	v39 =	vadd.f32 v0, v0;
	v0 =	vmul.f32 v40, v50  }
0x306: {  	v35 =	vadd.f32 v63, v63;
	v63 =	vld [tilespmem:s16+$0x1B480];
	v49 =	vmul.f32 v49, v40;
	v47 =	vmul.f32 v47, v2  }
0x307: {  	v50 =	vld [tilespmem:s16+$0x1B470];
	v2 =	vmul.f32 v48, v2;
	v3 =	vmul.f32 v3, v4;
	v0 =	vadd.f32 v61, v0  }
0x308: {  	v1 =	vmul.f32 v1, v4;
	v4 =	vld [tilespmem:s16+$0x1B490];
	v62 =	vadd.f32 v62, v49;
	v47 =	vadd.f32 v60, v47  }
0x309: {  	v2 =	vadd.f32 v59, v2;
	v59 =	vadd.f32 v58, v3;
	v60 =	vbroadcast v11, $0x4  }
0x30a: {  	v44 =	vld [tilespmem:s16+$0x1C5D0];
	v5 =	vmul.f32 v5, v6;
	v57 =	vadd.f32 v57, v1;
	v0 =	vadd.f32 v0, v23  }
0x30b: {  	v23 =	vadd.f32 v62, v24;
	v24 =	vld [tilespmem:s16+$0x1B4A0];
	v1 =	vadd.f32 v59, v21;
	v21 =	vmul.f32 v63, v60  }
0x30c: {  	v5 =	vadd.f32 v54, v5;
	v2 =	vadd.f32 v2, v26;
	v26 =	vld [tilespmem:s16+$0x1B4B0];
	v6 =	vmul.f32 v50, v6  }
0x30d: {  	v3 =	vmul.f32 v4, v60;
	v4 =	vld [tilespmem:s16+$0x1B4E0];
	[tilespmem:s16+$0x1D400] =	vst v0;
	v0 =	vadd.f32 v57, v22;
	v63 =	vadd.f32 v46, v21  }
0x30e: {  	v61 =	vld [tilespmem:s16+$0x1B4C0];
	v47 =	vadd.f32 v47, v25;
	[tilespmem:s16+$0x1D410] =	vst v23;
	v23 =	vbroadcast v11, $0x5;
	v6 =	vadd.f32 v55, v6  }
0x30f: {  	v62 =	vadd.f32 v5, v19;
	[tilespmem:s16+$0x1D440] =	vst v0;
	v0 =	vadd.f32 v63, v18;
	v18 =	vld [tilespmem:s16+$0x1B510]  }
0x310: {  	v21 =	vbroadcast v11, $0x7;
	v5 =	vadd.f32 v6, v20;
	v6 =	vmul.f32 v24, v23;
	v20 =	vld [tilespmem:s16+$0x1B4F0]  }
0x311: {  	[tilespmem:s16+$0x1D420] =	vst v47;
	v47 =	vbroadcast v11, $0x6;
	v46 =	vadd.f32 v41, v3;
	v19 =	vmul.f32 v26, v23;
	v23 =	vld [tilespmem:s16+$0x1B500]  }
0x312: {  	v40 =	vadd.f32 v44, v44;
	v44 =	vld [tilespmem:s16+$0x19D90];
	[tilespmem:s16+$0x1D450] =	vst v1;
	v55 =	vmul.f32 v4, v21;
	v49 =	vadd.f32 v36, v6  }
0x313: {  	v22 =	vld [tilespmem:s16+$0x1B4D0];
	v1 =	vadd.f32 v46, v17;
	v17 =	vmul.f32 v61, v47;
	[tilespmem:s16+$0x1D470] =	vst v5;
	v5 =	vadd.f32 v34, v19  }
0x314: {  	v6 =	vbroadcast v11, $0x8;
	v19 =	vld [tilespmem:s16+$0x1B520];
	v59 =	vadd.f32 v31, v55;
	v50 =	vadd.f32 v49, v16  }
0x315: {  	v25 =	vld [tilespmem:s16+$0x19DA0];
	v57 =	vadd.f32 v5, v15;
	v5 =	vadd.f32 v33, v17;
	v15 =	vmul.f32 v20, v21  }
0x316: {  	[tilespmem:s16+$0x1D430] =	vst v2;
	v16 =	vld [tilespmem:s16+$0x1B540];
	v60 =	vmul.f32 v23, v6;
	v6 =	vmul.f32 v18, v6;
	v2 =	vadd.f32 v59, v12  }
0x317: {  	v17 =	vld [tilespmem:s16+$0x1B550];
	v12 =	vbroadcast v11, $0x9;
	v61 =	vadd.f32 v5, v14;
	v5 =	vadd.f32 v30, v15  }
0x318: {  	v4 =	vld [tilespmem:s16+$0x1B530];
	v54 =	vmul.f32 v22, v47  }
0x319: {  	[tilespmem:s16+$0x1D460] =	vst v62;
	v63 =	vadd.f32 v28, v6;
	v6 =	vmul.f32 v19, v12;
	v62 =	vadd.f32 v5, v10;
	v10 =	vld [tilespmem:s16+$0x1B560]  }
0x31a: {  	v47 =	vld [tilespmem:$0x1FFC0];
	v5 =	vbroadcast v11, $0xA  }
0x31b: {  	v58 =	vadd.f32 v32, v54;
	v54 =	vld [tilespmem:$0x1FFF0];
	v34 =	vadd.f32 v27, v6;
	v6 =	vbroadcast v11, $0xB  }
0x31c: {  	v14 =	vld [tilespmem:s16+$0x19DB0];
	v33 =	vmul.f32 v16, v5;
	v5 =	vmul.f32 v17, v5  }
0x31d: {  	[tilespmem:s16+$0x1D480] =	vst v0;
	v0 =	vadd.f32 v58, v13;
	v13 =	vld [tilespmem:s16+$0x19DC0]  }
0x31e: {  	v46 =	vadd.f32 v52, v5;
	v5 =	vmul.f32 v10, v6;
	v10 =	vld [tilespmem:$0x1FFA0]  }
0x31f: {  	v3 =	vadd.f32 v29, v60;
	v4 =	vmul.f32 v4, v12;
	v12 =	vld [tilespmem:s16+$0x1B570]  }
0x320: {  	[tilespmem:s16+$0x1D4A0] =	vst v50;
	v50 =	vld [tilespmem:$0x1FFD0]  }
0x321: {  	[tilespmem:s16+$0x1D490] =	vst v1;
	v32 =	vadd.f32 v3, v9;
	v9 =	vld [tilespmem:s16+$0x1B580];
	v36 =	vadd.f32 v53, v4  }
0x322: {  	[tilespmem:s16+$0x1D4D0] =	vst v0;
	v0 =	vadd.f32 v63, v8;
	v8 =	vld [tilespmem:s16+$0x1B590]  }
0x323: {  	[tilespmem:s16+$0x1D4E0] =	vst v2;
	v2 =	vadd.f32 v36, v10;
	v10 =	vld [tilespmem:$0x1FFB0]  }
0x324: {  	[tilespmem:s16+$0x1D4B0] =	vst v57;
	v15 =	vld [tilespmem:s16+$0x1B5A0];
	v4 =	vbroadcast v11, $0xC;
	v41 =	vadd.f32 v34, v7;
	v6 =	vmul.f32 v12, v6  }
0x325: {  	[tilespmem:s16+$0x1D4C0] =	vst v61;
	v7 =	vld [tilespmem:s16+$0x1B5B0];
	v3 =	vadd.f32 v56, v33;
	v48 =	vadd.f32 v51, v5  }
0x326: {  	[tilespmem:s16+$0x1D510] =	vst v0;
	v0 =	vadd.f32 v46, v47;
	v5 =	vmul.f32 v9, v4;
	v9 =	vld [tilespmem:s16+$0x1B5D0];
	v49 =	vadd.f32 v45, v6  }
0x327: {  	[tilespmem:s16+$0x1D4F0] =	vst v62;
	v52 =	vld [tilespmem:$0x1FFE0];
	v4 =	vmul.f32 v8, v4;
	v6 =	vbroadcast v11, $0xD;
	v1 =	vadd.f32 v48, v50  }
0x328: {  	[tilespmem:s16+$0x1D500] =	vst v32;
	v51 =	vadd.f32 v43, v5;
	v3 =	vadd.f32 v3, v10;
	v10 =	vld [tilespmem:s16+$0x1B5C0]  }
0x329: {  	[tilespmem:s16+$0x1D520] =	vst v41;
	v12 =	vld [tilespmem:s16+$0x1B5E0];
	v5 =	vbroadcast v11, $0xE;
	v53 =	vadd.f32 v42, v4;
	v4 =	vmul.f32 v15, v6  }
0x32a: {  	v8 =	vld [tilespmem:s16+$0x19DD0];
	[tilespmem:s16+$0x1D550] =	vst v0  }
0x32b: {  	v15 =	vld [tilespmem:s16+$0x1B5F0];
	[tilespmem:s16+$0x1D560] =	vst v1;
	v57 =	vadd.f32 v37, v4;
	v4 =	vmul.f32 v9, v5  }
0x32c: {  	v0 =	vadd.f32 v49, v52;
	v55 =	vmul.f32 v7, v6;
	v7 =	vld [tilespmem:s16+$0x1C5F0];
	[tilespmem:s16+$0x1D530] =	vst v2  }
0x32d: {  	s22 =	sshra.s32 s24, $0x2;
	v1 =	vadd.f32 v51, v54;
	v61 =	vadd.f32 v40, v4;
	v4 =	vld [tilespmem:s16+$0x19DE0];
	[tilespmem:s16+$0x1D540] =	vst v3;
	v6 =	vmul.f32 v10, v5  }
0x32e: {  	v56 =	vadd.f32 v53, v44;
	v58 =	vadd.f32 v38, v55;
	v23 =	vld [tilespmem:s22+$0x19C00];
	[tilespmem:s16+$0x1D570] =	vst v0;
	v5 =	vbroadcast v11, $0xF  }
0x32f: {  	v60 =	vadd.f32 v57, v25;
	v24 =	vld [tilespmem:s22+$0x19C10];
	[tilespmem:s16+$0x1D580] =	vst v1;
	v59 =	vadd.f32 v39, v6  }
0x330: {  	v9 =	vld [tilespmem:s16+$0x19DF0];
	[tilespmem:s16+$0x1D590] =	vst v56;
	v1 =	vadd.f32 v58, v14;
	v6 =	vmul.f32 v12, v5  }
0x331: {  	v25 =	vld [tilespmem:s22+$0x19C20];
	[tilespmem:s16+$0x1D5A0] =	vst v60;
	v63 =	vmul.f32 v15, v5;
	v5 =	vadd.f32 v7, v7;
	v3 =	vadd.f32 v59, v13  }
0x332: {  	v62 =	vadd.f32 v61, v8;
	v26 =	vld [tilespmem:s22+$0x19C30];
	[tilespmem:s16+$0x1D5B0] =	vst v1;
	v32 =	vadd.f32 v35, v6  }
0x333: {  	v22 =	vld [tilespmem:s22+$0x19C40];
	v2 =	vadd.f32 v5, v63;
	[tilespmem:s16+$0x1D5C0] =	vst v3  }
0x334: {  	v33 =	vadd.f32 v32, v4;
	v21 =	vld [tilespmem:s22+$0x19C50];
	[tilespmem:s16+$0x1D5D0] =	vst v62  }
0x335: {  	v34 =	vadd.f32 v2, v9;
	v19 =	vld [tilespmem:s22+$0x19C60]  }
0x336: {  	v20 =	vld [tilespmem:s22+$0x19C70];
	[tilespmem:s16+$0x1D5E0] =	vst v33  }
0x337: {  	v18 =	vld [tilespmem:s22+$0x19C80];
	[tilespmem:s16+$0x1D5F0] =	vst v34;
	s16 =	smov.u32 s22  }
0x338: {  	v17 =	vld [tilespmem:s16+$0x19C90]  }
0x339: {  	v16 =	vld [tilespmem:s16+$0x19CA0]  }
0x33a: {  	v15 =	vld [tilespmem:s16+$0x19CB0]  }
0x33b: {  	v14 =	vld [tilespmem:s16+$0x19CC0]  }
0x33c: {  	v13 =	vld [tilespmem:s16+$0x19CD0]  }
0x33d: {  	v12 =	vld [tilespmem:s16+$0x19CE0]  }
0x33e: {  	v10 =	vld [tilespmem:s16+$0x19CF0]  }
0x33f: {  	v9 =	vld [tilespmem:s16+$0x19D00]  }
0x340: {  	v8 =	vld [tilespmem:s16+$0x19D10]  }
0x341: {  	v7 =	vld [tilespmem:s16+$0x19D20]  }
0x342: {  	v0 =	vld [tilespmem:s16+$0x19D30]  }
0x343: {  	v35 =	vld [tilespmem:s16+$0x19D40]  }
0x344: {  	v36 =	vld [tilespmem:s16+$0x19D50]  }
0x345: {  	v37 =	vld [tilespmem:s16+$0x19D60]  }
0x346: {  	v38 =	vld [tilespmem:s16+$0x19D70]  }
0x347: {  	v39 =	vld [tilespmem:s16+$0x19D80]  }
0x348: {  	v50 =	vld [tilespmem:s16+$0x1B400]  }
0x349: {  	v49 =	vld [tilespmem:s16+$0x1B410]  }
0x34a: {  	v40 =	vld [tilespmem:s16+$0x1C400]  }
0x34b: {  	v1 =	vld [tilespmem:s16+$0x1C410]  }
0x34c: {  	v47 =	vld [tilespmem:s16+$0x1B420]  }
0x34d: {  	v48 =	vld [tilespmem:s16+$0x1B430]  }
0x34e: {  	v41 =	vld [tilespmem:s16+$0x1C420]  }
0x34f: {  	v3 =	vld [tilespmem:s16+$0x1C430]  }
0x350: {  	v4 =	vld [tilespmem:s16+$0x1C440]  }
0x351: {  	v5 =	vld [tilespmem:s16+$0x1C450]  }
0x352: {  	v6 =	vld [tilespmem:s16+$0x1C460]  }
0x353: {  	v11 =	vld [tilespmem:s16+$0x1C470]  }
0x354: {  	v27 =	vld [tilespmem:s16+$0x1C480]  }
0x355: {  	v28 =	vld [tilespmem:s16+$0x1C490]  }
0x356: {  	v29 =	vld [tilespmem:s16+$0x1C4A0]  }
0x357: {  	v30 =	vld [tilespmem:s16+$0x1C4B0]  }
0x358: {  	v31 =	vld [tilespmem:s16+$0x1C4C0]  }
0x359: {  	v32 =	vld [tilespmem:s16+$0x1C4D0]  }
0x35a: {  	v51 =	vld [tilespmem:s16+$0x1C4F0]  }
0x35b: {  	v52 =	vld [tilespmem:s16+$0x1C500]  }
0x35c: {  	v53 =	vld [tilespmem:s16+$0x1C510]  }
0x35d: {  	v56 =	vld [tilespmem:s16+$0x1C520]  }
0x35e: {  	v44 =	vld [tilespmem:s16+$0x1C530]  }
0x35f: {  	v45 =	vld [tilespmem:s16+$0x1C540];
	v61 =	vadd.f32 v40, v40  }
0x360: {  	v43 =	vld [tilespmem:s16+$0x1C550];
	v62 =	vadd.f32 v1, v1;
	v60 =	vadd.f32 v41, v41  }
0x361: {  	v42 =	vld [tilespmem:s16+$0x1C560];
	[tilespmem:$0x1FFB0] =	vst v35;
	v59 =	vadd.f32 v3, v3;
	v57 =	vadd.f32 v4, v4  }
0x362: {  	[tilespmem:$0x1FFC0] =	vst v36;
	v35 =	vld [tilespmem:s16+$0x1C4E0];
	v58 =	vadd.f32 v5, v5;
	v54 =	vadd.f32 v6, v6  }
0x363: {  	p0 =	sne.s32 s24, $0x3800;
	[tilespmem:$0x1FFD0] =	vst v37;
	v55 =	vadd.f32 v11, v11;
	v46 =	vadd.f32 v27, v27;
	v37 =	vld [tilespmem:s16+$0x1C570]  }
.Ltmp15:
0x364: {  	[tilespmem:$0x1FFF0] =	vst v39;
	v41 =	vadd.f32 v28, v28;
	v36 =	vadd.f32 v29, v29;
	v39 =	vld [tilespmem:s16+$0x1C580];
	(pc) =	sbr.rel @p0 .LBB2_33-.Ltmp15, $4  }
0x365: {  	v34 =	vadd.f32 v30, v30;
	v33 =	vadd.f32 v31, v31;
	v40 =	vld [tilespmem:s16+$0x1C590]  }
0x366: {  	s23 =	sadd.s32 $0x10, s23;
	[tilespmem:$0x1FFE0] =	vst v38;
	v32 =	vadd.f32 v32, v32;
	v38 =	vld [tilespmem:s16+$0x1C5A0];
	v30 =	vadd.f32 v51, v51  }
0x367: {  	v29 =	vadd.f32 v52, v52;
	v11 =	vld [tilespmem:s23+$0x0];
	v28 =	vadd.f32 v53, v53  }
0x368: {  	s24 =	sadd.s32 $0x800, s24;
	[tilespmem:$0x1FFA0] =	vst v0;
	v27 =	vadd.f32 v56, v56;
	v31 =	vadd.f32 v35, v35;
	v35 =	vld [tilespmem:s16+$0x1C5B0]  }
0x369: {  	v53 =	vld [tilespmem:s16+$0x1C5C0]  }
0x36a: {  	v0 =	vld [tilespmem:s16+$0x1B440]  }
0x36b: {  	v52 =	vld [tilespmem:s16+$0x1C5D0]  }
0x36c: {  	v2 =	vld [tilespmem:s16+$0x1B450];
	v1 =	vbroadcast v11, $0x0  }
0x36d: {  	v51 =	vld [tilespmem:s16+$0x1C5E0];
	v6 =	vbroadcast v11, $0x1;
	v63 =	vbroadcast v11, $0x2  }
0x36e: {  	v3 =	vld [tilespmem:s16+$0x1B460];
	v4 =	vmul.f32 v1, v50;
	v1 =	vmul.f32 v49, v1  }
0x36f: {  	v5 =	vld [tilespmem:s16+$0x1B470];
	v0 =	vmul.f32 v0, v63  }
0x370: {  	v56 =	vld [tilespmem:s16+$0x1B490];
	v4 =	vadd.f32 v61, v4;
	v1 =	vadd.f32 v62, v1;
	v62 =	vmul.f32 v47, v6  }
0x371: {  	v50 =	vld [tilespmem:s16+$0x19D90];
	v6 =	vmul.f32 v48, v6;
	v61 =	vmul.f32 v2, v63  }
0x372: {  	v49 =	vld [tilespmem:s16+$0x1B480];
	v0 =	vadd.f32 v57, v0;
	v63 =	vbroadcast v11, $0x3;
	v4 =	vadd.f32 v4, v23  }
0x373: {  	v47 =	vld [tilespmem:s16+$0x1B4A0];
	v60 =	vadd.f32 v60, v62;
	v1 =	vadd.f32 v1, v24  }
0x374: {  	v48 =	vld [tilespmem:s16+$0x1B4B0];
	v6 =	vadd.f32 v59, v6;
	v0 =	vadd.f32 v0, v22;
	v3 =	vmul.f32 v3, v63  }
0x375: {  	v2 =	vld [tilespmem:s16+$0x1B4C0];
	v57 =	vmul.f32 v5, v63;
	v59 =	vbroadcast v11, $0x4;
	v60 =	vadd.f32 v60, v25  }
0x376: {  	v23 =	vld [tilespmem:s16+$0x19DA0];
	v63 =	vbroadcast v11, $0x5;
	[tilespmem:s16+$0x1D410] =	vst v1;
	v62 =	vadd.f32 v6, v26;
	v1 =	vadd.f32 v58, v61  }
0x377: {  	v24 =	vld [tilespmem:s16+$0x1B4D0];
	v3 =	vadd.f32 v54, v3;
	[tilespmem:s16+$0x1D440] =	vst v0;
	v61 =	vmul.f32 v49, v59;
	v0 =	vmul.f32 v56, v59  }
0x378: {  	[tilespmem:s16+$0x1D400] =	vst v4;
	v58 =	vld [tilespmem:s16+$0x1B4E0];
	v4 =	vadd.f32 v55, v57;
	v54 =	vbroadcast v11, $0x7;
	v56 =	vbroadcast v11, $0x8  }
0x379: {  	v25 =	vld [tilespmem:s16+$0x1B510];
	v26 =	vmul.f32 v47, v63;
	v1 =	vadd.f32 v1, v21;
	v3 =	vadd.f32 v3, v19  }
0x37a: {  	v22 =	vld [tilespmem:s16+$0x1B5B0];
	v4 =	vadd.f32 v4, v20;
	v0 =	vadd.f32 v41, v0;
	v20 =	vmul.f32 v48, v63  }
0x37b: {  	v49 =	vld [tilespmem:s16+$0x1B540];
	v19 =	vbroadcast v11, $0xA;
	v21 =	vadd.f32 v45, v45;
	[tilespmem:s16+$0x1D450] =	vst v1;
	v1 =	vadd.f32 v46, v61  }
0x37c: {  	[tilespmem:s16+$0x1D420] =	vst v60;
	v60 =	vld [tilespmem:s16+$0x1B4F0];
	v0 =	vadd.f32 v0, v17;
	v46 =	vbroadcast v11, $0x6;
	v20 =	vadd.f32 v34, v20  }
0x37d: {  	[tilespmem:s16+$0x1D430] =	vst v62;
	v62 =	vld [tilespmem:s16+$0x1B500];
	v61 =	vbroadcast v11, $0x9;
	v5 =	vmul.f32 v58, v54;
	v1 =	vadd.f32 v1, v18  }
0x37e: {  	v55 =	vld [tilespmem:s16+$0x1B550];
	[tilespmem:s16+$0x1D460] =	vst v3;
	v3 =	vmul.f32 v25, v56;
	v18 =	vadd.f32 v36, v26;
	v15 =	vadd.f32 v20, v15  }
0x37f: {  	v57 =	vld [tilespmem:s16+$0x1B560];
	v48 =	vmul.f32 v2, v46;
	v36 =	vadd.f32 v37, v37;
	v37 =	vadd.f32 v39, v39  }
0x380: {  	v41 =	vld [tilespmem:s16+$0x1B520];
	v2 =	vmul.f32 v49, v19;
	v39 =	vadd.f32 v40, v40;
	v5 =	vadd.f32 v31, v5  }
0x381: {  	v59 =	vld [tilespmem:s16+$0x1B570];
	v6 =	vmul.f32 v60, v54;
	v3 =	vadd.f32 v28, v3;
	v28 =	vadd.f32 v42, v42  }
0x382: {  	v47 =	vld [tilespmem:s16+$0x1B530];
	[tilespmem:s16+$0x1D490] =	vst v0;
	v58 =	vmul.f32 v62, v56;
	v56 =	vadd.f32 v52, v52;
	v16 =	vadd.f32 v18, v16  }
0x383: {  	v63 =	vld [tilespmem:s16+$0x1B590];
	[tilespmem:s16+$0x1D480] =	vst v1;
	v1 =	vmul.f32 v24, v46;
	v0 =	vadd.f32 v33, v48;
	v24 =	vadd.f32 v43, v43  }
0x384: {  	v45 =	vld [tilespmem:$0x1FFE0];
	v2 =	vadd.f32 v21, v2;
	v46 =	vadd.f32 v38, v38  }
0x385: {  	[tilespmem:s16+$0x1D470] =	vst v4;
	v62 =	vld [tilespmem:s16+$0x1B580];
	v4 =	vmul.f32 v41, v61;
	v6 =	vadd.f32 v30, v6;
	v5 =	vadd.f32 v5, v12  }
0x386: {  	v31 =	vld [tilespmem:$0x1FFB0];
	v60 =	vadd.f32 v29, v58;
	v3 =	vadd.f32 v3, v8  }
0x387: {  	v25 =	vbroadcast v11, $0xB;
	v20 =	vld [tilespmem:s16+$0x1B5A0];
	[tilespmem:s16+$0x1D4B0] =	vst v15;
	v4 =	vadd.f32 v27, v4;
	v1 =	vadd.f32 v32, v1  }
0x388: {  	v26 =	vld [tilespmem:s16+$0x1B5C0];
	v42 =	vbroadcast v11, $0xD;
	[tilespmem:s16+$0x1D4A0] =	vst v16;
	v0 =	vadd.f32 v0, v14;
	v16 =	vadd.f32 v44, v44  }
0x389: {  	v33 =	vbroadcast v11, $0xC;
	v27 =	vld [tilespmem:$0x1FFA0];
	v6 =	vadd.f32 v6, v10;
	[tilespmem:s16+$0x1D4E0] =	vst v5;
	v9 =	vadd.f32 v60, v9  }
0x38a: {  	v41 =	vld [tilespmem:$0x1FFD0];
	v5 =	vmul.f32 v47, v61;
	[tilespmem:s16+$0x1D510] =	vst v3;
	v4 =	vadd.f32 v4, v7;
	v1 =	vadd.f32 v1, v13  }
0x38b: {  	v32 =	vld [tilespmem:$0x1FFC0];
	[tilespmem:s16+$0x1D4C0] =	vst v0;
	v0 =	vmul.f32 v57, v25;
	v2 =	vadd.f32 v2, v31;
	v12 =	vmul.f32 v62, v33  }
0x38c: {  	v40 =	vld [tilespmem:s16+$0x1B5E0];
	[tilespmem:s16+$0x1D500] =	vst v9;
	v5 =	vadd.f32 v16, v5;
	v9 =	vmul.f32 v55, v19;
	v55 =	vadd.f32 v53, v53  }
0x38d: {  	v47 =	vld [tilespmem:$0x1FFF0];
	[tilespmem:s16+$0x1D4D0] =	vst v1;
	v0 =	vadd.f32 v28, v0;
	v1 =	vmul.f32 v59, v25;
	v43 =	vadd.f32 v37, v12  }
0x38e: {  	v49 =	vld [tilespmem:s16+$0x1C5F0];
	v10 =	vmul.f32 v20, v42;
	[tilespmem:s16+$0x1D4F0] =	vst v6;
	v3 =	vadd.f32 v5, v27;
	v29 =	vadd.f32 v24, v9  }
0x38f: {  	v30 =	vld [tilespmem:s16+$0x1B5D0];
	[tilespmem:s16+$0x1D540] =	vst v2;
	v5 =	vmul.f32 v63, v33;
	v1 =	vadd.f32 v36, v1;
	v0 =	vadd.f32 v0, v41  }
0x390: {  	v58 =	vld [tilespmem:s16+$0x19DE0];
	v57 =	vbroadcast v11, $0xF;
	v59 =	vadd.f32 v51, v51;
	[tilespmem:s16+$0x1D530] =	vst v3;
	v3 =	vadd.f32 v29, v32  }
0x391: {  	v48 =	vbroadcast v11, $0xE;
	v44 =	vld [tilespmem:s16+$0x1B5F0];
	v5 =	vadd.f32 v39, v5;
	v1 =	vadd.f32 v1, v45;
	[tilespmem:s16+$0x1D560] =	vst v0  }
0x392: {  	v14 =	vld [tilespmem:s16+$0x19DB0];
	v6 =	vmul.f32 v40, v57;
	v0 =	vadd.f32 v46, v10;
	[tilespmem:s16+$0x1D550] =	vst v3;
	v3 =	vadd.f32 v43, v47  }
0x393: {  	v15 =	vld [tilespmem:s16+$0x19DC0];
	v2 =	vmul.f32 v22, v42;
	v5 =	vadd.f32 v5, v50;
	v50 =	vadd.f32 v35, v35;
	[tilespmem:s16+$0x1D570] =	vst v1  }
0x394: {  	v34 =	vld [tilespmem:s16+$0x19DD0];
	v54 =	vmul.f32 v26, v48;
	v62 =	vadd.f32 v59, v6;
	v0 =	vadd.f32 v0, v23;
	[tilespmem:s16+$0x1D580] =	vst v3  }
0x395: {  	v60 =	vld [tilespmem:s16+$0x19DF0];
	v61 =	vadd.f32 v49, v49;
	v8 =	vmul.f32 v30, v48;
	v1 =	vadd.f32 v50, v2;
	[tilespmem:s16+$0x1D590] =	vst v5  }
0x396: {  	v3 =	vadd.f32 v55, v54;
	v5 =	vmul.f32 v44, v57;
	[tilespmem:s16+$0x1D5A0] =	vst v0;
	v0 =	vadd.f32 v62, v58  }
0x397: {  	[tilespmem:s16+$0x1D520] =	vst v4;
	v2 =	vadd.f32 v56, v8;
	v1 =	vadd.f32 v1, v14  }
0x398: {  	v3 =	vadd.f32 v3, v15;
	v63 =	vadd.f32 v61, v5;
	[tilespmem:s16+$0x1D5E0] =	vst v0  }
0x399: {  	v2 =	vadd.f32 v2, v34;
	[tilespmem:s16+$0x1D5B0] =	vst v1  }
0x39a: {  	s7 =	sadd.s32 $0x1, s7;
	[tilespmem:s16+$0x1D5C0] =	vst v3;
	v1 =	vadd.f32 v63, v60  }
0x39b: {  	p0 =	sne.s32 s7, $0x19;
	[tilespmem:s16+$0x1D5D0] =	vst v2  }
.Ltmp16:
0x39c: {  	s9 =	sadd.s32 s9, s20;
	[tilespmem:s16+$0x1D5F0] =	vst v1;
	(pc) =	sbr.rel @p0 .LBB2_32-.Ltmp16, $4  }
0x39d: {  	[hbm4b:s9+s2] =	stream.linear.scatter [tilespmem:s29], [sflag:$0x2], $0x1000, $0x38;
	[tilespmem:$0x1F480] =	vst v63  }
0x39e: {  	_ =	swait.ge [sflag:s28], $0x1000  }
0x39f: {  	[sflag:s28] =	ssyncset.done $0x0  }
0x3a0: {  	[sflag:s28] =	ssyncadd.s32 $0xFFFFF000  }
0x3a1: {  	[bflag:$0x0] =	sbarrier.arrive $0xFFFF  }
0x3a2: {  	s6 =	simm.s32 $0x0;
	s9 =	simm.s32 $0x19000;
	s7 =	rddreg [dreg:$0x9]  }
0x3a3: {  	[tilespmem:s9], [sflag:$0x2] =	stream.linear.gather [hbm4b:s7+s6], $0x400, $0x38;
	[tilespmem:$0x1F480] =	vst v63  }
0x3a4: {  	_ =	swait.ge [sflag:s28], $0x400  }
0x3a5: {  	[sflag:s28] =	ssyncset.done $0x0  }
0x3a6: {  	s29 =	rddreg [dreg:$0xa];
	[sflag:s28] =	ssyncadd.s32 $0xFFFFFC00  }
0x3a7: {  	[tilespmem:s30], [sflag:$0x2] =	stream.linear.gather [hbm4b:s29+s6], $0x400, $0x38;
	[tilespmem:$0x1F480] =	vst v63  }
0x3a8: {  	_ =	swait.ge [sflag:s28], $0x400  }
0x3a9: {  	[sflag:s28] =	ssyncset.done $0x0;
	s22 =	rddreg [dreg:$0xb]  }
0x3aa: {  	s24 =	simm.s32 $0x1AC00;
	s23 =	rddreg [dreg:$0xc];
	[sflag:s28] =	ssyncadd.s32 $0xFFFFFC00  }
.LBB2_36:
0x3ab: {  	s7 =	sshll.u32 s6, $0x7  }
0x3ac: {  	s9 =	sadd.s32 $0x19000, s7  }
0x3ad: {  	[tilespmem:s0], [sflag:$0x1] =	stream.indirect.gather [hbm4b:s20+s31], $0x20, s9, s31, $0xb8;
	[tilespmem:$0x1F480] =	vst v63  }
0x3ae: {  	_ =	swait.ge [sflag:s8], $0x1000  }
0x3af: {  	[sflag:s8] =	ssyncset.done $0x0  }
0x3b0: {  	s7 =	sadd.s32 $0x19400, s7;
	[sflag:s8] =	ssyncadd.s32 $0xFFFFF000  }
0x3b1: {  	[tilespmem:s21], [sflag:$0x1] =	stream.indirect.gather [hbm4b:s13+s31], $0x20, s7, s31, $0xb8;
	[tilespmem:$0x1F480] =	vst v63  }
0x3b2: {  	_ =	swait.ge [sflag:s8], $0x1000  }
0x3b3: {  	[sflag:s8] =	ssyncset.done $0x0  }
0x3b4: {  	s29 =	simm.s32 $0x0;
	[sflag:s8] =	ssyncadd.s32 $0xFFFFF000  }
0x3b5: {  	v0 =	vld [tilespmem:s29+$0x1B400]  }
0x3b6: {  	v1 =	vld [tilespmem:s29+$0x19C00]  }
0x3b7: {  	v2 =	vld [tilespmem:s29+$0x19C10]  }
0x3b8: {  	v3 =	vld [tilespmem:s29+$0x1B410];
	_ =	sdelay $0x4  }
0x3b9: {  	v0 =	vmul.f32 v0, v1;
	v1 =	vmul.f32 v3, v2;
	_ =	sdelay $0x1  }
0x3ba: {  	v0 =	vadd.f32 v1, v0  }
0x3bb: {  	s7 =	simm.s32 $0x1AC00  }
0x3bc: {  	s16 =	simm.s32 $0x20;
	[tilespmem:s7+$0x0] =	vst v0  }
0x3bd: {  	v1 =	vld [tilespmem:s16+$0x1B400]  }
0x3be: {  	v2 =	vld [tilespmem:s16+$0x19C00]  }
0x3bf: {  	s9 =	simm.s32 $0x100;
	v3 =	vld [tilespmem:s16+$0x19C10]  }
.LBB2_37:
0x3c0: {  	p0 =	sne.s32 s9, $0x3F80;
	v0 =	vld [tilespmem:s16+$0x1B410];
	_ =	sdelay $0x4  }
0x3c1: {  	v1 =	vmul.f32 v1, v2;
	v0 =	vmul.f32 v0, v3;
	_ =	sdelay $0x1  }
0x3c2: {  	v0 =	vadd.f32 v0, v1  }
.Ltmp17:
0x3c3: {  	s7 =	sadd.s32 $0x10, s7;
	(pc) =	sbr.rel @p0 .LBB2_37-.Ltmp17, $4  }
0x3c4: {  	s16 =	sshra.s32 s9, $0x2;
	[tilespmem:s7+$0x0] =	vst v0  }
0x3c5: {  	v1 =	vld [tilespmem:s16+$0x1B400]  }
0x3c6: {  	v2 =	vld [tilespmem:s16+$0x19C00]  }
0x3c7: {  	s9 =	sadd.s32 $0x80, s9;
	v3 =	vld [tilespmem:s16+$0x19C10]  }
0x3c8: {  	v0 =	vld [tilespmem:s16+$0x1B410];
	_ =	sdelay $0x4  }
0x3c9: {  	v1 =	vmul.f32 v1, v2;
	v0 =	vmul.f32 v0, v3;
	_ =	sdelay $0x1  }
0x3ca: {  	s9 =	sshll.u32 s6, $0x8;
	s6 =	sadd.s32 $0x1, s6;
	v0 =	vadd.f32 v0, v1  }
0x3cb: {  	s7 =	sadd.s32 $0x10, s7;
	s9 =	sadd.s32 s23, s9;
	p0 =	sne.s32 s6, $0x8  }
.Ltmp18:
0x3cc: {  	s29 =	sadd.s32 s22, s9;
	[tilespmem:s7+$0x0] =	vst v0;
	(pc) =	sbr.rel @p0 .LBB2_36-.Ltmp18, $4  }
0x3cd: {  	[hbm4b:s29+s2] =	stream.linear.scatter [tilespmem:s24], [sflag:$0x2], $0x800, $0x38;
	[tilespmem:$0x1F480] =	vst v63  }
0x3ce: {  	_ =	swait.ge [sflag:s28], $0x800  }
0x3cf: {  	[sflag:s28] =	ssyncset.done $0x0  }
0x3d0: {  	[sflag:s28] =	ssyncadd.s32 $0xFFFFF800  }
0x3d1: {  	s7 =	rddreg [dreg:$0xe]  }
0x3d2: {  	s6 =	rddreg [dreg:$0xd];
	s7 =	sadd.s32 $0x1, s7  }
0x3d3: {  	p0 =	sne.s32 s7, s6  }
.Ltmp19:
0x3d4: {  	_ = 	snop;
	(pc) =	sbr.rel @p0 .LBB2_1-.Ltmp19, $2  }
0x3d5: {  	_ =	sdelay $0x2  }
0x3d6: {  	v0 =	vimm.f32 $0.0e+00  }
0x3d7: {  	_ =	sfence.sel $0x180000  }
0x3d8: {  	[bflag:$0x0] =	sbarrier.arrive $0xFFFF  }
0x3d9: {  	_ =	strace $0x9000004A  }
0x3da: {  	s0 =	stileid.u32;
	[bflag:$0x2] =	sbarrier.arrive $0xFFFF  }
0x3db: {  	p0 =	sne.s32 s0, $0x0;
	s0 =	rddreg [dreg:$0x4]  }
0x3dc: {  	s0 =	sadd.s32 @!p0 $0x100000, s0  }
0x3dd: {  	[sflag:s0] =	ssyncadd.tile.s32 @!p0 $0x1;
	_ =	shalt  }
.Lfunc_end2:
_tile_overlayer_lowered:
.L_overlay_start_2:
0x3de: {  	(tag) =	ssettag $0x2  }
0x3df: {  	s0 =	rddreg [dreg:$0x0];
	s2 =	stileid.u32  }
0x3e0: {  	s1 =	rddreg [dreg:$0x1];
	p0 =	sne.s32 s2, $0x0  }
0x3e1: {  	s3 =	rddreg [dreg:$0x2];
	[bflag:$0x3] =	sbarrier.arrive $0xFFFF;
	s2 =	simm.s32 @!p0 $0x1C02  }
0x3e2: {  	[timem:s3], [sflag:s2] =	dma.local @!p0 [hbm:s0], s1  }
0x3e3: {  	s0 =	simm.s32 @!p0 $0x2  }
0x3e4: {  	_ =	swait.ge @!p0 [sflag:s0], s1  }
0x3e5: {  	s1 =	ssub.s32 @!p0 $0x0, s1;
	[sflag:s0] =	ssyncset.done @!p0 $0x0  }
0x3e6: {  	[sflag:s0] =	ssyncadd.s32 @!p0 s1  }
0x3e7: {  	[bflag:$0x3] =	sbarrier.arrive $0xFFFF  }
0x3e8: {  	_ =	shalt  }

</sc_bundles>
